<compile_context>
chip_gen: v7x
topology: tpu7x:2x2x1
jax: 0.10.2.dev20260603
libtpu: 0.0.44.dev20260713+nightly
codegen_flags: <defaults>
</compile_context>

<pallas_src>
import jax
import jax.numpy as jnp
from jax import lax
from jax.experimental import pallas as pl
from jax.experimental.pallas import tpu as pltpu
from jax.experimental.pallas import tpu_sc as plsc

MAX_SHAPES = 8
N_PIPS = 5
OUT_D = 44
NC, NS, L = 2, 16, 16
NW = NC * NS
CHUNK = 128
OWNER_OFF, PIP_OFF, CTRL_OFF, CLOAK_OFF = 0, 768, 798, 1566
TABLES_LEN = 1576


def _body(asset_h, shape_h, owner_h, pips_h, ctrl_h, cloak_h, cont_h,
          name_t_h, shape_t_h, tables_h,
          out_h,
          asset2d, shp2d, sidx2d, owner_v, ctrl_v, cloak_v, pips_c, cont_c,
          name_rows, shape_rows, out_v, tables_t,
          sem_i, sem_m, sem_u, sem_o):
  rpw = name_rows.shape[0]
  nch = rpw // CHUNK
  wid = lax.axis_index("s") * NC + lax.axis_index("c")
  base = wid * rpw

  idx_cps = []
  for j in range(nch):
    idx_cps.append(pltpu.async_copy(
        asset_h.at[pl.ds(base + j * CHUNK, CHUNK)], asset2d.at[j], sem_i))
    idx_cps.append(pltpu.async_copy(
        shape_h.at[pl.ds(base + j * CHUNK, CHUNK)], shp2d.at[j], sem_i))
  misc_cps = [
      pltpu.async_copy(owner_h.at[pl.ds(base, rpw)], owner_v, sem_m),
      pltpu.async_copy(ctrl_h.at[pl.ds(base, rpw)], ctrl_v, sem_m),
      pltpu.async_copy(cloak_h.at[pl.ds(base, rpw)], cloak_v, sem_m),
      pltpu.async_copy(tables_h, tables_t, sem_m),
  ]
  for p in range(N_PIPS):
    misc_cps.append(pltpu.async_copy(
        pips_h.at[p, pl.ds(base, rpw)], pips_c.at[p], sem_m))
    misc_cps.append(pltpu.async_copy(
        cont_h.at[p, pl.ds(base, rpw)], cont_c.at[p], sem_m))
  for cp in idx_cps:
    cp.wait()

  for j in range(nch):
    for m in range(CHUNK // L):
      a = asset2d[j, pl.ds(m * L, L)]
      s = shp2d[j, pl.ds(m * L, L)]
      sidx2d[j, pl.ds(m * L, L)] = a * MAX_SHAPES + s
  unit_cps = []
  for j in range(nch):
    unit_cps.append(pltpu.async_copy(
        name_t_h.at[asset2d.at[j]], name_rows.at[pl.ds(j * CHUNK, CHUNK)],
        sem_u))
    unit_cps.append(pltpu.async_copy(
        shape_t_h.at[sidx2d.at[j]], shape_rows.at[pl.ds(j * CHUNK, CHUNK)],
        sem_u))
  for cp in misc_cps:
    cp.wait()

  @plsc.parallel_loop(0, rpw // L, unroll=2)
  def small_blk(b):
    r0 = b * L
    ov = owner_v[pl.ds(r0, L)]
    for c in range(3):
      v = plsc.load_gather(tables_t, [ov + (OWNER_OFF + c * 256)])
      out_v[pl.ds((16 + c) * rpw + r0, L)] = v
    for p in range(N_PIPS):
      pv = pips_c[p, pl.ds(r0, L)]
      for c in range(3):
        v = plsc.load_gather(tables_t, [pv + (PIP_OFF + c * 10)])
        out_v[pl.ds((19 + 3 * p + c) * rpw + r0, L)] = v
    cv = ctrl_v[pl.ds(r0, L)]
    for c in range(3):
      v = plsc.load_gather(tables_t, [cv + (CTRL_OFF + c * 256)])
      out_v[pl.ds((34 + c) * rpw + r0, L)] = v
    kv = cloak_v[pl.ds(r0, L)]
    for c in range(2):
      v = plsc.load_gather(tables_t, [kv + (CLOAK_OFF + c * 5)])
      out_v[pl.ds((37 + c) * rpw + r0, L)] = v
    for c in range(N_PIPS):
      out_v[pl.ds((39 + c) * rpw + r0, L)] = cont_c[c, pl.ds(r0, L)]

  out_cps = [pltpu.async_copy(out_v.at[pl.ds(c * rpw, rpw)],
                              out_h.at[c, pl.ds(base, rpw)], sem_o)
             for c in range(16, OUT_D)]

  for cp in unit_cps:
    cp.wait()

  iota16 = lax.iota(jnp.int32, L)
  col_base = iota16 * rpw

  @plsc.parallel_loop(0, rpw, unroll=4)
  def unit_blk(r):
    u = name_rows[r, :] + shape_rows[r, :]
    plsc.store_scatter(out_v, [col_base + r], u)

  out_cps += [pltpu.async_copy(out_v.at[pl.ds(c * rpw, rpw)],
                               out_h.at[c, pl.ds(base, rpw)], sem_o)
              for c in range(16)]
  for cp in out_cps:
    cp.wait()


def kernel(AssetName, ShapeIndex, Owner, Pips, ControlGroup, Cloak, Continuous,
           unit_name_table, unit_shape_table, owner_table, pip_table,
           control_table, cloak_table):
  b = AssetName.shape[0]
  rpw = b // NW
  nch = rpw // CHUNK
  i32 = jnp.int32
  f32 = jnp.float32
  tables = jnp.concatenate([
      owner_table.T.reshape(-1), pip_table.T.reshape(-1),
      control_table.T.reshape(-1), cloak_table.T.reshape(-1)])
  run = pl.kernel(
      _body,
      out_type=jax.ShapeDtypeStruct((OUT_D, b), f32),
      mesh=plsc.VectorSubcoreMesh(core_axis_name="c", subcore_axis_name="s"),
      compiler_params=pltpu.CompilerParams(needs_layout_passes=False,
                                           use_tc_tiling_on_sc=False),
      scratch_types=[
          pltpu.VMEM((nch, CHUNK), i32),
          pltpu.VMEM((nch, CHUNK), i32),
          pltpu.VMEM((nch, CHUNK), i32),
          pltpu.VMEM((rpw,), i32),
          pltpu.VMEM((rpw,), i32),
          pltpu.VMEM((rpw,), i32),
          pltpu.VMEM((N_PIPS, rpw), i32),
          pltpu.VMEM((N_PIPS, rpw), f32),
          pltpu.VMEM((rpw, 16), f32),
          pltpu.VMEM((rpw, 16), f32),
          pltpu.VMEM((rpw * OUT_D,), f32),
          pltpu.VMEM((TABLES_LEN,), f32),
          pltpu.SemaphoreType.DMA,
          pltpu.SemaphoreType.DMA,
          pltpu.SemaphoreType.DMA,
          pltpu.SemaphoreType.DMA,
      ],
  )
  out = run(AssetName.astype(i32), ShapeIndex.astype(i32),
            Owner.astype(i32), Pips.astype(i32).T, ControlGroup.astype(i32),
            Cloak.astype(i32), Continuous.T,
            unit_name_table, unit_shape_table, tables)
  return out.T

# --- scband reference (transcript-rebuilt; emitter-appended) ---
"""Pipeline reference for scband-dynamic-object-embedding-3590592659611 (READ-ONLY COPY).

The authoritative reference and input builder live on the scoring server;
editing this copy changes nothing except your own understanding.
"""

import jax, jax.numpy as jnp
import numpy as np

NUM_ASSETS = 500
MAX_SHAPES = 8
MAX_OBJECT_PIPS = 5
B = 16384


def setup_inputs(seed: int = 0) -> dict:
    key = jax.random.key(seed)
    ks = jax.random.split(key, 16)
    inp = {}
    inp['AssetName'] = jax.random.randint(ks[0], (B,), 0, NUM_ASSETS, dtype=jnp.int64 if jax.config.jax_enable_x64 else jnp.int32)
    inp['ShapeIndex'] = jax.random.randint(ks[1], (B,), 0, MAX_SHAPES, dtype=jnp.int32)
    inp['Owner'] = jax.random.randint(ks[2], (B,), 0, 256, dtype=jnp.int32)
    inp['Pips'] = jax.random.randint(ks[3], (B, MAX_OBJECT_PIPS), 0, 10, dtype=jnp.int32)
    inp['ControlGroup'] = jax.random.randint(ks[4], (B,), 0, 256, dtype=jnp.int32)
    inp['Cloak'] = jax.random.randint(ks[5], (B,), 0, 5, dtype=jnp.int32)
    inp['Continuous'] = jax.random.normal(ks[6], (B, 5), dtype=jnp.float32)
    # learned parameters
    inp['unit_name_table'] = jax.random.normal(ks[7], (NUM_ASSETS, 16), dtype=jnp.float32)
    inp['unit_shape_table'] = jax.random.normal(ks[8], (NUM_ASSETS * MAX_SHAPES, 16), dtype=jnp.float32)
    inp['owner_table'] = jax.random.normal(ks[9], (256, 3), dtype=jnp.float32)
    inp['pip_table'] = jax.random.normal(ks[10], (10, 3), dtype=jnp.float32)
    inp['control_table'] = jax.random.normal(ks[11], (256, 3), dtype=jnp.float32)
    inp['cloak_table'] = jax.random.normal(ks[12], (5, 2), dtype=jnp.float32)
    return inp


def reference(AssetName, ShapeIndex, Owner, Pips, ControlGroup, Cloak, Continuous,
              unit_name_table, unit_shape_table, owner_table, pip_table,
              control_table, cloak_table):
    # DoubleEmbedding: per-asset name embedding plus per-(asset,shape) embedding, summed (dim 16)
    unit = jnp.take(unit_name_table, AssetName, axis=0) + \
           jnp.take(unit_shape_table, AssetName * MAX_SHAPES + ShapeIndex, axis=0)
    owner = jnp.take(owner_table, Owner, axis=0)
    # pip_embedding: Embedding(10,3) then Flatten(-2) -> [B, MAX_OBJECT_PIPS*3]
    pips = jnp.take(pip_table, Pips, axis=0).reshape(Pips.shape[0], MAX_OBJECT_PIPS * 3)
    ctrl = jnp.take(control_table, ControlGroup, axis=0)
    cloak = jnp.take(cloak_table, Cloak, axis=0)
    dynamic_object = jnp.concatenate([unit, owner, pips, ctrl, cloak, Continuous], axis=-1)
    return dynamic_object

if __name__ == "__main__":
    import jax
    _d = setup_inputs()
    print(jax.jit(kernel)(*tuple(_d.values())))

</pallas_src>

<mosaic_0001>
#map = affine_map<(d0, d1) -> (0)>
#map1 = affine_map<(d0, d1) -> (0, 0)>
module attributes {stable_mosaic.version = 14 : i64} {
  func.func @_body(%arg0: i32, %arg1: i32, %arg2: memref<16384xi32, #tpu.memory_space<hbm>>, %arg3: memref<16384xi32, #tpu.memory_space<hbm>>, %arg4: memref<16384xi32, #tpu.memory_space<hbm>>, %arg5: memref<5x16384xi32, #tpu.memory_space<hbm>>, %arg6: memref<16384xi32, #tpu.memory_space<hbm>>, %arg7: memref<16384xi32, #tpu.memory_space<hbm>>, %arg8: memref<5x16384xf32, #tpu.memory_space<hbm>>, %arg9: memref<500x16xf32, #tpu.memory_space<hbm>>, %arg10: memref<4000x16xf32, #tpu.memory_space<hbm>>, %arg11: memref<1576xf32, #tpu.memory_space<hbm>>, %arg12: memref<44x16384xf32, #tpu.memory_space<hbm>>, %arg13: memref<4x128xi32, #tpu.memory_space<vmem>>, %arg14: memref<4x128xi32, #tpu.memory_space<vmem>>, %arg15: memref<4x128xi32, #tpu.memory_space<vmem>>, %arg16: memref<512xi32, #tpu.memory_space<vmem>>, %arg17: memref<512xi32, #tpu.memory_space<vmem>>, %arg18: memref<512xi32, #tpu.memory_space<vmem>>, %arg19: memref<5x512xi32, #tpu.memory_space<vmem>>, %arg20: memref<5x512xf32, #tpu.memory_space<vmem>>, %arg21: memref<512x16xf32, #tpu.memory_space<vmem>>, %arg22: memref<512x16xf32, #tpu.memory_space<vmem>>, %arg23: memref<22528xf32, #tpu.memory_space<vmem>>, %arg24: memref<1576xf32, #tpu.memory_space<vmem>>, %arg25: memref<!tpu.dma_semaphore, #tpu.memory_space<semaphore_mem>>, %arg26: memref<!tpu.dma_semaphore, #tpu.memory_space<semaphore_mem>>, %arg27: memref<!tpu.dma_semaphore, #tpu.memory_space<semaphore_mem>>, %arg28: memref<!tpu.dma_semaphore, #tpu.memory_space<semaphore_mem>>) attributes {dimension_semantics = [#tpu.dimension_semantics<core_parallel>, #tpu.dimension_semantics<subcore_parallel>], iteration_bounds = array<i64: 2, 16>, scalar_prefetch = 0 : i64, scratch_operands = 16 : i64, tpu.core_type = #tpu.core_type<sc_vector_subcore>, window_params = [{transform_indices = #map}, {transform_indices = #map}, {transform_indices = #map}, {transform_indices = #map1}, {transform_indices = #map}, {transform_indices = #map}, {transform_indices = #map1}, {transform_indices = #map1}, {transform_indices = #map1}, {transform_indices = #map}, {transform_indices = #map1}]} {
    %mul3A = arith.constant 2 : i32
    %mul3A_0 = arith.muli %arg1, %mul3A : i32
    %add3A = arith.addi %mul3A_0, %arg0 : i32
    %mul3A_1 = arith.constant 512 : i32
    %mul3A_2 = arith.muli %add3A, %mul3A_1 : i32
    %add3A_3 = arith.constant 0 : i32
    %add3A_4 = arith.addi %mul3A_2, %add3A_3 : i32
    %dma_start3A = arith.constant 0 : i32
    %dma_start3A_5 = arith.constant 0 : i32
    %dma_start3A_6 = tpu.memref_slice %arg13[%dma_start3A, %dma_start3A_5] : memref<4x128xi32, #tpu.memory_space<vmem>> -> memref<1x128xi32, #tpu.memory_space<vmem>>
    %dma_start3A_7 = tpu.memref_squeeze %dma_start3A_6 : memref<1x128xi32, #tpu.memory_space<vmem>> -> memref<128xi32, #tpu.memory_space<vmem>>
    %dma_start3A_8 = tpu.memref_slice %arg2[%add3A_4] : memref<16384xi32, #tpu.memory_space<hbm>> -> memref<128xi32, #tpu.memory_space<hbm>>
    %dma_start3A_9 = arith.constant 0 : i32
    %dma_start3A_10 = tpu.memref_slice %arg13[%dma_start3A, %dma_start3A_9] : memref<4x128xi32, #tpu.memory_space<vmem>> -> memref<1x128xi32, #tpu.memory_space<vmem>>
    %dma_start3A_11 = tpu.memref_squeeze %dma_start3A_10 : memref<1x128xi32, #tpu.memory_space<vmem>> -> memref<128xi32, #tpu.memory_space<vmem>>
    %dma_start3A_12 = tpu.memref_slice %arg2[%add3A_4] : memref<16384xi32, #tpu.memory_space<hbm>> -> memref<128xi32, #tpu.memory_space<hbm>>
    tpu.enqueue_dma source(%dma_start3A_12 : memref<128xi32, #tpu.memory_space<hbm>>) target(%dma_start3A_11 : memref<128xi32, #tpu.memory_space<vmem>>) target_semaphore(%arg25 : memref<!tpu.dma_semaphore, #tpu.memory_space<semaphore_mem>>)
    %add3A_13 = arith.constant 0 : i32
    %add3A_14 = arith.addi %mul3A_2, %add3A_13 : i32
    %dma_start3A_15 = arith.constant 0 : i32
    %dma_start3A_16 = arith.constant 0 : i32
    %dma_start3A_17 = tpu.memref_slice %arg14[%dma_start3A_15, %dma_start3A_16] : memref<4x128xi32, #tpu.memory_space<vmem>> -> memref<1x128xi32, #tpu.memory_space<vmem>>
    %dma_start3A_18 = tpu.memref_squeeze %dma_start3A_17 : memref<1x128xi32, #tpu.memory_space<vmem>> -> memref<128xi32, #tpu.memory_space<vmem>>
    %dma_start3A_19 = tpu.memref_slice %arg3[%add3A_14] : memref<16384xi32, #tpu.memory_space<hbm>> -> memref<128xi32, #tpu.memory_space<hbm>>
    %dma_start3A_20 = arith.constant 0 : i32
    %dma_start3A_21 = tpu.memref_slice %arg14[%dma_start3A_15, %dma_start3A_20] : memref<4x128xi32, #tpu.memory_space<vmem>> -> memref<1x128xi32, #tpu.memory_space<vmem>>
    %dma_start3A_22 = tpu.memref_squeeze %dma_start3A_21 : memref<1x128xi32, #tpu.memory_space<vmem>> -> memref<128xi32, #tpu.memory_space<vmem>>
    %dma_start3A_23 = tpu.memref_slice %arg3[%add3A_14] : memref<16384xi32, #tpu.memory_space<hbm>> -> memref<128xi32, #tpu.memory_space<hbm>>
    tpu.enqueue_dma source(%dma_start3A_23 : memref<128xi32, #tpu.memory_space<hbm>>) target(%dma_start3A_22 : memref<128xi32, #tpu.memory_space<vmem>>) target_semaphore(%arg25 : memref<!tpu.dma_semaphore, #tpu.memory_space<semaphore_mem>>)
    %add3A_24 = arith.constant 128 : i32
    %add3A_25 = arith.addi %mul3A_2, %add3A_24 : i32
    %dma_start3A_26 = arith.constant 1 : i32
    %dma_start3A_27 = arith.constant 0 : i32
    %dma_start3A_28 = tpu.memref_slice %arg13[%dma_start3A_26, %dma_start3A_27] : memref<4x128xi32, #tpu.memory_space<vmem>> -> memref<1x128xi32, #tpu.memory_space<vmem>>
    %dma_start3A_29 = tpu.memref_squeeze %dma_start3A_28 : memref<1x128xi32, #tpu.memory_space<vmem>> -> memref<128xi32, #tpu.memory_space<vmem>>
    %dma_start3A_30 = tpu.memref_slice %arg2[%add3A_25] : memref<16384xi32, #tpu.memory_space<hbm>> -> memref<128xi32, #tpu.memory_space<hbm>>
    %dma_start3A_31 = arith.constant 0 : i32
    %dma_start3A_32 = tpu.memref_slice %arg13[%dma_start3A_26, %dma_start3A_31] : memref<4x128xi32, #tpu.memory_space<vmem>> -> memref<1x128xi32, #tpu.memory_space<vmem>>
    %dma_start3A_33 = tpu.memref_squeeze %dma_start3A_32 : memref<1x128xi32, #tpu.memory_space<vmem>> -> memref<128xi32, #tpu.memory_space<vmem>>
    %dma_start3A_34 = tpu.memref_slice %arg2[%add3A_25] : memref<16384xi32, #tpu.memory_space<hbm>> -> memref<128xi32, #tpu.memory_space<hbm>>
    tpu.enqueue_dma source(%dma_start3A_34 : memref<128xi32, #tpu.memory_space<hbm>>) target(%dma_start3A_33 : memref<128xi32, #tpu.memory_space<vmem>>) target_semaphore(%arg25 : memref<!tpu.dma_semaphore, #tpu.memory_space<semaphore_mem>>)
    %add3A_35 = arith.constant 128 : i32
    %add3A_36 = arith.addi %mul3A_2, %add3A_35 : i32
    %dma_start3A_37 = arith.constant 1 : i32
    %dma_start3A_38 = arith.constant 0 : i32
    %dma_start3A_39 = tpu.memref_slice %arg14[%dma_start3A_37, %dma_start3A_38] : memref<4x128xi32, #tpu.memory_space<vmem>> -> memref<1x128xi32, #tpu.memory_space<vmem>>
    %dma_start3A_40 = tpu.memref_squeeze %dma_start3A_39 : memref<1x128xi32, #tpu.memory_space<vmem>> -> memref<128xi32, #tpu.memory_space<vmem>>
    %dma_start3A_41 = tpu.memref_slice %arg3[%add3A_36] : memref<16384xi32, #tpu.memory_space<hbm>> -> memref<128xi32, #tpu.memory_space<hbm>>
    %dma_start3A_42 = arith.constant 0 : i32
    %dma_start3A_43 = tpu.memref_slice %arg14[%dma_start3A_37, %dma_start3A_42] : memref<4x128xi32, #tpu.memory_space<vmem>> -> memref<1x128xi32, #tpu.memory_space<vmem>>
    %dma_start3A_44 = tpu.memref_squeeze %dma_start3A_43 : memref<1x128xi32, #tpu.memory_space<vmem>> -> memref<128xi32, #tpu.memory_space<vmem>>
    %dma_start3A_45 = tpu.memref_slice %arg3[%add3A_36] : memref<16384xi32, #tpu.memory_space<hbm>> -> memref<128xi32, #tpu.memory_space<hbm>>
    tpu.enqueue_dma source(%dma_start3A_45 : memref<128xi32, #tpu.memory_space<hbm>>) target(%dma_start3A_44 : memref<128xi32, #tpu.memory_space<vmem>>) target_semaphore(%arg25 : memref<!tpu.dma_semaphore, #tpu.memory_space<semaphore_mem>>)
    %add3A_46 = arith.constant 256 : i32
    %add3A_47 = arith.addi %mul3A_2, %add3A_46 : i32
    %dma_start3A_48 = arith.constant 2 : i32
    %dma_start3A_49 = arith.constant 0 : i32
    %dma_start3A_50 = tpu.memref_slice %arg13[%dma_start3A_48, %dma_start3A_49] : memref<4x128xi32, #tpu.memory_space<vmem>> -> memref<1x128xi32, #tpu.memory_space<vmem>>
    %dma_start3A_51 = tpu.memref_squeeze %dma_start3A_50 : memref<1x128xi32, #tpu.memory_space<vmem>> -> memref<128xi32, #tpu.memory_space<vmem>>
    %dma_start3A_52 = tpu.memref_slice %arg2[%add3A_47] : memref<16384xi32, #tpu.memory_space<hbm>> -> memref<128xi32, #tpu.memory_space<hbm>>
    %dma_start3A_53 = arith.constant 0 : i32
    %dma_start3A_54 = tpu.memref_slice %arg13[%dma_start3A_48, %dma_start3A_53] : memref<4x128xi32, #tpu.memory_space<vmem>> -> memref<1x128xi32, #tpu.memory_space<vmem>>
    %dma_start3A_55 = tpu.memref_squeeze %dma_start3A_54 : memref<1x128xi32, #tpu.memory_space<vmem>> -> memref<128xi32, #tpu.memory_space<vmem>>
    %dma_start3A_56 = tpu.memref_slice %arg2[%add3A_47] : memref<16384xi32, #tpu.memory_space<hbm>> -> memref<128xi32, #tpu.memory_space<hbm>>
    tpu.enqueue_dma source(%dma_start3A_56 : memref<128xi32, #tpu.memory_space<hbm>>) target(%dma_start3A_55 : memref<128xi32, #tpu.memory_space<vmem>>) target_semaphore(%arg25 : memref<!tpu.dma_semaphore, #tpu.memory_space<semaphore_mem>>)
    %add3A_57 = arith.constant 256 : i32
    %add3A_58 = arith.addi %mul3A_2, %add3A_57 : i32
    %dma_start3A_59 = arith.constant 2 : i32
    %dma_start3A_60 = arith.constant 0 : i32
    %dma_start3A_61 = tpu.memref_slice %arg14[%dma_start3A_59, %dma_start3A_60] : memref<4x128xi32, #tpu.memory_space<vmem>> -> memref<1x128xi32, #tpu.memory_space<vmem>>
    %dma_start3A_62 = tpu.memref_squeeze %dma_start3A_61 : memref<1x128xi32, #tpu.memory_space<vmem>> -> memref<128xi32, #tpu.memory_space<vmem>>
    %dma_start3A_63 = tpu.memref_slice %arg3[%add3A_58] : memref<16384xi32, #tpu.memory_space<hbm>> -> memref<128xi32, #tpu.memory_space<hbm>>
    %dma_start3A_64 = arith.constant 0 : i32
    %dma_start3A_65 = tpu.memref_slice %arg14[%dma_start3A_59, %dma_start3A_64] : memref<4x128xi32, #tpu.memory_space<vmem>> -> memref<1x128xi32, #tpu.memory_space<vmem>>
    %dma_start3A_66 = tpu.memref_squeeze %dma_start3A_65 : memref<1x128xi32, #tpu.memory_space<vmem>> -> memref<128xi32, #tpu.memory_space<vmem>>
    %dma_start3A_67 = tpu.memref_slice %arg3[%add3A_58] : memref<16384xi32, #tpu.memory_space<hbm>> -> memref<128xi32, #tpu.memory_space<hbm>>
    tpu.enqueue_dma source(%dma_start3A_67 : memref<128xi32, #tpu.memory_space<hbm>>) target(%dma_start3A_66 : memref<128xi32, #tpu.memory_space<vmem>>) target_semaphore(%arg25 : memref<!tpu.dma_semaphore, #tpu.memory_space<semaphore_mem>>)
    %add3A_68 = arith.constant 384 : i32
    %add3A_69 = arith.addi %mul3A_2, %add3A_68 : i32
    %dma_start3A_70 = arith.constant 3 : i32
    %dma_start3A_71 = arith.constant 0 : i32
    %dma_start3A_72 = tpu.memref_slice %arg13[%dma_start3A_70, %dma_start3A_71] : memref<4x128xi32, #tpu.memory_space<vmem>> -> memref<1x128xi32, #tpu.memory_space<vmem>>
    %dma_start3A_73 = tpu.memref_squeeze %dma_start3A_72 : memref<1x128xi32, #tpu.memory_space<vmem>> -> memref<128xi32, #tpu.memory_space<vmem>>
    %dma_start3A_74 = tpu.memref_slice %arg2[%add3A_69] : memref<16384xi32, #tpu.memory_space<hbm>> -> memref<128xi32, #tpu.memory_space<hbm>>
    %dma_start3A_75 = arith.constant 0 : i32
    %dma_start3A_76 = tpu.memref_slice %arg13[%dma_start3A_70, %dma_start3A_75] : memref<4x128xi32, #tpu.memory_space<vmem>> -> memref<1x128xi32, #tpu.memory_space<vmem>>
    %dma_start3A_77 = tpu.memref_squeeze %dma_start3A_76 : memref<1x128xi32, #tpu.memory_space<vmem>> -> memref<128xi32, #tpu.memory_space<vmem>>
    %dma_start3A_78 = tpu.memref_slice %arg2[%add3A_69] : memref<16384xi32, #tpu.memory_space<hbm>> -> memref<128xi32, #tpu.memory_space<hbm>>
    tpu.enqueue_dma source(%dma_start3A_78 : memref<128xi32, #tpu.memory_space<hbm>>) target(%dma_start3A_77 : memref<128xi32, #tpu.memory_space<vmem>>) target_semaphore(%arg25 : memref<!tpu.dma_semaphore, #tpu.memory_space<semaphore_mem>>)
    %add3A_79 = arith.constant 384 : i32
    %add3A_80 = arith.addi %mul3A_2, %add3A_79 : i32
    %dma_start3A_81 = arith.constant 3 : i32
    %dma_start3A_82 = arith.constant 0 : i32
    %dma_start3A_83 = tpu.memref_slice %arg14[%dma_start3A_81, %dma_start3A_82] : memref<4x128xi32, #tpu.memory_space<vmem>> -> memref<1x128xi32, #tpu.memory_space<vmem>>
    %dma_start3A_84 = tpu.memref_squeeze %dma_start3A_83 : memref<1x128xi32, #tpu.memory_space<vmem>> -> memref<128xi32, #tpu.memory_space<vmem>>
    %dma_start3A_85 = tpu.memref_slice %arg3[%add3A_80] : memref<16384xi32, #tpu.memory_space<hbm>> -> memref<128xi32, #tpu.memory_space<hbm>>
    %dma_start3A_86 = arith.constant 0 : i32
    %dma_start3A_87 = tpu.memref_slice %arg14[%dma_start3A_81, %dma_start3A_86] : memref<4x128xi32, #tpu.memory_space<vmem>> -> memref<1x128xi32, #tpu.memory_space<vmem>>
    %dma_start3A_88 = tpu.memref_squeeze %dma_start3A_87 : memref<1x128xi32, #tpu.memory_space<vmem>> -> memref<128xi32, #tpu.memory_space<vmem>>
    %dma_start3A_89 = tpu.memref_slice %arg3[%add3A_80] : memref<16384xi32, #tpu.memory_space<hbm>> -> memref<128xi32, #tpu.memory_space<hbm>>
    tpu.enqueue_dma source(%dma_start3A_89 : memref<128xi32, #tpu.memory_space<hbm>>) target(%dma_start3A_88 : memref<128xi32, #tpu.memory_space<vmem>>) target_semaphore(%arg25 : memref<!tpu.dma_semaphore, #tpu.memory_space<semaphore_mem>>)
    %dma_start3A_90 = tpu.memref_slice %arg4[%mul3A_2] : memref<16384xi32, #tpu.memory_space<hbm>> -> memref<512xi32, #tpu.memory_space<hbm>>
    %dma_start3A_91 = tpu.memref_slice %arg4[%mul3A_2] : memref<16384xi32, #tpu.memory_space<hbm>> -> memref<512xi32, #tpu.memory_space<hbm>>
    tpu.enqueue_dma source(%dma_start3A_91 : memref<512xi32, #tpu.memory_space<hbm>>) target(%arg16 : memref<512xi32, #tpu.memory_space<vmem>>) target_semaphore(%arg26 : memref<!tpu.dma_semaphore, #tpu.memory_space<semaphore_mem>>)
    %dma_start3A_92 = tpu.memref_slice %arg6[%mul3A_2] : memref<16384xi32, #tpu.memory_space<hbm>> -> memref<512xi32, #tpu.memory_space<hbm>>
    %dma_start3A_93 = tpu.memref_slice %arg6[%mul3A_2] : memref<16384xi32, #tpu.memory_space<hbm>> -> memref<512xi32, #tpu.memory_space<hbm>>
    tpu.enqueue_dma source(%dma_start3A_93 : memref<512xi32, #tpu.memory_space<hbm>>) target(%arg17 : memref<512xi32, #tpu.memory_space<vmem>>) target_semaphore(%arg26 : memref<!tpu.dma_semaphore, #tpu.memory_space<semaphore_mem>>)
    %dma_start3A_94 = tpu.memref_slice %arg7[%mul3A_2] : memref<16384xi32, #tpu.memory_space<hbm>> -> memref<512xi32, #tpu.memory_space<hbm>>
    %dma_start3A_95 = tpu.memref_slice %arg7[%mul3A_2] : memref<16384xi32, #tpu.memory_space<hbm>> -> memref<512xi32, #tpu.memory_space<hbm>>
    tpu.enqueue_dma source(%dma_start3A_95 : memref<512xi32, #tpu.memory_space<hbm>>) target(%arg18 : memref<512xi32, #tpu.memory_space<vmem>>) target_semaphore(%arg26 : memref<!tpu.dma_semaphore, #tpu.memory_space<semaphore_mem>>)
    tpu.enqueue_dma source(%arg11 : memref<1576xf32, #tpu.memory_space<hbm>>) target(%arg24 : memref<1576xf32, #tpu.memory_space<vmem>>) target_semaphore(%arg26 : memref<!tpu.dma_semaphore, #tpu.memory_space<semaphore_mem>>)
    %dma_start3A_96 = arith.constant 0 : i32
    %dma_start3A_97 = arith.constant 0 : i32
    %dma_start3A_98 = arith.constant 0 : i32
    %dma_start3A_99 = tpu.memref_slice %arg19[%dma_start3A_97, %dma_start3A_98] : memref<5x512xi32, #tpu.memory_space<vmem>> -> memref<1x512xi32, #tpu.memory_space<vmem>>
    %dma_start3A_100 = tpu.memref_squeeze %dma_start3A_99 : memref<1x512xi32, #tpu.memory_space<vmem>> -> memref<512xi32, #tpu.memory_space<vmem>>
    %dma_start3A_101 = tpu.memref_slice %arg5[%dma_start3A_96, %mul3A_2] : memref<5x16384xi32, #tpu.memory_space<hbm>> -> memref<1x512xi32, #tpu.memory_space<hbm>>
    %dma_start3A_102 = tpu.memref_squeeze %dma_start3A_101 : memref<1x512xi32, #tpu.memory_space<hbm>> -> memref<512xi32, #tpu.memory_space<hbm>>
    %dma_start3A_103 = arith.constant 0 : i32
    %dma_start3A_104 = tpu.memref_slice %arg19[%dma_start3A_97, %dma_start3A_103] : memref<5x512xi32, #tpu.memory_space<vmem>> -> memref<1x512xi32, #tpu.memory_space<vmem>>
    %dma_start3A_105 = tpu.memref_squeeze %dma_start3A_104 : memref<1x512xi32, #tpu.memory_space<vmem>> -> memref<512xi32, #tpu.memory_space<vmem>>
    %dma_start3A_106 = tpu.memref_slice %arg5[%dma_start3A_96, %mul3A_2] : memref<5x16384xi32, #tpu.memory_space<hbm>> -> memref<1x512xi32, #tpu.memory_space<hbm>>
    %dma_start3A_107 = tpu.memref_squeeze %dma_start3A_106 : memref<1x512xi32, #tpu.memory_space<hbm>> -> memref<512xi32, #tpu.memory_space<hbm>>
    tpu.enqueue_dma source(%dma_start3A_107 : memref<512xi32, #tpu.memory_space<hbm>>) target(%dma_start3A_105 : memref<512xi32, #tpu.memory_space<vmem>>) target_semaphore(%arg26 : memref<!tpu.dma_semaphore, #tpu.memory_space<semaphore_mem>>)
    %dma_start3A_108 = arith.constant 0 : i32
    %dma_start3A_109 = arith.constant 0 : i32
    %dma_start3A_110 = arith.constant 0 : i32
    %dma_start3A_111 = tpu.memref_slice %arg20[%dma_start3A_109, %dma_start3A_110] : memref<5x512xf32, #tpu.memory_space<vmem>> -> memref<1x512xf32, #tpu.memory_space<vmem>>
    %dma_start3A_112 = tpu.memref_squeeze %dma_start3A_111 : memref<1x512xf32, #tpu.memory_space<vmem>> -> memref<512xf32, #tpu.memory_space<vmem>>
    %dma_start3A_113 = tpu.memref_slice %arg8[%dma_start3A_108, %mul3A_2] : memref<5x16384xf32, #tpu.memory_space<hbm>> -> memref<1x512xf32, #tpu.memory_space<hbm>>
    %dma_start3A_114 = tpu.memref_squeeze %dma_start3A_113 : memref<1x512xf32, #tpu.memory_space<hbm>> -> memref<512xf32, #tpu.memory_space<hbm>>
    %dma_start3A_115 = arith.constant 0 : i32
    %dma_start3A_116 = tpu.memref_slice %arg20[%dma_start3A_109, %dma_start3A_115] : memref<5x512xf32, #tpu.memory_space<vmem>> -> memref<1x512xf32, #tpu.memory_space<vmem>>
    %dma_start3A_117 = tpu.memref_squeeze %dma_start3A_116 : memref<1x512xf32, #tpu.memory_space<vmem>> -> memref<512xf32, #tpu.memory_space<vmem>>
    %dma_start3A_118 = tpu.memref_slice %arg8[%dma_start3A_108, %mul3A_2] : memref<5x16384xf32, #tpu.memory_space<hbm>> -> memref<1x512xf32, #tpu.memory_space<hbm>>
    %dma_start3A_119 = tpu.memref_squeeze %dma_start3A_118 : memref<1x512xf32, #tpu.memory_space<hbm>> -> memref<512xf32, #tpu.memory_space<hbm>>
    tpu.enqueue_dma source(%dma_start3A_119 : memref<512xf32, #tpu.memory_space<hbm>>) target(%dma_start3A_117 : memref<512xf32, #tpu.memory_space<vmem>>) target_semaphore(%arg26 : memref<!tpu.dma_semaphore, #tpu.memory_space<semaphore_mem>>)
    %dma_start3A_120 = arith.constant 1 : i32
    %dma_start3A_121 = arith.constant 1 : i32
    %dma_start3A_122 = arith.constant 0 : i32
    %dma_start3A_123 = tpu.memref_slice %arg19[%dma_start3A_121, %dma_start3A_122] : memref<5x512xi32, #tpu.memory_space<vmem>> -> memref<1x512xi32, #tpu.memory_space<vmem>>
    %dma_start3A_124 = tpu.memref_squeeze %dma_start3A_123 : memref<1x512xi32, #tpu.memory_space<vmem>> -> memref<512xi32, #tpu.memory_space<vmem>>
    %dma_start3A_125 = tpu.memref_slice %arg5[%dma_start3A_120, %mul3A_2] : memref<5x16384xi32, #tpu.memory_space<hbm>> -> memref<1x512xi32, #tpu.memory_space<hbm>>
    %dma_start3A_126 = tpu.memref_squeeze %dma_start3A_125 : memref<1x512xi32, #tpu.memory_space<hbm>> -> memref<512xi32, #tpu.memory_space<hbm>>
    %dma_start3A_127 = arith.constant 0 : i32
    %dma_start3A_128 = tpu.memref_slice %arg19[%dma_start3A_121, %dma_start3A_127] : memref<5x512xi32, #tpu.memory_space<vmem>> -> memref<1x512xi32, #tpu.memory_space<vmem>>
    %dma_start3A_129 = tpu.memref_squeeze %dma_start3A_128 : memref<1x512xi32, #tpu.memory_space<vmem>> -> memref<512xi32, #tpu.memory_space<vmem>>
    %dma_start3A_130 = tpu.memref_slice %arg5[%dma_start3A_120, %mul3A_2] : memref<5x16384xi32, #tpu.memory_space<hbm>> -> memref<1x512xi32, #tpu.memory_space<hbm>>
    %dma_start3A_131 = tpu.memref_squeeze %dma_start3A_130 : memref<1x512xi32, #tpu.memory_space<hbm>> -> memref<512xi32, #tpu.memory_space<hbm>>
    tpu.enqueue_dma source(%dma_start3A_131 : memref<512xi32, #tpu.memory_space<hbm>>) target(%dma_start3A_129 : memref<512xi32, #tpu.memory_space<vmem>>) target_semaphore(%arg26 : memref<!tpu.dma_semaphore, #tpu.memory_space<semaphore_mem>>)
    %dma_start3A_132 = arith.constant 1 : i32
    %dma_start3A_133 = arith.constant 1 : i32
    %dma_start3A_134 = arith.constant 0 : i32
    %dma_start3A_135 = tpu.memref_slice %arg20[%dma_start3A_133, %dma_start3A_134] : memref<5x512xf32, #tpu.memory_space<vmem>> -> memref<1x512xf32, #tpu.memory_space<vmem>>
    %dma_start3A_136 = tpu.memref_squeeze %dma_start3A_135 : memref<1x512xf32, #tpu.memory_space<vmem>> -> memref<512xf32, #tpu.memory_space<vmem>>
    %dma_start3A_137 = tpu.memref_slice %arg8[%dma_start3A_132, %mul3A_2] : memref<5x16384xf32, #tpu.memory_space<hbm>> -> memref<1x512xf32, #tpu.memory_space<hbm>>
    %dma_start3A_138 = tpu.memref_squeeze %dma_start3A_137 : memref<1x512xf32, #tpu.memory_space<hbm>> -> memref<512xf32, #tpu.memory_space<hbm>>
    %dma_start3A_139 = arith.constant 0 : i32
    %dma_start3A_140 = tpu.memref_slice %arg20[%dma_start3A_133, %dma_start3A_139] : memref<5x512xf32, #tpu.memory_space<vmem>> -> memref<1x512xf32, #tpu.memory_space<vmem>>
    %dma_start3A_141 = tpu.memref_squeeze %dma_start3A_140 : memref<1x512xf32, #tpu.memory_space<vmem>> -> memref<512xf32, #tpu.memory_space<vmem>>
    %dma_start3A_142 = tpu.memref_slice %arg8[%dma_start3A_132, %mul3A_2] : memref<5x16384xf32, #tpu.memory_space<hbm>> -> memref<1x512xf32, #tpu.memory_space<hbm>>
    %dma_start3A_143 = tpu.memref_squeeze %dma_start3A_142 : memref<1x512xf32, #tpu.memory_space<hbm>> -> memref<512xf32, #tpu.memory_space<hbm>>
    tpu.enqueue_dma source(%dma_start3A_143 : memref<512xf32, #tpu.memory_space<hbm>>) target(%dma_start3A_141 : memref<512xf32, #tpu.memory_space<vmem>>) target_semaphore(%arg26 : memref<!tpu.dma_semaphore, #tpu.memory_space<semaphore_mem>>)
    %dma_start3A_144 = arith.constant 2 : i32
    %dma_start3A_145 = arith.constant 2 : i32
    %dma_start3A_146 = arith.constant 0 : i32
    %dma_start3A_147 = tpu.memref_slice %arg19[%dma_start3A_145, %dma_start3A_146] : memref<5x512xi32, #tpu.memory_space<vmem>> -> memref<1x512xi32, #tpu.memory_space<vmem>>
    %dma_start3A_148 = tpu.memref_squeeze %dma_start3A_147 : memref<1x512xi32, #tpu.memory_space<vmem>> -> memref<512xi32, #tpu.memory_space<vmem>>
    %dma_start3A_149 = tpu.memref_slice %arg5[%dma_start3A_144, %mul3A_2] : memref<5x16384xi32, #tpu.memory_space<hbm>> -> memref<1x512xi32, #tpu.memory_space<hbm>>
    %dma_start3A_150 = tpu.memref_squeeze %dma_start3A_149 : memref<1x512xi32, #tpu.memory_space<hbm>> -> memref<512xi32, #tpu.memory_space<hbm>>
    %dma_start3A_151 = arith.constant 0 : i32
    %dma_start3A_152 = tpu.memref_slice %arg19[%dma_start3A_145, %dma_start3A_151] : memref<5x512xi32, #tpu.memory_space<vmem>> -> memref<1x512xi32, #tpu.memory_space<vmem>>
    %dma_start3A_153 = tpu.memref_squeeze %dma_start3A_152 : memref<1x512xi32, #tpu.memory_space<vmem>> -> memref<512xi32, #tpu.memory_space<vmem>>
    %dma_start3A_154 = tpu.memref_slice %arg5[%dma_start3A_144, %mul3A_2] : memref<5x16384xi32, #tpu.memory_space<hbm>> -> memref<1x512xi32, #tpu.memory_space<hbm>>
    %dma_start3A_155 = tpu.memref_squeeze %dma_start3A_154 : memref<1x512xi32, #tpu.memory_space<hbm>> -> memref<512xi32, #tpu.memory_space<hbm>>
    tpu.enqueue_dma source(%dma_start3A_155 : memref<512xi32, #tpu.memory_space<hbm>>) target(%dma_start3A_153 : memref<512xi32, #tpu.memory_space<vmem>>) target_semaphore(%arg26 : memref<!tpu.dma_semaphore, #tpu.memory_space<semaphore_mem>>)
    %dma_start3A_156 = arith.constant 2 : i32
    %dma_start3A_157 = arith.constant 2 : i32
    %dma_start3A_158 = arith.constant 0 : i32
    %dma_start3A_159 = tpu.memref_slice %arg20[%dma_start3A_157, %dma_start3A_158] : memref<5x512xf32, #tpu.memory_space<vmem>> -> memref<1x512xf32, #tpu.memory_space<vmem>>
    %dma_start3A_160 = tpu.memref_squeeze %dma_start3A_159 : memref<1x512xf32, #tpu.memory_space<vmem>> -> memref<512xf32, #tpu.memory_space<vmem>>
    %dma_start3A_161 = tpu.memref_slice %arg8[%dma_start3A_156, %mul3A_2] : memref<5x16384xf32, #tpu.memory_space<hbm>> -> memref<1x512xf32, #tpu.memory_space<hbm>>
    %dma_start3A_162 = tpu.memref_squeeze %dma_start3A_161 : memref<1x512xf32, #tpu.memory_space<hbm>> -> memref<512xf32, #tpu.memory_space<hbm>>
    %dma_start3A_163 = arith.constant 0 : i32
    %dma_start3A_164 = tpu.memref_slice %arg20[%dma_start3A_157, %dma_start3A_163] : memref<5x512xf32, #tpu.memory_space<vmem>> -> memref<1x512xf32, #tpu.memory_space<vmem>>
    %dma_start3A_165 = tpu.memref_squeeze %dma_start3A_164 : memref<1x512xf32, #tpu.memory_space<vmem>> -> memref<512xf32, #tpu.memory_space<vmem>>
    %dma_start3A_166 = tpu.memref_slice %arg8[%dma_start3A_156, %mul3A_2] : memref<5x16384xf32, #tpu.memory_space<hbm>> -> memref<1x512xf32, #tpu.memory_space<hbm>>
    %dma_start3A_167 = tpu.memref_squeeze %dma_start3A_166 : memref<1x512xf32, #tpu.memory_space<hbm>> -> memref<512xf32, #tpu.memory_space<hbm>>
    tpu.enqueue_dma source(%dma_start3A_167 : memref<512xf32, #tpu.memory_space<hbm>>) target(%dma_start3A_165 : memref<512xf32, #tpu.memory_space<vmem>>) target_semaphore(%arg26 : memref<!tpu.dma_semaphore, #tpu.memory_space<semaphore_mem>>)
    %dma_start3A_168 = arith.constant 3 : i32
    %dma_start3A_169 = arith.constant 3 : i32
    %dma_start3A_170 = arith.constant 0 : i32
    %dma_start3A_171 = tpu.memref_slice %arg19[%dma_start3A_169, %dma_start3A_170] : memref<5x512xi32, #tpu.memory_space<vmem>> -> memref<1x512xi32, #tpu.memory_space<vmem>>
    %dma_start3A_172 = tpu.memref_squeeze %dma_start3A_171 : memref<1x512xi32, #tpu.memory_space<vmem>> -> memref<512xi32, #tpu.memory_space<vmem>>
    %dma_start3A_173 = tpu.memref_slice %arg5[%dma_start3A_168, %mul3A_2] : memref<5x16384xi32, #tpu.memory_space<hbm>> -> memref<1x512xi32, #tpu.memory_space<hbm>>
    %dma_start3A_174 = tpu.memref_squeeze %dma_start3A_173 : memref<1x512xi32, #tpu.memory_space<hbm>> -> memref<512xi32, #tpu.memory_space<hbm>>
    %dma_start3A_175 = arith.constant 0 : i32
    %dma_start3A_176 = tpu.memref_slice %arg19[%dma_start3A_169, %dma_start3A_175] : memref<5x512xi32, #tpu.memory_space<vmem>> -> memref<1x512xi32, #tpu.memory_space<vmem>>
    %dma_start3A_177 = tpu.memref_squeeze %dma_start3A_176 : memref<1x512xi32, #tpu.memory_space<vmem>> -> memref<512xi32, #tpu.memory_space<vmem>>
    %dma_start3A_178 = tpu.memref_slice %arg5[%dma_start3A_168, %mul3A_2] : memref<5x16384xi32, #tpu.memory_space<hbm>> -> memref<1x512xi32, #tpu.memory_space<hbm>>
    %dma_start3A_179 = tpu.memref_squeeze %dma_start3A_178 : memref<1x512xi32, #tpu.memory_space<hbm>> -> memref<512xi32, #tpu.memory_space<hbm>>
    tpu.enqueue_dma source(%dma_start3A_179 : memref<512xi32, #tpu.memory_space<hbm>>) target(%dma_start3A_177 : memref<512xi32, #tpu.memory_space<vmem>>) target_semaphore(%arg26 : memref<!tpu.dma_semaphore, #tpu.memory_space<semaphore_mem>>)
    %dma_start3A_180 = arith.constant 3 : i32
    %dma_start3A_181 = arith.constant 3 : i32
    %dma_start3A_182 = arith.constant 0 : i32
    %dma_start3A_183 = tpu.memref_slice %arg20[%dma_start3A_181, %dma_start3A_182] : memref<5x512xf32, #tpu.memory_space<vmem>> -> memref<1x512xf32, #tpu.memory_space<vmem>>
    %dma_start3A_184 = tpu.memref_squeeze %dma_start3A_183 : memref<1x512xf32, #tpu.memory_space<vmem>> -> memref<512xf32, #tpu.memory_space<vmem>>
    %dma_start3A_185 = tpu.memref_slice %arg8[%dma_start3A_180, %mul3A_2] : memref<5x16384xf32, #tpu.memory_space<hbm>> -> memref<1x512xf32, #tpu.memory_space<hbm>>
    %dma_start3A_186 = tpu.memref_squeeze %dma_start3A_185 : memref<1x512xf32, #tpu.memory_space<hbm>> -> memref<512xf32, #tpu.memory_space<hbm>>
    %dma_start3A_187 = arith.constant 0 : i32
    %dma_start3A_188 = tpu.memref_slice %arg20[%dma_start3A_181, %dma_start3A_187] : memref<5x512xf32, #tpu.memory_space<vmem>> -> memref<1x512xf32, #tpu.memory_space<vmem>>
    %dma_start3A_189 = tpu.memref_squeeze %dma_start3A_188 : memref<1x512xf32, #tpu.memory_space<vmem>> -> memref<512xf32, #tpu.memory_space<vmem>>
    %dma_start3A_190 = tpu.memref_slice %arg8[%dma_start3A_180, %mul3A_2] : memref<5x16384xf32, #tpu.memory_space<hbm>> -> memref<1x512xf32, #tpu.memory_space<hbm>>
    %dma_start3A_191 = tpu.memref_squeeze %dma_start3A_190 : memref<1x512xf32, #tpu.memory_space<hbm>> -> memref<512xf32, #tpu.memory_space<hbm>>
    tpu.enqueue_dma source(%dma_start3A_191 : memref<512xf32, #tpu.memory_space<hbm>>) target(%dma_start3A_189 : memref<512xf32, #tpu.memory_space<vmem>>) target_semaphore(%arg26 : memref<!tpu.dma_semaphore, #tpu.memory_space<semaphore_mem>>)
    %dma_start3A_192 = arith.constant 4 : i32
    %dma_start3A_193 = arith.constant 4 : i32
    %dma_start3A_194 = arith.constant 0 : i32
    %dma_start3A_195 = tpu.memref_slice %arg19[%dma_start3A_193, %dma_start3A_194] : memref<5x512xi32, #tpu.memory_space<vmem>> -> memref<1x512xi32, #tpu.memory_space<vmem>>
    %dma_start3A_196 = tpu.memref_squeeze %dma_start3A_195 : memref<1x512xi32, #tpu.memory_space<vmem>> -> memref<512xi32, #tpu.memory_space<vmem>>
    %dma_start3A_197 = tpu.memref_slice %arg5[%dma_start3A_192, %mul3A_2] : memref<5x16384xi32, #tpu.memory_space<hbm>> -> memref<1x512xi32, #tpu.memory_space<hbm>>
    %dma_start3A_198 = tpu.memref_squeeze %dma_start3A_197 : memref<1x512xi32, #tpu.memory_space<hbm>> -> memref<512xi32, #tpu.memory_space<hbm>>
    %dma_start3A_199 = arith.constant 0 : i32
    %dma_start3A_200 = tpu.memref_slice %arg19[%dma_start3A_193, %dma_start3A_199] : memref<5x512xi32, #tpu.memory_space<vmem>> -> memref<1x512xi32, #tpu.memory_space<vmem>>
    %dma_start3A_201 = tpu.memref_squeeze %dma_start3A_200 : memref<1x512xi32, #tpu.memory_space<vmem>> -> memref<512xi32, #tpu.memory_space<vmem>>
    %dma_start3A_202 = tpu.memref_slice %arg5[%dma_start3A_192, %mul3A_2] : memref<5x16384xi32, #tpu.memory_space<hbm>> -> memref<1x512xi32, #tpu.memory_space<hbm>>
    %dma_start3A_203 = tpu.memref_squeeze %dma_start3A_202 : memref<1x512xi32, #tpu.memory_space<hbm>> -> memref<512xi32, #tpu.memory_space<hbm>>
    tpu.enqueue_dma source(%dma_start3A_203 : memref<512xi32, #tpu.memory_space<hbm>>) target(%dma_start3A_201 : memref<512xi32, #tpu.memory_space<vmem>>) target_semaphore(%arg26 : memref<!tpu.dma_semaphore, #tpu.memory_space<semaphore_mem>>)
    %dma_start3A_204 = arith.constant 4 : i32
    %dma_start3A_205 = arith.constant 4 : i32
    %dma_start3A_206 = arith.constant 0 : i32
    %dma_start3A_207 = tpu.memref_slice %arg20[%dma_start3A_205, %dma_start3A_206] : memref<5x512xf32, #tpu.memory_space<vmem>> -> memref<1x512xf32, #tpu.memory_space<vmem>>
    %dma_start3A_208 = tpu.memref_squeeze %dma_start3A_207 : memref<1x512xf32, #tpu.memory_space<vmem>> -> memref<512xf32, #tpu.memory_space<vmem>>
    %dma_start3A_209 = tpu.memref_slice %arg8[%dma_start3A_204, %mul3A_2] : memref<5x16384xf32, #tpu.memory_space<hbm>> -> memref<1x512xf32, #tpu.memory_space<hbm>>
    %dma_start3A_210 = tpu.memref_squeeze %dma_start3A_209 : memref<1x512xf32, #tpu.memory_space<hbm>> -> memref<512xf32, #tpu.memory_space<hbm>>
    %dma_start3A_211 = arith.constant 0 : i32
    %dma_start3A_212 = tpu.memref_slice %arg20[%dma_start3A_205, %dma_start3A_211] : memref<5x512xf32, #tpu.memory_space<vmem>> -> memref<1x512xf32, #tpu.memory_space<vmem>>
    %dma_start3A_213 = tpu.memref_squeeze %dma_start3A_212 : memref<1x512xf32, #tpu.memory_space<vmem>> -> memref<512xf32, #tpu.memory_space<vmem>>
    %dma_start3A_214 = tpu.memref_slice %arg8[%dma_start3A_204, %mul3A_2] : memref<5x16384xf32, #tpu.memory_space<hbm>> -> memref<1x512xf32, #tpu.memory_space<hbm>>
    %dma_start3A_215 = tpu.memref_squeeze %dma_start3A_214 : memref<1x512xf32, #tpu.memory_space<hbm>> -> memref<512xf32, #tpu.memory_space<hbm>>
    tpu.enqueue_dma source(%dma_start3A_215 : memref<512xf32, #tpu.memory_space<hbm>>) target(%dma_start3A_213 : memref<512xf32, #tpu.memory_space<vmem>>) target_semaphore(%arg26 : memref<!tpu.dma_semaphore, #tpu.memory_space<semaphore_mem>>)
    %dma_wait3A = arith.constant 0 : i32
    %dma_wait3A_216 = arith.constant 0 : i32
    %dma_wait3A_217 = tpu.memref_slice %arg13[%dma_wait3A, %dma_wait3A_216] : memref<4x128xi32, #tpu.memory_space<vmem>> -> memref<1x128xi32, #tpu.memory_space<vmem>>
    %dma_wait3A_218 = tpu.memref_squeeze %dma_wait3A_217 : memref<1x128xi32, #tpu.memory_space<vmem>> -> memref<128xi32, #tpu.memory_space<vmem>>
    %dma_wait3A_219 = tpu.memref_slice %arg2[%add3A_4] : memref<16384xi32, #tpu.memory_space<hbm>> -> memref<128xi32, #tpu.memory_space<hbm>>
    %dma_wait3A_220 = arith.constant 0 : i32
    %dma_wait3A_221 = tpu.memref_slice %arg13[%dma_wait3A, %dma_wait3A_220] : memref<4x128xi32, #tpu.memory_space<vmem>> -> memref<1x128xi32, #tpu.memory_space<vmem>>
    %dma_wait3A_222 = tpu.memref_squeeze %dma_wait3A_221 : memref<1x128xi32, #tpu.memory_space<vmem>> -> memref<128xi32, #tpu.memory_space<vmem>>
    %dma_wait3A_223 = tpu.memref_slice %arg2[%add3A_4] : memref<16384xi32, #tpu.memory_space<hbm>> -> memref<128xi32, #tpu.memory_space<hbm>>
    tpu.wait_dma2 semaphore(%arg25 : memref<!tpu.dma_semaphore, #tpu.memory_space<semaphore_mem>>) src(%dma_wait3A_223 : memref<128xi32, #tpu.memory_space<hbm>>) dst(%dma_wait3A_222 : memref<128xi32, #tpu.memory_space<vmem>>)
    %dma_wait3A_224 = arith.constant 0 : i32
    %dma_wait3A_225 = arith.constant 0 : i32
    %dma_wait3A_226 = tpu.memref_slice %arg14[%dma_wait3A_224, %dma_wait3A_225] : memref<4x128xi32, #tpu.memory_space<vmem>> -> memref<1x128xi32, #tpu.memory_space<vmem>>
    %dma_wait3A_227 = tpu.memref_squeeze %dma_wait3A_226 : memref<1x128xi32, #tpu.memory_space<vmem>> -> memref<128xi32, #tpu.memory_space<vmem>>
    %dma_wait3A_228 = tpu.memref_slice %arg3[%add3A_14] : memref<16384xi32, #tpu.memory_space<hbm>> -> memref<128xi32, #tpu.memory_space<hbm>>
    %dma_wait3A_229 = arith.constant 0 : i32
    %dma_wait3A_230 = tpu.memref_slice %arg14[%dma_wait3A_224, %dma_wait3A_229] : memref<4x128xi32, #tpu.memory_space<vmem>> -> memref<1x128xi32, #tpu.memory_space<vmem>>
    %dma_wait3A_231 = tpu.memref_squeeze %dma_wait3A_230 : memref<1x128xi32, #tpu.memory_space<vmem>> -> memref<128xi32, #tpu.memory_space<vmem>>
    %dma_wait3A_232 = tpu.memref_slice %arg3[%add3A_14] : memref<16384xi32, #tpu.memory_space<hbm>> -> memref<128xi32, #tpu.memory_space<hbm>>
    tpu.wait_dma2 semaphore(%arg25 : memref<!tpu.dma_semaphore, #tpu.memory_space<semaphore_mem>>) src(%dma_wait3A_232 : memref<128xi32, #tpu.memory_space<hbm>>) dst(%dma_wait3A_231 : memref<128xi32, #tpu.memory_space<vmem>>)
    %dma_wait3A_233 = arith.constant 1 : i32
    %dma_wait3A_234 = arith.constant 0 : i32
    %dma_wait3A_235 = tpu.memref_slice %arg13[%dma_wait3A_233, %dma_wait3A_234] : memref<4x128xi32, #tpu.memory_space<vmem>> -> memref<1x128xi32, #tpu.memory_space<vmem>>
    %dma_wait3A_236 = tpu.memref_squeeze %dma_wait3A_235 : memref<1x128xi32, #tpu.memory_space<vmem>> -> memref<128xi32, #tpu.memory_space<vmem>>
    %dma_wait3A_237 = tpu.memref_slice %arg2[%add3A_25] : memref<16384xi32, #tpu.memory_space<hbm>> -> memref<128xi32, #tpu.memory_space<hbm>>
    %dma_wait3A_238 = arith.constant 0 : i32
    %dma_wait3A_239 = tpu.memref_slice %arg13[%dma_wait3A_233, %dma_wait3A_238] : memref<4x128xi32, #tpu.memory_space<vmem>> -> memref<1x128xi32, #tpu.memory_space<vmem>>
    %dma_wait3A_240 = tpu.memref_squeeze %dma_wait3A_239 : memref<1x128xi32, #tpu.memory_space<vmem>> -> memref<128xi32, #tpu.memory_space<vmem>>
    %dma_wait3A_241 = tpu.memref_slice %arg2[%add3A_25] : memref<16384xi32, #tpu.memory_space<hbm>> -> memref<128xi32, #tpu.memory_space<hbm>>
    tpu.wait_dma2 semaphore(%arg25 : memref<!tpu.dma_semaphore, #tpu.memory_space<semaphore_mem>>) src(%dma_wait3A_241 : memref<128xi32, #tpu.memory_space<hbm>>) dst(%dma_wait3A_240 : memref<128xi32, #tpu.memory_space<vmem>>)
    %dma_wait3A_242 = arith.constant 1 : i32
    %dma_wait3A_243 = arith.constant 0 : i32
    %dma_wait3A_244 = tpu.memref_slice %arg14[%dma_wait3A_242, %dma_wait3A_243] : memref<4x128xi32, #tpu.memory_space<vmem>> -> memref<1x128xi32, #tpu.memory_space<vmem>>
    %dma_wait3A_245 = tpu.memref_squeeze %dma_wait3A_244 : memref<1x128xi32, #tpu.memory_space<vmem>> -> memref<128xi32, #tpu.memory_space<vmem>>
    %dma_wait3A_246 = tpu.memref_slice %arg3[%add3A_36] : memref<16384xi32, #tpu.memory_space<hbm>> -> memref<128xi32, #tpu.memory_space<hbm>>
    %dma_wait3A_247 = arith.constant 0 : i32
    %dma_wait3A_248 = tpu.memref_slice %arg14[%dma_wait3A_242, %dma_wait3A_247] : memref<4x128xi32, #tpu.memory_space<vmem>> -> memref<1x128xi32, #tpu.memory_space<vmem>>
    %dma_wait3A_249 = tpu.memref_squeeze %dma_wait3A_248 : memref<1x128xi32, #tpu.memory_space<vmem>> -> memref<128xi32, #tpu.memory_space<vmem>>
    %dma_wait3A_250 = tpu.memref_slice %arg3[%add3A_36] : memref<16384xi32, #tpu.memory_space<hbm>> -> memref<128xi32, #tpu.memory_space<hbm>>
    tpu.wait_dma2 semaphore(%arg25 : memref<!tpu.dma_semaphore, #tpu.memory_space<semaphore_mem>>) src(%dma_wait3A_250 : memref<128xi32, #tpu.memory_space<hbm>>) dst(%dma_wait3A_249 : memref<128xi32, #tpu.memory_space<vmem>>)
    %dma_wait3A_251 = arith.constant 2 : i32
    %dma_wait3A_252 = arith.constant 0 : i32
    %dma_wait3A_253 = tpu.memref_slice %arg13[%dma_wait3A_251, %dma_wait3A_252] : memref<4x128xi32, #tpu.memory_space<vmem>> -> memref<1x128xi32, #tpu.memory_space<vmem>>
    %dma_wait3A_254 = tpu.memref_squeeze %dma_wait3A_253 : memref<1x128xi32, #tpu.memory_space<vmem>> -> memref<128xi32, #tpu.memory_space<vmem>>
    %dma_wait3A_255 = tpu.memref_slice %arg2[%add3A_47] : memref<16384xi32, #tpu.memory_space<hbm>> -> memref<128xi32, #tpu.memory_space<hbm>>
    %dma_wait3A_256 = arith.constant 0 : i32
    %dma_wait3A_257 = tpu.memref_slice %arg13[%dma_wait3A_251, %dma_wait3A_256] : memref<4x128xi32, #tpu.memory_space<vmem>> -> memref<1x128xi32, #tpu.memory_space<vmem>>
    %dma_wait3A_258 = tpu.memref_squeeze %dma_wait3A_257 : memref<1x128xi32, #tpu.memory_space<vmem>> -> memref<128xi32, #tpu.memory_space<vmem>>
    %dma_wait3A_259 = tpu.memref_slice %arg2[%add3A_47] : memref<16384xi32, #tpu.memory_space<hbm>> -> memref<128xi32, #tpu.memory_space<hbm>>
    tpu.wait_dma2 semaphore(%arg25 : memref<!tpu.dma_semaphore, #tpu.memory_space<semaphore_mem>>) src(%dma_wait3A_259 : memref<128xi32, #tpu.memory_space<hbm>>) dst(%dma_wait3A_258 : memref<128xi32, #tpu.memory_space<vmem>>)
    %dma_wait3A_260 = arith.constant 2 : i32
    %dma_wait3A_261 = arith.constant 0 : i32
    %dma_wait3A_262 = tpu.memref_slice %arg14[%dma_wait3A_260, %dma_wait3A_261] : memref<4x128xi32, #tpu.memory_space<vmem>> -> memref<1x128xi32, #tpu.memory_space<vmem>>
    %dma_wait3A_263 = tpu.memref_squeeze %dma_wait3A_262 : memref<1x128xi32, #tpu.memory_space<vmem>> -> memref<128xi32, #tpu.memory_space<vmem>>
    %dma_wait3A_264 = tpu.memref_slice %arg3[%add3A_58] : memref<16384xi32, #tpu.memory_space<hbm>> -> memref<128xi32, #tpu.memory_space<hbm>>
    %dma_wait3A_265 = arith.constant 0 : i32
    %dma_wait3A_266 = tpu.memref_slice %arg14[%dma_wait3A_260, %dma_wait3A_265] : memref<4x128xi32, #tpu.memory_space<vmem>> -> memref<1x128xi32, #tpu.memory_space<vmem>>
    %dma_wait3A_267 = tpu.memref_squeeze %dma_wait3A_266 : memref<1x128xi32, #tpu.memory_space<vmem>> -> memref<128xi32, #tpu.memory_space<vmem>>
    %dma_wait3A_268 = tpu.memref_slice %arg3[%add3A_58] : memref<16384xi32, #tpu.memory_space<hbm>> -> memref<128xi32, #tpu.memory_space<hbm>>
    tpu.wait_dma2 semaphore(%arg25 : memref<!tpu.dma_semaphore, #tpu.memory_space<semaphore_mem>>) src(%dma_wait3A_268 : memref<128xi32, #tpu.memory_space<hbm>>) dst(%dma_wait3A_267 : memref<128xi32, #tpu.memory_space<vmem>>)
    %dma_wait3A_269 = arith.constant 3 : i32
    %dma_wait3A_270 = arith.constant 0 : i32
    %dma_wait3A_271 = tpu.memref_slice %arg13[%dma_wait3A_269, %dma_wait3A_270] : memref<4x128xi32, #tpu.memory_space<vmem>> -> memref<1x128xi32, #tpu.memory_space<vmem>>
    %dma_wait3A_272 = tpu.memref_squeeze %dma_wait3A_271 : memref<1x128xi32, #tpu.memory_space<vmem>> -> memref<128xi32, #tpu.memory_space<vmem>>
    %dma_wait3A_273 = tpu.memref_slice %arg2[%add3A_69] : memref<16384xi32, #tpu.memory_space<hbm>> -> memref<128xi32, #tpu.memory_space<hbm>>
    %dma_wait3A_274 = arith.constant 0 : i32
    %dma_wait3A_275 = tpu.memref_slice %arg13[%dma_wait3A_269, %dma_wait3A_274] : memref<4x128xi32, #tpu.memory_space<vmem>> -> memref<1x128xi32, #tpu.memory_space<vmem>>
    %dma_wait3A_276 = tpu.memref_squeeze %dma_wait3A_275 : memref<1x128xi32, #tpu.memory_space<vmem>> -> memref<128xi32, #tpu.memory_space<vmem>>
    %dma_wait3A_277 = tpu.memref_slice %arg2[%add3A_69] : memref<16384xi32, #tpu.memory_space<hbm>> -> memref<128xi32, #tpu.memory_space<hbm>>
    tpu.wait_dma2 semaphore(%arg25 : memref<!tpu.dma_semaphore, #tpu.memory_space<semaphore_mem>>) src(%dma_wait3A_277 : memref<128xi32, #tpu.memory_space<hbm>>) dst(%dma_wait3A_276 : memref<128xi32, #tpu.memory_space<vmem>>)
    %dma_wait3A_278 = arith.constant 3 : i32
    %dma_wait3A_279 = arith.constant 0 : i32
    %dma_wait3A_280 = tpu.memref_slice %arg14[%dma_wait3A_278, %dma_wait3A_279] : memref<4x128xi32, #tpu.memory_space<vmem>> -> memref<1x128xi32, #tpu.memory_space<vmem>>
    %dma_wait3A_281 = tpu.memref_squeeze %dma_wait3A_280 : memref<1x128xi32, #tpu.memory_space<vmem>> -> memref<128xi32, #tpu.memory_space<vmem>>
    %dma_wait3A_282 = tpu.memref_slice %arg3[%add3A_80] : memref<16384xi32, #tpu.memory_space<hbm>> -> memref<128xi32, #tpu.memory_space<hbm>>
    %dma_wait3A_283 = arith.constant 0 : i32
    %dma_wait3A_284 = tpu.memref_slice %arg14[%dma_wait3A_278, %dma_wait3A_283] : memref<4x128xi32, #tpu.memory_space<vmem>> -> memref<1x128xi32, #tpu.memory_space<vmem>>
    %dma_wait3A_285 = tpu.memref_squeeze %dma_wait3A_284 : memref<1x128xi32, #tpu.memory_space<vmem>> -> memref<128xi32, #tpu.memory_space<vmem>>
    %dma_wait3A_286 = tpu.memref_slice %arg3[%add3A_80] : memref<16384xi32, #tpu.memory_space<hbm>> -> memref<128xi32, #tpu.memory_space<hbm>>
    tpu.wait_dma2 semaphore(%arg25 : memref<!tpu.dma_semaphore, #tpu.memory_space<semaphore_mem>>) src(%dma_wait3A_286 : memref<128xi32, #tpu.memory_space<hbm>>) dst(%dma_wait3A_285 : memref<128xi32, #tpu.memory_space<vmem>>)
    %get3A = arith.constant 0 : i32
    %get3A_287 = arith.index_cast %get3A : i32 to index
    %get3A_288 = arith.constant 0 : index
    %get3A_289 = tpu.vector_load %arg13[%get3A_287, %get3A_288] {strides = array<i32>} : memref<4x128xi32, #tpu.memory_space<vmem>>, vector<16xi32>,
    %get3A_290 = arith.constant 0 : i32
    %get3A_291 = arith.index_cast %get3A_290 : i32 to index
    %get3A_292 = arith.constant 0 : index
    %get3A_293 = tpu.vector_load %arg14[%get3A_291, %get3A_292] {strides = array<i32>} : memref<4x128xi32, #tpu.memory_space<vmem>>, vector<16xi32>,
    %mul3A_294 = arith.constant 8 : i32
    %mul3A_295 = vector.broadcast %mul3A_294 : i32 to vector<16xi32>
    %mul3A_296 = arith.muli %get3A_289, %mul3A_295 : vector<16xi32>
    %add3A_297 = arith.addi %mul3A_296, %get3A_293 : vector<16xi32>
    %swap3A = arith.constant 0 : i32
    %swap3A_298 = arith.index_cast %swap3A : i32 to index
    %swap3A_299 = arith.constant 0 : index
    %swap3A_300 = tpu.vector_load %arg15[%swap3A_298, %swap3A_299] {strides = array<i32>} : memref<4x128xi32, #tpu.memory_space<vmem>>, vector<16xi32>,
    tpu.vector_store %arg15[%swap3A_298, %swap3A_299], %add3A_297 {strides = array<i32>} : memref<4x128xi32, #tpu.memory_space<vmem>>, vector<16xi32>,
    %get3A_301 = arith.constant 0 : i32
    %get3A_302 = arith.index_cast %get3A_301 : i32 to index
    %get3A_303 = arith.constant 16 : index
    %get3A_304 = tpu.vector_load %arg13[%get3A_302, %get3A_303] {strides = array<i32>} : memref<4x128xi32, #tpu.memory_space<vmem>>, vector<16xi32>,
    %get3A_305 = arith.constant 0 : i32
    %get3A_306 = arith.index_cast %get3A_305 : i32 to index
    %get3A_307 = arith.constant 16 : index
    %get3A_308 = tpu.vector_load %arg14[%get3A_306, %get3A_307] {strides = array<i32>} : memref<4x128xi32, #tpu.memory_space<vmem>>, vector<16xi32>,
    %mul3A_309 = arith.constant 8 : i32
    %mul3A_310 = vector.broadcast %mul3A_309 : i32 to vector<16xi32>
    %mul3A_311 = arith.muli %get3A_304, %mul3A_310 : vector<16xi32>
    %add3A_312 = arith.addi %mul3A_311, %get3A_308 : vector<16xi32>
    %swap3A_313 = arith.constant 0 : i32
    %swap3A_314 = arith.index_cast %swap3A_313 : i32 to index
    %swap3A_315 = arith.constant 16 : index
    %swap3A_316 = tpu.vector_load %arg15[%swap3A_314, %swap3A_315] {strides = array<i32>} : memref<4x128xi32, #tpu.memory_space<vmem>>, vector<16xi32>,
    tpu.vector_store %arg15[%swap3A_314, %swap3A_315], %add3A_312 {strides = array<i32>} : memref<4x128xi32, #tpu.memory_space<vmem>>, vector<16xi32>,
    %get3A_317 = arith.constant 0 : i32
    %get3A_318 = arith.index_cast %get3A_317 : i32 to index
    %get3A_319 = arith.constant 32 : index
    %get3A_320 = tpu.vector_load %arg13[%get3A_318, %get3A_319] {strides = array<i32>} : memref<4x128xi32, #tpu.memory_space<vmem>>, vector<16xi32>,
    %get3A_321 = arith.constant 0 : i32
    %get3A_322 = arith.index_cast %get3A_321 : i32 to index
    %get3A_323 = arith.constant 32 : index
    %get3A_324 = tpu.vector_load %arg14[%get3A_322, %get3A_323] {strides = array<i32>} : memref<4x128xi32, #tpu.memory_space<vmem>>, vector<16xi32>,
    %mul3A_325 = arith.constant 8 : i32
    %mul3A_326 = vector.broadcast %mul3A_325 : i32 to vector<16xi32>
    %mul3A_327 = arith.muli %get3A_320, %mul3A_326 : vector<16xi32>
    %add3A_328 = arith.addi %mul3A_327, %get3A_324 : vector<16xi32>
    %swap3A_329 = arith.constant 0 : i32
    %swap3A_330 = arith.index_cast %swap3A_329 : i32 to index
    %swap3A_331 = arith.constant 32 : index
    %swap3A_332 = tpu.vector_load %arg15[%swap3A_330, %swap3A_331] {strides = array<i32>} : memref<4x128xi32, #tpu.memory_space<vmem>>, vector<16xi32>,
    tpu.vector_store %arg15[%swap3A_330, %swap3A_331], %add3A_328 {strides = array<i32>} : memref<4x128xi32, #tpu.memory_space<vmem>>, vector<16xi32>,
    %get3A_333 = arith.constant 0 : i32
    %get3A_334 = arith.index_cast %get3A_333 : i32 to index
    %get3A_335 = arith.constant 48 : index
    %get3A_336 = tpu.vector_load %arg13[%get3A_334, %get3A_335] {strides = array<i32>} : memref<4x128xi32, #tpu.memory_space<vmem>>, vector<16xi32>,
    %get3A_337 = arith.constant 0 : i32
    %get3A_338 = arith.index_cast %get3A_337 : i32 to index
    %get3A_339 = arith.constant 48 : index
    %get3A_340 = tpu.vector_load %arg14[%get3A_338, %get3A_339] {strides = array<i32>} : memref<4x128xi32, #tpu.memory_space<vmem>>, vector<16xi32>,
    %mul3A_341 = arith.constant 8 : i32
    %mul3A_342 = vector.broadcast %mul3A_341 : i32 to vector<16xi32>
    %mul3A_343 = arith.muli %get3A_336, %mul3A_342 : vector<16xi32>
    %add3A_344 = arith.addi %mul3A_343, %get3A_340 : vector<16xi32>
    %swap3A_345 = arith.constant 0 : i32
    %swap3A_346 = arith.index_cast %swap3A_345 : i32 to index
    %swap3A_347 = arith.constant 48 : index
    %swap3A_348 = tpu.vector_load %arg15[%swap3A_346, %swap3A_347] {strides = array<i32>} : memref<4x128xi32, #tpu.memory_space<vmem>>, vector<16xi32>,
    tpu.vector_store %arg15[%swap3A_346, %swap3A_347], %add3A_344 {strides = array<i32>} : memref<4x128xi32, #tpu.memory_space<vmem>>, vector<16xi32>,
    %get3A_349 = arith.constant 0 : i32
    %get3A_350 = arith.index_cast %get3A_349 : i32 to index
    %get3A_351 = arith.constant 64 : index
    %get3A_352 = tpu.vector_load %arg13[%get3A_350, %get3A_351] {strides = array<i32>} : memref<4x128xi32, #tpu.memory_space<vmem>>, vector<16xi32>,
    %get3A_353 = arith.constant 0 : i32
    %get3A_354 = arith.index_cast %get3A_353 : i32 to index
    %get3A_355 = arith.constant 64 : index
    %get3A_356 = tpu.vector_load %arg14[%get3A_354, %get3A_355] {strides = array<i32>} : memref<4x128xi32, #tpu.memory_space<vmem>>, vector<16xi32>,
    %mul3A_357 = arith.constant 8 : i32
    %mul3A_358 = vector.broadcast %mul3A_357 : i32 to vector<16xi32>
    %mul3A_359 = arith.muli %get3A_352, %mul3A_358 : vector<16xi32>
    %add3A_360 = arith.addi %mul3A_359, %get3A_356 : vector<16xi32>
    %swap3A_361 = arith.constant 0 : i32
    %swap3A_362 = arith.index_cast %swap3A_361 : i32 to index
    %swap3A_363 = arith.constant 64 : index
    %swap3A_364 = tpu.vector_load %arg15[%swap3A_362, %swap3A_363] {strides = array<i32>} : memref<4x128xi32, #tpu.memory_space<vmem>>, vector<16xi32>,
    tpu.vector_store %arg15[%swap3A_362, %swap3A_363], %add3A_360 {strides = array<i32>} : memref<4x128xi32, #tpu.memory_space<vmem>>, vector<16xi32>,
    %get3A_365 = arith.constant 0 : i32
    %get3A_366 = arith.index_cast %get3A_365 : i32 to index
    %get3A_367 = arith.constant 80 : index
    %get3A_368 = tpu.vector_load %arg13[%get3A_366, %get3A_367] {strides = array<i32>} : memref<4x128xi32, #tpu.memory_space<vmem>>, vector<16xi32>,
    %get3A_369 = arith.constant 0 : i32
    %get3A_370 = arith.index_cast %get3A_369 : i32 to index
    %get3A_371 = arith.constant 80 : index
    %get3A_372 = tpu.vector_load %arg14[%get3A_370, %get3A_371] {strides = array<i32>} : memref<4x128xi32, #tpu.memory_space<vmem>>, vector<16xi32>,
    %mul3A_373 = arith.constant 8 : i32
    %mul3A_374 = vector.broadcast %mul3A_373 : i32 to vector<16xi32>
    %mul3A_375 = arith.muli %get3A_368, %mul3A_374 : vector<16xi32>
    %add3A_376 = arith.addi %mul3A_375, %get3A_372 : vector<16xi32>
    %swap3A_377 = arith.constant 0 : i32
    %swap3A_378 = arith.index_cast %swap3A_377 : i32 to index
    %swap3A_379 = arith.constant 80 : index
    %swap3A_380 = tpu.vector_load %arg15[%swap3A_378, %swap3A_379] {strides = array<i32>} : memref<4x128xi32, #tpu.memory_space<vmem>>, vector<16xi32>,
    tpu.vector_store %arg15[%swap3A_378, %swap3A_379], %add3A_376 {strides = array<i32>} : memref<4x128xi32, #tpu.memory_space<vmem>>, vector<16xi32>,
    %get3A_381 = arith.constant 0 : i32
    %get3A_382 = arith.index_cast %get3A_381 : i32 to index
    %get3A_383 = arith.constant 96 : index
    %get3A_384 = tpu.vector_load %arg13[%get3A_382, %get3A_383] {strides = array<i32>} : memref<4x128xi32, #tpu.memory_space<vmem>>, vector<16xi32>,
    %get3A_385 = arith.constant 0 : i32
    %get3A_386 = arith.index_cast %get3A_385 : i32 to index
    %get3A_387 = arith.constant 96 : index
    %get3A_388 = tpu.vector_load %arg14[%get3A_386, %get3A_387] {strides = array<i32>} : memref<4x128xi32, #tpu.memory_space<vmem>>, vector<16xi32>,
    %mul3A_389 = arith.constant 8 : i32
    %mul3A_390 = vector.broadcast %mul3A_389 : i32 to vector<16xi32>
    %mul3A_391 = arith.muli %get3A_384, %mul3A_390 : vector<16xi32>
    %add3A_392 = arith.addi %mul3A_391, %get3A_388 : vector<16xi32>
    %swap3A_393 = arith.constant 0 : i32
    %swap3A_394 = arith.index_cast %swap3A_393 : i32 to index
    %swap3A_395 = arith.constant 96 : index
    %swap3A_396 = tpu.vector_load %arg15[%swap3A_394, %swap3A_395] {strides = array<i32>} : memref<4x128xi32, #tpu.memory_space<vmem>>, vector<16xi32>,
    tpu.vector_store %arg15[%swap3A_394, %swap3A_395], %add3A_392 {strides = array<i32>} : memref<4x128xi32, #tpu.memory_space<vmem>>, vector<16xi32>,
    %get3A_397 = arith.constant 0 : i32
    %get3A_398 = arith.index_cast %get3A_397 : i32 to index
    %get3A_399 = arith.constant 112 : index
    %get3A_400 = tpu.vector_load %arg13[%get3A_398, %get3A_399] {strides = array<i32>} : memref<4x128xi32, #tpu.memory_space<vmem>>, vector<16xi32>,
    %get3A_401 = arith.constant 0 : i32
    %get3A_402 = arith.index_cast %get3A_401 : i32 to index
    %get3A_403 = arith.constant 112 : index
    %get3A_404 = tpu.vector_load %arg14[%get3A_402, %get3A_403] {strides = array<i32>} : memref<4x128xi32, #tpu.memory_space<vmem>>, vector<16xi32>,
    %mul3A_405 = arith.constant 8 : i32
    %mul3A_406 = vector.broadcast %mul3A_405 : i32 to vector<16xi32>
    %mul3A_407 = arith.muli %get3A_400, %mul3A_406 : vector<16xi32>
    %add3A_408 = arith.addi %mul3A_407, %get3A_404 : vector<16xi32>
    %swap3A_409 = arith.constant 0 : i32
    %swap3A_410 = arith.index_cast %swap3A_409 : i32 to index
    %swap3A_411 = arith.constant 112 : index
    %swap3A_412 = tpu.vector_load %arg15[%swap3A_410, %swap3A_411] {strides = array<i32>} : memref<4x128xi32, #tpu.memory_space<vmem>>, vector<16xi32>,
    tpu.vector_store %arg15[%swap3A_410, %swap3A_411], %add3A_408 {strides = array<i32>} : memref<4x128xi32, #tpu.memory_space<vmem>>, vector<16xi32>,
    %get3A_413 = arith.constant 1 : i32
    %get3A_414 = arith.index_cast %get3A_413 : i32 to index
    %get3A_415 = arith.constant 0 : index
    %get3A_416 = tpu.vector_load %arg13[%get3A_414, %get3A_415] {strides = array<i32>} : memref<4x128xi32, #tpu.memory_space<vmem>>, vector<16xi32>,
    %get3A_417 = arith.constant 1 : i32
    %get3A_418 = arith.index_cast %get3A_417 : i32 to index
    %get3A_419 = arith.constant 0 : index
    %get3A_420 = tpu.vector_load %arg14[%get3A_418, %get3A_419] {strides = array<i32>} : memref<4x128xi32, #tpu.memory_space<vmem>>, vector<16xi32>,
    %mul3A_421 = arith.constant 8 : i32
    %mul3A_422 = vector.broadcast %mul3A_421 : i32 to vector<16xi32>
    %mul3A_423 = arith.muli %get3A_416, %mul3A_422 : vector<16xi32>
    %add3A_424 = arith.addi %mul3A_423, %get3A_420 : vector<16xi32>
    %swap3A_425 = arith.constant 1 : i32
    %swap3A_426 = arith.index_cast %swap3A_425 : i32 to index
    %swap3A_427 = arith.constant 0 : index
    %swap3A_428 = tpu.vector_load %arg15[%swap3A_426, %swap3A_427] {strides = array<i32>} : memref<4x128xi32, #tpu.memory_space<vmem>>, vector<16xi32>,
    tpu.vector_store %arg15[%swap3A_426, %swap3A_427], %add3A_424 {strides = array<i32>} : memref<4x128xi32, #tpu.memory_space<vmem>>, vector<16xi32>,
    %get3A_429 = arith.constant 1 : i32
    %get3A_430 = arith.index_cast %get3A_429 : i32 to index
    %get3A_431 = arith.constant 16 : index
    %get3A_432 = tpu.vector_load %arg13[%get3A_430, %get3A_431] {strides = array<i32>} : memref<4x128xi32, #tpu.memory_space<vmem>>, vector<16xi32>,
    %get3A_433 = arith.constant 1 : i32
    %get3A_434 = arith.index_cast %get3A_433 : i32 to index
    %get3A_435 = arith.constant 16 : index
    %get3A_436 = tpu.vector_load %arg14[%get3A_434, %get3A_435] {strides = array<i32>} : memref<4x128xi32, #tpu.memory_space<vmem>>, vector<16xi32>,
    %mul3A_437 = arith.constant 8 : i32
    %mul3A_438 = vector.broadcast %mul3A_437 : i32 to vector<16xi32>
    %mul3A_439 = arith.muli %get3A_432, %mul3A_438 : vector<16xi32>
    %add3A_440 = arith.addi %mul3A_439, %get3A_436 : vector<16xi32>
    %swap3A_441 = arith.constant 1 : i32
    %swap3A_442 = arith.index_cast %swap3A_441 : i32 to index
    %swap3A_443 = arith.constant 16 : index
    %swap3A_444 = tpu.vector_load %arg15[%swap3A_442, %swap3A_443] {strides = array<i32>} : memref<4x128xi32, #tpu.memory_space<vmem>>, vector<16xi32>,
    tpu.vector_store %arg15[%swap3A_442, %swap3A_443], %add3A_440 {strides = array<i32>} : memref<4x128xi32, #tpu.memory_space<vmem>>, vector<16xi32>,
    %get3A_445 = arith.constant 1 : i32
    %get3A_446 = arith.index_cast %get3A_445 : i32 to index
    %get3A_447 = arith.constant 32 : index
    %get3A_448 = tpu.vector_load %arg13[%get3A_446, %get3A_447] {strides = array<i32>} : memref<4x128xi32, #tpu.memory_space<vmem>>, vector<16xi32>,
    %get3A_449 = arith.constant 1 : i32
    %get3A_450 = arith.index_cast %get3A_449 : i32 to index
    %get3A_451 = arith.constant 32 : index
    %get3A_452 = tpu.vector_load %arg14[%get3A_450, %get3A_451] {strides = array<i32>} : memref<4x128xi32, #tpu.memory_space<vmem>>, vector<16xi32>,
    %mul3A_453 = arith.constant 8 : i32
    %mul3A_454 = vector.broadcast %mul3A_453 : i32 to vector<16xi32>
    %mul3A_455 = arith.muli %get3A_448, %mul3A_454 : vector<16xi32>
    %add3A_456 = arith.addi %mul3A_455, %get3A_452 : vector<16xi32>
    %swap3A_457 = arith.constant 1 : i32
    %swap3A_458 = arith.index_cast %swap3A_457 : i32 to index
    %swap3A_459 = arith.constant 32 : index
    %swap3A_460 = tpu.vector_load %arg15[%swap3A_458, %swap3A_459] {strides = array<i32>} : memref<4x128xi32, #tpu.memory_space<vmem>>, vector<16xi32>,
    tpu.vector_store %arg15[%swap3A_458, %swap3A_459], %add3A_456 {strides = array<i32>} : memref<4x128xi32, #tpu.memory_space<vmem>>, vector<16xi32>,
    %get3A_461 = arith.constant 1 : i32
    %get3A_462 = arith.index_cast %get3A_461 : i32 to index
    %get3A_463 = arith.constant 48 : index
    %get3A_464 = tpu.vector_load %arg13[%get3A_462, %get3A_463] {strides = array<i32>} : memref<4x128xi32, #tpu.memory_space<vmem>>, vector<16xi32>,
    %get3A_465 = arith.constant 1 : i32
    %get3A_466 = arith.index_cast %get3A_465 : i32 to index
    %get3A_467 = arith.constant 48 : index
    %get3A_468 = tpu.vector_load %arg14[%get3A_466, %get3A_467] {strides = array<i32>} : memref<4x128xi32, #tpu.memory_space<vmem>>, vector<16xi32>,
    %mul3A_469 = arith.constant 8 : i32
    %mul3A_470 = vector.broadcast %mul3A_469 : i32 to vector<16xi32>
    %mul3A_471 = arith.muli %get3A_464, %mul3A_470 : vector<16xi32>
    %add3A_472 = arith.addi %mul3A_471, %get3A_468 : vector<16xi32>
    %swap3A_473 = arith.constant 1 : i32
    %swap3A_474 = arith.index_cast %swap3A_473 : i32 to index
    %swap3A_475 = arith.constant 48 : index
    %swap3A_476 = tpu.vector_load %arg15[%swap3A_474, %swap3A_475] {strides = array<i32>} : memref<4x128xi32, #tpu.memory_space<vmem>>, vector<16xi32>,
    tpu.vector_store %arg15[%swap3A_474, %swap3A_475], %add3A_472 {strides = array<i32>} : memref<4x128xi32, #tpu.memory_space<vmem>>, vector<16xi32>,
    %get3A_477 = arith.constant 1 : i32
    %get3A_478 = arith.index_cast %get3A_477 : i32 to index
    %get3A_479 = arith.constant 64 : index
    %get3A_480 = tpu.vector_load %arg13[%get3A_478, %get3A_479] {strides = array<i32>} : memref<4x128xi32, #tpu.memory_space<vmem>>, vector<16xi32>,
    %get3A_481 = arith.constant 1 : i32
    %get3A_482 = arith.index_cast %get3A_481 : i32 to index
    %get3A_483 = arith.constant 64 : index
    %get3A_484 = tpu.vector_load %arg14[%get3A_482, %get3A_483] {strides = array<i32>} : memref<4x128xi32, #tpu.memory_space<vmem>>, vector<16xi32>,
    %mul3A_485 = arith.constant 8 : i32
    %mul3A_486 = vector.broadcast %mul3A_485 : i32 to vector<16xi32>
    %mul3A_487 = arith.muli %get3A_480, %mul3A_486 : vector<16xi32>
    %add3A_488 = arith.addi %mul3A_487, %get3A_484 : vector<16xi32>
    %swap3A_489 = arith.constant 1 : i32
    %swap3A_490 = arith.index_cast %swap3A_489 : i32 to index
    %swap3A_491 = arith.constant 64 : index
    %swap3A_492 = tpu.vector_load %arg15[%swap3A_490, %swap3A_491] {strides = array<i32>} : memref<4x128xi32, #tpu.memory_space<vmem>>, vector<16xi32>,
    tpu.vector_store %arg15[%swap3A_490, %swap3A_491], %add3A_488 {strides = array<i32>} : memref<4x128xi32, #tpu.memory_space<vmem>>, vector<16xi32>,
    %get3A_493 = arith.constant 1 : i32
    %get3A_494 = arith.index_cast %get3A_493 : i32 to index
    %get3A_495 = arith.constant 80 : index
    %get3A_496 = tpu.vector_load %arg13[%get3A_494, %get3A_495] {strides = array<i32>} : memref<4x128xi32, #tpu.memory_space<vmem>>, vector<16xi32>,
    %get3A_497 = arith.constant 1 : i32
    %get3A_498 = arith.index_cast %get3A_497 : i32 to index
    %get3A_499 = arith.constant 80 : index
    %get3A_500 = tpu.vector_load %arg14[%get3A_498, %get3A_499] {strides = array<i32>} : memref<4x128xi32, #tpu.memory_space<vmem>>, vector<16xi32>,
    %mul3A_501 = arith.constant 8 : i32
    %mul3A_502 = vector.broadcast %mul3A_501 : i32 to vector<16xi32>
    %mul3A_503 = arith.muli %get3A_496, %mul3A_502 : vector<16xi32>
    %add3A_504 = arith.addi %mul3A_503, %get3A_500 : vector<16xi32>
    %swap3A_505 = arith.constant 1 : i32
    %swap3A_506 = arith.index_cast %swap3A_505 : i32 to index
    %swap3A_507 = arith.constant 80 : index
    %swap3A_508 = tpu.vector_load %arg15[%swap3A_506, %swap3A_507] {strides = array<i32>} : memref<4x128xi32, #tpu.memory_space<vmem>>, vector<16xi32>,
    tpu.vector_store %arg15[%swap3A_506, %swap3A_507], %add3A_504 {strides = array<i32>} : memref<4x128xi32, #tpu.memory_space<vmem>>, vector<16xi32>,
    %get3A_509 = arith.constant 1 : i32
    %get3A_510 = arith.index_cast %get3A_509 : i32 to index
    %get3A_511 = arith.constant 96 : index
    %get3A_512 = tpu.vector_load %arg13[%get3A_510, %get3A_511] {strides = array<i32>} : memref<4x128xi32, #tpu.memory_space<vmem>>, vector<16xi32>,
    %get3A_513 = arith.constant 1 : i32
    %get3A_514 = arith.index_cast %get3A_513 : i32 to index
    %get3A_515 = arith.constant 96 : index
    %get3A_516 = tpu.vector_load %arg14[%get3A_514, %get3A_515] {strides = array<i32>} : memref<4x128xi32, #tpu.memory_space<vmem>>, vector<16xi32>,
    %mul3A_517 = arith.constant 8 : i32
    %mul3A_518 = vector.broadcast %mul3A_517 : i32 to vector<16xi32>
    %mul3A_519 = arith.muli %get3A_512, %mul3A_518 : vector<16xi32>
    %add3A_520 = arith.addi %mul3A_519, %get3A_516 : vector<16xi32>
    %swap3A_521 = arith.constant 1 : i32
    %swap3A_522 = arith.index_cast %swap3A_521 : i32 to index
    %swap3A_523 = arith.constant 96 : index
    %swap3A_524 = tpu.vector_load %arg15[%swap3A_522, %swap3A_523] {strides = array<i32>} : memref<4x128xi32, #tpu.memory_space<vmem>>, vector<16xi32>,
    tpu.vector_store %arg15[%swap3A_522, %swap3A_523], %add3A_520 {strides = array<i32>} : memref<4x128xi32, #tpu.memory_space<vmem>>, vector<16xi32>,
    %get3A_525 = arith.constant 1 : i32
    %get3A_526 = arith.index_cast %get3A_525 : i32 to index
    %get3A_527 = arith.constant 112 : index
    %get3A_528 = tpu.vector_load %arg13[%get3A_526, %get3A_527] {strides = array<i32>} : memref<4x128xi32, #tpu.memory_space<vmem>>, vector<16xi32>,
    %get3A_529 = arith.constant 1 : i32
    %get3A_530 = arith.index_cast %get3A_529 : i32 to index
    %get3A_531 = arith.constant 112 : index
    %get3A_532 = tpu.vector_load %arg14[%get3A_530, %get3A_531] {strides = array<i32>} : memref<4x128xi32, #tpu.memory_space<vmem>>, vector<16xi32>,
    %mul3A_533 = arith.constant 8 : i32
    %mul3A_534 = vector.broadcast %mul3A_533 : i32 to vector<16xi32>
    %mul3A_535 = arith.muli %get3A_528, %mul3A_534 : vector<16xi32>
    %add3A_536 = arith.addi %mul3A_535, %get3A_532 : vector<16xi32>
    %swap3A_537 = arith.constant 1 : i32
    %swap3A_538 = arith.index_cast %swap3A_537 : i32 to index
    %swap3A_539 = arith.constant 112 : index
    %swap3A_540 = tpu.vector_load %arg15[%swap3A_538, %swap3A_539] {strides = array<i32>} : memref<4x128xi32, #tpu.memory_space<vmem>>, vector<16xi32>,
    tpu.vector_store %arg15[%swap3A_538, %swap3A_539], %add3A_536 {strides = array<i32>} : memref<4x128xi32, #tpu.memory_space<vmem>>, vector<16xi32>,
    %get3A_541 = arith.constant 2 : i32
    %get3A_542 = arith.index_cast %get3A_541 : i32 to index
    %get3A_543 = arith.constant 0 : index
    %get3A_544 = tpu.vector_load %arg13[%get3A_542, %get3A_543] {strides = array<i32>} : memref<4x128xi32, #tpu.memory_space<vmem>>, vector<16xi32>,
    %get3A_545 = arith.constant 2 : i32
    %get3A_546 = arith.index_cast %get3A_545 : i32 to index
    %get3A_547 = arith.constant 0 : index
    %get3A_548 = tpu.vector_load %arg14[%get3A_546, %get3A_547] {strides = array<i32>} : memref<4x128xi32, #tpu.memory_space<vmem>>, vector<16xi32>,
    %mul3A_549 = arith.constant 8 : i32
    %mul3A_550 = vector.broadcast %mul3A_549 : i32 to vector<16xi32>
    %mul3A_551 = arith.muli %get3A_544, %mul3A_550 : vector<16xi32>
    %add3A_552 = arith.addi %mul3A_551, %get3A_548 : vector<16xi32>
    %swap3A_553 = arith.constant 2 : i32
    %swap3A_554 = arith.index_cast %swap3A_553 : i32 to index
    %swap3A_555 = arith.constant 0 : index
    %swap3A_556 = tpu.vector_load %arg15[%swap3A_554, %swap3A_555] {strides = array<i32>} : memref<4x128xi32, #tpu.memory_space<vmem>>, vector<16xi32>,
    tpu.vector_store %arg15[%swap3A_554, %swap3A_555], %add3A_552 {strides = array<i32>} : memref<4x128xi32, #tpu.memory_space<vmem>>, vector<16xi32>,
    %get3A_557 = arith.constant 2 : i32
    %get3A_558 = arith.index_cast %get3A_557 : i32 to index
    %get3A_559 = arith.constant 16 : index
    %get3A_560 = tpu.vector_load %arg13[%get3A_558, %get3A_559] {strides = array<i32>} : memref<4x128xi32, #tpu.memory_space<vmem>>, vector<16xi32>,
    %get3A_561 = arith.constant 2 : i32
    %get3A_562 = arith.index_cast %get3A_561 : i32 to index
    %get3A_563 = arith.constant 16 : index
    %get3A_564 = tpu.vector_load %arg14[%get3A_562, %get3A_563] {strides = array<i32>} : memref<4x128xi32, #tpu.memory_space<vmem>>, vector<16xi32>,
    %mul3A_565 = arith.constant 8 : i32
    %mul3A_566 = vector.broadcast %mul3A_565 : i32 to vector<16xi32>
    %mul3A_567 = arith.muli %get3A_560, %mul3A_566 : vector<16xi32>
    %add3A_568 = arith.addi %mul3A_567, %get3A_564 : vector<16xi32>
    %swap3A_569 = arith.constant 2 : i32
    %swap3A_570 = arith.index_cast %swap3A_569 : i32 to index
    %swap3A_571 = arith.constant 16 : index
    %swap3A_572 = tpu.vector_load %arg15[%swap3A_570, %swap3A_571] {strides = array<i32>} : memref<4x128xi32, #tpu.memory_space<vmem>>, vector<16xi32>,
    tpu.vector_store %arg15[%swap3A_570, %swap3A_571], %add3A_568 {strides = array<i32>} : memref<4x128xi32, #tpu.memory_space<vmem>>, vector<16xi32>,
    %get3A_573 = arith.constant 2 : i32
    %get3A_574 = arith.index_cast %get3A_573 : i32 to index
    %get3A_575 = arith.constant 32 : index
    %get3A_576 = tpu.vector_load %arg13[%get3A_574, %get3A_575] {strides = array<i32>} : memref<4x128xi32, #tpu.memory_space<vmem>>, vector<16xi32>,
    %get3A_577 = arith.constant 2 : i32
    %get3A_578 = arith.index_cast %get3A_577 : i32 to index
    %get3A_579 = arith.constant 32 : index
    %get3A_580 = tpu.vector_load %arg14[%get3A_578, %get3A_579] {strides = array<i32>} : memref<4x128xi32, #tpu.memory_space<vmem>>, vector<16xi32>,
    %mul3A_581 = arith.constant 8 : i32
    %mul3A_582 = vector.broadcast %mul3A_581 : i32 to vector<16xi32>
    %mul3A_583 = arith.muli %get3A_576, %mul3A_582 : vector<16xi32>
    %add3A_584 = arith.addi %mul3A_583, %get3A_580 : vector<16xi32>
    %swap3A_585 = arith.constant 2 : i32
    %swap3A_586 = arith.index_cast %swap3A_585 : i32 to index
    %swap3A_587 = arith.constant 32 : index
    %swap3A_588 = tpu.vector_load %arg15[%swap3A_586, %swap3A_587] {strides = array<i32>} : memref<4x128xi32, #tpu.memory_space<vmem>>, vector<16xi32>,
    tpu.vector_store %arg15[%swap3A_586, %swap3A_587], %add3A_584 {strides = array<i32>} : memref<4x128xi32, #tpu.memory_space<vmem>>, vector<16xi32>,
    %get3A_589 = arith.constant 2 : i32
    %get3A_590 = arith.index_cast %get3A_589 : i32 to index
    %get3A_591 = arith.constant 48 : index
    %get3A_592 = tpu.vector_load %arg13[%get3A_590, %get3A_591] {strides = array<i32>} : memref<4x128xi32, #tpu.memory_space<vmem>>, vector<16xi32>,
    %get3A_593 = arith.constant 2 : i32
    %get3A_594 = arith.index_cast %get3A_593 : i32 to index
    %get3A_595 = arith.constant 48 : index
    %get3A_596 = tpu.vector_load %arg14[%get3A_594, %get3A_595] {strides = array<i32>} : memref<4x128xi32, #tpu.memory_space<vmem>>, vector<16xi32>,
    %mul3A_597 = arith.constant 8 : i32
    %mul3A_598 = vector.broadcast %mul3A_597 : i32 to vector<16xi32>
    %mul3A_599 = arith.muli %get3A_592, %mul3A_598 : vector<16xi32>
    %add3A_600 = arith.addi %mul3A_599, %get3A_596 : vector<16xi32>
    %swap3A_601 = arith.constant 2 : i32
    %swap3A_602 = arith.index_cast %swap3A_601 : i32 to index
    %swap3A_603 = arith.constant 48 : index
    %swap3A_604 = tpu.vector_load %arg15[%swap3A_602, %swap3A_603] {strides = array<i32>} : memref<4x128xi32, #tpu.memory_space<vmem>>, vector<16xi32>,
    tpu.vector_store %arg15[%swap3A_602, %swap3A_603], %add3A_600 {strides = array<i32>} : memref<4x128xi32, #tpu.memory_space<vmem>>, vector<16xi32>,
    %get3A_605 = arith.constant 2 : i32
    %get3A_606 = arith.index_cast %get3A_605 : i32 to index
    %get3A_607 = arith.constant 64 : index
    %get3A_608 = tpu.vector_load %arg13[%get3A_606, %get3A_607] {strides = array<i32>} : memref<4x128xi32, #tpu.memory_space<vmem>>, vector<16xi32>,
    %get3A_609 = arith.constant 2 : i32
    %get3A_610 = arith.index_cast %get3A_609 : i32 to index
    %get3A_611 = arith.constant 64 : index
    %get3A_612 = tpu.vector_load %arg14[%get3A_610, %get3A_611] {strides = array<i32>} : memref<4x128xi32, #tpu.memory_space<vmem>>, vector<16xi32>,
    %mul3A_613 = arith.constant 8 : i32
    %mul3A_614 = vector.broadcast %mul3A_613 : i32 to vector<16xi32>
    %mul3A_615 = arith.muli %get3A_608, %mul3A_614 : vector<16xi32>
    %add3A_616 = arith.addi %mul3A_615, %get3A_612 : vector<16xi32>
    %swap3A_617 = arith.constant 2 : i32
    %swap3A_618 = arith.index_cast %swap3A_617 : i32 to index
    %swap3A_619 = arith.constant 64 : index
    %swap3A_620 = tpu.vector_load %arg15[%swap3A_618, %swap3A_619] {strides = array<i32>} : memref<4x128xi32, #tpu.memory_space<vmem>>, vector<16xi32>,
    tpu.vector_store %arg15[%swap3A_618, %swap3A_619], %add3A_616 {strides = array<i32>} : memref<4x128xi32, #tpu.memory_space<vmem>>, vector<16xi32>,
    %get3A_621 = arith.constant 2 : i32
    %get3A_622 = arith.index_cast %get3A_621 : i32 to index
    %get3A_623 = arith.constant 80 : index
    %get3A_624 = tpu.vector_load %arg13[%get3A_622, %get3A_623] {strides = array<i32>} : memref<4x128xi32, #tpu.memory_space<vmem>>, vector<16xi32>,
    %get3A_625 = arith.constant 2 : i32
    %get3A_626 = arith.index_cast %get3A_625 : i32 to index
    %get3A_627 = arith.constant 80 : index
    %get3A_628 = tpu.vector_load %arg14[%get3A_626, %get3A_627] {strides = array<i32>} : memref<4x128xi32, #tpu.memory_space<vmem>>, vector<16xi32>,
    %mul3A_629 = arith.constant 8 : i32
    %mul3A_630 = vector.broadcast %mul3A_629 : i32 to vector<16xi32>
    %mul3A_631 = arith.muli %get3A_624, %mul3A_630 : vector<16xi32>
    %add3A_632 = arith.addi %mul3A_631, %get3A_628 : vector<16xi32>
    %swap3A_633 = arith.constant 2 : i32
    %swap3A_634 = arith.index_cast %swap3A_633 : i32 to index
    %swap3A_635 = arith.constant 80 : index
    %swap3A_636 = tpu.vector_load %arg15[%swap3A_634, %swap3A_635] {strides = array<i32>} : memref<4x128xi32, #tpu.memory_space<vmem>>, vector<16xi32>,
    tpu.vector_store %arg15[%swap3A_634, %swap3A_635], %add3A_632 {strides = array<i32>} : memref<4x128xi32, #tpu.memory_space<vmem>>, vector<16xi32>,
    %get3A_637 = arith.constant 2 : i32
    %get3A_638 = arith.index_cast %get3A_637 : i32 to index
    %get3A_639 = arith.constant 96 : index
    %get3A_640 = tpu.vector_load %arg13[%get3A_638, %get3A_639] {strides = array<i32>} : memref<4x128xi32, #tpu.memory_space<vmem>>, vector<16xi32>,
    %get3A_641 = arith.constant 2 : i32
    %get3A_642 = arith.index_cast %get3A_641 : i32 to index
    %get3A_643 = arith.constant 96 : index
    %get3A_644 = tpu.vector_load %arg14[%get3A_642, %get3A_643] {strides = array<i32>} : memref<4x128xi32, #tpu.memory_space<vmem>>, vector<16xi32>,
    %mul3A_645 = arith.constant 8 : i32
    %mul3A_646 = vector.broadcast %mul3A_645 : i32 to vector<16xi32>
    %mul3A_647 = arith.muli %get3A_640, %mul3A_646 : vector<16xi32>
    %add3A_648 = arith.addi %mul3A_647, %get3A_644 : vector<16xi32>
    %swap3A_649 = arith.constant 2 : i32
    %swap3A_650 = arith.index_cast %swap3A_649 : i32 to index
    %swap3A_651 = arith.constant 96 : index
    %swap3A_652 = tpu.vector_load %arg15[%swap3A_650, %swap3A_651] {strides = array<i32>} : memref<4x128xi32, #tpu.memory_space<vmem>>, vector<16xi32>,
    tpu.vector_store %arg15[%swap3A_650, %swap3A_651], %add3A_648 {strides = array<i32>} : memref<4x128xi32, #tpu.memory_space<vmem>>, vector<16xi32>,
    %get3A_653 = arith.constant 2 : i32
    %get3A_654 = arith.index_cast %get3A_653 : i32 to index
    %get3A_655 = arith.constant 112 : index
    %get3A_656 = tpu.vector_load %arg13[%get3A_654, %get3A_655] {strides = array<i32>} : memref<4x128xi32, #tpu.memory_space<vmem>>, vector<16xi32>,
    %get3A_657 = arith.constant 2 : i32
    %get3A_658 = arith.index_cast %get3A_657 : i32 to index
    %get3A_659 = arith.constant 112 : index
    %get3A_660 = tpu.vector_load %arg14[%get3A_658, %get3A_659] {strides = array<i32>} : memref<4x128xi32, #tpu.memory_space<vmem>>, vector<16xi32>,
    %mul3A_661 = arith.constant 8 : i32
    %mul3A_662 = vector.broadcast %mul3A_661 : i32 to vector<16xi32>
    %mul3A_663 = arith.muli %get3A_656, %mul3A_662 : vector<16xi32>
    %add3A_664 = arith.addi %mul3A_663, %get3A_660 : vector<16xi32>
    %swap3A_665 = arith.constant 2 : i32
    %swap3A_666 = arith.index_cast %swap3A_665 : i32 to index
    %swap3A_667 = arith.constant 112 : index
    %swap3A_668 = tpu.vector_load %arg15[%swap3A_666, %swap3A_667] {strides = array<i32>} : memref<4x128xi32, #tpu.memory_space<vmem>>, vector<16xi32>,
    tpu.vector_store %arg15[%swap3A_666, %swap3A_667], %add3A_664 {strides = array<i32>} : memref<4x128xi32, #tpu.memory_space<vmem>>, vector<16xi32>,
    %get3A_669 = arith.constant 3 : i32
    %get3A_670 = arith.index_cast %get3A_669 : i32 to index
    %get3A_671 = arith.constant 0 : index
    %get3A_672 = tpu.vector_load %arg13[%get3A_670, %get3A_671] {strides = array<i32>} : memref<4x128xi32, #tpu.memory_space<vmem>>, vector<16xi32>,
    %get3A_673 = arith.constant 3 : i32
    %get3A_674 = arith.index_cast %get3A_673 : i32 to index
    %get3A_675 = arith.constant 0 : index
    %get3A_676 = tpu.vector_load %arg14[%get3A_674, %get3A_675] {strides = array<i32>} : memref<4x128xi32, #tpu.memory_space<vmem>>, vector<16xi32>,
    %mul3A_677 = arith.constant 8 : i32
    %mul3A_678 = vector.broadcast %mul3A_677 : i32 to vector<16xi32>
    %mul3A_679 = arith.muli %get3A_672, %mul3A_678 : vector<16xi32>
    %add3A_680 = arith.addi %mul3A_679, %get3A_676 : vector<16xi32>
    %swap3A_681 = arith.constant 3 : i32
    %swap3A_682 = arith.index_cast %swap3A_681 : i32 to index
    %swap3A_683 = arith.constant 0 : index
    %swap3A_684 = tpu.vector_load %arg15[%swap3A_682, %swap3A_683] {strides = array<i32>} : memref<4x128xi32, #tpu.memory_space<vmem>>, vector<16xi32>,
    tpu.vector_store %arg15[%swap3A_682, %swap3A_683], %add3A_680 {strides = array<i32>} : memref<4x128xi32, #tpu.memory_space<vmem>>, vector<16xi32>,
    %get3A_685 = arith.constant 3 : i32
    %get3A_686 = arith.index_cast %get3A_685 : i32 to index
    %get3A_687 = arith.constant 16 : index
    %get3A_688 = tpu.vector_load %arg13[%get3A_686, %get3A_687] {strides = array<i32>} : memref<4x128xi32, #tpu.memory_space<vmem>>, vector<16xi32>,
    %get3A_689 = arith.constant 3 : i32
    %get3A_690 = arith.index_cast %get3A_689 : i32 to index
    %get3A_691 = arith.constant 16 : index
    %get3A_692 = tpu.vector_load %arg14[%get3A_690, %get3A_691] {strides = array<i32>} : memref<4x128xi32, #tpu.memory_space<vmem>>, vector<16xi32>,
    %mul3A_693 = arith.constant 8 : i32
    %mul3A_694 = vector.broadcast %mul3A_693 : i32 to vector<16xi32>
    %mul3A_695 = arith.muli %get3A_688, %mul3A_694 : vector<16xi32>
    %add3A_696 = arith.addi %mul3A_695, %get3A_692 : vector<16xi32>
    %swap3A_697 = arith.constant 3 : i32
    %swap3A_698 = arith.index_cast %swap3A_697 : i32 to index
    %swap3A_699 = arith.constant 16 : index
    %swap3A_700 = tpu.vector_load %arg15[%swap3A_698, %swap3A_699] {strides = array<i32>} : memref<4x128xi32, #tpu.memory_space<vmem>>, vector<16xi32>,
    tpu.vector_store %arg15[%swap3A_698, %swap3A_699], %add3A_696 {strides = array<i32>} : memref<4x128xi32, #tpu.memory_space<vmem>>, vector<16xi32>,
    %get3A_701 = arith.constant 3 : i32
    %get3A_702 = arith.index_cast %get3A_701 : i32 to index
    %get3A_703 = arith.constant 32 : index
    %get3A_704 = tpu.vector_load %arg13[%get3A_702, %get3A_703] {strides = array<i32>} : memref<4x128xi32, #tpu.memory_space<vmem>>, vector<16xi32>,
    %get3A_705 = arith.constant 3 : i32
    %get3A_706 = arith.index_cast %get3A_705 : i32 to index
    %get3A_707 = arith.constant 32 : index
    %get3A_708 = tpu.vector_load %arg14[%get3A_706, %get3A_707] {strides = array<i32>} : memref<4x128xi32, #tpu.memory_space<vmem>>, vector<16xi32>,
    %mul3A_709 = arith.constant 8 : i32
    %mul3A_710 = vector.broadcast %mul3A_709 : i32 to vector<16xi32>
    %mul3A_711 = arith.muli %get3A_704, %mul3A_710 : vector<16xi32>
    %add3A_712 = arith.addi %mul3A_711, %get3A_708 : vector<16xi32>
    %swap3A_713 = arith.constant 3 : i32
    %swap3A_714 = arith.index_cast %swap3A_713 : i32 to index
    %swap3A_715 = arith.constant 32 : index
    %swap3A_716 = tpu.vector_load %arg15[%swap3A_714, %swap3A_715] {strides = array<i32>} : memref<4x128xi32, #tpu.memory_space<vmem>>, vector<16xi32>,
    tpu.vector_store %arg15[%swap3A_714, %swap3A_715], %add3A_712 {strides = array<i32>} : memref<4x128xi32, #tpu.memory_space<vmem>>, vector<16xi32>,
    %get3A_717 = arith.constant 3 : i32
    %get3A_718 = arith.index_cast %get3A_717 : i32 to index
    %get3A_719 = arith.constant 48 : index
    %get3A_720 = tpu.vector_load %arg13[%get3A_718, %get3A_719] {strides = array<i32>} : memref<4x128xi32, #tpu.memory_space<vmem>>, vector<16xi32>,
    %get3A_721 = arith.constant 3 : i32
    %get3A_722 = arith.index_cast %get3A_721 : i32 to index
    %get3A_723 = arith.constant 48 : index
    %get3A_724 = tpu.vector_load %arg14[%get3A_722, %get3A_723] {strides = array<i32>} : memref<4x128xi32, #tpu.memory_space<vmem>>, vector<16xi32>,
    %mul3A_725 = arith.constant 8 : i32
    %mul3A_726 = vector.broadcast %mul3A_725 : i32 to vector<16xi32>
    %mul3A_727 = arith.muli %get3A_720, %mul3A_726 : vector<16xi32>
    %add3A_728 = arith.addi %mul3A_727, %get3A_724 : vector<16xi32>
    %swap3A_729 = arith.constant 3 : i32
    %swap3A_730 = arith.index_cast %swap3A_729 : i32 to index
    %swap3A_731 = arith.constant 48 : index
    %swap3A_732 = tpu.vector_load %arg15[%swap3A_730, %swap3A_731] {strides = array<i32>} : memref<4x128xi32, #tpu.memory_space<vmem>>, vector<16xi32>,
    tpu.vector_store %arg15[%swap3A_730, %swap3A_731], %add3A_728 {strides = array<i32>} : memref<4x128xi32, #tpu.memory_space<vmem>>, vector<16xi32>,
    %get3A_733 = arith.constant 3 : i32
    %get3A_734 = arith.index_cast %get3A_733 : i32 to index
    %get3A_735 = arith.constant 64 : index
    %get3A_736 = tpu.vector_load %arg13[%get3A_734, %get3A_735] {strides = array<i32>} : memref<4x128xi32, #tpu.memory_space<vmem>>, vector<16xi32>,
    %get3A_737 = arith.constant 3 : i32
    %get3A_738 = arith.index_cast %get3A_737 : i32 to index
    %get3A_739 = arith.constant 64 : index
    %get3A_740 = tpu.vector_load %arg14[%get3A_738, %get3A_739] {strides = array<i32>} : memref<4x128xi32, #tpu.memory_space<vmem>>, vector<16xi32>,
    %mul3A_741 = arith.constant 8 : i32
    %mul3A_742 = vector.broadcast %mul3A_741 : i32 to vector<16xi32>
    %mul3A_743 = arith.muli %get3A_736, %mul3A_742 : vector<16xi32>
    %add3A_744 = arith.addi %mul3A_743, %get3A_740 : vector<16xi32>
    %swap3A_745 = arith.constant 3 : i32
    %swap3A_746 = arith.index_cast %swap3A_745 : i32 to index
    %swap3A_747 = arith.constant 64 : index
    %swap3A_748 = tpu.vector_load %arg15[%swap3A_746, %swap3A_747] {strides = array<i32>} : memref<4x128xi32, #tpu.memory_space<vmem>>, vector<16xi32>,
    tpu.vector_store %arg15[%swap3A_746, %swap3A_747], %add3A_744 {strides = array<i32>} : memref<4x128xi32, #tpu.memory_space<vmem>>, vector<16xi32>,
    %get3A_749 = arith.constant 3 : i32
    %get3A_750 = arith.index_cast %get3A_749 : i32 to index
    %get3A_751 = arith.constant 80 : index
    %get3A_752 = tpu.vector_load %arg13[%get3A_750, %get3A_751] {strides = array<i32>} : memref<4x128xi32, #tpu.memory_space<vmem>>, vector<16xi32>,
    %get3A_753 = arith.constant 3 : i32
    %get3A_754 = arith.index_cast %get3A_753 : i32 to index
    %get3A_755 = arith.constant 80 : index
    %get3A_756 = tpu.vector_load %arg14[%get3A_754, %get3A_755] {strides = array<i32>} : memref<4x128xi32, #tpu.memory_space<vmem>>, vector<16xi32>,
    %mul3A_757 = arith.constant 8 : i32
    %mul3A_758 = vector.broadcast %mul3A_757 : i32 to vector<16xi32>
    %mul3A_759 = arith.muli %get3A_752, %mul3A_758 : vector<16xi32>
    %add3A_760 = arith.addi %mul3A_759, %get3A_756 : vector<16xi32>
    %swap3A_761 = arith.constant 3 : i32
    %swap3A_762 = arith.index_cast %swap3A_761 : i32 to index
    %swap3A_763 = arith.constant 80 : index
    %swap3A_764 = tpu.vector_load %arg15[%swap3A_762, %swap3A_763] {strides = array<i32>} : memref<4x128xi32, #tpu.memory_space<vmem>>, vector<16xi32>,
    tpu.vector_store %arg15[%swap3A_762, %swap3A_763], %add3A_760 {strides = array<i32>} : memref<4x128xi32, #tpu.memory_space<vmem>>, vector<16xi32>,
    %get3A_765 = arith.constant 3 : i32
    %get3A_766 = arith.index_cast %get3A_765 : i32 to index
    %get3A_767 = arith.constant 96 : index
    %get3A_768 = tpu.vector_load %arg13[%get3A_766, %get3A_767] {strides = array<i32>} : memref<4x128xi32, #tpu.memory_space<vmem>>, vector<16xi32>,
    %get3A_769 = arith.constant 3 : i32
    %get3A_770 = arith.index_cast %get3A_769 : i32 to index
    %get3A_771 = arith.constant 96 : index
    %get3A_772 = tpu.vector_load %arg14[%get3A_770, %get3A_771] {strides = array<i32>} : memref<4x128xi32, #tpu.memory_space<vmem>>, vector<16xi32>,
    %mul3A_773 = arith.constant 8 : i32
    %mul3A_774 = vector.broadcast %mul3A_773 : i32 to vector<16xi32>
    %mul3A_775 = arith.muli %get3A_768, %mul3A_774 : vector<16xi32>
    %add3A_776 = arith.addi %mul3A_775, %get3A_772 : vector<16xi32>
    %swap3A_777 = arith.constant 3 : i32
    %swap3A_778 = arith.index_cast %swap3A_777 : i32 to index
    %swap3A_779 = arith.constant 96 : index
    %swap3A_780 = tpu.vector_load %arg15[%swap3A_778, %swap3A_779] {strides = array<i32>} : memref<4x128xi32, #tpu.memory_space<vmem>>, vector<16xi32>,
    tpu.vector_store %arg15[%swap3A_778, %swap3A_779], %add3A_776 {strides = array<i32>} : memref<4x128xi32, #tpu.memory_space<vmem>>, vector<16xi32>,
    %get3A_781 = arith.constant 3 : i32
    %get3A_782 = arith.index_cast %get3A_781 : i32 to index
    %get3A_783 = arith.constant 112 : index
    %get3A_784 = tpu.vector_load %arg13[%get3A_782, %get3A_783] {strides = array<i32>} : memref<4x128xi32, #tpu.memory_space<vmem>>, vector<16xi32>,
    %get3A_785 = arith.constant 3 : i32
    %get3A_786 = arith.index_cast %get3A_785 : i32 to index
    %get3A_787 = arith.constant 112 : index
    %get3A_788 = tpu.vector_load %arg14[%get3A_786, %get3A_787] {strides = array<i32>} : memref<4x128xi32, #tpu.memory_space<vmem>>, vector<16xi32>,
    %mul3A_789 = arith.constant 8 : i32
    %mul3A_790 = vector.broadcast %mul3A_789 : i32 to vector<16xi32>
    %mul3A_791 = arith.muli %get3A_784, %mul3A_790 : vector<16xi32>
    %add3A_792 = arith.addi %mul3A_791, %get3A_788 : vector<16xi32>
    %swap3A_793 = arith.constant 3 : i32
    %swap3A_794 = arith.index_cast %swap3A_793 : i32 to index
    %swap3A_795 = arith.constant 112 : index
    %swap3A_796 = tpu.vector_load %arg15[%swap3A_794, %swap3A_795] {strides = array<i32>} : memref<4x128xi32, #tpu.memory_space<vmem>>, vector<16xi32>,
    tpu.vector_store %arg15[%swap3A_794, %swap3A_795], %add3A_792 {strides = array<i32>} : memref<4x128xi32, #tpu.memory_space<vmem>>, vector<16xi32>,
    %dma_start3A_797 = arith.constant 0 : i32
    %dma_start3A_798 = arith.constant 0 : i32
    %dma_start3A_799 = arith.constant 0 : i32
    %dma_start3A_800 = tpu.memref_slice %arg21[%dma_start3A_798, %dma_start3A_799] : memref<512x16xf32, #tpu.memory_space<vmem>> -> memref<128x16xf32, #tpu.memory_space<vmem>>
    %dma_start3A_801 = arith.constant 0 : i32
    %dma_start3A_802 = tpu.memref_slice %arg13[%dma_start3A_797, %dma_start3A_801] : memref<4x128xi32, #tpu.memory_space<vmem>> -> memref<1x128xi32, #tpu.memory_space<vmem>>
    %dma_start3A_803 = tpu.memref_squeeze %dma_start3A_802 : memref<1x128xi32, #tpu.memory_space<vmem>> -> memref<128xi32, #tpu.memory_space<vmem>>
    %dma_start3A_804 = arith.constant 0 : i32
    %dma_start3A_805 = arith.constant 0 : i32
    %dma_start3A_806 = tpu.memref_slice %arg9[%dma_start3A_804, %dma_start3A_805] : memref<500x16xf32, #tpu.memory_space<hbm>> -> memref<500x16xf32, #tpu.memory_space<hbm>>
    tpu.enqueue_indirect_dma source(%dma_start3A_806 : memref<500x16xf32, #tpu.memory_space<hbm>>) target(%dma_start3A_800 : memref<128x16xf32, #tpu.memory_space<vmem>>) offsets(%dma_start3A_803 : memref<128xi32, #tpu.memory_space<vmem>>) semaphore(%arg27 : memref<!tpu.dma_semaphore, #tpu.memory_space<semaphore_mem>>)
    %dma_start3A_807 = arith.constant 0 : i32
    %dma_start3A_808 = arith.constant 0 : i32
    %dma_start3A_809 = arith.constant 0 : i32
    %dma_start3A_810 = tpu.memref_slice %arg22[%dma_start3A_808, %dma_start3A_809] : memref<512x16xf32, #tpu.memory_space<vmem>> -> memref<128x16xf32, #tpu.memory_space<vmem>>
    %dma_start3A_811 = arith.constant 0 : i32
    %dma_start3A_812 = tpu.memref_slice %arg15[%dma_start3A_807, %dma_start3A_811] : memref<4x128xi32, #tpu.memory_space<vmem>> -> memref<1x128xi32, #tpu.memory_space<vmem>>
    %dma_start3A_813 = tpu.memref_squeeze %dma_start3A_812 : memref<1x128xi32, #tpu.memory_space<vmem>> -> memref<128xi32, #tpu.memory_space<vmem>>
    %dma_start3A_814 = arith.constant 0 : i32
    %dma_start3A_815 = arith.constant 0 : i32
    %dma_start3A_816 = tpu.memref_slice %arg10[%dma_start3A_814, %dma_start3A_815] : memref<4000x16xf32, #tpu.memory_space<hbm>> -> memref<4000x16xf32, #tpu.memory_space<hbm>>
    tpu.enqueue_indirect_dma source(%dma_start3A_816 : memref<4000x16xf32, #tpu.memory_space<hbm>>) target(%dma_start3A_810 : memref<128x16xf32, #tpu.memory_space<vmem>>) offsets(%dma_start3A_813 : memref<128xi32, #tpu.memory_space<vmem>>) semaphore(%arg27 : memref<!tpu.dma_semaphore, #tpu.memory_space<semaphore_mem>>)
    %dma_start3A_817 = arith.constant 1 : i32
    %dma_start3A_818 = arith.constant 128 : i32
    %dma_start3A_819 = arith.constant 0 : i32
    %dma_start3A_820 = tpu.memref_slice %arg21[%dma_start3A_818, %dma_start3A_819] : memref<512x16xf32, #tpu.memory_space<vmem>> -> memref<128x16xf32, #tpu.memory_space<vmem>>
    %dma_start3A_821 = arith.constant 0 : i32
    %dma_start3A_822 = tpu.memref_slice %arg13[%dma_start3A_817, %dma_start3A_821] : memref<4x128xi32, #tpu.memory_space<vmem>> -> memref<1x128xi32, #tpu.memory_space<vmem>>
    %dma_start3A_823 = tpu.memref_squeeze %dma_start3A_822 : memref<1x128xi32, #tpu.memory_space<vmem>> -> memref<128xi32, #tpu.memory_space<vmem>>
    %dma_start3A_824 = arith.constant 0 : i32
    %dma_start3A_825 = arith.constant 0 : i32
    %dma_start3A_826 = tpu.memref_slice %arg9[%dma_start3A_824, %dma_start3A_825] : memref<500x16xf32, #tpu.memory_space<hbm>> -> memref<500x16xf32, #tpu.memory_space<hbm>>
    tpu.enqueue_indirect_dma source(%dma_start3A_826 : memref<500x16xf32, #tpu.memory_space<hbm>>) target(%dma_start3A_820 : memref<128x16xf32, #tpu.memory_space<vmem>>) offsets(%dma_start3A_823 : memref<128xi32, #tpu.memory_space<vmem>>) semaphore(%arg27 : memref<!tpu.dma_semaphore, #tpu.memory_space<semaphore_mem>>)
    %dma_start3A_827 = arith.constant 1 : i32
    %dma_start3A_828 = arith.constant 128 : i32
    %dma_start3A_829 = arith.constant 0 : i32
    %dma_start3A_830 = tpu.memref_slice %arg22[%dma_start3A_828, %dma_start3A_829] : memref<512x16xf32, #tpu.memory_space<vmem>> -> memref<128x16xf32, #tpu.memory_space<vmem>>
    %dma_start3A_831 = arith.constant 0 : i32
    %dma_start3A_832 = tpu.memref_slice %arg15[%dma_start3A_827, %dma_start3A_831] : memref<4x128xi32, #tpu.memory_space<vmem>> -> memref<1x128xi32, #tpu.memory_space<vmem>>
    %dma_start3A_833 = tpu.memref_squeeze %dma_start3A_832 : memref<1x128xi32, #tpu.memory_space<vmem>> -> memref<128xi32, #tpu.memory_space<vmem>>
    %dma_start3A_834 = arith.constant 0 : i32
    %dma_start3A_835 = arith.constant 0 : i32
    %dma_start3A_836 = tpu.memref_slice %arg10[%dma_start3A_834, %dma_start3A_835] : memref<4000x16xf32, #tpu.memory_space<hbm>> -> memref<4000x16xf32, #tpu.memory_space<hbm>>
    tpu.enqueue_indirect_dma source(%dma_start3A_836 : memref<4000x16xf32, #tpu.memory_space<hbm>>) target(%dma_start3A_830 : memref<128x16xf32, #tpu.memory_space<vmem>>) offsets(%dma_start3A_833 : memref<128xi32, #tpu.memory_space<vmem>>) semaphore(%arg27 : memref<!tpu.dma_semaphore, #tpu.memory_space<semaphore_mem>>)
    %dma_start3A_837 = arith.constant 2 : i32
    %dma_start3A_838 = arith.constant 256 : i32
    %dma_start3A_839 = arith.constant 0 : i32
    %dma_start3A_840 = tpu.memref_slice %arg21[%dma_start3A_838, %dma_start3A_839] : memref<512x16xf32, #tpu.memory_space<vmem>> -> memref<128x16xf32, #tpu.memory_space<vmem>>
    %dma_start3A_841 = arith.constant 0 : i32
    %dma_start3A_842 = tpu.memref_slice %arg13[%dma_start3A_837, %dma_start3A_841] : memref<4x128xi32, #tpu.memory_space<vmem>> -> memref<1x128xi32, #tpu.memory_space<vmem>>
    %dma_start3A_843 = tpu.memref_squeeze %dma_start3A_842 : memref<1x128xi32, #tpu.memory_space<vmem>> -> memref<128xi32, #tpu.memory_space<vmem>>
    %dma_start3A_844 = arith.constant 0 : i32
    %dma_start3A_845 = arith.constant 0 : i32
    %dma_start3A_846 = tpu.memref_slice %arg9[%dma_start3A_844, %dma_start3A_845] : memref<500x16xf32, #tpu.memory_space<hbm>> -> memref<500x16xf32, #tpu.memory_space<hbm>>
    tpu.enqueue_indirect_dma source(%dma_start3A_846 : memref<500x16xf32, #tpu.memory_space<hbm>>) target(%dma_start3A_840 : memref<128x16xf32, #tpu.memory_space<vmem>>) offsets(%dma_start3A_843 : memref<128xi32, #tpu.memory_space<vmem>>) semaphore(%arg27 : memref<!tpu.dma_semaphore, #tpu.memory_space<semaphore_mem>>)
    %dma_start3A_847 = arith.constant 2 : i32
    %dma_start3A_848 = arith.constant 256 : i32
    %dma_start3A_849 = arith.constant 0 : i32
    %dma_start3A_850 = tpu.memref_slice %arg22[%dma_start3A_848, %dma_start3A_849] : memref<512x16xf32, #tpu.memory_space<vmem>> -> memref<128x16xf32, #tpu.memory_space<vmem>>
    %dma_start3A_851 = arith.constant 0 : i32
    %dma_start3A_852 = tpu.memref_slice %arg15[%dma_start3A_847, %dma_start3A_851] : memref<4x128xi32, #tpu.memory_space<vmem>> -> memref<1x128xi32, #tpu.memory_space<vmem>>
    %dma_start3A_853 = tpu.memref_squeeze %dma_start3A_852 : memref<1x128xi32, #tpu.memory_space<vmem>> -> memref<128xi32, #tpu.memory_space<vmem>>
    %dma_start3A_854 = arith.constant 0 : i32
    %dma_start3A_855 = arith.constant 0 : i32
    %dma_start3A_856 = tpu.memref_slice %arg10[%dma_start3A_854, %dma_start3A_855] : memref<4000x16xf32, #tpu.memory_space<hbm>> -> memref<4000x16xf32, #tpu.memory_space<hbm>>
    tpu.enqueue_indirect_dma source(%dma_start3A_856 : memref<4000x16xf32, #tpu.memory_space<hbm>>) target(%dma_start3A_850 : memref<128x16xf32, #tpu.memory_space<vmem>>) offsets(%dma_start3A_853 : memref<128xi32, #tpu.memory_space<vmem>>) semaphore(%arg27 : memref<!tpu.dma_semaphore, #tpu.memory_space<semaphore_mem>>)
    %dma_start3A_857 = arith.constant 3 : i32
    %dma_start3A_858 = arith.constant 384 : i32
    %dma_start3A_859 = arith.constant 0 : i32
    %dma_start3A_860 = tpu.memref_slice %arg21[%dma_start3A_858, %dma_start3A_859] : memref<512x16xf32, #tpu.memory_space<vmem>> -> memref<128x16xf32, #tpu.memory_space<vmem>>
    %dma_start3A_861 = arith.constant 0 : i32
    %dma_start3A_862 = tpu.memref_slice %arg13[%dma_start3A_857, %dma_start3A_861] : memref<4x128xi32, #tpu.memory_space<vmem>> -> memref<1x128xi32, #tpu.memory_space<vmem>>
    %dma_start3A_863 = tpu.memref_squeeze %dma_start3A_862 : memref<1x128xi32, #tpu.memory_space<vmem>> -> memref<128xi32, #tpu.memory_space<vmem>>
    %dma_start3A_864 = arith.constant 0 : i32
    %dma_start3A_865 = arith.constant 0 : i32
    %dma_start3A_866 = tpu.memref_slice %arg9[%dma_start3A_864, %dma_start3A_865] : memref<500x16xf32, #tpu.memory_space<hbm>> -> memref<500x16xf32, #tpu.memory_space<hbm>>
    tpu.enqueue_indirect_dma source(%dma_start3A_866 : memref<500x16xf32, #tpu.memory_space<hbm>>) target(%dma_start3A_860 : memref<128x16xf32, #tpu.memory_space<vmem>>) offsets(%dma_start3A_863 : memref<128xi32, #tpu.memory_space<vmem>>) semaphore(%arg27 : memref<!tpu.dma_semaphore, #tpu.memory_space<semaphore_mem>>)
    %dma_start3A_867 = arith.constant 3 : i32
    %dma_start3A_868 = arith.constant 384 : i32
    %dma_start3A_869 = arith.constant 0 : i32
    %dma_start3A_870 = tpu.memref_slice %arg22[%dma_start3A_868, %dma_start3A_869] : memref<512x16xf32, #tpu.memory_space<vmem>> -> memref<128x16xf32, #tpu.memory_space<vmem>>
    %dma_start3A_871 = arith.constant 0 : i32
    %dma_start3A_872 = tpu.memref_slice %arg15[%dma_start3A_867, %dma_start3A_871] : memref<4x128xi32, #tpu.memory_space<vmem>> -> memref<1x128xi32, #tpu.memory_space<vmem>>
    %dma_start3A_873 = tpu.memref_squeeze %dma_start3A_872 : memref<1x128xi32, #tpu.memory_space<vmem>> -> memref<128xi32, #tpu.memory_space<vmem>>
    %dma_start3A_874 = arith.constant 0 : i32
    %dma_start3A_875 = arith.constant 0 : i32
    %dma_start3A_876 = tpu.memref_slice %arg10[%dma_start3A_874, %dma_start3A_875] : memref<4000x16xf32, #tpu.memory_space<hbm>> -> memref<4000x16xf32, #tpu.memory_space<hbm>>
    tpu.enqueue_indirect_dma source(%dma_start3A_876 : memref<4000x16xf32, #tpu.memory_space<hbm>>) target(%dma_start3A_870 : memref<128x16xf32, #tpu.memory_space<vmem>>) offsets(%dma_start3A_873 : memref<128xi32, #tpu.memory_space<vmem>>) semaphore(%arg27 : memref<!tpu.dma_semaphore, #tpu.memory_space<semaphore_mem>>)
    %dma_wait3A_877 = tpu.memref_slice %arg4[%mul3A_2] : memref<16384xi32, #tpu.memory_space<hbm>> -> memref<512xi32, #tpu.memory_space<hbm>>
    %dma_wait3A_878 = tpu.memref_slice %arg4[%mul3A_2] : memref<16384xi32, #tpu.memory_space<hbm>> -> memref<512xi32, #tpu.memory_space<hbm>>
    tpu.wait_dma2 semaphore(%arg26 : memref<!tpu.dma_semaphore, #tpu.memory_space<semaphore_mem>>) src(%dma_wait3A_878 : memref<512xi32, #tpu.memory_space<hbm>>) dst(%arg16 : memref<512xi32, #tpu.memory_space<vmem>>)
    %dma_wait3A_879 = tpu.memref_slice %arg6[%mul3A_2] : memref<16384xi32, #tpu.memory_space<hbm>> -> memref<512xi32, #tpu.memory_space<hbm>>
    %dma_wait3A_880 = tpu.memref_slice %arg6[%mul3A_2] : memref<16384xi32, #tpu.memory_space<hbm>> -> memref<512xi32, #tpu.memory_space<hbm>>
    tpu.wait_dma2 semaphore(%arg26 : memref<!tpu.dma_semaphore, #tpu.memory_space<semaphore_mem>>) src(%dma_wait3A_880 : memref<512xi32, #tpu.memory_space<hbm>>) dst(%arg17 : memref<512xi32, #tpu.memory_space<vmem>>)
    %dma_wait3A_881 = tpu.memref_slice %arg7[%mul3A_2] : memref<16384xi32, #tpu.memory_space<hbm>> -> memref<512xi32, #tpu.memory_space<hbm>>
    %dma_wait3A_882 = tpu.memref_slice %arg7[%mul3A_2] : memref<16384xi32, #tpu.memory_space<hbm>> -> memref<512xi32, #tpu.memory_space<hbm>>
    tpu.wait_dma2 semaphore(%arg26 : memref<!tpu.dma_semaphore, #tpu.memory_space<semaphore_mem>>) src(%dma_wait3A_882 : memref<512xi32, #tpu.memory_space<hbm>>) dst(%arg18 : memref<512xi32, #tpu.memory_space<vmem>>)
    tpu.wait_dma2 semaphore(%arg26 : memref<!tpu.dma_semaphore, #tpu.memory_space<semaphore_mem>>) src(%arg11 : memref<1576xf32, #tpu.memory_space<hbm>>) dst(%arg24 : memref<1576xf32, #tpu.memory_space<vmem>>)
    %dma_wait3A_883 = arith.constant 0 : i32
    %dma_wait3A_884 = arith.constant 0 : i32
    %dma_wait3A_885 = arith.constant 0 : i32
    %dma_wait3A_886 = tpu.memref_slice %arg19[%dma_wait3A_884, %dma_wait3A_885] : memref<5x512xi32, #tpu.memory_space<vmem>> -> memref<1x512xi32, #tpu.memory_space<vmem>>
    %dma_wait3A_887 = tpu.memref_squeeze %dma_wait3A_886 : memref<1x512xi32, #tpu.memory_space<vmem>> -> memref<512xi32, #tpu.memory_space<vmem>>
    %dma_wait3A_888 = tpu.memref_slice %arg5[%dma_wait3A_883, %mul3A_2] : memref<5x16384xi32, #tpu.memory_space<hbm>> -> memref<1x512xi32, #tpu.memory_space<hbm>>
    %dma_wait3A_889 = tpu.memref_squeeze %dma_wait3A_888 : memref<1x512xi32, #tpu.memory_space<hbm>> -> memref<512xi32, #tpu.memory_space<hbm>>
    %dma_wait3A_890 = arith.constant 0 : i32
    %dma_wait3A_891 = tpu.memref_slice %arg19[%dma_wait3A_884, %dma_wait3A_890] : memref<5x512xi32, #tpu.memory_space<vmem>> -> memref<1x512xi32, #tpu.memory_space<vmem>>
    %dma_wait3A_892 = tpu.memref_squeeze %dma_wait3A_891 : memref<1x512xi32, #tpu.memory_space<vmem>> -> memref<512xi32, #tpu.memory_space<vmem>>
    %dma_wait3A_893 = tpu.memref_slice %arg5[%dma_wait3A_883, %mul3A_2] : memref<5x16384xi32, #tpu.memory_space<hbm>> -> memref<1x512xi32, #tpu.memory_space<hbm>>
    %dma_wait3A_894 = tpu.memref_squeeze %dma_wait3A_893 : memref<1x512xi32, #tpu.memory_space<hbm>> -> memref<512xi32, #tpu.memory_space<hbm>>
    tpu.wait_dma2 semaphore(%arg26 : memref<!tpu.dma_semaphore, #tpu.memory_space<semaphore_mem>>) src(%dma_wait3A_894 : memref<512xi32, #tpu.memory_space<hbm>>) dst(%dma_wait3A_892 : memref<512xi32, #tpu.memory_space<vmem>>)
    %dma_wait3A_895 = arith.constant 0 : i32
    %dma_wait3A_896 = arith.constant 0 : i32
    %dma_wait3A_897 = arith.constant 0 : i32
    %dma_wait3A_898 = tpu.memref_slice %arg20[%dma_wait3A_896, %dma_wait3A_897] : memref<5x512xf32, #tpu.memory_space<vmem>> -> memref<1x512xf32, #tpu.memory_space<vmem>>
    %dma_wait3A_899 = tpu.memref_squeeze %dma_wait3A_898 : memref<1x512xf32, #tpu.memory_space<vmem>> -> memref<512xf32, #tpu.memory_space<vmem>>
    %dma_wait3A_900 = tpu.memref_slice %arg8[%dma_wait3A_895, %mul3A_2] : memref<5x16384xf32, #tpu.memory_space<hbm>> -> memref<1x512xf32, #tpu.memory_space<hbm>>
    %dma_wait3A_901 = tpu.memref_squeeze %dma_wait3A_900 : memref<1x512xf32, #tpu.memory_space<hbm>> -> memref<512xf32, #tpu.memory_space<hbm>>
    %dma_wait3A_902 = arith.constant 0 : i32
    %dma_wait3A_903 = tpu.memref_slice %arg20[%dma_wait3A_896, %dma_wait3A_902] : memref<5x512xf32, #tpu.memory_space<vmem>> -> memref<1x512xf32, #tpu.memory_space<vmem>>
    %dma_wait3A_904 = tpu.memref_squeeze %dma_wait3A_903 : memref<1x512xf32, #tpu.memory_space<vmem>> -> memref<512xf32, #tpu.memory_space<vmem>>
    %dma_wait3A_905 = tpu.memref_slice %arg8[%dma_wait3A_895, %mul3A_2] : memref<5x16384xf32, #tpu.memory_space<hbm>> -> memref<1x512xf32, #tpu.memory_space<hbm>>
    %dma_wait3A_906 = tpu.memref_squeeze %dma_wait3A_905 : memref<1x512xf32, #tpu.memory_space<hbm>> -> memref<512xf32, #tpu.memory_space<hbm>>
    tpu.wait_dma2 semaphore(%arg26 : memref<!tpu.dma_semaphore, #tpu.memory_space<semaphore_mem>>) src(%dma_wait3A_906 : memref<512xf32, #tpu.memory_space<hbm>>) dst(%dma_wait3A_904 : memref<512xf32, #tpu.memory_space<vmem>>)
    %dma_wait3A_907 = arith.constant 1 : i32
    %dma_wait3A_908 = arith.constant 1 : i32
    %dma_wait3A_909 = arith.constant 0 : i32
    %dma_wait3A_910 = tpu.memref_slice %arg19[%dma_wait3A_908, %dma_wait3A_909] : memref<5x512xi32, #tpu.memory_space<vmem>> -> memref<1x512xi32, #tpu.memory_space<vmem>>
    %dma_wait3A_911 = tpu.memref_squeeze %dma_wait3A_910 : memref<1x512xi32, #tpu.memory_space<vmem>> -> memref<512xi32, #tpu.memory_space<vmem>>
    %dma_wait3A_912 = tpu.memref_slice %arg5[%dma_wait3A_907, %mul3A_2] : memref<5x16384xi32, #tpu.memory_space<hbm>> -> memref<1x512xi32, #tpu.memory_space<hbm>>
    %dma_wait3A_913 = tpu.memref_squeeze %dma_wait3A_912 : memref<1x512xi32, #tpu.memory_space<hbm>> -> memref<512xi32, #tpu.memory_space<hbm>>
    %dma_wait3A_914 = arith.constant 0 : i32
    %dma_wait3A_915 = tpu.memref_slice %arg19[%dma_wait3A_908, %dma_wait3A_914] : memref<5x512xi32, #tpu.memory_space<vmem>> -> memref<1x512xi32, #tpu.memory_space<vmem>>
    %dma_wait3A_916 = tpu.memref_squeeze %dma_wait3A_915 : memref<1x512xi32, #tpu.memory_space<vmem>> -> memref<512xi32, #tpu.memory_space<vmem>>
    %dma_wait3A_917 = tpu.memref_slice %arg5[%dma_wait3A_907, %mul3A_2] : memref<5x16384xi32, #tpu.memory_space<hbm>> -> memref<1x512xi32, #tpu.memory_space<hbm>>
    %dma_wait3A_918 = tpu.memref_squeeze %dma_wait3A_917 : memref<1x512xi32, #tpu.memory_space<hbm>> -> memref<512xi32, #tpu.memory_space<hbm>>
    tpu.wait_dma2 semaphore(%arg26 : memref<!tpu.dma_semaphore, #tpu.memory_space<semaphore_mem>>) src(%dma_wait3A_918 : memref<512xi32, #tpu.memory_space<hbm>>) dst(%dma_wait3A_916 : memref<512xi32, #tpu.memory_space<vmem>>)
    %dma_wait3A_919 = arith.constant 1 : i32
    %dma_wait3A_920 = arith.constant 1 : i32
    %dma_wait3A_921 = arith.constant 0 : i32
    %dma_wait3A_922 = tpu.memref_slice %arg20[%dma_wait3A_920, %dma_wait3A_921] : memref<5x512xf32, #tpu.memory_space<vmem>> -> memref<1x512xf32, #tpu.memory_space<vmem>>
    %dma_wait3A_923 = tpu.memref_squeeze %dma_wait3A_922 : memref<1x512xf32, #tpu.memory_space<vmem>> -> memref<512xf32, #tpu.memory_space<vmem>>
    %dma_wait3A_924 = tpu.memref_slice %arg8[%dma_wait3A_919, %mul3A_2] : memref<5x16384xf32, #tpu.memory_space<hbm>> -> memref<1x512xf32, #tpu.memory_space<hbm>>
    %dma_wait3A_925 = tpu.memref_squeeze %dma_wait3A_924 : memref<1x512xf32, #tpu.memory_space<hbm>> -> memref<512xf32, #tpu.memory_space<hbm>>
    %dma_wait3A_926 = arith.constant 0 : i32
    %dma_wait3A_927 = tpu.memref_slice %arg20[%dma_wait3A_920, %dma_wait3A_926] : memref<5x512xf32, #tpu.memory_space<vmem>> -> memref<1x512xf32, #tpu.memory_space<vmem>>
    %dma_wait3A_928 = tpu.memref_squeeze %dma_wait3A_927 : memref<1x512xf32, #tpu.memory_space<vmem>> -> memref<512xf32, #tpu.memory_space<vmem>>
    %dma_wait3A_929 = tpu.memref_slice %arg8[%dma_wait3A_919, %mul3A_2] : memref<5x16384xf32, #tpu.memory_space<hbm>> -> memref<1x512xf32, #tpu.memory_space<hbm>>
    %dma_wait3A_930 = tpu.memref_squeeze %dma_wait3A_929 : memref<1x512xf32, #tpu.memory_space<hbm>> -> memref<512xf32, #tpu.memory_space<hbm>>
    tpu.wait_dma2 semaphore(%arg26 : memref<!tpu.dma_semaphore, #tpu.memory_space<semaphore_mem>>) src(%dma_wait3A_930 : memref<512xf32, #tpu.memory_space<hbm>>) dst(%dma_wait3A_928 : memref<512xf32, #tpu.memory_space<vmem>>)
    %dma_wait3A_931 = arith.constant 2 : i32
    %dma_wait3A_932 = arith.constant 2 : i32
    %dma_wait3A_933 = arith.constant 0 : i32
    %dma_wait3A_934 = tpu.memref_slice %arg19[%dma_wait3A_932, %dma_wait3A_933] : memref<5x512xi32, #tpu.memory_space<vmem>> -> memref<1x512xi32, #tpu.memory_space<vmem>>
    %dma_wait3A_935 = tpu.memref_squeeze %dma_wait3A_934 : memref<1x512xi32, #tpu.memory_space<vmem>> -> memref<512xi32, #tpu.memory_space<vmem>>
    %dma_wait3A_936 = tpu.memref_slice %arg5[%dma_wait3A_931, %mul3A_2] : memref<5x16384xi32, #tpu.memory_space<hbm>> -> memref<1x512xi32, #tpu.memory_space<hbm>>
    %dma_wait3A_937 = tpu.memref_squeeze %dma_wait3A_936 : memref<1x512xi32, #tpu.memory_space<hbm>> -> memref<512xi32, #tpu.memory_space<hbm>>
    %dma_wait3A_938 = arith.constant 0 : i32
    %dma_wait3A_939 = tpu.memref_slice %arg19[%dma_wait3A_932, %dma_wait3A_938] : memref<5x512xi32, #tpu.memory_space<vmem>> -> memref<1x512xi32, #tpu.memory_space<vmem>>
    %dma_wait3A_940 = tpu.memref_squeeze %dma_wait3A_939 : memref<1x512xi32, #tpu.memory_space<vmem>> -> memref<512xi32, #tpu.memory_space<vmem>>
    %dma_wait3A_941 = tpu.memref_slice %arg5[%dma_wait3A_931, %mul3A_2] : memref<5x16384xi32, #tpu.memory_space<hbm>> -> memref<1x512xi32, #tpu.memory_space<hbm>>
    %dma_wait3A_942 = tpu.memref_squeeze %dma_wait3A_941 : memref<1x512xi32, #tpu.memory_space<hbm>> -> memref<512xi32, #tpu.memory_space<hbm>>
    tpu.wait_dma2 semaphore(%arg26 : memref<!tpu.dma_semaphore, #tpu.memory_space<semaphore_mem>>) src(%dma_wait3A_942 : memref<512xi32, #tpu.memory_space<hbm>>) dst(%dma_wait3A_940 : memref<512xi32, #tpu.memory_space<vmem>>)
    %dma_wait3A_943 = arith.constant 2 : i32
    %dma_wait3A_944 = arith.constant 2 : i32
    %dma_wait3A_945 = arith.constant 0 : i32
    %dma_wait3A_946 = tpu.memref_slice %arg20[%dma_wait3A_944, %dma_wait3A_945] : memref<5x512xf32, #tpu.memory_space<vmem>> -> memref<1x512xf32, #tpu.memory_space<vmem>>
    %dma_wait3A_947 = tpu.memref_squeeze %dma_wait3A_946 : memref<1x512xf32, #tpu.memory_space<vmem>> -> memref<512xf32, #tpu.memory_space<vmem>>
    %dma_wait3A_948 = tpu.memref_slice %arg8[%dma_wait3A_943, %mul3A_2] : memref<5x16384xf32, #tpu.memory_space<hbm>> -> memref<1x512xf32, #tpu.memory_space<hbm>>
    %dma_wait3A_949 = tpu.memref_squeeze %dma_wait3A_948 : memref<1x512xf32, #tpu.memory_space<hbm>> -> memref<512xf32, #tpu.memory_space<hbm>>
    %dma_wait3A_950 = arith.constant 0 : i32
    %dma_wait3A_951 = tpu.memref_slice %arg20[%dma_wait3A_944, %dma_wait3A_950] : memref<5x512xf32, #tpu.memory_space<vmem>> -> memref<1x512xf32, #tpu.memory_space<vmem>>
    %dma_wait3A_952 = tpu.memref_squeeze %dma_wait3A_951 : memref<1x512xf32, #tpu.memory_space<vmem>> -> memref<512xf32, #tpu.memory_space<vmem>>
    %dma_wait3A_953 = tpu.memref_slice %arg8[%dma_wait3A_943, %mul3A_2] : memref<5x16384xf32, #tpu.memory_space<hbm>> -> memref<1x512xf32, #tpu.memory_space<hbm>>
    %dma_wait3A_954 = tpu.memref_squeeze %dma_wait3A_953 : memref<1x512xf32, #tpu.memory_space<hbm>> -> memref<512xf32, #tpu.memory_space<hbm>>
    tpu.wait_dma2 semaphore(%arg26 : memref<!tpu.dma_semaphore, #tpu.memory_space<semaphore_mem>>) src(%dma_wait3A_954 : memref<512xf32, #tpu.memory_space<hbm>>) dst(%dma_wait3A_952 : memref<512xf32, #tpu.memory_space<vmem>>)
    %dma_wait3A_955 = arith.constant 3 : i32
    %dma_wait3A_956 = arith.constant 3 : i32
    %dma_wait3A_957 = arith.constant 0 : i32
    %dma_wait3A_958 = tpu.memref_slice %arg19[%dma_wait3A_956, %dma_wait3A_957] : memref<5x512xi32, #tpu.memory_space<vmem>> -> memref<1x512xi32, #tpu.memory_space<vmem>>
    %dma_wait3A_959 = tpu.memref_squeeze %dma_wait3A_958 : memref<1x512xi32, #tpu.memory_space<vmem>> -> memref<512xi32, #tpu.memory_space<vmem>>
    %dma_wait3A_960 = tpu.memref_slice %arg5[%dma_wait3A_955, %mul3A_2] : memref<5x16384xi32, #tpu.memory_space<hbm>> -> memref<1x512xi32, #tpu.memory_space<hbm>>
    %dma_wait3A_961 = tpu.memref_squeeze %dma_wait3A_960 : memref<1x512xi32, #tpu.memory_space<hbm>> -> memref<512xi32, #tpu.memory_space<hbm>>
    %dma_wait3A_962 = arith.constant 0 : i32
    %dma_wait3A_963 = tpu.memref_slice %arg19[%dma_wait3A_956, %dma_wait3A_962] : memref<5x512xi32, #tpu.memory_space<vmem>> -> memref<1x512xi32, #tpu.memory_space<vmem>>
    %dma_wait3A_964 = tpu.memref_squeeze %dma_wait3A_963 : memref<1x512xi32, #tpu.memory_space<vmem>> -> memref<512xi32, #tpu.memory_space<vmem>>
    %dma_wait3A_965 = tpu.memref_slice %arg5[%dma_wait3A_955, %mul3A_2] : memref<5x16384xi32, #tpu.memory_space<hbm>> -> memref<1x512xi32, #tpu.memory_space<hbm>>
    %dma_wait3A_966 = tpu.memref_squeeze %dma_wait3A_965 : memref<1x512xi32, #tpu.memory_space<hbm>> -> memref<512xi32, #tpu.memory_space<hbm>>
    tpu.wait_dma2 semaphore(%arg26 : memref<!tpu.dma_semaphore, #tpu.memory_space<semaphore_mem>>) src(%dma_wait3A_966 : memref<512xi32, #tpu.memory_space<hbm>>) dst(%dma_wait3A_964 : memref<512xi32, #tpu.memory_space<vmem>>)
    %dma_wait3A_967 = arith.constant 3 : i32
    %dma_wait3A_968 = arith.constant 3 : i32
    %dma_wait3A_969 = arith.constant 0 : i32
    %dma_wait3A_970 = tpu.memref_slice %arg20[%dma_wait3A_968, %dma_wait3A_969] : memref<5x512xf32, #tpu.memory_space<vmem>> -> memref<1x512xf32, #tpu.memory_space<vmem>>
    %dma_wait3A_971 = tpu.memref_squeeze %dma_wait3A_970 : memref<1x512xf32, #tpu.memory_space<vmem>> -> memref<512xf32, #tpu.memory_space<vmem>>
    %dma_wait3A_972 = tpu.memref_slice %arg8[%dma_wait3A_967, %mul3A_2] : memref<5x16384xf32, #tpu.memory_space<hbm>> -> memref<1x512xf32, #tpu.memory_space<hbm>>
    %dma_wait3A_973 = tpu.memref_squeeze %dma_wait3A_972 : memref<1x512xf32, #tpu.memory_space<hbm>> -> memref<512xf32, #tpu.memory_space<hbm>>
    %dma_wait3A_974 = arith.constant 0 : i32
    %dma_wait3A_975 = tpu.memref_slice %arg20[%dma_wait3A_968, %dma_wait3A_974] : memref<5x512xf32, #tpu.memory_space<vmem>> -> memref<1x512xf32, #tpu.memory_space<vmem>>
    %dma_wait3A_976 = tpu.memref_squeeze %dma_wait3A_975 : memref<1x512xf32, #tpu.memory_space<vmem>> -> memref<512xf32, #tpu.memory_space<vmem>>
    %dma_wait3A_977 = tpu.memref_slice %arg8[%dma_wait3A_967, %mul3A_2] : memref<5x16384xf32, #tpu.memory_space<hbm>> -> memref<1x512xf32, #tpu.memory_space<hbm>>
    %dma_wait3A_978 = tpu.memref_squeeze %dma_wait3A_977 : memref<1x512xf32, #tpu.memory_space<hbm>> -> memref<512xf32, #tpu.memory_space<hbm>>
    tpu.wait_dma2 semaphore(%arg26 : memref<!tpu.dma_semaphore, #tpu.memory_space<semaphore_mem>>) src(%dma_wait3A_978 : memref<512xf32, #tpu.memory_space<hbm>>) dst(%dma_wait3A_976 : memref<512xf32, #tpu.memory_space<vmem>>)
    %dma_wait3A_979 = arith.constant 4 : i32
    %dma_wait3A_980 = arith.constant 4 : i32
    %dma_wait3A_981 = arith.constant 0 : i32
    %dma_wait3A_982 = tpu.memref_slice %arg19[%dma_wait3A_980, %dma_wait3A_981] : memref<5x512xi32, #tpu.memory_space<vmem>> -> memref<1x512xi32, #tpu.memory_space<vmem>>
    %dma_wait3A_983 = tpu.memref_squeeze %dma_wait3A_982 : memref<1x512xi32, #tpu.memory_space<vmem>> -> memref<512xi32, #tpu.memory_space<vmem>>
    %dma_wait3A_984 = tpu.memref_slice %arg5[%dma_wait3A_979, %mul3A_2] : memref<5x16384xi32, #tpu.memory_space<hbm>> -> memref<1x512xi32, #tpu.memory_space<hbm>>
    %dma_wait3A_985 = tpu.memref_squeeze %dma_wait3A_984 : memref<1x512xi32, #tpu.memory_space<hbm>> -> memref<512xi32, #tpu.memory_space<hbm>>
    %dma_wait3A_986 = arith.constant 0 : i32
    %dma_wait3A_987 = tpu.memref_slice %arg19[%dma_wait3A_980, %dma_wait3A_986] : memref<5x512xi32, #tpu.memory_space<vmem>> -> memref<1x512xi32, #tpu.memory_space<vmem>>
    %dma_wait3A_988 = tpu.memref_squeeze %dma_wait3A_987 : memref<1x512xi32, #tpu.memory_space<vmem>> -> memref<512xi32, #tpu.memory_space<vmem>>
    %dma_wait3A_989 = tpu.memref_slice %arg5[%dma_wait3A_979, %mul3A_2] : memref<5x16384xi32, #tpu.memory_space<hbm>> -> memref<1x512xi32, #tpu.memory_space<hbm>>
    %dma_wait3A_990 = tpu.memref_squeeze %dma_wait3A_989 : memref<1x512xi32, #tpu.memory_space<hbm>> -> memref<512xi32, #tpu.memory_space<hbm>>
    tpu.wait_dma2 semaphore(%arg26 : memref<!tpu.dma_semaphore, #tpu.memory_space<semaphore_mem>>) src(%dma_wait3A_990 : memref<512xi32, #tpu.memory_space<hbm>>) dst(%dma_wait3A_988 : memref<512xi32, #tpu.memory_space<vmem>>)
    %dma_wait3A_991 = arith.constant 4 : i32
    %dma_wait3A_992 = arith.constant 4 : i32
    %dma_wait3A_993 = arith.constant 0 : i32
    %dma_wait3A_994 = tpu.memref_slice %arg20[%dma_wait3A_992, %dma_wait3A_993] : memref<5x512xf32, #tpu.memory_space<vmem>> -> memref<1x512xf32, #tpu.memory_space<vmem>>
    %dma_wait3A_995 = tpu.memref_squeeze %dma_wait3A_994 : memref<1x512xf32, #tpu.memory_space<vmem>> -> memref<512xf32, #tpu.memory_space<vmem>>
    %dma_wait3A_996 = tpu.memref_slice %arg8[%dma_wait3A_991, %mul3A_2] : memref<5x16384xf32, #tpu.memory_space<hbm>> -> memref<1x512xf32, #tpu.memory_space<hbm>>
    %dma_wait3A_997 = tpu.memref_squeeze %dma_wait3A_996 : memref<1x512xf32, #tpu.memory_space<hbm>> -> memref<512xf32, #tpu.memory_space<hbm>>
    %dma_wait3A_998 = arith.constant 0 : i32
    %dma_wait3A_999 = tpu.memref_slice %arg20[%dma_wait3A_992, %dma_wait3A_998] : memref<5x512xf32, #tpu.memory_space<vmem>> -> memref<1x512xf32, #tpu.memory_space<vmem>>
    %dma_wait3A_1000 = tpu.memref_squeeze %dma_wait3A_999 : memref<1x512xf32, #tpu.memory_space<vmem>> -> memref<512xf32, #tpu.memory_space<vmem>>
    %dma_wait3A_1001 = tpu.memref_slice %arg8[%dma_wait3A_991, %mul3A_2] : memref<5x16384xf32, #tpu.memory_space<hbm>> -> memref<1x512xf32, #tpu.memory_space<hbm>>
    %dma_wait3A_1002 = tpu.memref_squeeze %dma_wait3A_1001 : memref<1x512xf32, #tpu.memory_space<hbm>> -> memref<512xf32, #tpu.memory_space<hbm>>
    tpu.wait_dma2 semaphore(%arg26 : memref<!tpu.dma_semaphore, #tpu.memory_space<semaphore_mem>>) src(%dma_wait3A_1002 : memref<512xf32, #tpu.memory_space<hbm>>) dst(%dma_wait3A_1000 : memref<512xf32, #tpu.memory_space<vmem>>)
    %parallel_loop3A = arith.constant 0 : i32
    %parallel_loop3A_1003 = arith.constant 32 : i32
    %parallel_loop3A_1004 = arith.constant 1 : i32
    scf.for %parallel_loop3A_1883 = %parallel_loop3A to %parallel_loop3A_1003 step %parallel_loop3A_1004  : i32 {
      %parallel_loop3A_1884 = arith.constant 16 : i32
      %parallel_loop3A_1885 = arith.muli %parallel_loop3A_1883, %parallel_loop3A_1884 : i32
      %parallel_loop3A_1886 = arith.index_cast %parallel_loop3A_1885 : i32 to index
      %parallel_loop3A_1887 = tpu.vector_load %arg16[%parallel_loop3A_1886] {strides = array<i32>} : memref<512xi32, #tpu.memory_space<vmem>>, vector<16xi32>,
      %parallel_loop3A_1888 = arith.constant 0 : i32
      %parallel_loop3A_1889 = vector.broadcast %parallel_loop3A_1888 : i32 to vector<16xi32>
      %parallel_loop3A_1890 = arith.addi %parallel_loop3A_1887, %parallel_loop3A_1889 : vector<16xi32>
      %parallel_loop3A_1891 = tpu.vector_load_idx %arg24[%parallel_loop3A_1890] : memref<1576xf32, #tpu.memory_space<vmem>>[vector<16xi32>], vector<16xf32>,
      %parallel_loop3A_1892 = arith.constant 8192 : i32
      %parallel_loop3A_1893 = arith.addi %parallel_loop3A_1892, %parallel_loop3A_1885 : i32
      %parallel_loop3A_1894 = arith.index_cast %parallel_loop3A_1893 : i32 to index
      %parallel_loop3A_1895 = tpu.vector_load %arg23[%parallel_loop3A_1894] {strides = array<i32>} : memref<22528xf32, #tpu.memory_space<vmem>>, vector<16xf32>,
      tpu.vector_store %arg23[%parallel_loop3A_1894], %parallel_loop3A_1891 {strides = array<i32>} : memref<22528xf32, #tpu.memory_space<vmem>>, vector<16xf32>,
      %parallel_loop3A_1896 = arith.constant 256 : i32
      %parallel_loop3A_1897 = vector.broadcast %parallel_loop3A_1896 : i32 to vector<16xi32>
      %parallel_loop3A_1898 = arith.addi %parallel_loop3A_1887, %parallel_loop3A_1897 : vector<16xi32>
      %parallel_loop3A_1899 = tpu.vector_load_idx %arg24[%parallel_loop3A_1898] : memref<1576xf32, #tpu.memory_space<vmem>>[vector<16xi32>], vector<16xf32>,
      %parallel_loop3A_1900 = arith.constant 8704 : i32
      %parallel_loop3A_1901 = arith.addi %parallel_loop3A_1900, %parallel_loop3A_1885 : i32
      %parallel_loop3A_1902 = arith.index_cast %parallel_loop3A_1901 : i32 to index
      %parallel_loop3A_1903 = tpu.vector_load %arg23[%parallel_loop3A_1902] {strides = array<i32>} : memref<22528xf32, #tpu.memory_space<vmem>>, vector<16xf32>,
      tpu.vector_store %arg23[%parallel_loop3A_1902], %parallel_loop3A_1899 {strides = array<i32>} : memref<22528xf32, #tpu.memory_space<vmem>>, vector<16xf32>,
      %parallel_loop3A_1904 = arith.constant 512 : i32
      %parallel_loop3A_1905 = vector.broadcast %parallel_loop3A_1904 : i32 to vector<16xi32>
      %parallel_loop3A_1906 = arith.addi %parallel_loop3A_1887, %parallel_loop3A_1905 : vector<16xi32>
      %parallel_loop3A_1907 = tpu.vector_load_idx %arg24[%parallel_loop3A_1906] : memref<1576xf32, #tpu.memory_space<vmem>>[vector<16xi32>], vector<16xf32>,
      %parallel_loop3A_1908 = arith.constant 9216 : i32
      %parallel_loop3A_1909 = arith.addi %parallel_loop3A_1908, %parallel_loop3A_1885 : i32
      %parallel_loop3A_1910 = arith.index_cast %parallel_loop3A_1909 : i32 to index
      %parallel_loop3A_1911 = tpu.vector_load %arg23[%parallel_loop3A_1910] {strides = array<i32>} : memref<22528xf32, #tpu.memory_space<vmem>>, vector<16xf32>,
      tpu.vector_store %arg23[%parallel_loop3A_1910], %parallel_loop3A_1907 {strides = array<i32>} : memref<22528xf32, #tpu.memory_space<vmem>>, vector<16xf32>,
      %parallel_loop3A_1912 = arith.constant 0 : i32
      %parallel_loop3A_1913 = arith.index_cast %parallel_loop3A_1912 : i32 to index
      %parallel_loop3A_1914 = arith.index_cast %parallel_loop3A_1885 : i32 to index
      %parallel_loop3A_1915 = tpu.vector_load %arg19[%parallel_loop3A_1913, %parallel_loop3A_1914] {strides = array<i32>} : memref<5x512xi32, #tpu.memory_space<vmem>>, vector<16xi32>,
      %parallel_loop3A_1916 = arith.constant 768 : i32
      %parallel_loop3A_1917 = vector.broadcast %parallel_loop3A_1916 : i32 to vector<16xi32>
      %parallel_loop3A_1918 = arith.addi %parallel_loop3A_1915, %parallel_loop3A_1917 : vector<16xi32>
      %parallel_loop3A_1919 = tpu.vector_load_idx %arg24[%parallel_loop3A_1918] : memref<1576xf32, #tpu.memory_space<vmem>>[vector<16xi32>], vector<16xf32>,
      %parallel_loop3A_1920 = arith.constant 9728 : i32
      %parallel_loop3A_1921 = arith.addi %parallel_loop3A_1920, %parallel_loop3A_1885 : i32
      %parallel_loop3A_1922 = arith.index_cast %parallel_loop3A_1921 : i32 to index
      %parallel_loop3A_1923 = tpu.vector_load %arg23[%parallel_loop3A_1922] {strides = array<i32>} : memref<22528xf32, #tpu.memory_space<vmem>>, vector<16xf32>,
      tpu.vector_store %arg23[%parallel_loop3A_1922], %parallel_loop3A_1919 {strides = array<i32>} : memref<22528xf32, #tpu.memory_space<vmem>>, vector<16xf32>,
      %parallel_loop3A_1924 = arith.constant 778 : i32
      %parallel_loop3A_1925 = vector.broadcast %parallel_loop3A_1924 : i32 to vector<16xi32>
      %parallel_loop3A_1926 = arith.addi %parallel_loop3A_1915, %parallel_loop3A_1925 : vector<16xi32>
      %parallel_loop3A_1927 = tpu.vector_load_idx %arg24[%parallel_loop3A_1926] : memref<1576xf32, #tpu.memory_space<vmem>>[vector<16xi32>], vector<16xf32>,
      %parallel_loop3A_1928 = arith.constant 10240 : i32
      %parallel_loop3A_1929 = arith.addi %parallel_loop3A_1928, %parallel_loop3A_1885 : i32
      %parallel_loop3A_1930 = arith.index_cast %parallel_loop3A_1929 : i32 to index
      %parallel_loop3A_1931 = tpu.vector_load %arg23[%parallel_loop3A_1930] {strides = array<i32>} : memref<22528xf32, #tpu.memory_space<vmem>>, vector<16xf32>,
      tpu.vector_store %arg23[%parallel_loop3A_1930], %parallel_loop3A_1927 {strides = array<i32>} : memref<22528xf32, #tpu.memory_space<vmem>>, vector<16xf32>,
      %parallel_loop3A_1932 = arith.constant 788 : i32
      %parallel_loop3A_1933 = vector.broadcast %parallel_loop3A_1932 : i32 to vector<16xi32>
      %parallel_loop3A_1934 = arith.addi %parallel_loop3A_1915, %parallel_loop3A_1933 : vector<16xi32>
      %parallel_loop3A_1935 = tpu.vector_load_idx %arg24[%parallel_loop3A_1934] : memref<1576xf32, #tpu.memory_space<vmem>>[vector<16xi32>], vector<16xf32>,
      %parallel_loop3A_1936 = arith.constant 10752 : i32
      %parallel_loop3A_1937 = arith.addi %parallel_loop3A_1936, %parallel_loop3A_1885 : i32
      %parallel_loop3A_1938 = arith.index_cast %parallel_loop3A_1937 : i32 to index
      %parallel_loop3A_1939 = tpu.vector_load %arg23[%parallel_loop3A_1938] {strides = array<i32>} : memref<22528xf32, #tpu.memory_space<vmem>>, vector<16xf32>,
      tpu.vector_store %arg23[%parallel_loop3A_1938], %parallel_loop3A_1935 {strides = array<i32>} : memref<22528xf32, #tpu.memory_space<vmem>>, vector<16xf32>,
      %parallel_loop3A_1940 = arith.constant 1 : i32
      %parallel_loop3A_1941 = arith.index_cast %parallel_loop3A_1940 : i32 to index
      %parallel_loop3A_1942 = arith.index_cast %parallel_loop3A_1885 : i32 to index
      %parallel_loop3A_1943 = tpu.vector_load %arg19[%parallel_loop3A_1941, %parallel_loop3A_1942] {strides = array<i32>} : memref<5x512xi32, #tpu.memory_space<vmem>>, vector<16xi32>,
      %parallel_loop3A_1944 = arith.constant 768 : i32
      %parallel_loop3A_1945 = vector.broadcast %parallel_loop3A_1944 : i32 to vector<16xi32>
      %parallel_loop3A_1946 = arith.addi %parallel_loop3A_1943, %parallel_loop3A_1945 : vector<16xi32>
      %parallel_loop3A_1947 = tpu.vector_load_idx %arg24[%parallel_loop3A_1946] : memref<1576xf32, #tpu.memory_space<vmem>>[vector<16xi32>], vector<16xf32>,
      %parallel_loop3A_1948 = arith.constant 11264 : i32
      %parallel_loop3A_1949 = arith.addi %parallel_loop3A_1948, %parallel_loop3A_1885 : i32
      %parallel_loop3A_1950 = arith.index_cast %parallel_loop3A_1949 : i32 to index
      %parallel_loop3A_1951 = tpu.vector_load %arg23[%parallel_loop3A_1950] {strides = array<i32>} : memref<22528xf32, #tpu.memory_space<vmem>>, vector<16xf32>,
      tpu.vector_store %arg23[%parallel_loop3A_1950], %parallel_loop3A_1947 {strides = array<i32>} : memref<22528xf32, #tpu.memory_space<vmem>>, vector<16xf32>,
      %parallel_loop3A_1952 = arith.constant 778 : i32
      %parallel_loop3A_1953 = vector.broadcast %parallel_loop3A_1952 : i32 to vector<16xi32>
      %parallel_loop3A_1954 = arith.addi %parallel_loop3A_1943, %parallel_loop3A_1953 : vector<16xi32>
      %parallel_loop3A_1955 = tpu.vector_load_idx %arg24[%parallel_loop3A_1954] : memref<1576xf32, #tpu.memory_space<vmem>>[vector<16xi32>], vector<16xf32>,
      %parallel_loop3A_1956 = arith.constant 11776 : i32
      %parallel_loop3A_1957 = arith.addi %parallel_loop3A_1956, %parallel_loop3A_1885 : i32
      %parallel_loop3A_1958 = arith.index_cast %parallel_loop3A_1957 : i32 to index
      %parallel_loop3A_1959 = tpu.vector_load %arg23[%parallel_loop3A_1958] {strides = array<i32>} : memref<22528xf32, #tpu.memory_space<vmem>>, vector<16xf32>,
      tpu.vector_store %arg23[%parallel_loop3A_1958], %parallel_loop3A_1955 {strides = array<i32>} : memref<22528xf32, #tpu.memory_space<vmem>>, vector<16xf32>,
      %parallel_loop3A_1960 = arith.constant 788 : i32
      %parallel_loop3A_1961 = vector.broadcast %parallel_loop3A_1960 : i32 to vector<16xi32>
      %parallel_loop3A_1962 = arith.addi %parallel_loop3A_1943, %parallel_loop3A_1961 : vector<16xi32>
      %parallel_loop3A_1963 = tpu.vector_load_idx %arg24[%parallel_loop3A_1962] : memref<1576xf32, #tpu.memory_space<vmem>>[vector<16xi32>], vector<16xf32>,
      %parallel_loop3A_1964 = arith.constant 12288 : i32
      %parallel_loop3A_1965 = arith.addi %parallel_loop3A_1964, %parallel_loop3A_1885 : i32
      %parallel_loop3A_1966 = arith.index_cast %parallel_loop3A_1965 : i32 to index
      %parallel_loop3A_1967 = tpu.vector_load %arg23[%parallel_loop3A_1966] {strides = array<i32>} : memref<22528xf32, #tpu.memory_space<vmem>>, vector<16xf32>,
      tpu.vector_store %arg23[%parallel_loop3A_1966], %parallel_loop3A_1963 {strides = array<i32>} : memref<22528xf32, #tpu.memory_space<vmem>>, vector<16xf32>,
      %parallel_loop3A_1968 = arith.constant 2 : i32
      %parallel_loop3A_1969 = arith.index_cast %parallel_loop3A_1968 : i32 to index
      %parallel_loop3A_1970 = arith.index_cast %parallel_loop3A_1885 : i32 to index
      %parallel_loop3A_1971 = tpu.vector_load %arg19[%parallel_loop3A_1969, %parallel_loop3A_1970] {strides = array<i32>} : memref<5x512xi32, #tpu.memory_space<vmem>>, vector<16xi32>,
      %parallel_loop3A_1972 = arith.constant 768 : i32
      %parallel_loop3A_1973 = vector.broadcast %parallel_loop3A_1972 : i32 to vector<16xi32>
      %parallel_loop3A_1974 = arith.addi %parallel_loop3A_1971, %parallel_loop3A_1973 : vector<16xi32>
      %parallel_loop3A_1975 = tpu.vector_load_idx %arg24[%parallel_loop3A_1974] : memref<1576xf32, #tpu.memory_space<vmem>>[vector<16xi32>], vector<16xf32>,
      %parallel_loop3A_1976 = arith.constant 12800 : i32
      %parallel_loop3A_1977 = arith.addi %parallel_loop3A_1976, %parallel_loop3A_1885 : i32
      %parallel_loop3A_1978 = arith.index_cast %parallel_loop3A_1977 : i32 to index
      %parallel_loop3A_1979 = tpu.vector_load %arg23[%parallel_loop3A_1978] {strides = array<i32>} : memref<22528xf32, #tpu.memory_space<vmem>>, vector<16xf32>,
      tpu.vector_store %arg23[%parallel_loop3A_1978], %parallel_loop3A_1975 {strides = array<i32>} : memref<22528xf32, #tpu.memory_space<vmem>>, vector<16xf32>,
      %parallel_loop3A_1980 = arith.constant 778 : i32
      %parallel_loop3A_1981 = vector.broadcast %parallel_loop3A_1980 : i32 to vector<16xi32>
      %parallel_loop3A_1982 = arith.addi %parallel_loop3A_1971, %parallel_loop3A_1981 : vector<16xi32>
      %parallel_loop3A_1983 = tpu.vector_load_idx %arg24[%parallel_loop3A_1982] : memref<1576xf32, #tpu.memory_space<vmem>>[vector<16xi32>], vector<16xf32>,
      %parallel_loop3A_1984 = arith.constant 13312 : i32
      %parallel_loop3A_1985 = arith.addi %parallel_loop3A_1984, %parallel_loop3A_1885 : i32
      %parallel_loop3A_1986 = arith.index_cast %parallel_loop3A_1985 : i32 to index
      %parallel_loop3A_1987 = tpu.vector_load %arg23[%parallel_loop3A_1986] {strides = array<i32>} : memref<22528xf32, #tpu.memory_space<vmem>>, vector<16xf32>,
      tpu.vector_store %arg23[%parallel_loop3A_1986], %parallel_loop3A_1983 {strides = array<i32>} : memref<22528xf32, #tpu.memory_space<vmem>>, vector<16xf32>,
      %parallel_loop3A_1988 = arith.constant 788 : i32
      %parallel_loop3A_1989 = vector.broadcast %parallel_loop3A_1988 : i32 to vector<16xi32>
      %parallel_loop3A_1990 = arith.addi %parallel_loop3A_1971, %parallel_loop3A_1989 : vector<16xi32>
      %parallel_loop3A_1991 = tpu.vector_load_idx %arg24[%parallel_loop3A_1990] : memref<1576xf32, #tpu.memory_space<vmem>>[vector<16xi32>], vector<16xf32>,
      %parallel_loop3A_1992 = arith.constant 13824 : i32
      %parallel_loop3A_1993 = arith.addi %parallel_loop3A_1992, %parallel_loop3A_1885 : i32
      %parallel_loop3A_1994 = arith.index_cast %parallel_loop3A_1993 : i32 to index
      %parallel_loop3A_1995 = tpu.vector_load %arg23[%parallel_loop3A_1994] {strides = array<i32>} : memref<22528xf32, #tpu.memory_space<vmem>>, vector<16xf32>,
      tpu.vector_store %arg23[%parallel_loop3A_1994], %parallel_loop3A_1991 {strides = array<i32>} : memref<22528xf32, #tpu.memory_space<vmem>>, vector<16xf32>,
      %parallel_loop3A_1996 = arith.constant 3 : i32
      %parallel_loop3A_1997 = arith.index_cast %parallel_loop3A_1996 : i32 to index
      %parallel_loop3A_1998 = arith.index_cast %parallel_loop3A_1885 : i32 to index
      %parallel_loop3A_1999 = tpu.vector_load %arg19[%parallel_loop3A_1997, %parallel_loop3A_1998] {strides = array<i32>} : memref<5x512xi32, #tpu.memory_space<vmem>>, vector<16xi32>,
      %parallel_loop3A_2000 = arith.constant 768 : i32
      %parallel_loop3A_2001 = vector.broadcast %parallel_loop3A_2000 : i32 to vector<16xi32>
      %parallel_loop3A_2002 = arith.addi %parallel_loop3A_1999, %parallel_loop3A_2001 : vector<16xi32>
      %parallel_loop3A_2003 = tpu.vector_load_idx %arg24[%parallel_loop3A_2002] : memref<1576xf32, #tpu.memory_space<vmem>>[vector<16xi32>], vector<16xf32>,
      %parallel_loop3A_2004 = arith.constant 14336 : i32
      %parallel_loop3A_2005 = arith.addi %parallel_loop3A_2004, %parallel_loop3A_1885 : i32
      %parallel_loop3A_2006 = arith.index_cast %parallel_loop3A_2005 : i32 to index
      %parallel_loop3A_2007 = tpu.vector_load %arg23[%parallel_loop3A_2006] {strides = array<i32>} : memref<22528xf32, #tpu.memory_space<vmem>>, vector<16xf32>,
      tpu.vector_store %arg23[%parallel_loop3A_2006], %parallel_loop3A_2003 {strides = array<i32>} : memref<22528xf32, #tpu.memory_space<vmem>>, vector<16xf32>,
      %parallel_loop3A_2008 = arith.constant 778 : i32
      %parallel_loop3A_2009 = vector.broadcast %parallel_loop3A_2008 : i32 to vector<16xi32>
      %parallel_loop3A_2010 = arith.addi %parallel_loop3A_1999, %parallel_loop3A_2009 : vector<16xi32>
      %parallel_loop3A_2011 = tpu.vector_load_idx %arg24[%parallel_loop3A_2010] : memref<1576xf32, #tpu.memory_space<vmem>>[vector<16xi32>], vector<16xf32>,
      %parallel_loop3A_2012 = arith.constant 14848 : i32
      %parallel_loop3A_2013 = arith.addi %parallel_loop3A_2012, %parallel_loop3A_1885 : i32
      %parallel_loop3A_2014 = arith.index_cast %parallel_loop3A_2013 : i32 to index
      %parallel_loop3A_2015 = tpu.vector_load %arg23[%parallel_loop3A_2014] {strides = array<i32>} : memref<22528xf32, #tpu.memory_space<vmem>>, vector<16xf32>,
      tpu.vector_store %arg23[%parallel_loop3A_2014], %parallel_loop3A_2011 {strides = array<i32>} : memref<22528xf32, #tpu.memory_space<vmem>>, vector<16xf32>,
      %parallel_loop3A_2016 = arith.constant 788 : i32
      %parallel_loop3A_2017 = vector.broadcast %parallel_loop3A_2016 : i32 to vector<16xi32>
      %parallel_loop3A_2018 = arith.addi %parallel_loop3A_1999, %parallel_loop3A_2017 : vector<16xi32>
      %parallel_loop3A_2019 = tpu.vector_load_idx %arg24[%parallel_loop3A_2018] : memref<1576xf32, #tpu.memory_space<vmem>>[vector<16xi32>], vector<16xf32>,
      %parallel_loop3A_2020 = arith.constant 15360 : i32
      %parallel_loop3A_2021 = arith.addi %parallel_loop3A_2020, %parallel_loop3A_1885 : i32
      %parallel_loop3A_2022 = arith.index_cast %parallel_loop3A_2021 : i32 to index
      %parallel_loop3A_2023 = tpu.vector_load %arg23[%parallel_loop3A_2022] {strides = array<i32>} : memref<22528xf32, #tpu.memory_space<vmem>>, vector<16xf32>,
      tpu.vector_store %arg23[%parallel_loop3A_2022], %parallel_loop3A_2019 {strides = array<i32>} : memref<22528xf32, #tpu.memory_space<vmem>>, vector<16xf32>,
      %parallel_loop3A_2024 = arith.constant 4 : i32
      %parallel_loop3A_2025 = arith.index_cast %parallel_loop3A_2024 : i32 to index
      %parallel_loop3A_2026 = arith.index_cast %parallel_loop3A_1885 : i32 to index
      %parallel_loop3A_2027 = tpu.vector_load %arg19[%parallel_loop3A_2025, %parallel_loop3A_2026] {strides = array<i32>} : memref<5x512xi32, #tpu.memory_space<vmem>>, vector<16xi32>,
      %parallel_loop3A_2028 = arith.constant 768 : i32
      %parallel_loop3A_2029 = vector.broadcast %parallel_loop3A_2028 : i32 to vector<16xi32>
      %parallel_loop3A_2030 = arith.addi %parallel_loop3A_2027, %parallel_loop3A_2029 : vector<16xi32>
      %parallel_loop3A_2031 = tpu.vector_load_idx %arg24[%parallel_loop3A_2030] : memref<1576xf32, #tpu.memory_space<vmem>>[vector<16xi32>], vector<16xf32>,
      %parallel_loop3A_2032 = arith.constant 15872 : i32
      %parallel_loop3A_2033 = arith.addi %parallel_loop3A_2032, %parallel_loop3A_1885 : i32
      %parallel_loop3A_2034 = arith.index_cast %parallel_loop3A_2033 : i32 to index
      %parallel_loop3A_2035 = tpu.vector_load %arg23[%parallel_loop3A_2034] {strides = array<i32>} : memref<22528xf32, #tpu.memory_space<vmem>>, vector<16xf32>,
      tpu.vector_store %arg23[%parallel_loop3A_2034], %parallel_loop3A_2031 {strides = array<i32>} : memref<22528xf32, #tpu.memory_space<vmem>>, vector<16xf32>,
      %parallel_loop3A_2036 = arith.constant 778 : i32
      %parallel_loop3A_2037 = vector.broadcast %parallel_loop3A_2036 : i32 to vector<16xi32>
      %parallel_loop3A_2038 = arith.addi %parallel_loop3A_2027, %parallel_loop3A_2037 : vector<16xi32>
      %parallel_loop3A_2039 = tpu.vector_load_idx %arg24[%parallel_loop3A_2038] : memref<1576xf32, #tpu.memory_space<vmem>>[vector<16xi32>], vector<16xf32>,
      %parallel_loop3A_2040 = arith.constant 16384 : i32
      %parallel_loop3A_2041 = arith.addi %parallel_loop3A_2040, %parallel_loop3A_1885 : i32
      %parallel_loop3A_2042 = arith.index_cast %parallel_loop3A_2041 : i32 to index
      %parallel_loop3A_2043 = tpu.vector_load %arg23[%parallel_loop3A_2042] {strides = array<i32>} : memref<22528xf32, #tpu.memory_space<vmem>>, vector<16xf32>,
      tpu.vector_store %arg23[%parallel_loop3A_2042], %parallel_loop3A_2039 {strides = array<i32>} : memref<22528xf32, #tpu.memory_space<vmem>>, vector<16xf32>,
      %parallel_loop3A_2044 = arith.constant 788 : i32
      %parallel_loop3A_2045 = vector.broadcast %parallel_loop3A_2044 : i32 to vector<16xi32>
      %parallel_loop3A_2046 = arith.addi %parallel_loop3A_2027, %parallel_loop3A_2045 : vector<16xi32>
      %parallel_loop3A_2047 = tpu.vector_load_idx %arg24[%parallel_loop3A_2046] : memref<1576xf32, #tpu.memory_space<vmem>>[vector<16xi32>], vector<16xf32>,
      %parallel_loop3A_2048 = arith.constant 16896 : i32
      %parallel_loop3A_2049 = arith.addi %parallel_loop3A_2048, %parallel_loop3A_1885 : i32
      %parallel_loop3A_2050 = arith.index_cast %parallel_loop3A_2049 : i32 to index
      %parallel_loop3A_2051 = tpu.vector_load %arg23[%parallel_loop3A_2050] {strides = array<i32>} : memref<22528xf32, #tpu.memory_space<vmem>>, vector<16xf32>,
      tpu.vector_store %arg23[%parallel_loop3A_2050], %parallel_loop3A_2047 {strides = array<i32>} : memref<22528xf32, #tpu.memory_space<vmem>>, vector<16xf32>,
      %parallel_loop3A_2052 = arith.index_cast %parallel_loop3A_1885 : i32 to index
      %parallel_loop3A_2053 = tpu.vector_load %arg17[%parallel_loop3A_2052] {strides = array<i32>} : memref<512xi32, #tpu.memory_space<vmem>>, vector<16xi32>,
      %parallel_loop3A_2054 = arith.constant 798 : i32
      %parallel_loop3A_2055 = vector.broadcast %parallel_loop3A_2054 : i32 to vector<16xi32>
      %parallel_loop3A_2056 = arith.addi %parallel_loop3A_2053, %parallel_loop3A_2055 : vector<16xi32>
      %parallel_loop3A_2057 = tpu.vector_load_idx %arg24[%parallel_loop3A_2056] : memref<1576xf32, #tpu.memory_space<vmem>>[vector<16xi32>], vector<16xf32>,
      %parallel_loop3A_2058 = arith.constant 17408 : i32
      %parallel_loop3A_2059 = arith.addi %parallel_loop3A_2058, %parallel_loop3A_1885 : i32
      %parallel_loop3A_2060 = arith.index_cast %parallel_loop3A_2059 : i32 to index
      %parallel_loop3A_2061 = tpu.vector_load %arg23[%parallel_loop3A_2060] {strides = array<i32>} : memref<22528xf32, #tpu.memory_space<vmem>>, vector<16xf32>,
      tpu.vector_store %arg23[%parallel_loop3A_2060], %parallel_loop3A_2057 {strides = array<i32>} : memref<22528xf32, #tpu.memory_space<vmem>>, vector<16xf32>,
      %parallel_loop3A_2062 = arith.constant 1054 : i32
      %parallel_loop3A_2063 = vector.broadcast %parallel_loop3A_2062 : i32 to vector<16xi32>
      %parallel_loop3A_2064 = arith.addi %parallel_loop3A_2053, %parallel_loop3A_2063 : vector<16xi32>
      %parallel_loop3A_2065 = tpu.vector_load_idx %arg24[%parallel_loop3A_2064] : memref<1576xf32, #tpu.memory_space<vmem>>[vector<16xi32>], vector<16xf32>,
      %parallel_loop3A_2066 = arith.constant 17920 : i32
      %parallel_loop3A_2067 = arith.addi %parallel_loop3A_2066, %parallel_loop3A_1885 : i32
      %parallel_loop3A_2068 = arith.index_cast %parallel_loop3A_2067 : i32 to index
      %parallel_loop3A_2069 = tpu.vector_load %arg23[%parallel_loop3A_2068] {strides = array<i32>} : memref<22528xf32, #tpu.memory_space<vmem>>, vector<16xf32>,
      tpu.vector_store %arg23[%parallel_loop3A_2068], %parallel_loop3A_2065 {strides = array<i32>} : memref<22528xf32, #tpu.memory_space<vmem>>, vector<16xf32>,
      %parallel_loop3A_2070 = arith.constant 1310 : i32
      %parallel_loop3A_2071 = vector.broadcast %parallel_loop3A_2070 : i32 to vector<16xi32>
      %parallel_loop3A_2072 = arith.addi %parallel_loop3A_2053, %parallel_loop3A_2071 : vector<16xi32>
      %parallel_loop3A_2073 = tpu.vector_load_idx %arg24[%parallel_loop3A_2072] : memref<1576xf32, #tpu.memory_space<vmem>>[vector<16xi32>], vector<16xf32>,
      %parallel_loop3A_2074 = arith.constant 18432 : i32
      %parallel_loop3A_2075 = arith.addi %parallel_loop3A_2074, %parallel_loop3A_1885 : i32
      %parallel_loop3A_2076 = arith.index_cast %parallel_loop3A_2075 : i32 to index
      %parallel_loop3A_2077 = tpu.vector_load %arg23[%parallel_loop3A_2076] {strides = array<i32>} : memref<22528xf32, #tpu.memory_space<vmem>>, vector<16xf32>,
      tpu.vector_store %arg23[%parallel_loop3A_2076], %parallel_loop3A_2073 {strides = array<i32>} : memref<22528xf32, #tpu.memory_space<vmem>>, vector<16xf32>,
      %parallel_loop3A_2078 = arith.index_cast %parallel_loop3A_1885 : i32 to index
      %parallel_loop3A_2079 = tpu.vector_load %arg18[%parallel_loop3A_2078] {strides = array<i32>} : memref<512xi32, #tpu.memory_space<vmem>>, vector<16xi32>,
      %parallel_loop3A_2080 = arith.constant 1566 : i32
      %parallel_loop3A_2081 = vector.broadcast %parallel_loop3A_2080 : i32 to vector<16xi32>
      %parallel_loop3A_2082 = arith.addi %parallel_loop3A_2079, %parallel_loop3A_2081 : vector<16xi32>
      %parallel_loop3A_2083 = tpu.vector_load_idx %arg24[%parallel_loop3A_2082] : memref<1576xf32, #tpu.memory_space<vmem>>[vector<16xi32>], vector<16xf32>,
      %parallel_loop3A_2084 = arith.constant 18944 : i32
      %parallel_loop3A_2085 = arith.addi %parallel_loop3A_2084, %parallel_loop3A_1885 : i32
      %parallel_loop3A_2086 = arith.index_cast %parallel_loop3A_2085 : i32 to index
      %parallel_loop3A_2087 = tpu.vector_load %arg23[%parallel_loop3A_2086] {strides = array<i32>} : memref<22528xf32, #tpu.memory_space<vmem>>, vector<16xf32>,
      tpu.vector_store %arg23[%parallel_loop3A_2086], %parallel_loop3A_2083 {strides = array<i32>} : memref<22528xf32, #tpu.memory_space<vmem>>, vector<16xf32>,
      %parallel_loop3A_2088 = arith.constant 1571 : i32
      %parallel_loop3A_2089 = vector.broadcast %parallel_loop3A_2088 : i32 to vector<16xi32>
      %parallel_loop3A_2090 = arith.addi %parallel_loop3A_2079, %parallel_loop3A_2089 : vector<16xi32>
      %parallel_loop3A_2091 = tpu.vector_load_idx %arg24[%parallel_loop3A_2090] : memref<1576xf32, #tpu.memory_space<vmem>>[vector<16xi32>], vector<16xf32>,
      %parallel_loop3A_2092 = arith.constant 19456 : i32
      %parallel_loop3A_2093 = arith.addi %parallel_loop3A_2092, %parallel_loop3A_1885 : i32
      %parallel_loop3A_2094 = arith.index_cast %parallel_loop3A_2093 : i32 to index
      %parallel_loop3A_2095 = tpu.vector_load %arg23[%parallel_loop3A_2094] {strides = array<i32>} : memref<22528xf32, #tpu.memory_space<vmem>>, vector<16xf32>,
      tpu.vector_store %arg23[%parallel_loop3A_2094], %parallel_loop3A_2091 {strides = array<i32>} : memref<22528xf32, #tpu.memory_space<vmem>>, vector<16xf32>,
      %parallel_loop3A_2096 = arith.constant 0 : i32
      %parallel_loop3A_2097 = arith.index_cast %parallel_loop3A_2096 : i32 to index
      %parallel_loop3A_2098 = arith.index_cast %parallel_loop3A_1885 : i32 to index
      %parallel_loop3A_2099 = tpu.vector_load %arg20[%parallel_loop3A_2097, %parallel_loop3A_2098] {strides = array<i32>} : memref<5x512xf32, #tpu.memory_space<vmem>>, vector<16xf32>,
      %parallel_loop3A_2100 = arith.constant 19968 : i32
      %parallel_loop3A_2101 = arith.addi %parallel_loop3A_2100, %parallel_loop3A_1885 : i32
      %parallel_loop3A_2102 = arith.index_cast %parallel_loop3A_2101 : i32 to index
      %parallel_loop3A_2103 = tpu.vector_load %arg23[%parallel_loop3A_2102] {strides = array<i32>} : memref<22528xf32, #tpu.memory_space<vmem>>, vector<16xf32>,
      tpu.vector_store %arg23[%parallel_loop3A_2102], %parallel_loop3A_2099 {strides = array<i32>} : memref<22528xf32, #tpu.memory_space<vmem>>, vector<16xf32>,
      %parallel_loop3A_2104 = arith.constant 1 : i32
      %parallel_loop3A_2105 = arith.index_cast %parallel_loop3A_2104 : i32 to index
      %parallel_loop3A_2106 = arith.index_cast %parallel_loop3A_1885 : i32 to index
      %parallel_loop3A_2107 = tpu.vector_load %arg20[%parallel_loop3A_2105, %parallel_loop3A_2106] {strides = array<i32>} : memref<5x512xf32, #tpu.memory_space<vmem>>, vector<16xf32>,
      %parallel_loop3A_2108 = arith.constant 20480 : i32
      %parallel_loop3A_2109 = arith.addi %parallel_loop3A_2108, %parallel_loop3A_1885 : i32
      %parallel_loop3A_2110 = arith.index_cast %parallel_loop3A_2109 : i32 to index
      %parallel_loop3A_2111 = tpu.vector_load %arg23[%parallel_loop3A_2110] {strides = array<i32>} : memref<22528xf32, #tpu.memory_space<vmem>>, vector<16xf32>,
      tpu.vector_store %arg23[%parallel_loop3A_2110], %parallel_loop3A_2107 {strides = array<i32>} : memref<22528xf32, #tpu.memory_space<vmem>>, vector<16xf32>,
      %parallel_loop3A_2112 = arith.constant 2 : i32
      %parallel_loop3A_2113 = arith.index_cast %parallel_loop3A_2112 : i32 to index
      %parallel_loop3A_2114 = arith.index_cast %parallel_loop3A_1885 : i32 to index
      %parallel_loop3A_2115 = tpu.vector_load %arg20[%parallel_loop3A_2113, %parallel_loop3A_2114] {strides = array<i32>} : memref<5x512xf32, #tpu.memory_space<vmem>>, vector<16xf32>,
      %parallel_loop3A_2116 = arith.constant 20992 : i32
      %parallel_loop3A_2117 = arith.addi %parallel_loop3A_2116, %parallel_loop3A_1885 : i32
      %parallel_loop3A_2118 = arith.index_cast %parallel_loop3A_2117 : i32 to index
      %parallel_loop3A_2119 = tpu.vector_load %arg23[%parallel_loop3A_2118] {strides = array<i32>} : memref<22528xf32, #tpu.memory_space<vmem>>, vector<16xf32>,
      tpu.vector_store %arg23[%parallel_loop3A_2118], %parallel_loop3A_2115 {strides = array<i32>} : memref<22528xf32, #tpu.memory_space<vmem>>, vector<16xf32>,
      %parallel_loop3A_2120 = arith.constant 3 : i32
      %parallel_loop3A_2121 = arith.index_cast %parallel_loop3A_2120 : i32 to index
      %parallel_loop3A_2122 = arith.index_cast %parallel_loop3A_1885 : i32 to index
      %parallel_loop3A_2123 = tpu.vector_load %arg20[%parallel_loop3A_2121, %parallel_loop3A_2122] {strides = array<i32>} : memref<5x512xf32, #tpu.memory_space<vmem>>, vector<16xf32>,
      %parallel_loop3A_2124 = arith.constant 21504 : i32
      %parallel_loop3A_2125 = arith.addi %parallel_loop3A_2124, %parallel_loop3A_1885 : i32
      %parallel_loop3A_2126 = arith.index_cast %parallel_loop3A_2125 : i32 to index
      %parallel_loop3A_2127 = tpu.vector_load %arg23[%parallel_loop3A_2126] {strides = array<i32>} : memref<22528xf32, #tpu.memory_space<vmem>>, vector<16xf32>,
      tpu.vector_store %arg23[%parallel_loop3A_2126], %parallel_loop3A_2123 {strides = array<i32>} : memref<22528xf32, #tpu.memory_space<vmem>>, vector<16xf32>,
      %parallel_loop3A_2128 = arith.constant 4 : i32
      %parallel_loop3A_2129 = arith.index_cast %parallel_loop3A_2128 : i32 to index
      %parallel_loop3A_2130 = arith.index_cast %parallel_loop3A_1885 : i32 to index
      %parallel_loop3A_2131 = tpu.vector_load %arg20[%parallel_loop3A_2129, %parallel_loop3A_2130] {strides = array<i32>} : memref<5x512xf32, #tpu.memory_space<vmem>>, vector<16xf32>,
      %parallel_loop3A_2132 = arith.constant 22016 : i32
      %parallel_loop3A_2133 = arith.addi %parallel_loop3A_2132, %parallel_loop3A_1885 : i32
      %parallel_loop3A_2134 = arith.index_cast %parallel_loop3A_2133 : i32 to index
      %parallel_loop3A_2135 = tpu.vector_load %arg23[%parallel_loop3A_2134] {strides = array<i32>} : memref<22528xf32, #tpu.memory_space<vmem>>, vector<16xf32>,
      tpu.vector_store %arg23[%parallel_loop3A_2134], %parallel_loop3A_2131 {strides = array<i32>} : memref<22528xf32, #tpu.memory_space<vmem>>, vector<16xf32>,
    } {sc.loop_unroll_factor = 2 : i64, sc.parallel_access}
    %dma_start3A_1005 = arith.constant 16 : i32
    %dma_start3A_1006 = arith.constant 8192 : i32
    %dma_start3A_1007 = tpu.memref_slice %arg23[%dma_start3A_1006] : memref<22528xf32, #tpu.memory_space<vmem>> -> memref<512xf32, #tpu.memory_space<vmem>>
    %dma_start3A_1008 = tpu.memref_slice %arg12[%dma_start3A_1005, %mul3A_2] : memref<44x16384xf32, #tpu.memory_space<hbm>> -> memref<1x512xf32, #tpu.memory_space<hbm>>
    %dma_start3A_1009 = tpu.memref_squeeze %dma_start3A_1008 : memref<1x512xf32, #tpu.memory_space<hbm>> -> memref<512xf32, #tpu.memory_space<hbm>>
    %dma_start3A_1010 = tpu.memref_slice %arg12[%dma_start3A_1005, %mul3A_2] : memref<44x16384xf32, #tpu.memory_space<hbm>> -> memref<1x512xf32, #tpu.memory_space<hbm>>
    %dma_start3A_1011 = tpu.memref_squeeze %dma_start3A_1010 : memref<1x512xf32, #tpu.memory_space<hbm>> -> memref<512xf32, #tpu.memory_space<hbm>>
    %dma_start3A_1012 = arith.constant 8192 : i32
    %dma_start3A_1013 = tpu.memref_slice %arg23[%dma_start3A_1012] : memref<22528xf32, #tpu.memory_space<vmem>> -> memref<512xf32, #tpu.memory_space<vmem>>
    tpu.enqueue_dma source(%dma_start3A_1013 : memref<512xf32, #tpu.memory_space<vmem>>) target(%dma_start3A_1011 : memref<512xf32, #tpu.memory_space<hbm>>) target_semaphore(%arg28 : memref<!tpu.dma_semaphore, #tpu.memory_space<semaphore_mem>>)
    %dma_start3A_1014 = arith.constant 17 : i32
    %dma_start3A_1015 = arith.constant 8704 : i32
    %dma_start3A_1016 = tpu.memref_slice %arg23[%dma_start3A_1015] : memref<22528xf32, #tpu.memory_space<vmem>> -> memref<512xf32, #tpu.memory_space<vmem>>
    %dma_start3A_1017 = tpu.memref_slice %arg12[%dma_start3A_1014, %mul3A_2] : memref<44x16384xf32, #tpu.memory_space<hbm>> -> memref<1x512xf32, #tpu.memory_space<hbm>>
    %dma_start3A_1018 = tpu.memref_squeeze %dma_start3A_1017 : memref<1x512xf32, #tpu.memory_space<hbm>> -> memref<512xf32, #tpu.memory_space<hbm>>
    %dma_start3A_1019 = tpu.memref_slice %arg12[%dma_start3A_1014, %mul3A_2] : memref<44x16384xf32, #tpu.memory_space<hbm>> -> memref<1x512xf32, #tpu.memory_space<hbm>>
    %dma_start3A_1020 = tpu.memref_squeeze %dma_start3A_1019 : memref<1x512xf32, #tpu.memory_space<hbm>> -> memref<512xf32, #tpu.memory_space<hbm>>
    %dma_start3A_1021 = arith.constant 8704 : i32
    %dma_start3A_1022 = tpu.memref_slice %arg23[%dma_start3A_1021] : memref<22528xf32, #tpu.memory_space<vmem>> -> memref<512xf32, #tpu.memory_space<vmem>>
    tpu.enqueue_dma source(%dma_start3A_1022 : memref<512xf32, #tpu.memory_space<vmem>>) target(%dma_start3A_1020 : memref<512xf32, #tpu.memory_space<hbm>>) target_semaphore(%arg28 : memref<!tpu.dma_semaphore, #tpu.memory_space<semaphore_mem>>)
    %dma_start3A_1023 = arith.constant 18 : i32
    %dma_start3A_1024 = arith.constant 9216 : i32
    %dma_start3A_1025 = tpu.memref_slice %arg23[%dma_start3A_1024] : memref<22528xf32, #tpu.memory_space<vmem>> -> memref<512xf32, #tpu.memory_space<vmem>>
    %dma_start3A_1026 = tpu.memref_slice %arg12[%dma_start3A_1023, %mul3A_2] : memref<44x16384xf32, #tpu.memory_space<hbm>> -> memref<1x512xf32, #tpu.memory_space<hbm>>
    %dma_start3A_1027 = tpu.memref_squeeze %dma_start3A_1026 : memref<1x512xf32, #tpu.memory_space<hbm>> -> memref<512xf32, #tpu.memory_space<hbm>>
    %dma_start3A_1028 = tpu.memref_slice %arg12[%dma_start3A_1023, %mul3A_2] : memref<44x16384xf32, #tpu.memory_space<hbm>> -> memref<1x512xf32, #tpu.memory_space<hbm>>
    %dma_start3A_1029 = tpu.memref_squeeze %dma_start3A_1028 : memref<1x512xf32, #tpu.memory_space<hbm>> -> memref<512xf32, #tpu.memory_space<hbm>>
    %dma_start3A_1030 = arith.constant 9216 : i32
    %dma_start3A_1031 = tpu.memref_slice %arg23[%dma_start3A_1030] : memref<22528xf32, #tpu.memory_space<vmem>> -> memref<512xf32, #tpu.memory_space<vmem>>
    tpu.enqueue_dma source(%dma_start3A_1031 : memref<512xf32, #tpu.memory_space<vmem>>) target(%dma_start3A_1029 : memref<512xf32, #tpu.memory_space<hbm>>) target_semaphore(%arg28 : memref<!tpu.dma_semaphore, #tpu.memory_space<semaphore_mem>>)
    %dma_start3A_1032 = arith.constant 19 : i32
    %dma_start3A_1033 = arith.constant 9728 : i32
    %dma_start3A_1034 = tpu.memref_slice %arg23[%dma_start3A_1033] : memref<22528xf32, #tpu.memory_space<vmem>> -> memref<512xf32, #tpu.memory_space<vmem>>
    %dma_start3A_1035 = tpu.memref_slice %arg12[%dma_start3A_1032, %mul3A_2] : memref<44x16384xf32, #tpu.memory_space<hbm>> -> memref<1x512xf32, #tpu.memory_space<hbm>>
    %dma_start3A_1036 = tpu.memref_squeeze %dma_start3A_1035 : memref<1x512xf32, #tpu.memory_space<hbm>> -> memref<512xf32, #tpu.memory_space<hbm>>
    %dma_start3A_1037 = tpu.memref_slice %arg12[%dma_start3A_1032, %mul3A_2] : memref<44x16384xf32, #tpu.memory_space<hbm>> -> memref<1x512xf32, #tpu.memory_space<hbm>>
    %dma_start3A_1038 = tpu.memref_squeeze %dma_start3A_1037 : memref<1x512xf32, #tpu.memory_space<hbm>> -> memref<512xf32, #tpu.memory_space<hbm>>
    %dma_start3A_1039 = arith.constant 9728 : i32
    %dma_start3A_1040 = tpu.memref_slice %arg23[%dma_start3A_1039] : memref<22528xf32, #tpu.memory_space<vmem>> -> memref<512xf32, #tpu.memory_space<vmem>>
    tpu.enqueue_dma source(%dma_start3A_1040 : memref<512xf32, #tpu.memory_space<vmem>>) target(%dma_start3A_1038 : memref<512xf32, #tpu.memory_space<hbm>>) target_semaphore(%arg28 : memref<!tpu.dma_semaphore, #tpu.memory_space<semaphore_mem>>)
    %dma_start3A_1041 = arith.constant 20 : i32
    %dma_start3A_1042 = arith.constant 10240 : i32
    %dma_start3A_1043 = tpu.memref_slice %arg23[%dma_start3A_1042] : memref<22528xf32, #tpu.memory_space<vmem>> -> memref<512xf32, #tpu.memory_space<vmem>>
    %dma_start3A_1044 = tpu.memref_slice %arg12[%dma_start3A_1041, %mul3A_2] : memref<44x16384xf32, #tpu.memory_space<hbm>> -> memref<1x512xf32, #tpu.memory_space<hbm>>
    %dma_start3A_1045 = tpu.memref_squeeze %dma_start3A_1044 : memref<1x512xf32, #tpu.memory_space<hbm>> -> memref<512xf32, #tpu.memory_space<hbm>>
    %dma_start3A_1046 = tpu.memref_slice %arg12[%dma_start3A_1041, %mul3A_2] : memref<44x16384xf32, #tpu.memory_space<hbm>> -> memref<1x512xf32, #tpu.memory_space<hbm>>
    %dma_start3A_1047 = tpu.memref_squeeze %dma_start3A_1046 : memref<1x512xf32, #tpu.memory_space<hbm>> -> memref<512xf32, #tpu.memory_space<hbm>>
    %dma_start3A_1048 = arith.constant 10240 : i32
    %dma_start3A_1049 = tpu.memref_slice %arg23[%dma_start3A_1048] : memref<22528xf32, #tpu.memory_space<vmem>> -> memref<512xf32, #tpu.memory_space<vmem>>
    tpu.enqueue_dma source(%dma_start3A_1049 : memref<512xf32, #tpu.memory_space<vmem>>) target(%dma_start3A_1047 : memref<512xf32, #tpu.memory_space<hbm>>) target_semaphore(%arg28 : memref<!tpu.dma_semaphore, #tpu.memory_space<semaphore_mem>>)
    %dma_start3A_1050 = arith.constant 21 : i32
    %dma_start3A_1051 = arith.constant 10752 : i32
    %dma_start3A_1052 = tpu.memref_slice %arg23[%dma_start3A_1051] : memref<22528xf32, #tpu.memory_space<vmem>> -> memref<512xf32, #tpu.memory_space<vmem>>
    %dma_start3A_1053 = tpu.memref_slice %arg12[%dma_start3A_1050, %mul3A_2] : memref<44x16384xf32, #tpu.memory_space<hbm>> -> memref<1x512xf32, #tpu.memory_space<hbm>>
    %dma_start3A_1054 = tpu.memref_squeeze %dma_start3A_1053 : memref<1x512xf32, #tpu.memory_space<hbm>> -> memref<512xf32, #tpu.memory_space<hbm>>
    %dma_start3A_1055 = tpu.memref_slice %arg12[%dma_start3A_1050, %mul3A_2] : memref<44x16384xf32, #tpu.memory_space<hbm>> -> memref<1x512xf32, #tpu.memory_space<hbm>>
    %dma_start3A_1056 = tpu.memref_squeeze %dma_start3A_1055 : memref<1x512xf32, #tpu.memory_space<hbm>> -> memref<512xf32, #tpu.memory_space<hbm>>
    %dma_start3A_1057 = arith.constant 10752 : i32
    %dma_start3A_1058 = tpu.memref_slice %arg23[%dma_start3A_1057] : memref<22528xf32, #tpu.memory_space<vmem>> -> memref<512xf32, #tpu.memory_space<vmem>>
    tpu.enqueue_dma source(%dma_start3A_1058 : memref<512xf32, #tpu.memory_space<vmem>>) target(%dma_start3A_1056 : memref<512xf32, #tpu.memory_space<hbm>>) target_semaphore(%arg28 : memref<!tpu.dma_semaphore, #tpu.memory_space<semaphore_mem>>)
    %dma_start3A_1059 = arith.constant 22 : i32
    %dma_start3A_1060 = arith.constant 11264 : i32
    %dma_start3A_1061 = tpu.memref_slice %arg23[%dma_start3A_1060] : memref<22528xf32, #tpu.memory_space<vmem>> -> memref<512xf32, #tpu.memory_space<vmem>>
    %dma_start3A_1062 = tpu.memref_slice %arg12[%dma_start3A_1059, %mul3A_2] : memref<44x16384xf32, #tpu.memory_space<hbm>> -> memref<1x512xf32, #tpu.memory_space<hbm>>
    %dma_start3A_1063 = tpu.memref_squeeze %dma_start3A_1062 : memref<1x512xf32, #tpu.memory_space<hbm>> -> memref<512xf32, #tpu.memory_space<hbm>>
    %dma_start3A_1064 = tpu.memref_slice %arg12[%dma_start3A_1059, %mul3A_2] : memref<44x16384xf32, #tpu.memory_space<hbm>> -> memref<1x512xf32, #tpu.memory_space<hbm>>
    %dma_start3A_1065 = tpu.memref_squeeze %dma_start3A_1064 : memref<1x512xf32, #tpu.memory_space<hbm>> -> memref<512xf32, #tpu.memory_space<hbm>>
    %dma_start3A_1066 = arith.constant 11264 : i32
    %dma_start3A_1067 = tpu.memref_slice %arg23[%dma_start3A_1066] : memref<22528xf32, #tpu.memory_space<vmem>> -> memref<512xf32, #tpu.memory_space<vmem>>
    tpu.enqueue_dma source(%dma_start3A_1067 : memref<512xf32, #tpu.memory_space<vmem>>) target(%dma_start3A_1065 : memref<512xf32, #tpu.memory_space<hbm>>) target_semaphore(%arg28 : memref<!tpu.dma_semaphore, #tpu.memory_space<semaphore_mem>>)
    %dma_start3A_1068 = arith.constant 23 : i32
    %dma_start3A_1069 = arith.constant 11776 : i32
    %dma_start3A_1070 = tpu.memref_slice %arg23[%dma_start3A_1069] : memref<22528xf32, #tpu.memory_space<vmem>> -> memref<512xf32, #tpu.memory_space<vmem>>
    %dma_start3A_1071 = tpu.memref_slice %arg12[%dma_start3A_1068, %mul3A_2] : memref<44x16384xf32, #tpu.memory_space<hbm>> -> memref<1x512xf32, #tpu.memory_space<hbm>>
    %dma_start3A_1072 = tpu.memref_squeeze %dma_start3A_1071 : memref<1x512xf32, #tpu.memory_space<hbm>> -> memref<512xf32, #tpu.memory_space<hbm>>
    %dma_start3A_1073 = tpu.memref_slice %arg12[%dma_start3A_1068, %mul3A_2] : memref<44x16384xf32, #tpu.memory_space<hbm>> -> memref<1x512xf32, #tpu.memory_space<hbm>>
    %dma_start3A_1074 = tpu.memref_squeeze %dma_start3A_1073 : memref<1x512xf32, #tpu.memory_space<hbm>> -> memref<512xf32, #tpu.memory_space<hbm>>
    %dma_start3A_1075 = arith.constant 11776 : i32
    %dma_start3A_1076 = tpu.memref_slice %arg23[%dma_start3A_1075] : memref<22528xf32, #tpu.memory_space<vmem>> -> memref<512xf32, #tpu.memory_space<vmem>>
    tpu.enqueue_dma source(%dma_start3A_1076 : memref<512xf32, #tpu.memory_space<vmem>>) target(%dma_start3A_1074 : memref<512xf32, #tpu.memory_space<hbm>>) target_semaphore(%arg28 : memref<!tpu.dma_semaphore, #tpu.memory_space<semaphore_mem>>)
    %dma_start3A_1077 = arith.constant 24 : i32
    %dma_start3A_1078 = arith.constant 12288 : i32
    %dma_start3A_1079 = tpu.memref_slice %arg23[%dma_start3A_1078] : memref<22528xf32, #tpu.memory_space<vmem>> -> memref<512xf32, #tpu.memory_space<vmem>>
    %dma_start3A_1080 = tpu.memref_slice %arg12[%dma_start3A_1077, %mul3A_2] : memref<44x16384xf32, #tpu.memory_space<hbm>> -> memref<1x512xf32, #tpu.memory_space<hbm>>
    %dma_start3A_1081 = tpu.memref_squeeze %dma_start3A_1080 : memref<1x512xf32, #tpu.memory_space<hbm>> -> memref<512xf32, #tpu.memory_space<hbm>>
    %dma_start3A_1082 = tpu.memref_slice %arg12[%dma_start3A_1077, %mul3A_2] : memref<44x16384xf32, #tpu.memory_space<hbm>> -> memref<1x512xf32, #tpu.memory_space<hbm>>
    %dma_start3A_1083 = tpu.memref_squeeze %dma_start3A_1082 : memref<1x512xf32, #tpu.memory_space<hbm>> -> memref<512xf32, #tpu.memory_space<hbm>>
    %dma_start3A_1084 = arith.constant 12288 : i32
    %dma_start3A_1085 = tpu.memref_slice %arg23[%dma_start3A_1084] : memref<22528xf32, #tpu.memory_space<vmem>> -> memref<512xf32, #tpu.memory_space<vmem>>
    tpu.enqueue_dma source(%dma_start3A_1085 : memref<512xf32, #tpu.memory_space<vmem>>) target(%dma_start3A_1083 : memref<512xf32, #tpu.memory_space<hbm>>) target_semaphore(%arg28 : memref<!tpu.dma_semaphore, #tpu.memory_space<semaphore_mem>>)
    %dma_start3A_1086 = arith.constant 25 : i32
    %dma_start3A_1087 = arith.constant 12800 : i32
    %dma_start3A_1088 = tpu.memref_slice %arg23[%dma_start3A_1087] : memref<22528xf32, #tpu.memory_space<vmem>> -> memref<512xf32, #tpu.memory_space<vmem>>
    %dma_start3A_1089 = tpu.memref_slice %arg12[%dma_start3A_1086, %mul3A_2] : memref<44x16384xf32, #tpu.memory_space<hbm>> -> memref<1x512xf32, #tpu.memory_space<hbm>>
    %dma_start3A_1090 = tpu.memref_squeeze %dma_start3A_1089 : memref<1x512xf32, #tpu.memory_space<hbm>> -> memref<512xf32, #tpu.memory_space<hbm>>
    %dma_start3A_1091 = tpu.memref_slice %arg12[%dma_start3A_1086, %mul3A_2] : memref<44x16384xf32, #tpu.memory_space<hbm>> -> memref<1x512xf32, #tpu.memory_space<hbm>>
    %dma_start3A_1092 = tpu.memref_squeeze %dma_start3A_1091 : memref<1x512xf32, #tpu.memory_space<hbm>> -> memref<512xf32, #tpu.memory_space<hbm>>
    %dma_start3A_1093 = arith.constant 12800 : i32
    %dma_start3A_1094 = tpu.memref_slice %arg23[%dma_start3A_1093] : memref<22528xf32, #tpu.memory_space<vmem>> -> memref<512xf32, #tpu.memory_space<vmem>>
    tpu.enqueue_dma source(%dma_start3A_1094 : memref<512xf32, #tpu.memory_space<vmem>>) target(%dma_start3A_1092 : memref<512xf32, #tpu.memory_space<hbm>>) target_semaphore(%arg28 : memref<!tpu.dma_semaphore, #tpu.memory_space<semaphore_mem>>)
    %dma_start3A_1095 = arith.constant 26 : i32
    %dma_start3A_1096 = arith.constant 13312 : i32
    %dma_start3A_1097 = tpu.memref_slice %arg23[%dma_start3A_1096] : memref<22528xf32, #tpu.memory_space<vmem>> -> memref<512xf32, #tpu.memory_space<vmem>>
    %dma_start3A_1098 = tpu.memref_slice %arg12[%dma_start3A_1095, %mul3A_2] : memref<44x16384xf32, #tpu.memory_space<hbm>> -> memref<1x512xf32, #tpu.memory_space<hbm>>
    %dma_start3A_1099 = tpu.memref_squeeze %dma_start3A_1098 : memref<1x512xf32, #tpu.memory_space<hbm>> -> memref<512xf32, #tpu.memory_space<hbm>>
    %dma_start3A_1100 = tpu.memref_slice %arg12[%dma_start3A_1095, %mul3A_2] : memref<44x16384xf32, #tpu.memory_space<hbm>> -> memref<1x512xf32, #tpu.memory_space<hbm>>
    %dma_start3A_1101 = tpu.memref_squeeze %dma_start3A_1100 : memref<1x512xf32, #tpu.memory_space<hbm>> -> memref<512xf32, #tpu.memory_space<hbm>>
    %dma_start3A_1102 = arith.constant 13312 : i32
    %dma_start3A_1103 = tpu.memref_slice %arg23[%dma_start3A_1102] : memref<22528xf32, #tpu.memory_space<vmem>> -> memref<512xf32, #tpu.memory_space<vmem>>
    tpu.enqueue_dma source(%dma_start3A_1103 : memref<512xf32, #tpu.memory_space<vmem>>) target(%dma_start3A_1101 : memref<512xf32, #tpu.memory_space<hbm>>) target_semaphore(%arg28 : memref<!tpu.dma_semaphore, #tpu.memory_space<semaphore_mem>>)
    %dma_start3A_1104 = arith.constant 27 : i32
    %dma_start3A_1105 = arith.constant 13824 : i32
    %dma_start3A_1106 = tpu.memref_slice %arg23[%dma_start3A_1105] : memref<22528xf32, #tpu.memory_space<vmem>> -> memref<512xf32, #tpu.memory_space<vmem>>
    %dma_start3A_1107 = tpu.memref_slice %arg12[%dma_start3A_1104, %mul3A_2] : memref<44x16384xf32, #tpu.memory_space<hbm>> -> memref<1x512xf32, #tpu.memory_space<hbm>>
    %dma_start3A_1108 = tpu.memref_squeeze %dma_start3A_1107 : memref<1x512xf32, #tpu.memory_space<hbm>> -> memref<512xf32, #tpu.memory_space<hbm>>
    %dma_start3A_1109 = tpu.memref_slice %arg12[%dma_start3A_1104, %mul3A_2] : memref<44x16384xf32, #tpu.memory_space<hbm>> -> memref<1x512xf32, #tpu.memory_space<hbm>>
    %dma_start3A_1110 = tpu.memref_squeeze %dma_start3A_1109 : memref<1x512xf32, #tpu.memory_space<hbm>> -> memref<512xf32, #tpu.memory_space<hbm>>
    %dma_start3A_1111 = arith.constant 13824 : i32
    %dma_start3A_1112 = tpu.memref_slice %arg23[%dma_start3A_1111] : memref<22528xf32, #tpu.memory_space<vmem>> -> memref<512xf32, #tpu.memory_space<vmem>>
    tpu.enqueue_dma source(%dma_start3A_1112 : memref<512xf32, #tpu.memory_space<vmem>>) target(%dma_start3A_1110 : memref<512xf32, #tpu.memory_space<hbm>>) target_semaphore(%arg28 : memref<!tpu.dma_semaphore, #tpu.memory_space<semaphore_mem>>)
    %dma_start3A_1113 = arith.constant 28 : i32
    %dma_start3A_1114 = arith.constant 14336 : i32
    %dma_start3A_1115 = tpu.memref_slice %arg23[%dma_start3A_1114] : memref<22528xf32, #tpu.memory_space<vmem>> -> memref<512xf32, #tpu.memory_space<vmem>>
    %dma_start3A_1116 = tpu.memref_slice %arg12[%dma_start3A_1113, %mul3A_2] : memref<44x16384xf32, #tpu.memory_space<hbm>> -> memref<1x512xf32, #tpu.memory_space<hbm>>
    %dma_start3A_1117 = tpu.memref_squeeze %dma_start3A_1116 : memref<1x512xf32, #tpu.memory_space<hbm>> -> memref<512xf32, #tpu.memory_space<hbm>>
    %dma_start3A_1118 = tpu.memref_slice %arg12[%dma_start3A_1113, %mul3A_2] : memref<44x16384xf32, #tpu.memory_space<hbm>> -> memref<1x512xf32, #tpu.memory_space<hbm>>
    %dma_start3A_1119 = tpu.memref_squeeze %dma_start3A_1118 : memref<1x512xf32, #tpu.memory_space<hbm>> -> memref<512xf32, #tpu.memory_space<hbm>>
    %dma_start3A_1120 = arith.constant 14336 : i32
    %dma_start3A_1121 = tpu.memref_slice %arg23[%dma_start3A_1120] : memref<22528xf32, #tpu.memory_space<vmem>> -> memref<512xf32, #tpu.memory_space<vmem>>
    tpu.enqueue_dma source(%dma_start3A_1121 : memref<512xf32, #tpu.memory_space<vmem>>) target(%dma_start3A_1119 : memref<512xf32, #tpu.memory_space<hbm>>) target_semaphore(%arg28 : memref<!tpu.dma_semaphore, #tpu.memory_space<semaphore_mem>>)
    %dma_start3A_1122 = arith.constant 29 : i32
    %dma_start3A_1123 = arith.constant 14848 : i32
    %dma_start3A_1124 = tpu.memref_slice %arg23[%dma_start3A_1123] : memref<22528xf32, #tpu.memory_space<vmem>> -> memref<512xf32, #tpu.memory_space<vmem>>
    %dma_start3A_1125 = tpu.memref_slice %arg12[%dma_start3A_1122, %mul3A_2] : memref<44x16384xf32, #tpu.memory_space<hbm>> -> memref<1x512xf32, #tpu.memory_space<hbm>>
    %dma_start3A_1126 = tpu.memref_squeeze %dma_start3A_1125 : memref<1x512xf32, #tpu.memory_space<hbm>> -> memref<512xf32, #tpu.memory_space<hbm>>
    %dma_start3A_1127 = tpu.memref_slice %arg12[%dma_start3A_1122, %mul3A_2] : memref<44x16384xf32, #tpu.memory_space<hbm>> -> memref<1x512xf32, #tpu.memory_space<hbm>>
    %dma_start3A_1128 = tpu.memref_squeeze %dma_start3A_1127 : memref<1x512xf32, #tpu.memory_space<hbm>> -> memref<512xf32, #tpu.memory_space<hbm>>
    %dma_start3A_1129 = arith.constant 14848 : i32
    %dma_start3A_1130 = tpu.memref_slice %arg23[%dma_start3A_1129] : memref<22528xf32, #tpu.memory_space<vmem>> -> memref<512xf32, #tpu.memory_space<vmem>>
    tpu.enqueue_dma source(%dma_start3A_1130 : memref<512xf32, #tpu.memory_space<vmem>>) target(%dma_start3A_1128 : memref<512xf32, #tpu.memory_space<hbm>>) target_semaphore(%arg28 : memref<!tpu.dma_semaphore, #tpu.memory_space<semaphore_mem>>)
    %dma_start3A_1131 = arith.constant 30 : i32
    %dma_start3A_1132 = arith.constant 15360 : i32
    %dma_start3A_1133 = tpu.memref_slice %arg23[%dma_start3A_1132] : memref<22528xf32, #tpu.memory_space<vmem>> -> memref<512xf32, #tpu.memory_space<vmem>>
    %dma_start3A_1134 = tpu.memref_slice %arg12[%dma_start3A_1131, %mul3A_2] : memref<44x16384xf32, #tpu.memory_space<hbm>> -> memref<1x512xf32, #tpu.memory_space<hbm>>
    %dma_start3A_1135 = tpu.memref_squeeze %dma_start3A_1134 : memref<1x512xf32, #tpu.memory_space<hbm>> -> memref<512xf32, #tpu.memory_space<hbm>>
    %dma_start3A_1136 = tpu.memref_slice %arg12[%dma_start3A_1131, %mul3A_2] : memref<44x16384xf32, #tpu.memory_space<hbm>> -> memref<1x512xf32, #tpu.memory_space<hbm>>
    %dma_start3A_1137 = tpu.memref_squeeze %dma_start3A_1136 : memref<1x512xf32, #tpu.memory_space<hbm>> -> memref<512xf32, #tpu.memory_space<hbm>>
    %dma_start3A_1138 = arith.constant 15360 : i32
    %dma_start3A_1139 = tpu.memref_slice %arg23[%dma_start3A_1138] : memref<22528xf32, #tpu.memory_space<vmem>> -> memref<512xf32, #tpu.memory_space<vmem>>
    tpu.enqueue_dma source(%dma_start3A_1139 : memref<512xf32, #tpu.memory_space<vmem>>) target(%dma_start3A_1137 : memref<512xf32, #tpu.memory_space<hbm>>) target_semaphore(%arg28 : memref<!tpu.dma_semaphore, #tpu.memory_space<semaphore_mem>>)
    %dma_start3A_1140 = arith.constant 31 : i32
    %dma_start3A_1141 = arith.constant 15872 : i32
    %dma_start3A_1142 = tpu.memref_slice %arg23[%dma_start3A_1141] : memref<22528xf32, #tpu.memory_space<vmem>> -> memref<512xf32, #tpu.memory_space<vmem>>
    %dma_start3A_1143 = tpu.memref_slice %arg12[%dma_start3A_1140, %mul3A_2] : memref<44x16384xf32, #tpu.memory_space<hbm>> -> memref<1x512xf32, #tpu.memory_space<hbm>>
    %dma_start3A_1144 = tpu.memref_squeeze %dma_start3A_1143 : memref<1x512xf32, #tpu.memory_space<hbm>> -> memref<512xf32, #tpu.memory_space<hbm>>
    %dma_start3A_1145 = tpu.memref_slice %arg12[%dma_start3A_1140, %mul3A_2] : memref<44x16384xf32, #tpu.memory_space<hbm>> -> memref<1x512xf32, #tpu.memory_space<hbm>>
    %dma_start3A_1146 = tpu.memref_squeeze %dma_start3A_1145 : memref<1x512xf32, #tpu.memory_space<hbm>> -> memref<512xf32, #tpu.memory_space<hbm>>
    %dma_start3A_1147 = arith.constant 15872 : i32
    %dma_start3A_1148 = tpu.memref_slice %arg23[%dma_start3A_1147] : memref<22528xf32, #tpu.memory_space<vmem>> -> memref<512xf32, #tpu.memory_space<vmem>>
    tpu.enqueue_dma source(%dma_start3A_1148 : memref<512xf32, #tpu.memory_space<vmem>>) target(%dma_start3A_1146 : memref<512xf32, #tpu.memory_space<hbm>>) target_semaphore(%arg28 : memref<!tpu.dma_semaphore, #tpu.memory_space<semaphore_mem>>)
    %dma_start3A_1149 = arith.constant 32 : i32
    %dma_start3A_1150 = arith.constant 16384 : i32
    %dma_start3A_1151 = tpu.memref_slice %arg23[%dma_start3A_1150] : memref<22528xf32, #tpu.memory_space<vmem>> -> memref<512xf32, #tpu.memory_space<vmem>>
    %dma_start3A_1152 = tpu.memref_slice %arg12[%dma_start3A_1149, %mul3A_2] : memref<44x16384xf32, #tpu.memory_space<hbm>> -> memref<1x512xf32, #tpu.memory_space<hbm>>
    %dma_start3A_1153 = tpu.memref_squeeze %dma_start3A_1152 : memref<1x512xf32, #tpu.memory_space<hbm>> -> memref<512xf32, #tpu.memory_space<hbm>>
    %dma_start3A_1154 = tpu.memref_slice %arg12[%dma_start3A_1149, %mul3A_2] : memref<44x16384xf32, #tpu.memory_space<hbm>> -> memref<1x512xf32, #tpu.memory_space<hbm>>
    %dma_start3A_1155 = tpu.memref_squeeze %dma_start3A_1154 : memref<1x512xf32, #tpu.memory_space<hbm>> -> memref<512xf32, #tpu.memory_space<hbm>>
    %dma_start3A_1156 = arith.constant 16384 : i32
    %dma_start3A_1157 = tpu.memref_slice %arg23[%dma_start3A_1156] : memref<22528xf32, #tpu.memory_space<vmem>> -> memref<512xf32, #tpu.memory_space<vmem>>
    tpu.enqueue_dma source(%dma_start3A_1157 : memref<512xf32, #tpu.memory_space<vmem>>) target(%dma_start3A_1155 : memref<512xf32, #tpu.memory_space<hbm>>) target_semaphore(%arg28 : memref<!tpu.dma_semaphore, #tpu.memory_space<semaphore_mem>>)
    %dma_start3A_1158 = arith.constant 33 : i32
    %dma_start3A_1159 = arith.constant 16896 : i32
    %dma_start3A_1160 = tpu.memref_slice %arg23[%dma_start3A_1159] : memref<22528xf32, #tpu.memory_space<vmem>> -> memref<512xf32, #tpu.memory_space<vmem>>
    %dma_start3A_1161 = tpu.memref_slice %arg12[%dma_start3A_1158, %mul3A_2] : memref<44x16384xf32, #tpu.memory_space<hbm>> -> memref<1x512xf32, #tpu.memory_space<hbm>>
    %dma_start3A_1162 = tpu.memref_squeeze %dma_start3A_1161 : memref<1x512xf32, #tpu.memory_space<hbm>> -> memref<512xf32, #tpu.memory_space<hbm>>
    %dma_start3A_1163 = tpu.memref_slice %arg12[%dma_start3A_1158, %mul3A_2] : memref<44x16384xf32, #tpu.memory_space<hbm>> -> memref<1x512xf32, #tpu.memory_space<hbm>>
    %dma_start3A_1164 = tpu.memref_squeeze %dma_start3A_1163 : memref<1x512xf32, #tpu.memory_space<hbm>> -> memref<512xf32, #tpu.memory_space<hbm>>
    %dma_start3A_1165 = arith.constant 16896 : i32
    %dma_start3A_1166 = tpu.memref_slice %arg23[%dma_start3A_1165] : memref<22528xf32, #tpu.memory_space<vmem>> -> memref<512xf32, #tpu.memory_space<vmem>>
    tpu.enqueue_dma source(%dma_start3A_1166 : memref<512xf32, #tpu.memory_space<vmem>>) target(%dma_start3A_1164 : memref<512xf32, #tpu.memory_space<hbm>>) target_semaphore(%arg28 : memref<!tpu.dma_semaphore, #tpu.memory_space<semaphore_mem>>)
    %dma_start3A_1167 = arith.constant 34 : i32
    %dma_start3A_1168 = arith.constant 17408 : i32
    %dma_start3A_1169 = tpu.memref_slice %arg23[%dma_start3A_1168] : memref<22528xf32, #tpu.memory_space<vmem>> -> memref<512xf32, #tpu.memory_space<vmem>>
    %dma_start3A_1170 = tpu.memref_slice %arg12[%dma_start3A_1167, %mul3A_2] : memref<44x16384xf32, #tpu.memory_space<hbm>> -> memref<1x512xf32, #tpu.memory_space<hbm>>
    %dma_start3A_1171 = tpu.memref_squeeze %dma_start3A_1170 : memref<1x512xf32, #tpu.memory_space<hbm>> -> memref<512xf32, #tpu.memory_space<hbm>>
    %dma_start3A_1172 = tpu.memref_slice %arg12[%dma_start3A_1167, %mul3A_2] : memref<44x16384xf32, #tpu.memory_space<hbm>> -> memref<1x512xf32, #tpu.memory_space<hbm>>
    %dma_start3A_1173 = tpu.memref_squeeze %dma_start3A_1172 : memref<1x512xf32, #tpu.memory_space<hbm>> -> memref<512xf32, #tpu.memory_space<hbm>>
    %dma_start3A_1174 = arith.constant 17408 : i32
    %dma_start3A_1175 = tpu.memref_slice %arg23[%dma_start3A_1174] : memref<22528xf32, #tpu.memory_space<vmem>> -> memref<512xf32, #tpu.memory_space<vmem>>
    tpu.enqueue_dma source(%dma_start3A_1175 : memref<512xf32, #tpu.memory_space<vmem>>) target(%dma_start3A_1173 : memref<512xf32, #tpu.memory_space<hbm>>) target_semaphore(%arg28 : memref<!tpu.dma_semaphore, #tpu.memory_space<semaphore_mem>>)
    %dma_start3A_1176 = arith.constant 35 : i32
    %dma_start3A_1177 = arith.constant 17920 : i32
    %dma_start3A_1178 = tpu.memref_slice %arg23[%dma_start3A_1177] : memref<22528xf32, #tpu.memory_space<vmem>> -> memref<512xf32, #tpu.memory_space<vmem>>
    %dma_start3A_1179 = tpu.memref_slice %arg12[%dma_start3A_1176, %mul3A_2] : memref<44x16384xf32, #tpu.memory_space<hbm>> -> memref<1x512xf32, #tpu.memory_space<hbm>>
    %dma_start3A_1180 = tpu.memref_squeeze %dma_start3A_1179 : memref<1x512xf32, #tpu.memory_space<hbm>> -> memref<512xf32, #tpu.memory_space<hbm>>
    %dma_start3A_1181 = tpu.memref_slice %arg12[%dma_start3A_1176, %mul3A_2] : memref<44x16384xf32, #tpu.memory_space<hbm>> -> memref<1x512xf32, #tpu.memory_space<hbm>>
    %dma_start3A_1182 = tpu.memref_squeeze %dma_start3A_1181 : memref<1x512xf32, #tpu.memory_space<hbm>> -> memref<512xf32, #tpu.memory_space<hbm>>
    %dma_start3A_1183 = arith.constant 17920 : i32
    %dma_start3A_1184 = tpu.memref_slice %arg23[%dma_start3A_1183] : memref<22528xf32, #tpu.memory_space<vmem>> -> memref<512xf32, #tpu.memory_space<vmem>>
    tpu.enqueue_dma source(%dma_start3A_1184 : memref<512xf32, #tpu.memory_space<vmem>>) target(%dma_start3A_1182 : memref<512xf32, #tpu.memory_space<hbm>>) target_semaphore(%arg28 : memref<!tpu.dma_semaphore, #tpu.memory_space<semaphore_mem>>)
    %dma_start3A_1185 = arith.constant 36 : i32
    %dma_start3A_1186 = arith.constant 18432 : i32
    %dma_start3A_1187 = tpu.memref_slice %arg23[%dma_start3A_1186] : memref<22528xf32, #tpu.memory_space<vmem>> -> memref<512xf32, #tpu.memory_space<vmem>>
    %dma_start3A_1188 = tpu.memref_slice %arg12[%dma_start3A_1185, %mul3A_2] : memref<44x16384xf32, #tpu.memory_space<hbm>> -> memref<1x512xf32, #tpu.memory_space<hbm>>
    %dma_start3A_1189 = tpu.memref_squeeze %dma_start3A_1188 : memref<1x512xf32, #tpu.memory_space<hbm>> -> memref<512xf32, #tpu.memory_space<hbm>>
    %dma_start3A_1190 = tpu.memref_slice %arg12[%dma_start3A_1185, %mul3A_2] : memref<44x16384xf32, #tpu.memory_space<hbm>> -> memref<1x512xf32, #tpu.memory_space<hbm>>
    %dma_start3A_1191 = tpu.memref_squeeze %dma_start3A_1190 : memref<1x512xf32, #tpu.memory_space<hbm>> -> memref<512xf32, #tpu.memory_space<hbm>>
    %dma_start3A_1192 = arith.constant 18432 : i32
    %dma_start3A_1193 = tpu.memref_slice %arg23[%dma_start3A_1192] : memref<22528xf32, #tpu.memory_space<vmem>> -> memref<512xf32, #tpu.memory_space<vmem>>
    tpu.enqueue_dma source(%dma_start3A_1193 : memref<512xf32, #tpu.memory_space<vmem>>) target(%dma_start3A_1191 : memref<512xf32, #tpu.memory_space<hbm>>) target_semaphore(%arg28 : memref<!tpu.dma_semaphore, #tpu.memory_space<semaphore_mem>>)
    %dma_start3A_1194 = arith.constant 37 : i32
    %dma_start3A_1195 = arith.constant 18944 : i32
    %dma_start3A_1196 = tpu.memref_slice %arg23[%dma_start3A_1195] : memref<22528xf32, #tpu.memory_space<vmem>> -> memref<512xf32, #tpu.memory_space<vmem>>
    %dma_start3A_1197 = tpu.memref_slice %arg12[%dma_start3A_1194, %mul3A_2] : memref<44x16384xf32, #tpu.memory_space<hbm>> -> memref<1x512xf32, #tpu.memory_space<hbm>>
    %dma_start3A_1198 = tpu.memref_squeeze %dma_start3A_1197 : memref<1x512xf32, #tpu.memory_space<hbm>> -> memref<512xf32, #tpu.memory_space<hbm>>
    %dma_start3A_1199 = tpu.memref_slice %arg12[%dma_start3A_1194, %mul3A_2] : memref<44x16384xf32, #tpu.memory_space<hbm>> -> memref<1x512xf32, #tpu.memory_space<hbm>>
    %dma_start3A_1200 = tpu.memref_squeeze %dma_start3A_1199 : memref<1x512xf32, #tpu.memory_space<hbm>> -> memref<512xf32, #tpu.memory_space<hbm>>
    %dma_start3A_1201 = arith.constant 18944 : i32
    %dma_start3A_1202 = tpu.memref_slice %arg23[%dma_start3A_1201] : memref<22528xf32, #tpu.memory_space<vmem>> -> memref<512xf32, #tpu.memory_space<vmem>>
    tpu.enqueue_dma source(%dma_start3A_1202 : memref<512xf32, #tpu.memory_space<vmem>>) target(%dma_start3A_1200 : memref<512xf32, #tpu.memory_space<hbm>>) target_semaphore(%arg28 : memref<!tpu.dma_semaphore, #tpu.memory_space<semaphore_mem>>)
    %dma_start3A_1203 = arith.constant 38 : i32
    %dma_start3A_1204 = arith.constant 19456 : i32
    %dma_start3A_1205 = tpu.memref_slice %arg23[%dma_start3A_1204] : memref<22528xf32, #tpu.memory_space<vmem>> -> memref<512xf32, #tpu.memory_space<vmem>>
    %dma_start3A_1206 = tpu.memref_slice %arg12[%dma_start3A_1203, %mul3A_2] : memref<44x16384xf32, #tpu.memory_space<hbm>> -> memref<1x512xf32, #tpu.memory_space<hbm>>
    %dma_start3A_1207 = tpu.memref_squeeze %dma_start3A_1206 : memref<1x512xf32, #tpu.memory_space<hbm>> -> memref<512xf32, #tpu.memory_space<hbm>>
    %dma_start3A_1208 = tpu.memref_slice %arg12[%dma_start3A_1203, %mul3A_2] : memref<44x16384xf32, #tpu.memory_space<hbm>> -> memref<1x512xf32, #tpu.memory_space<hbm>>
    %dma_start3A_1209 = tpu.memref_squeeze %dma_start3A_1208 : memref<1x512xf32, #tpu.memory_space<hbm>> -> memref<512xf32, #tpu.memory_space<hbm>>
    %dma_start3A_1210 = arith.constant 19456 : i32
    %dma_start3A_1211 = tpu.memref_slice %arg23[%dma_start3A_1210] : memref<22528xf32, #tpu.memory_space<vmem>> -> memref<512xf32, #tpu.memory_space<vmem>>
    tpu.enqueue_dma source(%dma_start3A_1211 : memref<512xf32, #tpu.memory_space<vmem>>) target(%dma_start3A_1209 : memref<512xf32, #tpu.memory_space<hbm>>) target_semaphore(%arg28 : memref<!tpu.dma_semaphore, #tpu.memory_space<semaphore_mem>>)
    %dma_start3A_1212 = arith.constant 39 : i32
    %dma_start3A_1213 = arith.constant 19968 : i32
    %dma_start3A_1214 = tpu.memref_slice %arg23[%dma_start3A_1213] : memref<22528xf32, #tpu.memory_space<vmem>> -> memref<512xf32, #tpu.memory_space<vmem>>
    %dma_start3A_1215 = tpu.memref_slice %arg12[%dma_start3A_1212, %mul3A_2] : memref<44x16384xf32, #tpu.memory_space<hbm>> -> memref<1x512xf32, #tpu.memory_space<hbm>>
    %dma_start3A_1216 = tpu.memref_squeeze %dma_start3A_1215 : memref<1x512xf32, #tpu.memory_space<hbm>> -> memref<512xf32, #tpu.memory_space<hbm>>
    %dma_start3A_1217 = tpu.memref_slice %arg12[%dma_start3A_1212, %mul3A_2] : memref<44x16384xf32, #tpu.memory_space<hbm>> -> memref<1x512xf32, #tpu.memory_space<hbm>>
    %dma_start3A_1218 = tpu.memref_squeeze %dma_start3A_1217 : memref<1x512xf32, #tpu.memory_space<hbm>> -> memref<512xf32, #tpu.memory_space<hbm>>
    %dma_start3A_1219 = arith.constant 19968 : i32
    %dma_start3A_1220 = tpu.memref_slice %arg23[%dma_start3A_1219] : memref<22528xf32, #tpu.memory_space<vmem>> -> memref<512xf32, #tpu.memory_space<vmem>>
    tpu.enqueue_dma source(%dma_start3A_1220 : memref<512xf32, #tpu.memory_space<vmem>>) target(%dma_start3A_1218 : memref<512xf32, #tpu.memory_space<hbm>>) target_semaphore(%arg28 : memref<!tpu.dma_semaphore, #tpu.memory_space<semaphore_mem>>)
    %dma_start3A_1221 = arith.constant 40 : i32
    %dma_start3A_1222 = arith.constant 20480 : i32
    %dma_start3A_1223 = tpu.memref_slice %arg23[%dma_start3A_1222] : memref<22528xf32, #tpu.memory_space<vmem>> -> memref<512xf32, #tpu.memory_space<vmem>>
    %dma_start3A_1224 = tpu.memref_slice %arg12[%dma_start3A_1221, %mul3A_2] : memref<44x16384xf32, #tpu.memory_space<hbm>> -> memref<1x512xf32, #tpu.memory_space<hbm>>
    %dma_start3A_1225 = tpu.memref_squeeze %dma_start3A_1224 : memref<1x512xf32, #tpu.memory_space<hbm>> -> memref<512xf32, #tpu.memory_space<hbm>>
    %dma_start3A_1226 = tpu.memref_slice %arg12[%dma_start3A_1221, %mul3A_2] : memref<44x16384xf32, #tpu.memory_space<hbm>> -> memref<1x512xf32, #tpu.memory_space<hbm>>
    %dma_start3A_1227 = tpu.memref_squeeze %dma_start3A_1226 : memref<1x512xf32, #tpu.memory_space<hbm>> -> memref<512xf32, #tpu.memory_space<hbm>>
    %dma_start3A_1228 = arith.constant 20480 : i32
    %dma_start3A_1229 = tpu.memref_slice %arg23[%dma_start3A_1228] : memref<22528xf32, #tpu.memory_space<vmem>> -> memref<512xf32, #tpu.memory_space<vmem>>
    tpu.enqueue_dma source(%dma_start3A_1229 : memref<512xf32, #tpu.memory_space<vmem>>) target(%dma_start3A_1227 : memref<512xf32, #tpu.memory_space<hbm>>) target_semaphore(%arg28 : memref<!tpu.dma_semaphore, #tpu.memory_space<semaphore_mem>>)
    %dma_start3A_1230 = arith.constant 41 : i32
    %dma_start3A_1231 = arith.constant 20992 : i32
    %dma_start3A_1232 = tpu.memref_slice %arg23[%dma_start3A_1231] : memref<22528xf32, #tpu.memory_space<vmem>> -> memref<512xf32, #tpu.memory_space<vmem>>
    %dma_start3A_1233 = tpu.memref_slice %arg12[%dma_start3A_1230, %mul3A_2] : memref<44x16384xf32, #tpu.memory_space<hbm>> -> memref<1x512xf32, #tpu.memory_space<hbm>>
    %dma_start3A_1234 = tpu.memref_squeeze %dma_start3A_1233 : memref<1x512xf32, #tpu.memory_space<hbm>> -> memref<512xf32, #tpu.memory_space<hbm>>
    %dma_start3A_1235 = tpu.memref_slice %arg12[%dma_start3A_1230, %mul3A_2] : memref<44x16384xf32, #tpu.memory_space<hbm>> -> memref<1x512xf32, #tpu.memory_space<hbm>>
    %dma_start3A_1236 = tpu.memref_squeeze %dma_start3A_1235 : memref<1x512xf32, #tpu.memory_space<hbm>> -> memref<512xf32, #tpu.memory_space<hbm>>
    %dma_start3A_1237 = arith.constant 20992 : i32
    %dma_start3A_1238 = tpu.memref_slice %arg23[%dma_start3A_1237] : memref<22528xf32, #tpu.memory_space<vmem>> -> memref<512xf32, #tpu.memory_space<vmem>>
    tpu.enqueue_dma source(%dma_start3A_1238 : memref<512xf32, #tpu.memory_space<vmem>>) target(%dma_start3A_1236 : memref<512xf32, #tpu.memory_space<hbm>>) target_semaphore(%arg28 : memref<!tpu.dma_semaphore, #tpu.memory_space<semaphore_mem>>)
    %dma_start3A_1239 = arith.constant 42 : i32
    %dma_start3A_1240 = arith.constant 21504 : i32
    %dma_start3A_1241 = tpu.memref_slice %arg23[%dma_start3A_1240] : memref<22528xf32, #tpu.memory_space<vmem>> -> memref<512xf32, #tpu.memory_space<vmem>>
    %dma_start3A_1242 = tpu.memref_slice %arg12[%dma_start3A_1239, %mul3A_2] : memref<44x16384xf32, #tpu.memory_space<hbm>> -> memref<1x512xf32, #tpu.memory_space<hbm>>
    %dma_start3A_1243 = tpu.memref_squeeze %dma_start3A_1242 : memref<1x512xf32, #tpu.memory_space<hbm>> -> memref<512xf32, #tpu.memory_space<hbm>>
    %dma_start3A_1244 = tpu.memref_slice %arg12[%dma_start3A_1239, %mul3A_2] : memref<44x16384xf32, #tpu.memory_space<hbm>> -> memref<1x512xf32, #tpu.memory_space<hbm>>
    %dma_start3A_1245 = tpu.memref_squeeze %dma_start3A_1244 : memref<1x512xf32, #tpu.memory_space<hbm>> -> memref<512xf32, #tpu.memory_space<hbm>>
    %dma_start3A_1246 = arith.constant 21504 : i32
    %dma_start3A_1247 = tpu.memref_slice %arg23[%dma_start3A_1246] : memref<22528xf32, #tpu.memory_space<vmem>> -> memref<512xf32, #tpu.memory_space<vmem>>
    tpu.enqueue_dma source(%dma_start3A_1247 : memref<512xf32, #tpu.memory_space<vmem>>) target(%dma_start3A_1245 : memref<512xf32, #tpu.memory_space<hbm>>) target_semaphore(%arg28 : memref<!tpu.dma_semaphore, #tpu.memory_space<semaphore_mem>>)
    %dma_start3A_1248 = arith.constant 43 : i32
    %dma_start3A_1249 = arith.constant 22016 : i32
    %dma_start3A_1250 = tpu.memref_slice %arg23[%dma_start3A_1249] : memref<22528xf32, #tpu.memory_space<vmem>> -> memref<512xf32, #tpu.memory_space<vmem>>
    %dma_start3A_1251 = tpu.memref_slice %arg12[%dma_start3A_1248, %mul3A_2] : memref<44x16384xf32, #tpu.memory_space<hbm>> -> memref<1x512xf32, #tpu.memory_space<hbm>>
    %dma_start3A_1252 = tpu.memref_squeeze %dma_start3A_1251 : memref<1x512xf32, #tpu.memory_space<hbm>> -> memref<512xf32, #tpu.memory_space<hbm>>
    %dma_start3A_1253 = tpu.memref_slice %arg12[%dma_start3A_1248, %mul3A_2] : memref<44x16384xf32, #tpu.memory_space<hbm>> -> memref<1x512xf32, #tpu.memory_space<hbm>>
    %dma_start3A_1254 = tpu.memref_squeeze %dma_start3A_1253 : memref<1x512xf32, #tpu.memory_space<hbm>> -> memref<512xf32, #tpu.memory_space<hbm>>
    %dma_start3A_1255 = arith.constant 22016 : i32
    %dma_start3A_1256 = tpu.memref_slice %arg23[%dma_start3A_1255] : memref<22528xf32, #tpu.memory_space<vmem>> -> memref<512xf32, #tpu.memory_space<vmem>>
    tpu.enqueue_dma source(%dma_start3A_1256 : memref<512xf32, #tpu.memory_space<vmem>>) target(%dma_start3A_1254 : memref<512xf32, #tpu.memory_space<hbm>>) target_semaphore(%arg28 : memref<!tpu.dma_semaphore, #tpu.memory_space<semaphore_mem>>)
    %dma_wait3A_1257 = arith.constant 0 : i32
    %dma_wait3A_1258 = arith.constant 0 : i32
    %dma_wait3A_1259 = arith.constant 0 : i32
    %dma_wait3A_1260 = tpu.memref_slice %arg21[%dma_wait3A_1258, %dma_wait3A_1259] : memref<512x16xf32, #tpu.memory_space<vmem>> -> memref<128x16xf32, #tpu.memory_space<vmem>>
    %dma_wait3A_1261 = arith.constant 0 : i32
    %dma_wait3A_1262 = tpu.memref_slice %arg13[%dma_wait3A_1257, %dma_wait3A_1261] : memref<4x128xi32, #tpu.memory_space<vmem>> -> memref<1x128xi32, #tpu.memory_space<vmem>>
    %dma_wait3A_1263 = tpu.memref_squeeze %dma_wait3A_1262 : memref<1x128xi32, #tpu.memory_space<vmem>> -> memref<128xi32, #tpu.memory_space<vmem>>
    %dma_wait3A_1264 = arith.constant 0 : i32
    %dma_wait3A_1265 = arith.constant 0 : i32
    %dma_wait3A_1266 = tpu.memref_slice %arg9[%dma_wait3A_1264, %dma_wait3A_1265] : memref<500x16xf32, #tpu.memory_space<hbm>> -> memref<500x16xf32, #tpu.memory_space<hbm>>
    tpu.wait_indirect_dma semaphore(%arg27 : memref<!tpu.dma_semaphore, #tpu.memory_space<semaphore_mem>>) src(%dma_wait3A_1266 : memref<500x16xf32, #tpu.memory_space<hbm>>) dst(%dma_wait3A_1260 : memref<128x16xf32, #tpu.memory_space<vmem>>)
    %dma_wait3A_1267 = arith.constant 0 : i32
    %dma_wait3A_1268 = arith.constant 0 : i32
    %dma_wait3A_1269 = arith.constant 0 : i32
    %dma_wait3A_1270 = tpu.memref_slice %arg22[%dma_wait3A_1268, %dma_wait3A_1269] : memref<512x16xf32, #tpu.memory_space<vmem>> -> memref<128x16xf32, #tpu.memory_space<vmem>>
    %dma_wait3A_1271 = arith.constant 0 : i32
    %dma_wait3A_1272 = tpu.memref_slice %arg15[%dma_wait3A_1267, %dma_wait3A_1271] : memref<4x128xi32, #tpu.memory_space<vmem>> -> memref<1x128xi32, #tpu.memory_space<vmem>>
    %dma_wait3A_1273 = tpu.memref_squeeze %dma_wait3A_1272 : memref<1x128xi32, #tpu.memory_space<vmem>> -> memref<128xi32, #tpu.memory_space<vmem>>
    %dma_wait3A_1274 = arith.constant 0 : i32
    %dma_wait3A_1275 = arith.constant 0 : i32
    %dma_wait3A_1276 = tpu.memref_slice %arg10[%dma_wait3A_1274, %dma_wait3A_1275] : memref<4000x16xf32, #tpu.memory_space<hbm>> -> memref<4000x16xf32, #tpu.memory_space<hbm>>
    tpu.wait_indirect_dma semaphore(%arg27 : memref<!tpu.dma_semaphore, #tpu.memory_space<semaphore_mem>>) src(%dma_wait3A_1276 : memref<4000x16xf32, #tpu.memory_space<hbm>>) dst(%dma_wait3A_1270 : memref<128x16xf32, #tpu.memory_space<vmem>>)
    %dma_wait3A_1277 = arith.constant 1 : i32
    %dma_wait3A_1278 = arith.constant 128 : i32
    %dma_wait3A_1279 = arith.constant 0 : i32
    %dma_wait3A_1280 = tpu.memref_slice %arg21[%dma_wait3A_1278, %dma_wait3A_1279] : memref<512x16xf32, #tpu.memory_space<vmem>> -> memref<128x16xf32, #tpu.memory_space<vmem>>
    %dma_wait3A_1281 = arith.constant 0 : i32
    %dma_wait3A_1282 = tpu.memref_slice %arg13[%dma_wait3A_1277, %dma_wait3A_1281] : memref<4x128xi32, #tpu.memory_space<vmem>> -> memref<1x128xi32, #tpu.memory_space<vmem>>
    %dma_wait3A_1283 = tpu.memref_squeeze %dma_wait3A_1282 : memref<1x128xi32, #tpu.memory_space<vmem>> -> memref<128xi32, #tpu.memory_space<vmem>>
    %dma_wait3A_1284 = arith.constant 0 : i32
    %dma_wait3A_1285 = arith.constant 0 : i32
    %dma_wait3A_1286 = tpu.memref_slice %arg9[%dma_wait3A_1284, %dma_wait3A_1285] : memref<500x16xf32, #tpu.memory_space<hbm>> -> memref<500x16xf32, #tpu.memory_space<hbm>>
    tpu.wait_indirect_dma semaphore(%arg27 : memref<!tpu.dma_semaphore, #tpu.memory_space<semaphore_mem>>) src(%dma_wait3A_1286 : memref<500x16xf32, #tpu.memory_space<hbm>>) dst(%dma_wait3A_1280 : memref<128x16xf32, #tpu.memory_space<vmem>>)
    %dma_wait3A_1287 = arith.constant 1 : i32
    %dma_wait3A_1288 = arith.constant 128 : i32
    %dma_wait3A_1289 = arith.constant 0 : i32
    %dma_wait3A_1290 = tpu.memref_slice %arg22[%dma_wait3A_1288, %dma_wait3A_1289] : memref<512x16xf32, #tpu.memory_space<vmem>> -> memref<128x16xf32, #tpu.memory_space<vmem>>
    %dma_wait3A_1291 = arith.constant 0 : i32
    %dma_wait3A_1292 = tpu.memref_slice %arg15[%dma_wait3A_1287, %dma_wait3A_1291] : memref<4x128xi32, #tpu.memory_space<vmem>> -> memref<1x128xi32, #tpu.memory_space<vmem>>
    %dma_wait3A_1293 = tpu.memref_squeeze %dma_wait3A_1292 : memref<1x128xi32, #tpu.memory_space<vmem>> -> memref<128xi32, #tpu.memory_space<vmem>>
    %dma_wait3A_1294 = arith.constant 0 : i32
    %dma_wait3A_1295 = arith.constant 0 : i32
    %dma_wait3A_1296 = tpu.memref_slice %arg10[%dma_wait3A_1294, %dma_wait3A_1295] : memref<4000x16xf32, #tpu.memory_space<hbm>> -> memref<4000x16xf32, #tpu.memory_space<hbm>>
    tpu.wait_indirect_dma semaphore(%arg27 : memref<!tpu.dma_semaphore, #tpu.memory_space<semaphore_mem>>) src(%dma_wait3A_1296 : memref<4000x16xf32, #tpu.memory_space<hbm>>) dst(%dma_wait3A_1290 : memref<128x16xf32, #tpu.memory_space<vmem>>)
    %dma_wait3A_1297 = arith.constant 2 : i32
    %dma_wait3A_1298 = arith.constant 256 : i32
    %dma_wait3A_1299 = arith.constant 0 : i32
    %dma_wait3A_1300 = tpu.memref_slice %arg21[%dma_wait3A_1298, %dma_wait3A_1299] : memref<512x16xf32, #tpu.memory_space<vmem>> -> memref<128x16xf32, #tpu.memory_space<vmem>>
    %dma_wait3A_1301 = arith.constant 0 : i32
    %dma_wait3A_1302 = tpu.memref_slice %arg13[%dma_wait3A_1297, %dma_wait3A_1301] : memref<4x128xi32, #tpu.memory_space<vmem>> -> memref<1x128xi32, #tpu.memory_space<vmem>>
    %dma_wait3A_1303 = tpu.memref_squeeze %dma_wait3A_1302 : memref<1x128xi32, #tpu.memory_space<vmem>> -> memref<128xi32, #tpu.memory_space<vmem>>
    %dma_wait3A_1304 = arith.constant 0 : i32
    %dma_wait3A_1305 = arith.constant 0 : i32
    %dma_wait3A_1306 = tpu.memref_slice %arg9[%dma_wait3A_1304, %dma_wait3A_1305] : memref<500x16xf32, #tpu.memory_space<hbm>> -> memref<500x16xf32, #tpu.memory_space<hbm>>
    tpu.wait_indirect_dma semaphore(%arg27 : memref<!tpu.dma_semaphore, #tpu.memory_space<semaphore_mem>>) src(%dma_wait3A_1306 : memref<500x16xf32, #tpu.memory_space<hbm>>) dst(%dma_wait3A_1300 : memref<128x16xf32, #tpu.memory_space<vmem>>)
    %dma_wait3A_1307 = arith.constant 2 : i32
    %dma_wait3A_1308 = arith.constant 256 : i32
    %dma_wait3A_1309 = arith.constant 0 : i32
    %dma_wait3A_1310 = tpu.memref_slice %arg22[%dma_wait3A_1308, %dma_wait3A_1309] : memref<512x16xf32, #tpu.memory_space<vmem>> -> memref<128x16xf32, #tpu.memory_space<vmem>>
    %dma_wait3A_1311 = arith.constant 0 : i32
    %dma_wait3A_1312 = tpu.memref_slice %arg15[%dma_wait3A_1307, %dma_wait3A_1311] : memref<4x128xi32, #tpu.memory_space<vmem>> -> memref<1x128xi32, #tpu.memory_space<vmem>>
    %dma_wait3A_1313 = tpu.memref_squeeze %dma_wait3A_1312 : memref<1x128xi32, #tpu.memory_space<vmem>> -> memref<128xi32, #tpu.memory_space<vmem>>
    %dma_wait3A_1314 = arith.constant 0 : i32
    %dma_wait3A_1315 = arith.constant 0 : i32
    %dma_wait3A_1316 = tpu.memref_slice %arg10[%dma_wait3A_1314, %dma_wait3A_1315] : memref<4000x16xf32, #tpu.memory_space<hbm>> -> memref<4000x16xf32, #tpu.memory_space<hbm>>
    tpu.wait_indirect_dma semaphore(%arg27 : memref<!tpu.dma_semaphore, #tpu.memory_space<semaphore_mem>>) src(%dma_wait3A_1316 : memref<4000x16xf32, #tpu.memory_space<hbm>>) dst(%dma_wait3A_1310 : memref<128x16xf32, #tpu.memory_space<vmem>>)
    %dma_wait3A_1317 = arith.constant 3 : i32
    %dma_wait3A_1318 = arith.constant 384 : i32
    %dma_wait3A_1319 = arith.constant 0 : i32
    %dma_wait3A_1320 = tpu.memref_slice %arg21[%dma_wait3A_1318, %dma_wait3A_1319] : memref<512x16xf32, #tpu.memory_space<vmem>> -> memref<128x16xf32, #tpu.memory_space<vmem>>
    %dma_wait3A_1321 = arith.constant 0 : i32
    %dma_wait3A_1322 = tpu.memref_slice %arg13[%dma_wait3A_1317, %dma_wait3A_1321] : memref<4x128xi32, #tpu.memory_space<vmem>> -> memref<1x128xi32, #tpu.memory_space<vmem>>
    %dma_wait3A_1323 = tpu.memref_squeeze %dma_wait3A_1322 : memref<1x128xi32, #tpu.memory_space<vmem>> -> memref<128xi32, #tpu.memory_space<vmem>>
    %dma_wait3A_1324 = arith.constant 0 : i32
    %dma_wait3A_1325 = arith.constant 0 : i32
    %dma_wait3A_1326 = tpu.memref_slice %arg9[%dma_wait3A_1324, %dma_wait3A_1325] : memref<500x16xf32, #tpu.memory_space<hbm>> -> memref<500x16xf32, #tpu.memory_space<hbm>>
    tpu.wait_indirect_dma semaphore(%arg27 : memref<!tpu.dma_semaphore, #tpu.memory_space<semaphore_mem>>) src(%dma_wait3A_1326 : memref<500x16xf32, #tpu.memory_space<hbm>>) dst(%dma_wait3A_1320 : memref<128x16xf32, #tpu.memory_space<vmem>>)
    %dma_wait3A_1327 = arith.constant 3 : i32
    %dma_wait3A_1328 = arith.constant 384 : i32
    %dma_wait3A_1329 = arith.constant 0 : i32
    %dma_wait3A_1330 = tpu.memref_slice %arg22[%dma_wait3A_1328, %dma_wait3A_1329] : memref<512x16xf32, #tpu.memory_space<vmem>> -> memref<128x16xf32, #tpu.memory_space<vmem>>
    %dma_wait3A_1331 = arith.constant 0 : i32
    %dma_wait3A_1332 = tpu.memref_slice %arg15[%dma_wait3A_1327, %dma_wait3A_1331] : memref<4x128xi32, #tpu.memory_space<vmem>> -> memref<1x128xi32, #tpu.memory_space<vmem>>
    %dma_wait3A_1333 = tpu.memref_squeeze %dma_wait3A_1332 : memref<1x128xi32, #tpu.memory_space<vmem>> -> memref<128xi32, #tpu.memory_space<vmem>>
    %dma_wait3A_1334 = arith.constant 0 : i32
    %dma_wait3A_1335 = arith.constant 0 : i32
    %dma_wait3A_1336 = tpu.memref_slice %arg10[%dma_wait3A_1334, %dma_wait3A_1335] : memref<4000x16xf32, #tpu.memory_space<hbm>> -> memref<4000x16xf32, #tpu.memory_space<hbm>>
    tpu.wait_indirect_dma semaphore(%arg27 : memref<!tpu.dma_semaphore, #tpu.memory_space<semaphore_mem>>) src(%dma_wait3A_1336 : memref<4000x16xf32, #tpu.memory_space<hbm>>) dst(%dma_wait3A_1330 : memref<128x16xf32, #tpu.memory_space<vmem>>)
    %iota3A = tpu.iota {dimensions = array<i32: 0>} : vector<16xi32>
    %mul3A_1337 = arith.constant 512 : i32
    %mul3A_1338 = vector.broadcast %mul3A_1337 : i32 to vector<16xi32>
    %mul3A_1339 = arith.muli %iota3A, %mul3A_1338 : vector<16xi32>
    %parallel_loop3A_1340 = arith.constant 0 : i32
    %parallel_loop3A_1341 = arith.constant 512 : i32
    %parallel_loop3A_1342 = arith.constant 1 : i32
    scf.for %parallel_loop3A_1883 = %parallel_loop3A_1340 to %parallel_loop3A_1341 step %parallel_loop3A_1342  : i32 {
      %parallel_loop3A_1884 = arith.index_cast %parallel_loop3A_1883 : i32 to index
      %parallel_loop3A_1885 = arith.constant 0 : index
      %parallel_loop3A_1886 = tpu.vector_load %arg21[%parallel_loop3A_1884, %parallel_loop3A_1885] {strides = array<i32>} : memref<512x16xf32, #tpu.memory_space<vmem>>, vector<16xf32>,
      %parallel_loop3A_1887 = arith.index_cast %parallel_loop3A_1883 : i32 to index
      %parallel_loop3A_1888 = arith.constant 0 : index
      %parallel_loop3A_1889 = tpu.vector_load %arg22[%parallel_loop3A_1887, %parallel_loop3A_1888] {strides = array<i32>} : memref<512x16xf32, #tpu.memory_space<vmem>>, vector<16xf32>,
      %parallel_loop3A_1890 = arith.addf %parallel_loop3A_1886, %parallel_loop3A_1889 : vector<16xf32>
      %parallel_loop3A_1891 = vector.broadcast %parallel_loop3A_1883 : i32 to vector<16xi32>
      %parallel_loop3A_1892 = arith.addi %mul3A_1339, %parallel_loop3A_1891 : vector<16xi32>
      tpu.vector_store_idx %arg23[%parallel_loop3A_1892], %parallel_loop3A_1890 : memref<22528xf32, #tpu.memory_space<vmem>>[vector<16xi32>], vector<16xf32>,
    } {sc.loop_unroll_factor = 4 : i64, sc.parallel_access}
    %dma_start3A_1343 = arith.constant 0 : i32
    %dma_start3A_1344 = arith.constant 0 : i32
    %dma_start3A_1345 = tpu.memref_slice %arg23[%dma_start3A_1344] : memref<22528xf32, #tpu.memory_space<vmem>> -> memref<512xf32, #tpu.memory_space<vmem>>
    %dma_start3A_1346 = tpu.memref_slice %arg12[%dma_start3A_1343, %mul3A_2] : memref<44x16384xf32, #tpu.memory_space<hbm>> -> memref<1x512xf32, #tpu.memory_space<hbm>>
    %dma_start3A_1347 = tpu.memref_squeeze %dma_start3A_1346 : memref<1x512xf32, #tpu.memory_space<hbm>> -> memref<512xf32, #tpu.memory_space<hbm>>
    %dma_start3A_1348 = tpu.memref_slice %arg12[%dma_start3A_1343, %mul3A_2] : memref<44x16384xf32, #tpu.memory_space<hbm>> -> memref<1x512xf32, #tpu.memory_space<hbm>>
    %dma_start3A_1349 = tpu.memref_squeeze %dma_start3A_1348 : memref<1x512xf32, #tpu.memory_space<hbm>> -> memref<512xf32, #tpu.memory_space<hbm>>
    %dma_start3A_1350 = arith.constant 0 : i32
    %dma_start3A_1351 = tpu.memref_slice %arg23[%dma_start3A_1350] : memref<22528xf32, #tpu.memory_space<vmem>> -> memref<512xf32, #tpu.memory_space<vmem>>
    tpu.enqueue_dma source(%dma_start3A_1351 : memref<512xf32, #tpu.memory_space<vmem>>) target(%dma_start3A_1349 : memref<512xf32, #tpu.memory_space<hbm>>) target_semaphore(%arg28 : memref<!tpu.dma_semaphore, #tpu.memory_space<semaphore_mem>>)
    %dma_start3A_1352 = arith.constant 1 : i32
    %dma_start3A_1353 = arith.constant 512 : i32
    %dma_start3A_1354 = tpu.memref_slice %arg23[%dma_start3A_1353] : memref<22528xf32, #tpu.memory_space<vmem>> -> memref<512xf32, #tpu.memory_space<vmem>>
    %dma_start3A_1355 = tpu.memref_slice %arg12[%dma_start3A_1352, %mul3A_2] : memref<44x16384xf32, #tpu.memory_space<hbm>> -> memref<1x512xf32, #tpu.memory_space<hbm>>
    %dma_start3A_1356 = tpu.memref_squeeze %dma_start3A_1355 : memref<1x512xf32, #tpu.memory_space<hbm>> -> memref<512xf32, #tpu.memory_space<hbm>>
    %dma_start3A_1357 = tpu.memref_slice %arg12[%dma_start3A_1352, %mul3A_2] : memref<44x16384xf32, #tpu.memory_space<hbm>> -> memref<1x512xf32, #tpu.memory_space<hbm>>
    %dma_start3A_1358 = tpu.memref_squeeze %dma_start3A_1357 : memref<1x512xf32, #tpu.memory_space<hbm>> -> memref<512xf32, #tpu.memory_space<hbm>>
    %dma_start3A_1359 = arith.constant 512 : i32
    %dma_start3A_1360 = tpu.memref_slice %arg23[%dma_start3A_1359] : memref<22528xf32, #tpu.memory_space<vmem>> -> memref<512xf32, #tpu.memory_space<vmem>>
    tpu.enqueue_dma source(%dma_start3A_1360 : memref<512xf32, #tpu.memory_space<vmem>>) target(%dma_start3A_1358 : memref<512xf32, #tpu.memory_space<hbm>>) target_semaphore(%arg28 : memref<!tpu.dma_semaphore, #tpu.memory_space<semaphore_mem>>)
    %dma_start3A_1361 = arith.constant 2 : i32
    %dma_start3A_1362 = arith.constant 1024 : i32
    %dma_start3A_1363 = tpu.memref_slice %arg23[%dma_start3A_1362] : memref<22528xf32, #tpu.memory_space<vmem>> -> memref<512xf32, #tpu.memory_space<vmem>>
    %dma_start3A_1364 = tpu.memref_slice %arg12[%dma_start3A_1361, %mul3A_2] : memref<44x16384xf32, #tpu.memory_space<hbm>> -> memref<1x512xf32, #tpu.memory_space<hbm>>
    %dma_start3A_1365 = tpu.memref_squeeze %dma_start3A_1364 : memref<1x512xf32, #tpu.memory_space<hbm>> -> memref<512xf32, #tpu.memory_space<hbm>>
    %dma_start3A_1366 = tpu.memref_slice %arg12[%dma_start3A_1361, %mul3A_2] : memref<44x16384xf32, #tpu.memory_space<hbm>> -> memref<1x512xf32, #tpu.memory_space<hbm>>
    %dma_start3A_1367 = tpu.memref_squeeze %dma_start3A_1366 : memref<1x512xf32, #tpu.memory_space<hbm>> -> memref<512xf32, #tpu.memory_space<hbm>>
    %dma_start3A_1368 = arith.constant 1024 : i32
    %dma_start3A_1369 = tpu.memref_slice %arg23[%dma_start3A_1368] : memref<22528xf32, #tpu.memory_space<vmem>> -> memref<512xf32, #tpu.memory_space<vmem>>
    tpu.enqueue_dma source(%dma_start3A_1369 : memref<512xf32, #tpu.memory_space<vmem>>) target(%dma_start3A_1367 : memref<512xf32, #tpu.memory_space<hbm>>) target_semaphore(%arg28 : memref<!tpu.dma_semaphore, #tpu.memory_space<semaphore_mem>>)
    %dma_start3A_1370 = arith.constant 3 : i32
    %dma_start3A_1371 = arith.constant 1536 : i32
    %dma_start3A_1372 = tpu.memref_slice %arg23[%dma_start3A_1371] : memref<22528xf32, #tpu.memory_space<vmem>> -> memref<512xf32, #tpu.memory_space<vmem>>
    %dma_start3A_1373 = tpu.memref_slice %arg12[%dma_start3A_1370, %mul3A_2] : memref<44x16384xf32, #tpu.memory_space<hbm>> -> memref<1x512xf32, #tpu.memory_space<hbm>>
    %dma_start3A_1374 = tpu.memref_squeeze %dma_start3A_1373 : memref<1x512xf32, #tpu.memory_space<hbm>> -> memref<512xf32, #tpu.memory_space<hbm>>
    %dma_start3A_1375 = tpu.memref_slice %arg12[%dma_start3A_1370, %mul3A_2] : memref<44x16384xf32, #tpu.memory_space<hbm>> -> memref<1x512xf32, #tpu.memory_space<hbm>>
    %dma_start3A_1376 = tpu.memref_squeeze %dma_start3A_1375 : memref<1x512xf32, #tpu.memory_space<hbm>> -> memref<512xf32, #tpu.memory_space<hbm>>
    %dma_start3A_1377 = arith.constant 1536 : i32
    %dma_start3A_1378 = tpu.memref_slice %arg23[%dma_start3A_1377] : memref<22528xf32, #tpu.memory_space<vmem>> -> memref<512xf32, #tpu.memory_space<vmem>>
    tpu.enqueue_dma source(%dma_start3A_1378 : memref<512xf32, #tpu.memory_space<vmem>>) target(%dma_start3A_1376 : memref<512xf32, #tpu.memory_space<hbm>>) target_semaphore(%arg28 : memref<!tpu.dma_semaphore, #tpu.memory_space<semaphore_mem>>)
    %dma_start3A_1379 = arith.constant 4 : i32
    %dma_start3A_1380 = arith.constant 2048 : i32
    %dma_start3A_1381 = tpu.memref_slice %arg23[%dma_start3A_1380] : memref<22528xf32, #tpu.memory_space<vmem>> -> memref<512xf32, #tpu.memory_space<vmem>>
    %dma_start3A_1382 = tpu.memref_slice %arg12[%dma_start3A_1379, %mul3A_2] : memref<44x16384xf32, #tpu.memory_space<hbm>> -> memref<1x512xf32, #tpu.memory_space<hbm>>
    %dma_start3A_1383 = tpu.memref_squeeze %dma_start3A_1382 : memref<1x512xf32, #tpu.memory_space<hbm>> -> memref<512xf32, #tpu.memory_space<hbm>>
    %dma_start3A_1384 = tpu.memref_slice %arg12[%dma_start3A_1379, %mul3A_2] : memref<44x16384xf32, #tpu.memory_space<hbm>> -> memref<1x512xf32, #tpu.memory_space<hbm>>
    %dma_start3A_1385 = tpu.memref_squeeze %dma_start3A_1384 : memref<1x512xf32, #tpu.memory_space<hbm>> -> memref<512xf32, #tpu.memory_space<hbm>>
    %dma_start3A_1386 = arith.constant 2048 : i32
    %dma_start3A_1387 = tpu.memref_slice %arg23[%dma_start3A_1386] : memref<22528xf32, #tpu.memory_space<vmem>> -> memref<512xf32, #tpu.memory_space<vmem>>
    tpu.enqueue_dma source(%dma_start3A_1387 : memref<512xf32, #tpu.memory_space<vmem>>) target(%dma_start3A_1385 : memref<512xf32, #tpu.memory_space<hbm>>) target_semaphore(%arg28 : memref<!tpu.dma_semaphore, #tpu.memory_space<semaphore_mem>>)
    %dma_start3A_1388 = arith.constant 5 : i32
    %dma_start3A_1389 = arith.constant 2560 : i32
    %dma_start3A_1390 = tpu.memref_slice %arg23[%dma_start3A_1389] : memref<22528xf32, #tpu.memory_space<vmem>> -> memref<512xf32, #tpu.memory_space<vmem>>
    %dma_start3A_1391 = tpu.memref_slice %arg12[%dma_start3A_1388, %mul3A_2] : memref<44x16384xf32, #tpu.memory_space<hbm>> -> memref<1x512xf32, #tpu.memory_space<hbm>>
    %dma_start3A_1392 = tpu.memref_squeeze %dma_start3A_1391 : memref<1x512xf32, #tpu.memory_space<hbm>> -> memref<512xf32, #tpu.memory_space<hbm>>
    %dma_start3A_1393 = tpu.memref_slice %arg12[%dma_start3A_1388, %mul3A_2] : memref<44x16384xf32, #tpu.memory_space<hbm>> -> memref<1x512xf32, #tpu.memory_space<hbm>>
    %dma_start3A_1394 = tpu.memref_squeeze %dma_start3A_1393 : memref<1x512xf32, #tpu.memory_space<hbm>> -> memref<512xf32, #tpu.memory_space<hbm>>
    %dma_start3A_1395 = arith.constant 2560 : i32
    %dma_start3A_1396 = tpu.memref_slice %arg23[%dma_start3A_1395] : memref<22528xf32, #tpu.memory_space<vmem>> -> memref<512xf32, #tpu.memory_space<vmem>>
    tpu.enqueue_dma source(%dma_start3A_1396 : memref<512xf32, #tpu.memory_space<vmem>>) target(%dma_start3A_1394 : memref<512xf32, #tpu.memory_space<hbm>>) target_semaphore(%arg28 : memref<!tpu.dma_semaphore, #tpu.memory_space<semaphore_mem>>)
    %dma_start3A_1397 = arith.constant 6 : i32
    %dma_start3A_1398 = arith.constant 3072 : i32
    %dma_start3A_1399 = tpu.memref_slice %arg23[%dma_start3A_1398] : memref<22528xf32, #tpu.memory_space<vmem>> -> memref<512xf32, #tpu.memory_space<vmem>>
    %dma_start3A_1400 = tpu.memref_slice %arg12[%dma_start3A_1397, %mul3A_2] : memref<44x16384xf32, #tpu.memory_space<hbm>> -> memref<1x512xf32, #tpu.memory_space<hbm>>
    %dma_start3A_1401 = tpu.memref_squeeze %dma_start3A_1400 : memref<1x512xf32, #tpu.memory_space<hbm>> -> memref<512xf32, #tpu.memory_space<hbm>>
    %dma_start3A_1402 = tpu.memref_slice %arg12[%dma_start3A_1397, %mul3A_2] : memref<44x16384xf32, #tpu.memory_space<hbm>> -> memref<1x512xf32, #tpu.memory_space<hbm>>
    %dma_start3A_1403 = tpu.memref_squeeze %dma_start3A_1402 : memref<1x512xf32, #tpu.memory_space<hbm>> -> memref<512xf32, #tpu.memory_space<hbm>>
    %dma_start3A_1404 = arith.constant 3072 : i32
    %dma_start3A_1405 = tpu.memref_slice %arg23[%dma_start3A_1404] : memref<22528xf32, #tpu.memory_space<vmem>> -> memref<512xf32, #tpu.memory_space<vmem>>
    tpu.enqueue_dma source(%dma_start3A_1405 : memref<512xf32, #tpu.memory_space<vmem>>) target(%dma_start3A_1403 : memref<512xf32, #tpu.memory_space<hbm>>) target_semaphore(%arg28 : memref<!tpu.dma_semaphore, #tpu.memory_space<semaphore_mem>>)
    %dma_start3A_1406 = arith.constant 7 : i32
    %dma_start3A_1407 = arith.constant 3584 : i32
    %dma_start3A_1408 = tpu.memref_slice %arg23[%dma_start3A_1407] : memref<22528xf32, #tpu.memory_space<vmem>> -> memref<512xf32, #tpu.memory_space<vmem>>
    %dma_start3A_1409 = tpu.memref_slice %arg12[%dma_start3A_1406, %mul3A_2] : memref<44x16384xf32, #tpu.memory_space<hbm>> -> memref<1x512xf32, #tpu.memory_space<hbm>>
    %dma_start3A_1410 = tpu.memref_squeeze %dma_start3A_1409 : memref<1x512xf32, #tpu.memory_space<hbm>> -> memref<512xf32, #tpu.memory_space<hbm>>
    %dma_start3A_1411 = tpu.memref_slice %arg12[%dma_start3A_1406, %mul3A_2] : memref<44x16384xf32, #tpu.memory_space<hbm>> -> memref<1x512xf32, #tpu.memory_space<hbm>>
    %dma_start3A_1412 = tpu.memref_squeeze %dma_start3A_1411 : memref<1x512xf32, #tpu.memory_space<hbm>> -> memref<512xf32, #tpu.memory_space<hbm>>
    %dma_start3A_1413 = arith.constant 3584 : i32
    %dma_start3A_1414 = tpu.memref_slice %arg23[%dma_start3A_1413] : memref<22528xf32, #tpu.memory_space<vmem>> -> memref<512xf32, #tpu.memory_space<vmem>>
    tpu.enqueue_dma source(%dma_start3A_1414 : memref<512xf32, #tpu.memory_space<vmem>>) target(%dma_start3A_1412 : memref<512xf32, #tpu.memory_space<hbm>>) target_semaphore(%arg28 : memref<!tpu.dma_semaphore, #tpu.memory_space<semaphore_mem>>)
    %dma_start3A_1415 = arith.constant 8 : i32
    %dma_start3A_1416 = arith.constant 4096 : i32
    %dma_start3A_1417 = tpu.memref_slice %arg23[%dma_start3A_1416] : memref<22528xf32, #tpu.memory_space<vmem>> -> memref<512xf32, #tpu.memory_space<vmem>>
    %dma_start3A_1418 = tpu.memref_slice %arg12[%dma_start3A_1415, %mul3A_2] : memref<44x16384xf32, #tpu.memory_space<hbm>> -> memref<1x512xf32, #tpu.memory_space<hbm>>
    %dma_start3A_1419 = tpu.memref_squeeze %dma_start3A_1418 : memref<1x512xf32, #tpu.memory_space<hbm>> -> memref<512xf32, #tpu.memory_space<hbm>>
    %dma_start3A_1420 = tpu.memref_slice %arg12[%dma_start3A_1415, %mul3A_2] : memref<44x16384xf32, #tpu.memory_space<hbm>> -> memref<1x512xf32, #tpu.memory_space<hbm>>
    %dma_start3A_1421 = tpu.memref_squeeze %dma_start3A_1420 : memref<1x512xf32, #tpu.memory_space<hbm>> -> memref<512xf32, #tpu.memory_space<hbm>>
    %dma_start3A_1422 = arith.constant 4096 : i32
    %dma_start3A_1423 = tpu.memref_slice %arg23[%dma_start3A_1422] : memref<22528xf32, #tpu.memory_space<vmem>> -> memref<512xf32, #tpu.memory_space<vmem>>
    tpu.enqueue_dma source(%dma_start3A_1423 : memref<512xf32, #tpu.memory_space<vmem>>) target(%dma_start3A_1421 : memref<512xf32, #tpu.memory_space<hbm>>) target_semaphore(%arg28 : memref<!tpu.dma_semaphore, #tpu.memory_space<semaphore_mem>>)
    %dma_start3A_1424 = arith.constant 9 : i32
    %dma_start3A_1425 = arith.constant 4608 : i32
    %dma_start3A_1426 = tpu.memref_slice %arg23[%dma_start3A_1425] : memref<22528xf32, #tpu.memory_space<vmem>> -> memref<512xf32, #tpu.memory_space<vmem>>
    %dma_start3A_1427 = tpu.memref_slice %arg12[%dma_start3A_1424, %mul3A_2] : memref<44x16384xf32, #tpu.memory_space<hbm>> -> memref<1x512xf32, #tpu.memory_space<hbm>>
    %dma_start3A_1428 = tpu.memref_squeeze %dma_start3A_1427 : memref<1x512xf32, #tpu.memory_space<hbm>> -> memref<512xf32, #tpu.memory_space<hbm>>
    %dma_start3A_1429 = tpu.memref_slice %arg12[%dma_start3A_1424, %mul3A_2] : memref<44x16384xf32, #tpu.memory_space<hbm>> -> memref<1x512xf32, #tpu.memory_space<hbm>>
    %dma_start3A_1430 = tpu.memref_squeeze %dma_start3A_1429 : memref<1x512xf32, #tpu.memory_space<hbm>> -> memref<512xf32, #tpu.memory_space<hbm>>
    %dma_start3A_1431 = arith.constant 4608 : i32
    %dma_start3A_1432 = tpu.memref_slice %arg23[%dma_start3A_1431] : memref<22528xf32, #tpu.memory_space<vmem>> -> memref<512xf32, #tpu.memory_space<vmem>>
    tpu.enqueue_dma source(%dma_start3A_1432 : memref<512xf32, #tpu.memory_space<vmem>>) target(%dma_start3A_1430 : memref<512xf32, #tpu.memory_space<hbm>>) target_semaphore(%arg28 : memref<!tpu.dma_semaphore, #tpu.memory_space<semaphore_mem>>)
    %dma_start3A_1433 = arith.constant 10 : i32
    %dma_start3A_1434 = arith.constant 5120 : i32
    %dma_start3A_1435 = tpu.memref_slice %arg23[%dma_start3A_1434] : memref<22528xf32, #tpu.memory_space<vmem>> -> memref<512xf32, #tpu.memory_space<vmem>>
    %dma_start3A_1436 = tpu.memref_slice %arg12[%dma_start3A_1433, %mul3A_2] : memref<44x16384xf32, #tpu.memory_space<hbm>> -> memref<1x512xf32, #tpu.memory_space<hbm>>
    %dma_start3A_1437 = tpu.memref_squeeze %dma_start3A_1436 : memref<1x512xf32, #tpu.memory_space<hbm>> -> memref<512xf32, #tpu.memory_space<hbm>>
    %dma_start3A_1438 = tpu.memref_slice %arg12[%dma_start3A_1433, %mul3A_2] : memref<44x16384xf32, #tpu.memory_space<hbm>> -> memref<1x512xf32, #tpu.memory_space<hbm>>
    %dma_start3A_1439 = tpu.memref_squeeze %dma_start3A_1438 : memref<1x512xf32, #tpu.memory_space<hbm>> -> memref<512xf32, #tpu.memory_space<hbm>>
    %dma_start3A_1440 = arith.constant 5120 : i32
    %dma_start3A_1441 = tpu.memref_slice %arg23[%dma_start3A_1440] : memref<22528xf32, #tpu.memory_space<vmem>> -> memref<512xf32, #tpu.memory_space<vmem>>
    tpu.enqueue_dma source(%dma_start3A_1441 : memref<512xf32, #tpu.memory_space<vmem>>) target(%dma_start3A_1439 : memref<512xf32, #tpu.memory_space<hbm>>) target_semaphore(%arg28 : memref<!tpu.dma_semaphore, #tpu.memory_space<semaphore_mem>>)
    %dma_start3A_1442 = arith.constant 11 : i32
    %dma_start3A_1443 = arith.constant 5632 : i32
    %dma_start3A_1444 = tpu.memref_slice %arg23[%dma_start3A_1443] : memref<22528xf32, #tpu.memory_space<vmem>> -> memref<512xf32, #tpu.memory_space<vmem>>
    %dma_start3A_1445 = tpu.memref_slice %arg12[%dma_start3A_1442, %mul3A_2] : memref<44x16384xf32, #tpu.memory_space<hbm>> -> memref<1x512xf32, #tpu.memory_space<hbm>>
    %dma_start3A_1446 = tpu.memref_squeeze %dma_start3A_1445 : memref<1x512xf32, #tpu.memory_space<hbm>> -> memref<512xf32, #tpu.memory_space<hbm>>
    %dma_start3A_1447 = tpu.memref_slice %arg12[%dma_start3A_1442, %mul3A_2] : memref<44x16384xf32, #tpu.memory_space<hbm>> -> memref<1x512xf32, #tpu.memory_space<hbm>>
    %dma_start3A_1448 = tpu.memref_squeeze %dma_start3A_1447 : memref<1x512xf32, #tpu.memory_space<hbm>> -> memref<512xf32, #tpu.memory_space<hbm>>
    %dma_start3A_1449 = arith.constant 5632 : i32
    %dma_start3A_1450 = tpu.memref_slice %arg23[%dma_start3A_1449] : memref<22528xf32, #tpu.memory_space<vmem>> -> memref<512xf32, #tpu.memory_space<vmem>>
    tpu.enqueue_dma source(%dma_start3A_1450 : memref<512xf32, #tpu.memory_space<vmem>>) target(%dma_start3A_1448 : memref<512xf32, #tpu.memory_space<hbm>>) target_semaphore(%arg28 : memref<!tpu.dma_semaphore, #tpu.memory_space<semaphore_mem>>)
    %dma_start3A_1451 = arith.constant 12 : i32
    %dma_start3A_1452 = arith.constant 6144 : i32
    %dma_start3A_1453 = tpu.memref_slice %arg23[%dma_start3A_1452] : memref<22528xf32, #tpu.memory_space<vmem>> -> memref<512xf32, #tpu.memory_space<vmem>>
    %dma_start3A_1454 = tpu.memref_slice %arg12[%dma_start3A_1451, %mul3A_2] : memref<44x16384xf32, #tpu.memory_space<hbm>> -> memref<1x512xf32, #tpu.memory_space<hbm>>
    %dma_start3A_1455 = tpu.memref_squeeze %dma_start3A_1454 : memref<1x512xf32, #tpu.memory_space<hbm>> -> memref<512xf32, #tpu.memory_space<hbm>>
    %dma_start3A_1456 = tpu.memref_slice %arg12[%dma_start3A_1451, %mul3A_2] : memref<44x16384xf32, #tpu.memory_space<hbm>> -> memref<1x512xf32, #tpu.memory_space<hbm>>
    %dma_start3A_1457 = tpu.memref_squeeze %dma_start3A_1456 : memref<1x512xf32, #tpu.memory_space<hbm>> -> memref<512xf32, #tpu.memory_space<hbm>>
    %dma_start3A_1458 = arith.constant 6144 : i32
    %dma_start3A_1459 = tpu.memref_slice %arg23[%dma_start3A_1458] : memref<22528xf32, #tpu.memory_space<vmem>> -> memref<512xf32, #tpu.memory_space<vmem>>
    tpu.enqueue_dma source(%dma_start3A_1459 : memref<512xf32, #tpu.memory_space<vmem>>) target(%dma_start3A_1457 : memref<512xf32, #tpu.memory_space<hbm>>) target_semaphore(%arg28 : memref<!tpu.dma_semaphore, #tpu.memory_space<semaphore_mem>>)
    %dma_start3A_1460 = arith.constant 13 : i32
    %dma_start3A_1461 = arith.constant 6656 : i32
    %dma_start3A_1462 = tpu.memref_slice %arg23[%dma_start3A_1461] : memref<22528xf32, #tpu.memory_space<vmem>> -> memref<512xf32, #tpu.memory_space<vmem>>
    %dma_start3A_1463 = tpu.memref_slice %arg12[%dma_start3A_1460, %mul3A_2] : memref<44x16384xf32, #tpu.memory_space<hbm>> -> memref<1x512xf32, #tpu.memory_space<hbm>>
    %dma_start3A_1464 = tpu.memref_squeeze %dma_start3A_1463 : memref<1x512xf32, #tpu.memory_space<hbm>> -> memref<512xf32, #tpu.memory_space<hbm>>
    %dma_start3A_1465 = tpu.memref_slice %arg12[%dma_start3A_1460, %mul3A_2] : memref<44x16384xf32, #tpu.memory_space<hbm>> -> memref<1x512xf32, #tpu.memory_space<hbm>>
    %dma_start3A_1466 = tpu.memref_squeeze %dma_start3A_1465 : memref<1x512xf32, #tpu.memory_space<hbm>> -> memref<512xf32, #tpu.memory_space<hbm>>
    %dma_start3A_1467 = arith.constant 6656 : i32
    %dma_start3A_1468 = tpu.memref_slice %arg23[%dma_start3A_1467] : memref<22528xf32, #tpu.memory_space<vmem>> -> memref<512xf32, #tpu.memory_space<vmem>>
    tpu.enqueue_dma source(%dma_start3A_1468 : memref<512xf32, #tpu.memory_space<vmem>>) target(%dma_start3A_1466 : memref<512xf32, #tpu.memory_space<hbm>>) target_semaphore(%arg28 : memref<!tpu.dma_semaphore, #tpu.memory_space<semaphore_mem>>)
    %dma_start3A_1469 = arith.constant 14 : i32
    %dma_start3A_1470 = arith.constant 7168 : i32
    %dma_start3A_1471 = tpu.memref_slice %arg23[%dma_start3A_1470] : memref<22528xf32, #tpu.memory_space<vmem>> -> memref<512xf32, #tpu.memory_space<vmem>>
    %dma_start3A_1472 = tpu.memref_slice %arg12[%dma_start3A_1469, %mul3A_2] : memref<44x16384xf32, #tpu.memory_space<hbm>> -> memref<1x512xf32, #tpu.memory_space<hbm>>
    %dma_start3A_1473 = tpu.memref_squeeze %dma_start3A_1472 : memref<1x512xf32, #tpu.memory_space<hbm>> -> memref<512xf32, #tpu.memory_space<hbm>>
    %dma_start3A_1474 = tpu.memref_slice %arg12[%dma_start3A_1469, %mul3A_2] : memref<44x16384xf32, #tpu.memory_space<hbm>> -> memref<1x512xf32, #tpu.memory_space<hbm>>
    %dma_start3A_1475 = tpu.memref_squeeze %dma_start3A_1474 : memref<1x512xf32, #tpu.memory_space<hbm>> -> memref<512xf32, #tpu.memory_space<hbm>>
    %dma_start3A_1476 = arith.constant 7168 : i32
    %dma_start3A_1477 = tpu.memref_slice %arg23[%dma_start3A_1476] : memref<22528xf32, #tpu.memory_space<vmem>> -> memref<512xf32, #tpu.memory_space<vmem>>
    tpu.enqueue_dma source(%dma_start3A_1477 : memref<512xf32, #tpu.memory_space<vmem>>) target(%dma_start3A_1475 : memref<512xf32, #tpu.memory_space<hbm>>) target_semaphore(%arg28 : memref<!tpu.dma_semaphore, #tpu.memory_space<semaphore_mem>>)
    %dma_start3A_1478 = arith.constant 15 : i32
    %dma_start3A_1479 = arith.constant 7680 : i32
    %dma_start3A_1480 = tpu.memref_slice %arg23[%dma_start3A_1479] : memref<22528xf32, #tpu.memory_space<vmem>> -> memref<512xf32, #tpu.memory_space<vmem>>
    %dma_start3A_1481 = tpu.memref_slice %arg12[%dma_start3A_1478, %mul3A_2] : memref<44x16384xf32, #tpu.memory_space<hbm>> -> memref<1x512xf32, #tpu.memory_space<hbm>>
    %dma_start3A_1482 = tpu.memref_squeeze %dma_start3A_1481 : memref<1x512xf32, #tpu.memory_space<hbm>> -> memref<512xf32, #tpu.memory_space<hbm>>
    %dma_start3A_1483 = tpu.memref_slice %arg12[%dma_start3A_1478, %mul3A_2] : memref<44x16384xf32, #tpu.memory_space<hbm>> -> memref<1x512xf32, #tpu.memory_space<hbm>>
    %dma_start3A_1484 = tpu.memref_squeeze %dma_start3A_1483 : memref<1x512xf32, #tpu.memory_space<hbm>> -> memref<512xf32, #tpu.memory_space<hbm>>
    %dma_start3A_1485 = arith.constant 7680 : i32
    %dma_start3A_1486 = tpu.memref_slice %arg23[%dma_start3A_1485] : memref<22528xf32, #tpu.memory_space<vmem>> -> memref<512xf32, #tpu.memory_space<vmem>>
    tpu.enqueue_dma source(%dma_start3A_1486 : memref<512xf32, #tpu.memory_space<vmem>>) target(%dma_start3A_1484 : memref<512xf32, #tpu.memory_space<hbm>>) target_semaphore(%arg28 : memref<!tpu.dma_semaphore, #tpu.memory_space<semaphore_mem>>)
    %dma_wait3A_1487 = arith.constant 16 : i32
    %dma_wait3A_1488 = arith.constant 8192 : i32
    %dma_wait3A_1489 = tpu.memref_slice %arg23[%dma_wait3A_1488] : memref<22528xf32, #tpu.memory_space<vmem>> -> memref<512xf32, #tpu.memory_space<vmem>>
    %dma_wait3A_1490 = tpu.memref_slice %arg12[%dma_wait3A_1487, %mul3A_2] : memref<44x16384xf32, #tpu.memory_space<hbm>> -> memref<1x512xf32, #tpu.memory_space<hbm>>
    %dma_wait3A_1491 = tpu.memref_squeeze %dma_wait3A_1490 : memref<1x512xf32, #tpu.memory_space<hbm>> -> memref<512xf32, #tpu.memory_space<hbm>>
    %dma_wait3A_1492 = tpu.memref_slice %arg12[%dma_wait3A_1487, %mul3A_2] : memref<44x16384xf32, #tpu.memory_space<hbm>> -> memref<1x512xf32, #tpu.memory_space<hbm>>
    %dma_wait3A_1493 = tpu.memref_squeeze %dma_wait3A_1492 : memref<1x512xf32, #tpu.memory_space<hbm>> -> memref<512xf32, #tpu.memory_space<hbm>>
    %dma_wait3A_1494 = arith.constant 8192 : i32
    %dma_wait3A_1495 = tpu.memref_slice %arg23[%dma_wait3A_1494] : memref<22528xf32, #tpu.memory_space<vmem>> -> memref<512xf32, #tpu.memory_space<vmem>>
    tpu.wait_dma2 semaphore(%arg28 : memref<!tpu.dma_semaphore, #tpu.memory_space<semaphore_mem>>) src(%dma_wait3A_1495 : memref<512xf32, #tpu.memory_space<vmem>>) dst(%dma_wait3A_1493 : memref<512xf32, #tpu.memory_space<hbm>>)
    %dma_wait3A_1496 = arith.constant 17 : i32
    %dma_wait3A_1497 = arith.constant 8704 : i32
    %dma_wait3A_1498 = tpu.memref_slice %arg23[%dma_wait3A_1497] : memref<22528xf32, #tpu.memory_space<vmem>> -> memref<512xf32, #tpu.memory_space<vmem>>
    %dma_wait3A_1499 = tpu.memref_slice %arg12[%dma_wait3A_1496, %mul3A_2] : memref<44x16384xf32, #tpu.memory_space<hbm>> -> memref<1x512xf32, #tpu.memory_space<hbm>>
    %dma_wait3A_1500 = tpu.memref_squeeze %dma_wait3A_1499 : memref<1x512xf32, #tpu.memory_space<hbm>> -> memref<512xf32, #tpu.memory_space<hbm>>
    %dma_wait3A_1501 = tpu.memref_slice %arg12[%dma_wait3A_1496, %mul3A_2] : memref<44x16384xf32, #tpu.memory_space<hbm>> -> memref<1x512xf32, #tpu.memory_space<hbm>>
    %dma_wait3A_1502 = tpu.memref_squeeze %dma_wait3A_1501 : memref<1x512xf32, #tpu.memory_space<hbm>> -> memref<512xf32, #tpu.memory_space<hbm>>
    %dma_wait3A_1503 = arith.constant 8704 : i32
    %dma_wait3A_1504 = tpu.memref_slice %arg23[%dma_wait3A_1503] : memref<22528xf32, #tpu.memory_space<vmem>> -> memref<512xf32, #tpu.memory_space<vmem>>
    tpu.wait_dma2 semaphore(%arg28 : memref<!tpu.dma_semaphore, #tpu.memory_space<semaphore_mem>>) src(%dma_wait3A_1504 : memref<512xf32, #tpu.memory_space<vmem>>) dst(%dma_wait3A_1502 : memref<512xf32, #tpu.memory_space<hbm>>)
    %dma_wait3A_1505 = arith.constant 18 : i32
    %dma_wait3A_1506 = arith.constant 9216 : i32
    %dma_wait3A_1507 = tpu.memref_slice %arg23[%dma_wait3A_1506] : memref<22528xf32, #tpu.memory_space<vmem>> -> memref<512xf32, #tpu.memory_space<vmem>>
    %dma_wait3A_1508 = tpu.memref_slice %arg12[%dma_wait3A_1505, %mul3A_2] : memref<44x16384xf32, #tpu.memory_space<hbm>> -> memref<1x512xf32, #tpu.memory_space<hbm>>
    %dma_wait3A_1509 = tpu.memref_squeeze %dma_wait3A_1508 : memref<1x512xf32, #tpu.memory_space<hbm>> -> memref<512xf32, #tpu.memory_space<hbm>>
    %dma_wait3A_1510 = tpu.memref_slice %arg12[%dma_wait3A_1505, %mul3A_2] : memref<44x16384xf32, #tpu.memory_space<hbm>> -> memref<1x512xf32, #tpu.memory_space<hbm>>
    %dma_wait3A_1511 = tpu.memref_squeeze %dma_wait3A_1510 : memref<1x512xf32, #tpu.memory_space<hbm>> -> memref<512xf32, #tpu.memory_space<hbm>>
    %dma_wait3A_1512 = arith.constant 9216 : i32
    %dma_wait3A_1513 = tpu.memref_slice %arg23[%dma_wait3A_1512] : memref<22528xf32, #tpu.memory_space<vmem>> -> memref<512xf32, #tpu.memory_space<vmem>>
    tpu.wait_dma2 semaphore(%arg28 : memref<!tpu.dma_semaphore, #tpu.memory_space<semaphore_mem>>) src(%dma_wait3A_1513 : memref<512xf32, #tpu.memory_space<vmem>>) dst(%dma_wait3A_1511 : memref<512xf32, #tpu.memory_space<hbm>>)
    %dma_wait3A_1514 = arith.constant 19 : i32
    %dma_wait3A_1515 = arith.constant 9728 : i32
    %dma_wait3A_1516 = tpu.memref_slice %arg23[%dma_wait3A_1515] : memref<22528xf32, #tpu.memory_space<vmem>> -> memref<512xf32, #tpu.memory_space<vmem>>
    %dma_wait3A_1517 = tpu.memref_slice %arg12[%dma_wait3A_1514, %mul3A_2] : memref<44x16384xf32, #tpu.memory_space<hbm>> -> memref<1x512xf32, #tpu.memory_space<hbm>>
    %dma_wait3A_1518 = tpu.memref_squeeze %dma_wait3A_1517 : memref<1x512xf32, #tpu.memory_space<hbm>> -> memref<512xf32, #tpu.memory_space<hbm>>
    %dma_wait3A_1519 = tpu.memref_slice %arg12[%dma_wait3A_1514, %mul3A_2] : memref<44x16384xf32, #tpu.memory_space<hbm>> -> memref<1x512xf32, #tpu.memory_space<hbm>>
    %dma_wait3A_1520 = tpu.memref_squeeze %dma_wait3A_1519 : memref<1x512xf32, #tpu.memory_space<hbm>> -> memref<512xf32, #tpu.memory_space<hbm>>
    %dma_wait3A_1521 = arith.constant 9728 : i32
    %dma_wait3A_1522 = tpu.memref_slice %arg23[%dma_wait3A_1521] : memref<22528xf32, #tpu.memory_space<vmem>> -> memref<512xf32, #tpu.memory_space<vmem>>
    tpu.wait_dma2 semaphore(%arg28 : memref<!tpu.dma_semaphore, #tpu.memory_space<semaphore_mem>>) src(%dma_wait3A_1522 : memref<512xf32, #tpu.memory_space<vmem>>) dst(%dma_wait3A_1520 : memref<512xf32, #tpu.memory_space<hbm>>)
    %dma_wait3A_1523 = arith.constant 20 : i32
    %dma_wait3A_1524 = arith.constant 10240 : i32
    %dma_wait3A_1525 = tpu.memref_slice %arg23[%dma_wait3A_1524] : memref<22528xf32, #tpu.memory_space<vmem>> -> memref<512xf32, #tpu.memory_space<vmem>>
    %dma_wait3A_1526 = tpu.memref_slice %arg12[%dma_wait3A_1523, %mul3A_2] : memref<44x16384xf32, #tpu.memory_space<hbm>> -> memref<1x512xf32, #tpu.memory_space<hbm>>
    %dma_wait3A_1527 = tpu.memref_squeeze %dma_wait3A_1526 : memref<1x512xf32, #tpu.memory_space<hbm>> -> memref<512xf32, #tpu.memory_space<hbm>>
    %dma_wait3A_1528 = tpu.memref_slice %arg12[%dma_wait3A_1523, %mul3A_2] : memref<44x16384xf32, #tpu.memory_space<hbm>> -> memref<1x512xf32, #tpu.memory_space<hbm>>
    %dma_wait3A_1529 = tpu.memref_squeeze %dma_wait3A_1528 : memref<1x512xf32, #tpu.memory_space<hbm>> -> memref<512xf32, #tpu.memory_space<hbm>>
    %dma_wait3A_1530 = arith.constant 10240 : i32
    %dma_wait3A_1531 = tpu.memref_slice %arg23[%dma_wait3A_1530] : memref<22528xf32, #tpu.memory_space<vmem>> -> memref<512xf32, #tpu.memory_space<vmem>>
    tpu.wait_dma2 semaphore(%arg28 : memref<!tpu.dma_semaphore, #tpu.memory_space<semaphore_mem>>) src(%dma_wait3A_1531 : memref<512xf32, #tpu.memory_space<vmem>>) dst(%dma_wait3A_1529 : memref<512xf32, #tpu.memory_space<hbm>>)
    %dma_wait3A_1532 = arith.constant 21 : i32
    %dma_wait3A_1533 = arith.constant 10752 : i32
    %dma_wait3A_1534 = tpu.memref_slice %arg23[%dma_wait3A_1533] : memref<22528xf32, #tpu.memory_space<vmem>> -> memref<512xf32, #tpu.memory_space<vmem>>
    %dma_wait3A_1535 = tpu.memref_slice %arg12[%dma_wait3A_1532, %mul3A_2] : memref<44x16384xf32, #tpu.memory_space<hbm>> -> memref<1x512xf32, #tpu.memory_space<hbm>>
    %dma_wait3A_1536 = tpu.memref_squeeze %dma_wait3A_1535 : memref<1x512xf32, #tpu.memory_space<hbm>> -> memref<512xf32, #tpu.memory_space<hbm>>
    %dma_wait3A_1537 = tpu.memref_slice %arg12[%dma_wait3A_1532, %mul3A_2] : memref<44x16384xf32, #tpu.memory_space<hbm>> -> memref<1x512xf32, #tpu.memory_space<hbm>>
    %dma_wait3A_1538 = tpu.memref_squeeze %dma_wait3A_1537 : memref<1x512xf32, #tpu.memory_space<hbm>> -> memref<512xf32, #tpu.memory_space<hbm>>
    %dma_wait3A_1539 = arith.constant 10752 : i32
    %dma_wait3A_1540 = tpu.memref_slice %arg23[%dma_wait3A_1539] : memref<22528xf32, #tpu.memory_space<vmem>> -> memref<512xf32, #tpu.memory_space<vmem>>
    tpu.wait_dma2 semaphore(%arg28 : memref<!tpu.dma_semaphore, #tpu.memory_space<semaphore_mem>>) src(%dma_wait3A_1540 : memref<512xf32, #tpu.memory_space<vmem>>) dst(%dma_wait3A_1538 : memref<512xf32, #tpu.memory_space<hbm>>)
    %dma_wait3A_1541 = arith.constant 22 : i32
    %dma_wait3A_1542 = arith.constant 11264 : i32
    %dma_wait3A_1543 = tpu.memref_slice %arg23[%dma_wait3A_1542] : memref<22528xf32, #tpu.memory_space<vmem>> -> memref<512xf32, #tpu.memory_space<vmem>>
    %dma_wait3A_1544 = tpu.memref_slice %arg12[%dma_wait3A_1541, %mul3A_2] : memref<44x16384xf32, #tpu.memory_space<hbm>> -> memref<1x512xf32, #tpu.memory_space<hbm>>
    %dma_wait3A_1545 = tpu.memref_squeeze %dma_wait3A_1544 : memref<1x512xf32, #tpu.memory_space<hbm>> -> memref<512xf32, #tpu.memory_space<hbm>>
    %dma_wait3A_1546 = tpu.memref_slice %arg12[%dma_wait3A_1541, %mul3A_2] : memref<44x16384xf32, #tpu.memory_space<hbm>> -> memref<1x512xf32, #tpu.memory_space<hbm>>
    %dma_wait3A_1547 = tpu.memref_squeeze %dma_wait3A_1546 : memref<1x512xf32, #tpu.memory_space<hbm>> -> memref<512xf32, #tpu.memory_space<hbm>>
    %dma_wait3A_1548 = arith.constant 11264 : i32
    %dma_wait3A_1549 = tpu.memref_slice %arg23[%dma_wait3A_1548] : memref<22528xf32, #tpu.memory_space<vmem>> -> memref<512xf32, #tpu.memory_space<vmem>>
    tpu.wait_dma2 semaphore(%arg28 : memref<!tpu.dma_semaphore, #tpu.memory_space<semaphore_mem>>) src(%dma_wait3A_1549 : memref<512xf32, #tpu.memory_space<vmem>>) dst(%dma_wait3A_1547 : memref<512xf32, #tpu.memory_space<hbm>>)
    %dma_wait3A_1550 = arith.constant 23 : i32
    %dma_wait3A_1551 = arith.constant 11776 : i32
    %dma_wait3A_1552 = tpu.memref_slice %arg23[%dma_wait3A_1551] : memref<22528xf32, #tpu.memory_space<vmem>> -> memref<512xf32, #tpu.memory_space<vmem>>
    %dma_wait3A_1553 = tpu.memref_slice %arg12[%dma_wait3A_1550, %mul3A_2] : memref<44x16384xf32, #tpu.memory_space<hbm>> -> memref<1x512xf32, #tpu.memory_space<hbm>>
    %dma_wait3A_1554 = tpu.memref_squeeze %dma_wait3A_1553 : memref<1x512xf32, #tpu.memory_space<hbm>> -> memref<512xf32, #tpu.memory_space<hbm>>
    %dma_wait3A_1555 = tpu.memref_slice %arg12[%dma_wait3A_1550, %mul3A_2] : memref<44x16384xf32, #tpu.memory_space<hbm>> -> memref<1x512xf32, #tpu.memory_space<hbm>>
    %dma_wait3A_1556 = tpu.memref_squeeze %dma_wait3A_1555 : memref<1x512xf32, #tpu.memory_space<hbm>> -> memref<512xf32, #tpu.memory_space<hbm>>
    %dma_wait3A_1557 = arith.constant 11776 : i32
    %dma_wait3A_1558 = tpu.memref_slice %arg23[%dma_wait3A_1557] : memref<22528xf32, #tpu.memory_space<vmem>> -> memref<512xf32, #tpu.memory_space<vmem>>
    tpu.wait_dma2 semaphore(%arg28 : memref<!tpu.dma_semaphore, #tpu.memory_space<semaphore_mem>>) src(%dma_wait3A_1558 : memref<512xf32, #tpu.memory_space<vmem>>) dst(%dma_wait3A_1556 : memref<512xf32, #tpu.memory_space<hbm>>)
    %dma_wait3A_1559 = arith.constant 24 : i32
    %dma_wait3A_1560 = arith.constant 12288 : i32
    %dma_wait3A_1561 = tpu.memref_slice %arg23[%dma_wait3A_1560] : memref<22528xf32, #tpu.memory_space<vmem>> -> memref<512xf32, #tpu.memory_space<vmem>>
    %dma_wait3A_1562 = tpu.memref_slice %arg12[%dma_wait3A_1559, %mul3A_2] : memref<44x16384xf32, #tpu.memory_space<hbm>> -> memref<1x512xf32, #tpu.memory_space<hbm>>
    %dma_wait3A_1563 = tpu.memref_squeeze %dma_wait3A_1562 : memref<1x512xf32, #tpu.memory_space<hbm>> -> memref<512xf32, #tpu.memory_space<hbm>>
    %dma_wait3A_1564 = tpu.memref_slice %arg12[%dma_wait3A_1559, %mul3A_2] : memref<44x16384xf32, #tpu.memory_space<hbm>> -> memref<1x512xf32, #tpu.memory_space<hbm>>
    %dma_wait3A_1565 = tpu.memref_squeeze %dma_wait3A_1564 : memref<1x512xf32, #tpu.memory_space<hbm>> -> memref<512xf32, #tpu.memory_space<hbm>>
    %dma_wait3A_1566 = arith.constant 12288 : i32
    %dma_wait3A_1567 = tpu.memref_slice %arg23[%dma_wait3A_1566] : memref<22528xf32, #tpu.memory_space<vmem>> -> memref<512xf32, #tpu.memory_space<vmem>>
    tpu.wait_dma2 semaphore(%arg28 : memref<!tpu.dma_semaphore, #tpu.memory_space<semaphore_mem>>) src(%dma_wait3A_1567 : memref<512xf32, #tpu.memory_space<vmem>>) dst(%dma_wait3A_1565 : memref<512xf32, #tpu.memory_space<hbm>>)
    %dma_wait3A_1568 = arith.constant 25 : i32
    %dma_wait3A_1569 = arith.constant 12800 : i32
    %dma_wait3A_1570 = tpu.memref_slice %arg23[%dma_wait3A_1569] : memref<22528xf32, #tpu.memory_space<vmem>> -> memref<512xf32, #tpu.memory_space<vmem>>
    %dma_wait3A_1571 = tpu.memref_slice %arg12[%dma_wait3A_1568, %mul3A_2] : memref<44x16384xf32, #tpu.memory_space<hbm>> -> memref<1x512xf32, #tpu.memory_space<hbm>>
    %dma_wait3A_1572 = tpu.memref_squeeze %dma_wait3A_1571 : memref<1x512xf32, #tpu.memory_space<hbm>> -> memref<512xf32, #tpu.memory_space<hbm>>
    %dma_wait3A_1573 = tpu.memref_slice %arg12[%dma_wait3A_1568, %mul3A_2] : memref<44x16384xf32, #tpu.memory_space<hbm>> -> memref<1x512xf32, #tpu.memory_space<hbm>>
    %dma_wait3A_1574 = tpu.memref_squeeze %dma_wait3A_1573 : memref<1x512xf32, #tpu.memory_space<hbm>> -> memref<512xf32, #tpu.memory_space<hbm>>
    %dma_wait3A_1575 = arith.constant 12800 : i32
    %dma_wait3A_1576 = tpu.memref_slice %arg23[%dma_wait3A_1575] : memref<22528xf32, #tpu.memory_space<vmem>> -> memref<512xf32, #tpu.memory_space<vmem>>
    tpu.wait_dma2 semaphore(%arg28 : memref<!tpu.dma_semaphore, #tpu.memory_space<semaphore_mem>>) src(%dma_wait3A_1576 : memref<512xf32, #tpu.memory_space<vmem>>) dst(%dma_wait3A_1574 : memref<512xf32, #tpu.memory_space<hbm>>)
    %dma_wait3A_1577 = arith.constant 26 : i32
    %dma_wait3A_1578 = arith.constant 13312 : i32
    %dma_wait3A_1579 = tpu.memref_slice %arg23[%dma_wait3A_1578] : memref<22528xf32, #tpu.memory_space<vmem>> -> memref<512xf32, #tpu.memory_space<vmem>>
    %dma_wait3A_1580 = tpu.memref_slice %arg12[%dma_wait3A_1577, %mul3A_2] : memref<44x16384xf32, #tpu.memory_space<hbm>> -> memref<1x512xf32, #tpu.memory_space<hbm>>
    %dma_wait3A_1581 = tpu.memref_squeeze %dma_wait3A_1580 : memref<1x512xf32, #tpu.memory_space<hbm>> -> memref<512xf32, #tpu.memory_space<hbm>>
    %dma_wait3A_1582 = tpu.memref_slice %arg12[%dma_wait3A_1577, %mul3A_2] : memref<44x16384xf32, #tpu.memory_space<hbm>> -> memref<1x512xf32, #tpu.memory_space<hbm>>
    %dma_wait3A_1583 = tpu.memref_squeeze %dma_wait3A_1582 : memref<1x512xf32, #tpu.memory_space<hbm>> -> memref<512xf32, #tpu.memory_space<hbm>>
    %dma_wait3A_1584 = arith.constant 13312 : i32
    %dma_wait3A_1585 = tpu.memref_slice %arg23[%dma_wait3A_1584] : memref<22528xf32, #tpu.memory_space<vmem>> -> memref<512xf32, #tpu.memory_space<vmem>>
    tpu.wait_dma2 semaphore(%arg28 : memref<!tpu.dma_semaphore, #tpu.memory_space<semaphore_mem>>) src(%dma_wait3A_1585 : memref<512xf32, #tpu.memory_space<vmem>>) dst(%dma_wait3A_1583 : memref<512xf32, #tpu.memory_space<hbm>>)
    %dma_wait3A_1586 = arith.constant 27 : i32
    %dma_wait3A_1587 = arith.constant 13824 : i32
    %dma_wait3A_1588 = tpu.memref_slice %arg23[%dma_wait3A_1587] : memref<22528xf32, #tpu.memory_space<vmem>> -> memref<512xf32, #tpu.memory_space<vmem>>
    %dma_wait3A_1589 = tpu.memref_slice %arg12[%dma_wait3A_1586, %mul3A_2] : memref<44x16384xf32, #tpu.memory_space<hbm>> -> memref<1x512xf32, #tpu.memory_space<hbm>>
    %dma_wait3A_1590 = tpu.memref_squeeze %dma_wait3A_1589 : memref<1x512xf32, #tpu.memory_space<hbm>> -> memref<512xf32, #tpu.memory_space<hbm>>
    %dma_wait3A_1591 = tpu.memref_slice %arg12[%dma_wait3A_1586, %mul3A_2] : memref<44x16384xf32, #tpu.memory_space<hbm>> -> memref<1x512xf32, #tpu.memory_space<hbm>>
    %dma_wait3A_1592 = tpu.memref_squeeze %dma_wait3A_1591 : memref<1x512xf32, #tpu.memory_space<hbm>> -> memref<512xf32, #tpu.memory_space<hbm>>
    %dma_wait3A_1593 = arith.constant 13824 : i32
    %dma_wait3A_1594 = tpu.memref_slice %arg23[%dma_wait3A_1593] : memref<22528xf32, #tpu.memory_space<vmem>> -> memref<512xf32, #tpu.memory_space<vmem>>
    tpu.wait_dma2 semaphore(%arg28 : memref<!tpu.dma_semaphore, #tpu.memory_space<semaphore_mem>>) src(%dma_wait3A_1594 : memref<512xf32, #tpu.memory_space<vmem>>) dst(%dma_wait3A_1592 : memref<512xf32, #tpu.memory_space<hbm>>)
    %dma_wait3A_1595 = arith.constant 28 : i32
    %dma_wait3A_1596 = arith.constant 14336 : i32
    %dma_wait3A_1597 = tpu.memref_slice %arg23[%dma_wait3A_1596] : memref<22528xf32, #tpu.memory_space<vmem>> -> memref<512xf32, #tpu.memory_space<vmem>>
    %dma_wait3A_1598 = tpu.memref_slice %arg12[%dma_wait3A_1595, %mul3A_2] : memref<44x16384xf32, #tpu.memory_space<hbm>> -> memref<1x512xf32, #tpu.memory_space<hbm>>
    %dma_wait3A_1599 = tpu.memref_squeeze %dma_wait3A_1598 : memref<1x512xf32, #tpu.memory_space<hbm>> -> memref<512xf32, #tpu.memory_space<hbm>>
    %dma_wait3A_1600 = tpu.memref_slice %arg12[%dma_wait3A_1595, %mul3A_2] : memref<44x16384xf32, #tpu.memory_space<hbm>> -> memref<1x512xf32, #tpu.memory_space<hbm>>
    %dma_wait3A_1601 = tpu.memref_squeeze %dma_wait3A_1600 : memref<1x512xf32, #tpu.memory_space<hbm>> -> memref<512xf32, #tpu.memory_space<hbm>>
    %dma_wait3A_1602 = arith.constant 14336 : i32
    %dma_wait3A_1603 = tpu.memref_slice %arg23[%dma_wait3A_1602] : memref<22528xf32, #tpu.memory_space<vmem>> -> memref<512xf32, #tpu.memory_space<vmem>>
    tpu.wait_dma2 semaphore(%arg28 : memref<!tpu.dma_semaphore, #tpu.memory_space<semaphore_mem>>) src(%dma_wait3A_1603 : memref<512xf32, #tpu.memory_space<vmem>>) dst(%dma_wait3A_1601 : memref<512xf32, #tpu.memory_space<hbm>>)
    %dma_wait3A_1604 = arith.constant 29 : i32
    %dma_wait3A_1605 = arith.constant 14848 : i32
    %dma_wait3A_1606 = tpu.memref_slice %arg23[%dma_wait3A_1605] : memref<22528xf32, #tpu.memory_space<vmem>> -> memref<512xf32, #tpu.memory_space<vmem>>
    %dma_wait3A_1607 = tpu.memref_slice %arg12[%dma_wait3A_1604, %mul3A_2] : memref<44x16384xf32, #tpu.memory_space<hbm>> -> memref<1x512xf32, #tpu.memory_space<hbm>>
    %dma_wait3A_1608 = tpu.memref_squeeze %dma_wait3A_1607 : memref<1x512xf32, #tpu.memory_space<hbm>> -> memref<512xf32, #tpu.memory_space<hbm>>
    %dma_wait3A_1609 = tpu.memref_slice %arg12[%dma_wait3A_1604, %mul3A_2] : memref<44x16384xf32, #tpu.memory_space<hbm>> -> memref<1x512xf32, #tpu.memory_space<hbm>>
    %dma_wait3A_1610 = tpu.memref_squeeze %dma_wait3A_1609 : memref<1x512xf32, #tpu.memory_space<hbm>> -> memref<512xf32, #tpu.memory_space<hbm>>
    %dma_wait3A_1611 = arith.constant 14848 : i32
    %dma_wait3A_1612 = tpu.memref_slice %arg23[%dma_wait3A_1611] : memref<22528xf32, #tpu.memory_space<vmem>> -> memref<512xf32, #tpu.memory_space<vmem>>
    tpu.wait_dma2 semaphore(%arg28 : memref<!tpu.dma_semaphore, #tpu.memory_space<semaphore_mem>>) src(%dma_wait3A_1612 : memref<512xf32, #tpu.memory_space<vmem>>) dst(%dma_wait3A_1610 : memref<512xf32, #tpu.memory_space<hbm>>)
    %dma_wait3A_1613 = arith.constant 30 : i32
    %dma_wait3A_1614 = arith.constant 15360 : i32
    %dma_wait3A_1615 = tpu.memref_slice %arg23[%dma_wait3A_1614] : memref<22528xf32, #tpu.memory_space<vmem>> -> memref<512xf32, #tpu.memory_space<vmem>>
    %dma_wait3A_1616 = tpu.memref_slice %arg12[%dma_wait3A_1613, %mul3A_2] : memref<44x16384xf32, #tpu.memory_space<hbm>> -> memref<1x512xf32, #tpu.memory_space<hbm>>
    %dma_wait3A_1617 = tpu.memref_squeeze %dma_wait3A_1616 : memref<1x512xf32, #tpu.memory_space<hbm>> -> memref<512xf32, #tpu.memory_space<hbm>>
    %dma_wait3A_1618 = tpu.memref_slice %arg12[%dma_wait3A_1613, %mul3A_2] : memref<44x16384xf32, #tpu.memory_space<hbm>> -> memref<1x512xf32, #tpu.memory_space<hbm>>
    %dma_wait3A_1619 = tpu.memref_squeeze %dma_wait3A_1618 : memref<1x512xf32, #tpu.memory_space<hbm>> -> memref<512xf32, #tpu.memory_space<hbm>>
    %dma_wait3A_1620 = arith.constant 15360 : i32
    %dma_wait3A_1621 = tpu.memref_slice %arg23[%dma_wait3A_1620] : memref<22528xf32, #tpu.memory_space<vmem>> -> memref<512xf32, #tpu.memory_space<vmem>>
    tpu.wait_dma2 semaphore(%arg28 : memref<!tpu.dma_semaphore, #tpu.memory_space<semaphore_mem>>) src(%dma_wait3A_1621 : memref<512xf32, #tpu.memory_space<vmem>>) dst(%dma_wait3A_1619 : memref<512xf32, #tpu.memory_space<hbm>>)
    %dma_wait3A_1622 = arith.constant 31 : i32
    %dma_wait3A_1623 = arith.constant 15872 : i32
    %dma_wait3A_1624 = tpu.memref_slice %arg23[%dma_wait3A_1623] : memref<22528xf32, #tpu.memory_space<vmem>> -> memref<512xf32, #tpu.memory_space<vmem>>
    %dma_wait3A_1625 = tpu.memref_slice %arg12[%dma_wait3A_1622, %mul3A_2] : memref<44x16384xf32, #tpu.memory_space<hbm>> -> memref<1x512xf32, #tpu.memory_space<hbm>>
    %dma_wait3A_1626 = tpu.memref_squeeze %dma_wait3A_1625 : memref<1x512xf32, #tpu.memory_space<hbm>> -> memref<512xf32, #tpu.memory_space<hbm>>
    %dma_wait3A_1627 = tpu.memref_slice %arg12[%dma_wait3A_1622, %mul3A_2] : memref<44x16384xf32, #tpu.memory_space<hbm>> -> memref<1x512xf32, #tpu.memory_space<hbm>>
    %dma_wait3A_1628 = tpu.memref_squeeze %dma_wait3A_1627 : memref<1x512xf32, #tpu.memory_space<hbm>> -> memref<512xf32, #tpu.memory_space<hbm>>
    %dma_wait3A_1629 = arith.constant 15872 : i32
    %dma_wait3A_1630 = tpu.memref_slice %arg23[%dma_wait3A_1629] : memref<22528xf32, #tpu.memory_space<vmem>> -> memref<512xf32, #tpu.memory_space<vmem>>
    tpu.wait_dma2 semaphore(%arg28 : memref<!tpu.dma_semaphore, #tpu.memory_space<semaphore_mem>>) src(%dma_wait3A_1630 : memref<512xf32, #tpu.memory_space<vmem>>) dst(%dma_wait3A_1628 : memref<512xf32, #tpu.memory_space<hbm>>)
    %dma_wait3A_1631 = arith.constant 32 : i32
    %dma_wait3A_1632 = arith.constant 16384 : i32
    %dma_wait3A_1633 = tpu.memref_slice %arg23[%dma_wait3A_1632] : memref<22528xf32, #tpu.memory_space<vmem>> -> memref<512xf32, #tpu.memory_space<vmem>>
    %dma_wait3A_1634 = tpu.memref_slice %arg12[%dma_wait3A_1631, %mul3A_2] : memref<44x16384xf32, #tpu.memory_space<hbm>> -> memref<1x512xf32, #tpu.memory_space<hbm>>
    %dma_wait3A_1635 = tpu.memref_squeeze %dma_wait3A_1634 : memref<1x512xf32, #tpu.memory_space<hbm>> -> memref<512xf32, #tpu.memory_space<hbm>>
    %dma_wait3A_1636 = tpu.memref_slice %arg12[%dma_wait3A_1631, %mul3A_2] : memref<44x16384xf32, #tpu.memory_space<hbm>> -> memref<1x512xf32, #tpu.memory_space<hbm>>
    %dma_wait3A_1637 = tpu.memref_squeeze %dma_wait3A_1636 : memref<1x512xf32, #tpu.memory_space<hbm>> -> memref<512xf32, #tpu.memory_space<hbm>>
    %dma_wait3A_1638 = arith.constant 16384 : i32
    %dma_wait3A_1639 = tpu.memref_slice %arg23[%dma_wait3A_1638] : memref<22528xf32, #tpu.memory_space<vmem>> -> memref<512xf32, #tpu.memory_space<vmem>>
    tpu.wait_dma2 semaphore(%arg28 : memref<!tpu.dma_semaphore, #tpu.memory_space<semaphore_mem>>) src(%dma_wait3A_1639 : memref<512xf32, #tpu.memory_space<vmem>>) dst(%dma_wait3A_1637 : memref<512xf32, #tpu.memory_space<hbm>>)
    %dma_wait3A_1640 = arith.constant 33 : i32
    %dma_wait3A_1641 = arith.constant 16896 : i32
    %dma_wait3A_1642 = tpu.memref_slice %arg23[%dma_wait3A_1641] : memref<22528xf32, #tpu.memory_space<vmem>> -> memref<512xf32, #tpu.memory_space<vmem>>
    %dma_wait3A_1643 = tpu.memref_slice %arg12[%dma_wait3A_1640, %mul3A_2] : memref<44x16384xf32, #tpu.memory_space<hbm>> -> memref<1x512xf32, #tpu.memory_space<hbm>>
    %dma_wait3A_1644 = tpu.memref_squeeze %dma_wait3A_1643 : memref<1x512xf32, #tpu.memory_space<hbm>> -> memref<512xf32, #tpu.memory_space<hbm>>
    %dma_wait3A_1645 = tpu.memref_slice %arg12[%dma_wait3A_1640, %mul3A_2] : memref<44x16384xf32, #tpu.memory_space<hbm>> -> memref<1x512xf32, #tpu.memory_space<hbm>>
    %dma_wait3A_1646 = tpu.memref_squeeze %dma_wait3A_1645 : memref<1x512xf32, #tpu.memory_space<hbm>> -> memref<512xf32, #tpu.memory_space<hbm>>
    %dma_wait3A_1647 = arith.constant 16896 : i32
    %dma_wait3A_1648 = tpu.memref_slice %arg23[%dma_wait3A_1647] : memref<22528xf32, #tpu.memory_space<vmem>> -> memref<512xf32, #tpu.memory_space<vmem>>
    tpu.wait_dma2 semaphore(%arg28 : memref<!tpu.dma_semaphore, #tpu.memory_space<semaphore_mem>>) src(%dma_wait3A_1648 : memref<512xf32, #tpu.memory_space<vmem>>) dst(%dma_wait3A_1646 : memref<512xf32, #tpu.memory_space<hbm>>)
    %dma_wait3A_1649 = arith.constant 34 : i32
    %dma_wait3A_1650 = arith.constant 17408 : i32
    %dma_wait3A_1651 = tpu.memref_slice %arg23[%dma_wait3A_1650] : memref<22528xf32, #tpu.memory_space<vmem>> -> memref<512xf32, #tpu.memory_space<vmem>>
    %dma_wait3A_1652 = tpu.memref_slice %arg12[%dma_wait3A_1649, %mul3A_2] : memref<44x16384xf32, #tpu.memory_space<hbm>> -> memref<1x512xf32, #tpu.memory_space<hbm>>
    %dma_wait3A_1653 = tpu.memref_squeeze %dma_wait3A_1652 : memref<1x512xf32, #tpu.memory_space<hbm>> -> memref<512xf32, #tpu.memory_space<hbm>>
    %dma_wait3A_1654 = tpu.memref_slice %arg12[%dma_wait3A_1649, %mul3A_2] : memref<44x16384xf32, #tpu.memory_space<hbm>> -> memref<1x512xf32, #tpu.memory_space<hbm>>
    %dma_wait3A_1655 = tpu.memref_squeeze %dma_wait3A_1654 : memref<1x512xf32, #tpu.memory_space<hbm>> -> memref<512xf32, #tpu.memory_space<hbm>>
    %dma_wait3A_1656 = arith.constant 17408 : i32
    %dma_wait3A_1657 = tpu.memref_slice %arg23[%dma_wait3A_1656] : memref<22528xf32, #tpu.memory_space<vmem>> -> memref<512xf32, #tpu.memory_space<vmem>>
    tpu.wait_dma2 semaphore(%arg28 : memref<!tpu.dma_semaphore, #tpu.memory_space<semaphore_mem>>) src(%dma_wait3A_1657 : memref<512xf32, #tpu.memory_space<vmem>>) dst(%dma_wait3A_1655 : memref<512xf32, #tpu.memory_space<hbm>>)
    %dma_wait3A_1658 = arith.constant 35 : i32
    %dma_wait3A_1659 = arith.constant 17920 : i32
    %dma_wait3A_1660 = tpu.memref_slice %arg23[%dma_wait3A_1659] : memref<22528xf32, #tpu.memory_space<vmem>> -> memref<512xf32, #tpu.memory_space<vmem>>
    %dma_wait3A_1661 = tpu.memref_slice %arg12[%dma_wait3A_1658, %mul3A_2] : memref<44x16384xf32, #tpu.memory_space<hbm>> -> memref<1x512xf32, #tpu.memory_space<hbm>>
    %dma_wait3A_1662 = tpu.memref_squeeze %dma_wait3A_1661 : memref<1x512xf32, #tpu.memory_space<hbm>> -> memref<512xf32, #tpu.memory_space<hbm>>
    %dma_wait3A_1663 = tpu.memref_slice %arg12[%dma_wait3A_1658, %mul3A_2] : memref<44x16384xf32, #tpu.memory_space<hbm>> -> memref<1x512xf32, #tpu.memory_space<hbm>>
    %dma_wait3A_1664 = tpu.memref_squeeze %dma_wait3A_1663 : memref<1x512xf32, #tpu.memory_space<hbm>> -> memref<512xf32, #tpu.memory_space<hbm>>
    %dma_wait3A_1665 = arith.constant 17920 : i32
    %dma_wait3A_1666 = tpu.memref_slice %arg23[%dma_wait3A_1665] : memref<22528xf32, #tpu.memory_space<vmem>> -> memref<512xf32, #tpu.memory_space<vmem>>
    tpu.wait_dma2 semaphore(%arg28 : memref<!tpu.dma_semaphore, #tpu.memory_space<semaphore_mem>>) src(%dma_wait3A_1666 : memref<512xf32, #tpu.memory_space<vmem>>) dst(%dma_wait3A_1664 : memref<512xf32, #tpu.memory_space<hbm>>)
    %dma_wait3A_1667 = arith.constant 36 : i32
    %dma_wait3A_1668 = arith.constant 18432 : i32
    %dma_wait3A_1669 = tpu.memref_slice %arg23[%dma_wait3A_1668] : memref<22528xf32, #tpu.memory_space<vmem>> -> memref<512xf32, #tpu.memory_space<vmem>>
    %dma_wait3A_1670 = tpu.memref_slice %arg12[%dma_wait3A_1667, %mul3A_2] : memref<44x16384xf32, #tpu.memory_space<hbm>> -> memref<1x512xf32, #tpu.memory_space<hbm>>
    %dma_wait3A_1671 = tpu.memref_squeeze %dma_wait3A_1670 : memref<1x512xf32, #tpu.memory_space<hbm>> -> memref<512xf32, #tpu.memory_space<hbm>>
    %dma_wait3A_1672 = tpu.memref_slice %arg12[%dma_wait3A_1667, %mul3A_2] : memref<44x16384xf32, #tpu.memory_space<hbm>> -> memref<1x512xf32, #tpu.memory_space<hbm>>
    %dma_wait3A_1673 = tpu.memref_squeeze %dma_wait3A_1672 : memref<1x512xf32, #tpu.memory_space<hbm>> -> memref<512xf32, #tpu.memory_space<hbm>>
    %dma_wait3A_1674 = arith.constant 18432 : i32
    %dma_wait3A_1675 = tpu.memref_slice %arg23[%dma_wait3A_1674] : memref<22528xf32, #tpu.memory_space<vmem>> -> memref<512xf32, #tpu.memory_space<vmem>>
    tpu.wait_dma2 semaphore(%arg28 : memref<!tpu.dma_semaphore, #tpu.memory_space<semaphore_mem>>) src(%dma_wait3A_1675 : memref<512xf32, #tpu.memory_space<vmem>>) dst(%dma_wait3A_1673 : memref<512xf32, #tpu.memory_space<hbm>>)
    %dma_wait3A_1676 = arith.constant 37 : i32
    %dma_wait3A_1677 = arith.constant 18944 : i32
    %dma_wait3A_1678 = tpu.memref_slice %arg23[%dma_wait3A_1677] : memref<22528xf32, #tpu.memory_space<vmem>> -> memref<512xf32, #tpu.memory_space<vmem>>
    %dma_wait3A_1679 = tpu.memref_slice %arg12[%dma_wait3A_1676, %mul3A_2] : memref<44x16384xf32, #tpu.memory_space<hbm>> -> memref<1x512xf32, #tpu.memory_space<hbm>>
    %dma_wait3A_1680 = tpu.memref_squeeze %dma_wait3A_1679 : memref<1x512xf32, #tpu.memory_space<hbm>> -> memref<512xf32, #tpu.memory_space<hbm>>
    %dma_wait3A_1681 = tpu.memref_slice %arg12[%dma_wait3A_1676, %mul3A_2] : memref<44x16384xf32, #tpu.memory_space<hbm>> -> memref<1x512xf32, #tpu.memory_space<hbm>>
    %dma_wait3A_1682 = tpu.memref_squeeze %dma_wait3A_1681 : memref<1x512xf32, #tpu.memory_space<hbm>> -> memref<512xf32, #tpu.memory_space<hbm>>
    %dma_wait3A_1683 = arith.constant 18944 : i32
    %dma_wait3A_1684 = tpu.memref_slice %arg23[%dma_wait3A_1683] : memref<22528xf32, #tpu.memory_space<vmem>> -> memref<512xf32, #tpu.memory_space<vmem>>
    tpu.wait_dma2 semaphore(%arg28 : memref<!tpu.dma_semaphore, #tpu.memory_space<semaphore_mem>>) src(%dma_wait3A_1684 : memref<512xf32, #tpu.memory_space<vmem>>) dst(%dma_wait3A_1682 : memref<512xf32, #tpu.memory_space<hbm>>)
    %dma_wait3A_1685 = arith.constant 38 : i32
    %dma_wait3A_1686 = arith.constant 19456 : i32
    %dma_wait3A_1687 = tpu.memref_slice %arg23[%dma_wait3A_1686] : memref<22528xf32, #tpu.memory_space<vmem>> -> memref<512xf32, #tpu.memory_space<vmem>>
    %dma_wait3A_1688 = tpu.memref_slice %arg12[%dma_wait3A_1685, %mul3A_2] : memref<44x16384xf32, #tpu.memory_space<hbm>> -> memref<1x512xf32, #tpu.memory_space<hbm>>
    %dma_wait3A_1689 = tpu.memref_squeeze %dma_wait3A_1688 : memref<1x512xf32, #tpu.memory_space<hbm>> -> memref<512xf32, #tpu.memory_space<hbm>>
    %dma_wait3A_1690 = tpu.memref_slice %arg12[%dma_wait3A_1685, %mul3A_2] : memref<44x16384xf32, #tpu.memory_space<hbm>> -> memref<1x512xf32, #tpu.memory_space<hbm>>
    %dma_wait3A_1691 = tpu.memref_squeeze %dma_wait3A_1690 : memref<1x512xf32, #tpu.memory_space<hbm>> -> memref<512xf32, #tpu.memory_space<hbm>>
    %dma_wait3A_1692 = arith.constant 19456 : i32
    %dma_wait3A_1693 = tpu.memref_slice %arg23[%dma_wait3A_1692] : memref<22528xf32, #tpu.memory_space<vmem>> -> memref<512xf32, #tpu.memory_space<vmem>>
    tpu.wait_dma2 semaphore(%arg28 : memref<!tpu.dma_semaphore, #tpu.memory_space<semaphore_mem>>) src(%dma_wait3A_1693 : memref<512xf32, #tpu.memory_space<vmem>>) dst(%dma_wait3A_1691 : memref<512xf32, #tpu.memory_space<hbm>>)
    %dma_wait3A_1694 = arith.constant 39 : i32
    %dma_wait3A_1695 = arith.constant 19968 : i32
    %dma_wait3A_1696 = tpu.memref_slice %arg23[%dma_wait3A_1695] : memref<22528xf32, #tpu.memory_space<vmem>> -> memref<512xf32, #tpu.memory_space<vmem>>
    %dma_wait3A_1697 = tpu.memref_slice %arg12[%dma_wait3A_1694, %mul3A_2] : memref<44x16384xf32, #tpu.memory_space<hbm>> -> memref<1x512xf32, #tpu.memory_space<hbm>>
    %dma_wait3A_1698 = tpu.memref_squeeze %dma_wait3A_1697 : memref<1x512xf32, #tpu.memory_space<hbm>> -> memref<512xf32, #tpu.memory_space<hbm>>
    %dma_wait3A_1699 = tpu.memref_slice %arg12[%dma_wait3A_1694, %mul3A_2] : memref<44x16384xf32, #tpu.memory_space<hbm>> -> memref<1x512xf32, #tpu.memory_space<hbm>>
    %dma_wait3A_1700 = tpu.memref_squeeze %dma_wait3A_1699 : memref<1x512xf32, #tpu.memory_space<hbm>> -> memref<512xf32, #tpu.memory_space<hbm>>
    %dma_wait3A_1701 = arith.constant 19968 : i32
    %dma_wait3A_1702 = tpu.memref_slice %arg23[%dma_wait3A_1701] : memref<22528xf32, #tpu.memory_space<vmem>> -> memref<512xf32, #tpu.memory_space<vmem>>
    tpu.wait_dma2 semaphore(%arg28 : memref<!tpu.dma_semaphore, #tpu.memory_space<semaphore_mem>>) src(%dma_wait3A_1702 : memref<512xf32, #tpu.memory_space<vmem>>) dst(%dma_wait3A_1700 : memref<512xf32, #tpu.memory_space<hbm>>)
    %dma_wait3A_1703 = arith.constant 40 : i32
    %dma_wait3A_1704 = arith.constant 20480 : i32
    %dma_wait3A_1705 = tpu.memref_slice %arg23[%dma_wait3A_1704] : memref<22528xf32, #tpu.memory_space<vmem>> -> memref<512xf32, #tpu.memory_space<vmem>>
    %dma_wait3A_1706 = tpu.memref_slice %arg12[%dma_wait3A_1703, %mul3A_2] : memref<44x16384xf32, #tpu.memory_space<hbm>> -> memref<1x512xf32, #tpu.memory_space<hbm>>
    %dma_wait3A_1707 = tpu.memref_squeeze %dma_wait3A_1706 : memref<1x512xf32, #tpu.memory_space<hbm>> -> memref<512xf32, #tpu.memory_space<hbm>>
    %dma_wait3A_1708 = tpu.memref_slice %arg12[%dma_wait3A_1703, %mul3A_2] : memref<44x16384xf32, #tpu.memory_space<hbm>> -> memref<1x512xf32, #tpu.memory_space<hbm>>
    %dma_wait3A_1709 = tpu.memref_squeeze %dma_wait3A_1708 : memref<1x512xf32, #tpu.memory_space<hbm>> -> memref<512xf32, #tpu.memory_space<hbm>>
    %dma_wait3A_1710 = arith.constant 20480 : i32
    %dma_wait3A_1711 = tpu.memref_slice %arg23[%dma_wait3A_1710] : memref<22528xf32, #tpu.memory_space<vmem>> -> memref<512xf32, #tpu.memory_space<vmem>>
    tpu.wait_dma2 semaphore(%arg28 : memref<!tpu.dma_semaphore, #tpu.memory_space<semaphore_mem>>) src(%dma_wait3A_1711 : memref<512xf32, #tpu.memory_space<vmem>>) dst(%dma_wait3A_1709 : memref<512xf32, #tpu.memory_space<hbm>>)
    %dma_wait3A_1712 = arith.constant 41 : i32
    %dma_wait3A_1713 = arith.constant 20992 : i32
    %dma_wait3A_1714 = tpu.memref_slice %arg23[%dma_wait3A_1713] : memref<22528xf32, #tpu.memory_space<vmem>> -> memref<512xf32, #tpu.memory_space<vmem>>
    %dma_wait3A_1715 = tpu.memref_slice %arg12[%dma_wait3A_1712, %mul3A_2] : memref<44x16384xf32, #tpu.memory_space<hbm>> -> memref<1x512xf32, #tpu.memory_space<hbm>>
    %dma_wait3A_1716 = tpu.memref_squeeze %dma_wait3A_1715 : memref<1x512xf32, #tpu.memory_space<hbm>> -> memref<512xf32, #tpu.memory_space<hbm>>
    %dma_wait3A_1717 = tpu.memref_slice %arg12[%dma_wait3A_1712, %mul3A_2] : memref<44x16384xf32, #tpu.memory_space<hbm>> -> memref<1x512xf32, #tpu.memory_space<hbm>>
    %dma_wait3A_1718 = tpu.memref_squeeze %dma_wait3A_1717 : memref<1x512xf32, #tpu.memory_space<hbm>> -> memref<512xf32, #tpu.memory_space<hbm>>
    %dma_wait3A_1719 = arith.constant 20992 : i32
    %dma_wait3A_1720 = tpu.memref_slice %arg23[%dma_wait3A_1719] : memref<22528xf32, #tpu.memory_space<vmem>> -> memref<512xf32, #tpu.memory_space<vmem>>
    tpu.wait_dma2 semaphore(%arg28 : memref<!tpu.dma_semaphore, #tpu.memory_space<semaphore_mem>>) src(%dma_wait3A_1720 : memref<512xf32, #tpu.memory_space<vmem>>) dst(%dma_wait3A_1718 : memref<512xf32, #tpu.memory_space<hbm>>)
    %dma_wait3A_1721 = arith.constant 42 : i32
    %dma_wait3A_1722 = arith.constant 21504 : i32
    %dma_wait3A_1723 = tpu.memref_slice %arg23[%dma_wait3A_1722] : memref<22528xf32, #tpu.memory_space<vmem>> -> memref<512xf32, #tpu.memory_space<vmem>>
    %dma_wait3A_1724 = tpu.memref_slice %arg12[%dma_wait3A_1721, %mul3A_2] : memref<44x16384xf32, #tpu.memory_space<hbm>> -> memref<1x512xf32, #tpu.memory_space<hbm>>
    %dma_wait3A_1725 = tpu.memref_squeeze %dma_wait3A_1724 : memref<1x512xf32, #tpu.memory_space<hbm>> -> memref<512xf32, #tpu.memory_space<hbm>>
    %dma_wait3A_1726 = tpu.memref_slice %arg12[%dma_wait3A_1721, %mul3A_2] : memref<44x16384xf32, #tpu.memory_space<hbm>> -> memref<1x512xf32, #tpu.memory_space<hbm>>
    %dma_wait3A_1727 = tpu.memref_squeeze %dma_wait3A_1726 : memref<1x512xf32, #tpu.memory_space<hbm>> -> memref<512xf32, #tpu.memory_space<hbm>>
    %dma_wait3A_1728 = arith.constant 21504 : i32
    %dma_wait3A_1729 = tpu.memref_slice %arg23[%dma_wait3A_1728] : memref<22528xf32, #tpu.memory_space<vmem>> -> memref<512xf32, #tpu.memory_space<vmem>>
    tpu.wait_dma2 semaphore(%arg28 : memref<!tpu.dma_semaphore, #tpu.memory_space<semaphore_mem>>) src(%dma_wait3A_1729 : memref<512xf32, #tpu.memory_space<vmem>>) dst(%dma_wait3A_1727 : memref<512xf32, #tpu.memory_space<hbm>>)
    %dma_wait3A_1730 = arith.constant 43 : i32
    %dma_wait3A_1731 = arith.constant 22016 : i32
    %dma_wait3A_1732 = tpu.memref_slice %arg23[%dma_wait3A_1731] : memref<22528xf32, #tpu.memory_space<vmem>> -> memref<512xf32, #tpu.memory_space<vmem>>
    %dma_wait3A_1733 = tpu.memref_slice %arg12[%dma_wait3A_1730, %mul3A_2] : memref<44x16384xf32, #tpu.memory_space<hbm>> -> memref<1x512xf32, #tpu.memory_space<hbm>>
    %dma_wait3A_1734 = tpu.memref_squeeze %dma_wait3A_1733 : memref<1x512xf32, #tpu.memory_space<hbm>> -> memref<512xf32, #tpu.memory_space<hbm>>
    %dma_wait3A_1735 = tpu.memref_slice %arg12[%dma_wait3A_1730, %mul3A_2] : memref<44x16384xf32, #tpu.memory_space<hbm>> -> memref<1x512xf32, #tpu.memory_space<hbm>>
    %dma_wait3A_1736 = tpu.memref_squeeze %dma_wait3A_1735 : memref<1x512xf32, #tpu.memory_space<hbm>> -> memref<512xf32, #tpu.memory_space<hbm>>
    %dma_wait3A_1737 = arith.constant 22016 : i32
    %dma_wait3A_1738 = tpu.memref_slice %arg23[%dma_wait3A_1737] : memref<22528xf32, #tpu.memory_space<vmem>> -> memref<512xf32, #tpu.memory_space<vmem>>
    tpu.wait_dma2 semaphore(%arg28 : memref<!tpu.dma_semaphore, #tpu.memory_space<semaphore_mem>>) src(%dma_wait3A_1738 : memref<512xf32, #tpu.memory_space<vmem>>) dst(%dma_wait3A_1736 : memref<512xf32, #tpu.memory_space<hbm>>)
    %dma_wait3A_1739 = arith.constant 0 : i32
    %dma_wait3A_1740 = arith.constant 0 : i32
    %dma_wait3A_1741 = tpu.memref_slice %arg23[%dma_wait3A_1740] : memref<22528xf32, #tpu.memory_space<vmem>> -> memref<512xf32, #tpu.memory_space<vmem>>
    %dma_wait3A_1742 = tpu.memref_slice %arg12[%dma_wait3A_1739, %mul3A_2] : memref<44x16384xf32, #tpu.memory_space<hbm>> -> memref<1x512xf32, #tpu.memory_space<hbm>>
    %dma_wait3A_1743 = tpu.memref_squeeze %dma_wait3A_1742 : memref<1x512xf32, #tpu.memory_space<hbm>> -> memref<512xf32, #tpu.memory_space<hbm>>
    %dma_wait3A_1744 = tpu.memref_slice %arg12[%dma_wait3A_1739, %mul3A_2] : memref<44x16384xf32, #tpu.memory_space<hbm>> -> memref<1x512xf32, #tpu.memory_space<hbm>>
    %dma_wait3A_1745 = tpu.memref_squeeze %dma_wait3A_1744 : memref<1x512xf32, #tpu.memory_space<hbm>> -> memref<512xf32, #tpu.memory_space<hbm>>
    %dma_wait3A_1746 = arith.constant 0 : i32
    %dma_wait3A_1747 = tpu.memref_slice %arg23[%dma_wait3A_1746] : memref<22528xf32, #tpu.memory_space<vmem>> -> memref<512xf32, #tpu.memory_space<vmem>>
    tpu.wait_dma2 semaphore(%arg28 : memref<!tpu.dma_semaphore, #tpu.memory_space<semaphore_mem>>) src(%dma_wait3A_1747 : memref<512xf32, #tpu.memory_space<vmem>>) dst(%dma_wait3A_1745 : memref<512xf32, #tpu.memory_space<hbm>>)
    %dma_wait3A_1748 = arith.constant 1 : i32
    %dma_wait3A_1749 = arith.constant 512 : i32
    %dma_wait3A_1750 = tpu.memref_slice %arg23[%dma_wait3A_1749] : memref<22528xf32, #tpu.memory_space<vmem>> -> memref<512xf32, #tpu.memory_space<vmem>>
    %dma_wait3A_1751 = tpu.memref_slice %arg12[%dma_wait3A_1748, %mul3A_2] : memref<44x16384xf32, #tpu.memory_space<hbm>> -> memref<1x512xf32, #tpu.memory_space<hbm>>
    %dma_wait3A_1752 = tpu.memref_squeeze %dma_wait3A_1751 : memref<1x512xf32, #tpu.memory_space<hbm>> -> memref<512xf32, #tpu.memory_space<hbm>>
    %dma_wait3A_1753 = tpu.memref_slice %arg12[%dma_wait3A_1748, %mul3A_2] : memref<44x16384xf32, #tpu.memory_space<hbm>> -> memref<1x512xf32, #tpu.memory_space<hbm>>
    %dma_wait3A_1754 = tpu.memref_squeeze %dma_wait3A_1753 : memref<1x512xf32, #tpu.memory_space<hbm>> -> memref<512xf32, #tpu.memory_space<hbm>>
    %dma_wait3A_1755 = arith.constant 512 : i32
    %dma_wait3A_1756 = tpu.memref_slice %arg23[%dma_wait3A_1755] : memref<22528xf32, #tpu.memory_space<vmem>> -> memref<512xf32, #tpu.memory_space<vmem>>
    tpu.wait_dma2 semaphore(%arg28 : memref<!tpu.dma_semaphore, #tpu.memory_space<semaphore_mem>>) src(%dma_wait3A_1756 : memref<512xf32, #tpu.memory_space<vmem>>) dst(%dma_wait3A_1754 : memref<512xf32, #tpu.memory_space<hbm>>)
    %dma_wait3A_1757 = arith.constant 2 : i32
    %dma_wait3A_1758 = arith.constant 1024 : i32
    %dma_wait3A_1759 = tpu.memref_slice %arg23[%dma_wait3A_1758] : memref<22528xf32, #tpu.memory_space<vmem>> -> memref<512xf32, #tpu.memory_space<vmem>>
    %dma_wait3A_1760 = tpu.memref_slice %arg12[%dma_wait3A_1757, %mul3A_2] : memref<44x16384xf32, #tpu.memory_space<hbm>> -> memref<1x512xf32, #tpu.memory_space<hbm>>
    %dma_wait3A_1761 = tpu.memref_squeeze %dma_wait3A_1760 : memref<1x512xf32, #tpu.memory_space<hbm>> -> memref<512xf32, #tpu.memory_space<hbm>>
    %dma_wait3A_1762 = tpu.memref_slice %arg12[%dma_wait3A_1757, %mul3A_2] : memref<44x16384xf32, #tpu.memory_space<hbm>> -> memref<1x512xf32, #tpu.memory_space<hbm>>
    %dma_wait3A_1763 = tpu.memref_squeeze %dma_wait3A_1762 : memref<1x512xf32, #tpu.memory_space<hbm>> -> memref<512xf32, #tpu.memory_space<hbm>>
    %dma_wait3A_1764 = arith.constant 1024 : i32
    %dma_wait3A_1765 = tpu.memref_slice %arg23[%dma_wait3A_1764] : memref<22528xf32, #tpu.memory_space<vmem>> -> memref<512xf32, #tpu.memory_space<vmem>>
    tpu.wait_dma2 semaphore(%arg28 : memref<!tpu.dma_semaphore, #tpu.memory_space<semaphore_mem>>) src(%dma_wait3A_1765 : memref<512xf32, #tpu.memory_space<vmem>>) dst(%dma_wait3A_1763 : memref<512xf32, #tpu.memory_space<hbm>>)
    %dma_wait3A_1766 = arith.constant 3 : i32
    %dma_wait3A_1767 = arith.constant 1536 : i32
    %dma_wait3A_1768 = tpu.memref_slice %arg23[%dma_wait3A_1767] : memref<22528xf32, #tpu.memory_space<vmem>> -> memref<512xf32, #tpu.memory_space<vmem>>
    %dma_wait3A_1769 = tpu.memref_slice %arg12[%dma_wait3A_1766, %mul3A_2] : memref<44x16384xf32, #tpu.memory_space<hbm>> -> memref<1x512xf32, #tpu.memory_space<hbm>>
    %dma_wait3A_1770 = tpu.memref_squeeze %dma_wait3A_1769 : memref<1x512xf32, #tpu.memory_space<hbm>> -> memref<512xf32, #tpu.memory_space<hbm>>
    %dma_wait3A_1771 = tpu.memref_slice %arg12[%dma_wait3A_1766, %mul3A_2] : memref<44x16384xf32, #tpu.memory_space<hbm>> -> memref<1x512xf32, #tpu.memory_space<hbm>>
    %dma_wait3A_1772 = tpu.memref_squeeze %dma_wait3A_1771 : memref<1x512xf32, #tpu.memory_space<hbm>> -> memref<512xf32, #tpu.memory_space<hbm>>
    %dma_wait3A_1773 = arith.constant 1536 : i32
    %dma_wait3A_1774 = tpu.memref_slice %arg23[%dma_wait3A_1773] : memref<22528xf32, #tpu.memory_space<vmem>> -> memref<512xf32, #tpu.memory_space<vmem>>
    tpu.wait_dma2 semaphore(%arg28 : memref<!tpu.dma_semaphore, #tpu.memory_space<semaphore_mem>>) src(%dma_wait3A_1774 : memref<512xf32, #tpu.memory_space<vmem>>) dst(%dma_wait3A_1772 : memref<512xf32, #tpu.memory_space<hbm>>)
    %dma_wait3A_1775 = arith.constant 4 : i32
    %dma_wait3A_1776 = arith.constant 2048 : i32
    %dma_wait3A_1777 = tpu.memref_slice %arg23[%dma_wait3A_1776] : memref<22528xf32, #tpu.memory_space<vmem>> -> memref<512xf32, #tpu.memory_space<vmem>>
    %dma_wait3A_1778 = tpu.memref_slice %arg12[%dma_wait3A_1775, %mul3A_2] : memref<44x16384xf32, #tpu.memory_space<hbm>> -> memref<1x512xf32, #tpu.memory_space<hbm>>
    %dma_wait3A_1779 = tpu.memref_squeeze %dma_wait3A_1778 : memref<1x512xf32, #tpu.memory_space<hbm>> -> memref<512xf32, #tpu.memory_space<hbm>>
    %dma_wait3A_1780 = tpu.memref_slice %arg12[%dma_wait3A_1775, %mul3A_2] : memref<44x16384xf32, #tpu.memory_space<hbm>> -> memref<1x512xf32, #tpu.memory_space<hbm>>
    %dma_wait3A_1781 = tpu.memref_squeeze %dma_wait3A_1780 : memref<1x512xf32, #tpu.memory_space<hbm>> -> memref<512xf32, #tpu.memory_space<hbm>>
    %dma_wait3A_1782 = arith.constant 2048 : i32
    %dma_wait3A_1783 = tpu.memref_slice %arg23[%dma_wait3A_1782] : memref<22528xf32, #tpu.memory_space<vmem>> -> memref<512xf32, #tpu.memory_space<vmem>>
    tpu.wait_dma2 semaphore(%arg28 : memref<!tpu.dma_semaphore, #tpu.memory_space<semaphore_mem>>) src(%dma_wait3A_1783 : memref<512xf32, #tpu.memory_space<vmem>>) dst(%dma_wait3A_1781 : memref<512xf32, #tpu.memory_space<hbm>>)
    %dma_wait3A_1784 = arith.constant 5 : i32
    %dma_wait3A_1785 = arith.constant 2560 : i32
    %dma_wait3A_1786 = tpu.memref_slice %arg23[%dma_wait3A_1785] : memref<22528xf32, #tpu.memory_space<vmem>> -> memref<512xf32, #tpu.memory_space<vmem>>
    %dma_wait3A_1787 = tpu.memref_slice %arg12[%dma_wait3A_1784, %mul3A_2] : memref<44x16384xf32, #tpu.memory_space<hbm>> -> memref<1x512xf32, #tpu.memory_space<hbm>>
    %dma_wait3A_1788 = tpu.memref_squeeze %dma_wait3A_1787 : memref<1x512xf32, #tpu.memory_space<hbm>> -> memref<512xf32, #tpu.memory_space<hbm>>
    %dma_wait3A_1789 = tpu.memref_slice %arg12[%dma_wait3A_1784, %mul3A_2] : memref<44x16384xf32, #tpu.memory_space<hbm>> -> memref<1x512xf32, #tpu.memory_space<hbm>>
    %dma_wait3A_1790 = tpu.memref_squeeze %dma_wait3A_1789 : memref<1x512xf32, #tpu.memory_space<hbm>> -> memref<512xf32, #tpu.memory_space<hbm>>
    %dma_wait3A_1791 = arith.constant 2560 : i32
    %dma_wait3A_1792 = tpu.memref_slice %arg23[%dma_wait3A_1791] : memref<22528xf32, #tpu.memory_space<vmem>> -> memref<512xf32, #tpu.memory_space<vmem>>
    tpu.wait_dma2 semaphore(%arg28 : memref<!tpu.dma_semaphore, #tpu.memory_space<semaphore_mem>>) src(%dma_wait3A_1792 : memref<512xf32, #tpu.memory_space<vmem>>) dst(%dma_wait3A_1790 : memref<512xf32, #tpu.memory_space<hbm>>)
    %dma_wait3A_1793 = arith.constant 6 : i32
    %dma_wait3A_1794 = arith.constant 3072 : i32
    %dma_wait3A_1795 = tpu.memref_slice %arg23[%dma_wait3A_1794] : memref<22528xf32, #tpu.memory_space<vmem>> -> memref<512xf32, #tpu.memory_space<vmem>>
    %dma_wait3A_1796 = tpu.memref_slice %arg12[%dma_wait3A_1793, %mul3A_2] : memref<44x16384xf32, #tpu.memory_space<hbm>> -> memref<1x512xf32, #tpu.memory_space<hbm>>
    %dma_wait3A_1797 = tpu.memref_squeeze %dma_wait3A_1796 : memref<1x512xf32, #tpu.memory_space<hbm>> -> memref<512xf32, #tpu.memory_space<hbm>>
    %dma_wait3A_1798 = tpu.memref_slice %arg12[%dma_wait3A_1793, %mul3A_2] : memref<44x16384xf32, #tpu.memory_space<hbm>> -> memref<1x512xf32, #tpu.memory_space<hbm>>
    %dma_wait3A_1799 = tpu.memref_squeeze %dma_wait3A_1798 : memref<1x512xf32, #tpu.memory_space<hbm>> -> memref<512xf32, #tpu.memory_space<hbm>>
    %dma_wait3A_1800 = arith.constant 3072 : i32
    %dma_wait3A_1801 = tpu.memref_slice %arg23[%dma_wait3A_1800] : memref<22528xf32, #tpu.memory_space<vmem>> -> memref<512xf32, #tpu.memory_space<vmem>>
    tpu.wait_dma2 semaphore(%arg28 : memref<!tpu.dma_semaphore, #tpu.memory_space<semaphore_mem>>) src(%dma_wait3A_1801 : memref<512xf32, #tpu.memory_space<vmem>>) dst(%dma_wait3A_1799 : memref<512xf32, #tpu.memory_space<hbm>>)
    %dma_wait3A_1802 = arith.constant 7 : i32
    %dma_wait3A_1803 = arith.constant 3584 : i32
    %dma_wait3A_1804 = tpu.memref_slice %arg23[%dma_wait3A_1803] : memref<22528xf32, #tpu.memory_space<vmem>> -> memref<512xf32, #tpu.memory_space<vmem>>
    %dma_wait3A_1805 = tpu.memref_slice %arg12[%dma_wait3A_1802, %mul3A_2] : memref<44x16384xf32, #tpu.memory_space<hbm>> -> memref<1x512xf32, #tpu.memory_space<hbm>>
    %dma_wait3A_1806 = tpu.memref_squeeze %dma_wait3A_1805 : memref<1x512xf32, #tpu.memory_space<hbm>> -> memref<512xf32, #tpu.memory_space<hbm>>
    %dma_wait3A_1807 = tpu.memref_slice %arg12[%dma_wait3A_1802, %mul3A_2] : memref<44x16384xf32, #tpu.memory_space<hbm>> -> memref<1x512xf32, #tpu.memory_space<hbm>>
    %dma_wait3A_1808 = tpu.memref_squeeze %dma_wait3A_1807 : memref<1x512xf32, #tpu.memory_space<hbm>> -> memref<512xf32, #tpu.memory_space<hbm>>
    %dma_wait3A_1809 = arith.constant 3584 : i32
    %dma_wait3A_1810 = tpu.memref_slice %arg23[%dma_wait3A_1809] : memref<22528xf32, #tpu.memory_space<vmem>> -> memref<512xf32, #tpu.memory_space<vmem>>
    tpu.wait_dma2 semaphore(%arg28 : memref<!tpu.dma_semaphore, #tpu.memory_space<semaphore_mem>>) src(%dma_wait3A_1810 : memref<512xf32, #tpu.memory_space<vmem>>) dst(%dma_wait3A_1808 : memref<512xf32, #tpu.memory_space<hbm>>)
    %dma_wait3A_1811 = arith.constant 8 : i32
    %dma_wait3A_1812 = arith.constant 4096 : i32
    %dma_wait3A_1813 = tpu.memref_slice %arg23[%dma_wait3A_1812] : memref<22528xf32, #tpu.memory_space<vmem>> -> memref<512xf32, #tpu.memory_space<vmem>>
    %dma_wait3A_1814 = tpu.memref_slice %arg12[%dma_wait3A_1811, %mul3A_2] : memref<44x16384xf32, #tpu.memory_space<hbm>> -> memref<1x512xf32, #tpu.memory_space<hbm>>
    %dma_wait3A_1815 = tpu.memref_squeeze %dma_wait3A_1814 : memref<1x512xf32, #tpu.memory_space<hbm>> -> memref<512xf32, #tpu.memory_space<hbm>>
    %dma_wait3A_1816 = tpu.memref_slice %arg12[%dma_wait3A_1811, %mul3A_2] : memref<44x16384xf32, #tpu.memory_space<hbm>> -> memref<1x512xf32, #tpu.memory_space<hbm>>
    %dma_wait3A_1817 = tpu.memref_squeeze %dma_wait3A_1816 : memref<1x512xf32, #tpu.memory_space<hbm>> -> memref<512xf32, #tpu.memory_space<hbm>>
    %dma_wait3A_1818 = arith.constant 4096 : i32
    %dma_wait3A_1819 = tpu.memref_slice %arg23[%dma_wait3A_1818] : memref<22528xf32, #tpu.memory_space<vmem>> -> memref<512xf32, #tpu.memory_space<vmem>>
    tpu.wait_dma2 semaphore(%arg28 : memref<!tpu.dma_semaphore, #tpu.memory_space<semaphore_mem>>) src(%dma_wait3A_1819 : memref<512xf32, #tpu.memory_space<vmem>>) dst(%dma_wait3A_1817 : memref<512xf32, #tpu.memory_space<hbm>>)
    %dma_wait3A_1820 = arith.constant 9 : i32
    %dma_wait3A_1821 = arith.constant 4608 : i32
    %dma_wait3A_1822 = tpu.memref_slice %arg23[%dma_wait3A_1821] : memref<22528xf32, #tpu.memory_space<vmem>> -> memref<512xf32, #tpu.memory_space<vmem>>
    %dma_wait3A_1823 = tpu.memref_slice %arg12[%dma_wait3A_1820, %mul3A_2] : memref<44x16384xf32, #tpu.memory_space<hbm>> -> memref<1x512xf32, #tpu.memory_space<hbm>>
    %dma_wait3A_1824 = tpu.memref_squeeze %dma_wait3A_1823 : memref<1x512xf32, #tpu.memory_space<hbm>> -> memref<512xf32, #tpu.memory_space<hbm>>
    %dma_wait3A_1825 = tpu.memref_slice %arg12[%dma_wait3A_1820, %mul3A_2] : memref<44x16384xf32, #tpu.memory_space<hbm>> -> memref<1x512xf32, #tpu.memory_space<hbm>>
    %dma_wait3A_1826 = tpu.memref_squeeze %dma_wait3A_1825 : memref<1x512xf32, #tpu.memory_space<hbm>> -> memref<512xf32, #tpu.memory_space<hbm>>
    %dma_wait3A_1827 = arith.constant 4608 : i32
    %dma_wait3A_1828 = tpu.memref_slice %arg23[%dma_wait3A_1827] : memref<22528xf32, #tpu.memory_space<vmem>> -> memref<512xf32, #tpu.memory_space<vmem>>
    tpu.wait_dma2 semaphore(%arg28 : memref<!tpu.dma_semaphore, #tpu.memory_space<semaphore_mem>>) src(%dma_wait3A_1828 : memref<512xf32, #tpu.memory_space<vmem>>) dst(%dma_wait3A_1826 : memref<512xf32, #tpu.memory_space<hbm>>)
    %dma_wait3A_1829 = arith.constant 10 : i32
    %dma_wait3A_1830 = arith.constant 5120 : i32
    %dma_wait3A_1831 = tpu.memref_slice %arg23[%dma_wait3A_1830] : memref<22528xf32, #tpu.memory_space<vmem>> -> memref<512xf32, #tpu.memory_space<vmem>>
    %dma_wait3A_1832 = tpu.memref_slice %arg12[%dma_wait3A_1829, %mul3A_2] : memref<44x16384xf32, #tpu.memory_space<hbm>> -> memref<1x512xf32, #tpu.memory_space<hbm>>
    %dma_wait3A_1833 = tpu.memref_squeeze %dma_wait3A_1832 : memref<1x512xf32, #tpu.memory_space<hbm>> -> memref<512xf32, #tpu.memory_space<hbm>>
    %dma_wait3A_1834 = tpu.memref_slice %arg12[%dma_wait3A_1829, %mul3A_2] : memref<44x16384xf32, #tpu.memory_space<hbm>> -> memref<1x512xf32, #tpu.memory_space<hbm>>
    %dma_wait3A_1835 = tpu.memref_squeeze %dma_wait3A_1834 : memref<1x512xf32, #tpu.memory_space<hbm>> -> memref<512xf32, #tpu.memory_space<hbm>>
    %dma_wait3A_1836 = arith.constant 5120 : i32
    %dma_wait3A_1837 = tpu.memref_slice %arg23[%dma_wait3A_1836] : memref<22528xf32, #tpu.memory_space<vmem>> -> memref<512xf32, #tpu.memory_space<vmem>>
    tpu.wait_dma2 semaphore(%arg28 : memref<!tpu.dma_semaphore, #tpu.memory_space<semaphore_mem>>) src(%dma_wait3A_1837 : memref<512xf32, #tpu.memory_space<vmem>>) dst(%dma_wait3A_1835 : memref<512xf32, #tpu.memory_space<hbm>>)
    %dma_wait3A_1838 = arith.constant 11 : i32
    %dma_wait3A_1839 = arith.constant 5632 : i32
    %dma_wait3A_1840 = tpu.memref_slice %arg23[%dma_wait3A_1839] : memref<22528xf32, #tpu.memory_space<vmem>> -> memref<512xf32, #tpu.memory_space<vmem>>
    %dma_wait3A_1841 = tpu.memref_slice %arg12[%dma_wait3A_1838, %mul3A_2] : memref<44x16384xf32, #tpu.memory_space<hbm>> -> memref<1x512xf32, #tpu.memory_space<hbm>>
    %dma_wait3A_1842 = tpu.memref_squeeze %dma_wait3A_1841 : memref<1x512xf32, #tpu.memory_space<hbm>> -> memref<512xf32, #tpu.memory_space<hbm>>
    %dma_wait3A_1843 = tpu.memref_slice %arg12[%dma_wait3A_1838, %mul3A_2] : memref<44x16384xf32, #tpu.memory_space<hbm>> -> memref<1x512xf32, #tpu.memory_space<hbm>>
    %dma_wait3A_1844 = tpu.memref_squeeze %dma_wait3A_1843 : memref<1x512xf32, #tpu.memory_space<hbm>> -> memref<512xf32, #tpu.memory_space<hbm>>
    %dma_wait3A_1845 = arith.constant 5632 : i32
    %dma_wait3A_1846 = tpu.memref_slice %arg23[%dma_wait3A_1845] : memref<22528xf32, #tpu.memory_space<vmem>> -> memref<512xf32, #tpu.memory_space<vmem>>
    tpu.wait_dma2 semaphore(%arg28 : memref<!tpu.dma_semaphore, #tpu.memory_space<semaphore_mem>>) src(%dma_wait3A_1846 : memref<512xf32, #tpu.memory_space<vmem>>) dst(%dma_wait3A_1844 : memref<512xf32, #tpu.memory_space<hbm>>)
    %dma_wait3A_1847 = arith.constant 12 : i32
    %dma_wait3A_1848 = arith.constant 6144 : i32
    %dma_wait3A_1849 = tpu.memref_slice %arg23[%dma_wait3A_1848] : memref<22528xf32, #tpu.memory_space<vmem>> -> memref<512xf32, #tpu.memory_space<vmem>>
    %dma_wait3A_1850 = tpu.memref_slice %arg12[%dma_wait3A_1847, %mul3A_2] : memref<44x16384xf32, #tpu.memory_space<hbm>> -> memref<1x512xf32, #tpu.memory_space<hbm>>
    %dma_wait3A_1851 = tpu.memref_squeeze %dma_wait3A_1850 : memref<1x512xf32, #tpu.memory_space<hbm>> -> memref<512xf32, #tpu.memory_space<hbm>>
    %dma_wait3A_1852 = tpu.memref_slice %arg12[%dma_wait3A_1847, %mul3A_2] : memref<44x16384xf32, #tpu.memory_space<hbm>> -> memref<1x512xf32, #tpu.memory_space<hbm>>
    %dma_wait3A_1853 = tpu.memref_squeeze %dma_wait3A_1852 : memref<1x512xf32, #tpu.memory_space<hbm>> -> memref<512xf32, #tpu.memory_space<hbm>>
    %dma_wait3A_1854 = arith.constant 6144 : i32
    %dma_wait3A_1855 = tpu.memref_slice %arg23[%dma_wait3A_1854] : memref<22528xf32, #tpu.memory_space<vmem>> -> memref<512xf32, #tpu.memory_space<vmem>>
    tpu.wait_dma2 semaphore(%arg28 : memref<!tpu.dma_semaphore, #tpu.memory_space<semaphore_mem>>) src(%dma_wait3A_1855 : memref<512xf32, #tpu.memory_space<vmem>>) dst(%dma_wait3A_1853 : memref<512xf32, #tpu.memory_space<hbm>>)
    %dma_wait3A_1856 = arith.constant 13 : i32
    %dma_wait3A_1857 = arith.constant 6656 : i32
    %dma_wait3A_1858 = tpu.memref_slice %arg23[%dma_wait3A_1857] : memref<22528xf32, #tpu.memory_space<vmem>> -> memref<512xf32, #tpu.memory_space<vmem>>
    %dma_wait3A_1859 = tpu.memref_slice %arg12[%dma_wait3A_1856, %mul3A_2] : memref<44x16384xf32, #tpu.memory_space<hbm>> -> memref<1x512xf32, #tpu.memory_space<hbm>>
    %dma_wait3A_1860 = tpu.memref_squeeze %dma_wait3A_1859 : memref<1x512xf32, #tpu.memory_space<hbm>> -> memref<512xf32, #tpu.memory_space<hbm>>
    %dma_wait3A_1861 = tpu.memref_slice %arg12[%dma_wait3A_1856, %mul3A_2] : memref<44x16384xf32, #tpu.memory_space<hbm>> -> memref<1x512xf32, #tpu.memory_space<hbm>>
    %dma_wait3A_1862 = tpu.memref_squeeze %dma_wait3A_1861 : memref<1x512xf32, #tpu.memory_space<hbm>> -> memref<512xf32, #tpu.memory_space<hbm>>
    %dma_wait3A_1863 = arith.constant 6656 : i32
    %dma_wait3A_1864 = tpu.memref_slice %arg23[%dma_wait3A_1863] : memref<22528xf32, #tpu.memory_space<vmem>> -> memref<512xf32, #tpu.memory_space<vmem>>
    tpu.wait_dma2 semaphore(%arg28 : memref<!tpu.dma_semaphore, #tpu.memory_space<semaphore_mem>>) src(%dma_wait3A_1864 : memref<512xf32, #tpu.memory_space<vmem>>) dst(%dma_wait3A_1862 : memref<512xf32, #tpu.memory_space<hbm>>)
    %dma_wait3A_1865 = arith.constant 14 : i32
    %dma_wait3A_1866 = arith.constant 7168 : i32
    %dma_wait3A_1867 = tpu.memref_slice %arg23[%dma_wait3A_1866] : memref<22528xf32, #tpu.memory_space<vmem>> -> memref<512xf32, #tpu.memory_space<vmem>>
    %dma_wait3A_1868 = tpu.memref_slice %arg12[%dma_wait3A_1865, %mul3A_2] : memref<44x16384xf32, #tpu.memory_space<hbm>> -> memref<1x512xf32, #tpu.memory_space<hbm>>
    %dma_wait3A_1869 = tpu.memref_squeeze %dma_wait3A_1868 : memref<1x512xf32, #tpu.memory_space<hbm>> -> memref<512xf32, #tpu.memory_space<hbm>>
    %dma_wait3A_1870 = tpu.memref_slice %arg12[%dma_wait3A_1865, %mul3A_2] : memref<44x16384xf32, #tpu.memory_space<hbm>> -> memref<1x512xf32, #tpu.memory_space<hbm>>
    %dma_wait3A_1871 = tpu.memref_squeeze %dma_wait3A_1870 : memref<1x512xf32, #tpu.memory_space<hbm>> -> memref<512xf32, #tpu.memory_space<hbm>>
    %dma_wait3A_1872 = arith.constant 7168 : i32
    %dma_wait3A_1873 = tpu.memref_slice %arg23[%dma_wait3A_1872] : memref<22528xf32, #tpu.memory_space<vmem>> -> memref<512xf32, #tpu.memory_space<vmem>>
    tpu.wait_dma2 semaphore(%arg28 : memref<!tpu.dma_semaphore, #tpu.memory_space<semaphore_mem>>) src(%dma_wait3A_1873 : memref<512xf32, #tpu.memory_space<vmem>>) dst(%dma_wait3A_1871 : memref<512xf32, #tpu.memory_space<hbm>>)
    %dma_wait3A_1874 = arith.constant 15 : i32
    %dma_wait3A_1875 = arith.constant 7680 : i32
    %dma_wait3A_1876 = tpu.memref_slice %arg23[%dma_wait3A_1875] : memref<22528xf32, #tpu.memory_space<vmem>> -> memref<512xf32, #tpu.memory_space<vmem>>
    %dma_wait3A_1877 = tpu.memref_slice %arg12[%dma_wait3A_1874, %mul3A_2] : memref<44x16384xf32, #tpu.memory_space<hbm>> -> memref<1x512xf32, #tpu.memory_space<hbm>>
    %dma_wait3A_1878 = tpu.memref_squeeze %dma_wait3A_1877 : memref<1x512xf32, #tpu.memory_space<hbm>> -> memref<512xf32, #tpu.memory_space<hbm>>
    %dma_wait3A_1879 = tpu.memref_slice %arg12[%dma_wait3A_1874, %mul3A_2] : memref<44x16384xf32, #tpu.memory_space<hbm>> -> memref<1x512xf32, #tpu.memory_space<hbm>>
    %dma_wait3A_1880 = tpu.memref_squeeze %dma_wait3A_1879 : memref<1x512xf32, #tpu.memory_space<hbm>> -> memref<512xf32, #tpu.memory_space<hbm>>
    %dma_wait3A_1881 = arith.constant 7680 : i32
    %dma_wait3A_1882 = tpu.memref_slice %arg23[%dma_wait3A_1881] : memref<22528xf32, #tpu.memory_space<vmem>> -> memref<512xf32, #tpu.memory_space<vmem>>
    tpu.wait_dma2 semaphore(%arg28 : memref<!tpu.dma_semaphore, #tpu.memory_space<semaphore_mem>>) src(%dma_wait3A_1882 : memref<512xf32, #tpu.memory_space<vmem>>) dst(%dma_wait3A_1880 : memref<512xf32, #tpu.memory_space<hbm>>)
    return
  }
}

</mosaic_0001>

<sc_bundles>
// kernel: kernel.3.cloned.1.call-start
scs
__scs_entry_jumppad:
0x0: {  	(pc) =	sbr.rel $0x88, $3  }
0x1: {  	(tag) =	ssettag $0x0;
	lr =	simm.s32 $0x1  }
0x2: {  	[smem:$0x3F94] =	sst lr;
	_ =	strace $0xD0000000  }
0x3: {  	_ = 	snop  }
0x4: {  	_ = 	snop  }
0x5: {  	_ = 	snop  }
0x6: {  	_ = 	snop  }
0x7: {  	_ = 	snop  }
__scs_overlays_trampoline_lowered:
0x8: {  	[smem:$0x3FA3] =	sst s0  }
0x9: {  	[smem:$0x3FA4] =	sst s1  }
0xa: {  	[smem:$0x3FA5] =	sst s2  }
0xb: {  	[smem:$0x3FA6] =	sst s3  }
0xc: {  	[smem:$0x3FA7] =	sst s4  }
0xd: {  	[smem:$0x3FA8] =	sst s5  }
0xe: {  	[smem:$0x3FA9] =	sst s6  }
0xf: {  	[smem:$0x3FAA] =	sst s7  }
0x10: {  	[smem:$0x3FAB] =	sst s8  }
0x11: {  	[smem:$0x3FAC] =	sst s9;
	s0 =	simm.s32 @!p0 $0x0  }
0x12: {  	s1 =	sld [smem:$0x3F92];
	s0 =	simm.s32 @p0 $0x1  }
0x13: {  	[smem:$0x3FAD] =	sst s0;
	s0 =	simm.s32 @!p1 $0x0  }
0x14: {  	s2 =	sld [smem:$0x3F91];
	s0 =	simm.s32 @p1 $0x1  }
0x15: {  	[smem:$0x3FAE] =	sst s0;
	s0 =	simm.s32 @!p2 $0x0  }
0x16: {  	s3 =	sld [smem:$0x3FDB];
	s0 =	simm.s32 @p2 $0x1  }
0x17: {  	s4 =	simm.s32 $0x1BF5;
	[smem:$0x3FB0] =	sst s0  }
0x18: {  	s0 =	sld [smem:$0x3F93];
	_ =	swait.ge [sflag:s4], $0x0  }
0x19: {  	s7 =	sld [smem:$0x3F94]  }
0x1a: {  	s8 =	sadd.s32 $0xFFFFE003, lr  }
0x1b: {  	s9 =	sadd.s32 $0xFFFFFEF7, lr;
	s5 =	simm.s32 $0xFFFFFFFF;
	p2 =	slt.u32 s8, $0xFFFFF086  }
0x1c: {  	p1 =	slt.u32 s9, $0xF7A;
	s5 =	simm.s32 @!p2 $0x0  }
0x1d: {  	s5 =	simm.s32 @p1 $0x1;
	p0 =	seq.s32 s7, s2  }
0x1e: {  	s7 =	smul.u32 @!p0 $0xF7A, s2;
	p2 =	seq.s32 @!p0 s5, $0x0  }
0x1f: {  	s9 =	smul.u32 $0xF7A, s1;
	s8 =	simm.s32 @!p0 $0x1BF5;
	p2 =	por !p2, p0  }
0x20: {  	[sflag:s8] =	ssyncset.s32 @!p0 $0xFFFFF086;
	s6 =	sadd.s32 @!p0 s3, s7;
	s7 =	simm.s32 @!p0 $0x108  }
0x21: {  	s3 =	sadd.s32 s3, s9;
	s6 =	sadd.s32 @!p0 $0x88, s6;
	s7 =	simm.s32 @p2 $0x1082  }
0x22: {  	[simem:s7], [sflag:s8] =	dma.local @!p0 [hbm:s6], $0xF7A  }
0x23: {  	s9 =	sor.u32 $0xD0000000, s2;
	s6 =	simm.s32 $0x108;
	_ =	swait.ge @!p0 [sflag:s8], $0x0  }
0x24: {  	s3 =	sadd.s32 $0x88, s3;
	s6 =	simm.s32 @!p1 $0x1082;
	[sflag:s4] =	ssyncset.s32 $0xFFFFF086  }
0x25: {  	[simem:s6], [sflag:s4] =	dma.local [hbm:s3], $0xF7A  }
0x26: {  	[smem:$0x3F94] =	sst s1;
	(tag) =	ssettag s2;
	_ =	strace s9  }
0x27: {  	s1 =	sld [smem:$0x3FA4]  }
0x28: {  	s2 =	sld [smem:$0x3FA5]  }
0x29: {  	s4 =	sld [smem:$0x3FA7]  }
0x2a: {  	p0 =	seq.s32 s5, $0x0;
	s5 =	sld [smem:$0x3FA8]  }
0x2b: {  	s6 =	sld [smem:$0x3FA9]  }
0x2c: {  	s7 =	sld [smem:$0x3FAA]  }
0x2d: {  	s3 =	simm.s32 $0x108;
	s8 =	sld [smem:$0x3FAB]  }
0x2e: {  	s3 =	simm.s32 @!p0 $0x1082;
	s9 =	sld [smem:$0x3FAC]  }
0x2f: {  	lr =	sadd.s32 s0, s3;
	s0 =	sld [smem:$0x3FA3]  }
0x30: {  	s3 =	sld [smem:$0x3FA6]  }
0x31: {  	[smem:$0x3FAF] =	sst s10  }
0x32: {  	s10 =	sld [smem:$0x3FAD];
	_ =	sdelay $0x3  }
0x33: {  	p0 =	seq.s32 s10, $0x1;
	s10 =	sld [smem:$0x3FAF];
	_ =	sdelay $0x3  }
0x34: {  	[smem:$0x3FAF] =	sst s10  }
0x35: {  	s10 =	sld [smem:$0x3FAE];
	_ =	sdelay $0x3  }
0x36: {  	p1 =	seq.s32 s10, $0x1;
	s10 =	sld [smem:$0x3FAF];
	_ =	sdelay $0x3  }
0x37: {  	[smem:$0x3FAF] =	sst s10  }
0x38: {  	s10 =	sld [smem:$0x3FB0]  }
0x39: {  	_ = 	snop;
	(pc) =	sbr.ind lr, $3  }
0x3a: {  	_ = 	snop  }
0x3b: {  	_ = 	snop  }
0x3c: {  	p2 =	seq.s32 s10, $0x1;
	s10 =	sld [smem:$0x3FAF]  }
0x3d: {  	_ =	shalt  }
0x3e: {  	_ =	shalt  }
0x3f: {  	_ =	shalt  }
0x40: {  	_ =	shalt  }
0x41: {  	_ =	shalt  }
0x42: {  	_ =	shalt  }
0x43: {  	_ =	shalt  }
0x44: {  	_ =	shalt  }
0x45: {  	_ =	shalt  }
0x46: {  	_ =	shalt  }
0x47: {  	_ =	shalt  }
0x48: {  	_ =	shalt  }
0x49: {  	_ =	shalt  }
0x4a: {  	_ =	shalt  }
0x4b: {  	_ =	shalt  }
0x4c: {  	_ =	shalt  }
0x4d: {  	_ =	shalt  }
0x4e: {  	_ =	shalt  }
0x4f: {  	_ =	shalt  }
0x50: {  	_ =	shalt  }
0x51: {  	_ =	shalt  }
0x52: {  	_ =	shalt  }
0x53: {  	_ =	shalt  }
0x54: {  	_ =	shalt  }
0x55: {  	_ =	shalt  }
0x56: {  	_ =	shalt  }
0x57: {  	_ =	shalt  }
0x58: {  	_ =	shalt  }
0x59: {  	_ =	shalt  }
0x5a: {  	_ =	shalt  }
0x5b: {  	_ =	shalt  }
0x5c: {  	_ =	shalt  }
0x5d: {  	_ =	shalt  }
0x5e: {  	_ =	shalt  }
0x5f: {  	_ =	shalt  }
0x60: {  	_ =	shalt  }
0x61: {  	_ =	shalt  }
0x62: {  	_ =	shalt  }
0x63: {  	_ =	shalt  }
0x64: {  	_ =	shalt  }
0x65: {  	_ =	shalt  }
0x66: {  	_ =	shalt  }
0x67: {  	_ =	shalt  }
0x68: {  	_ =	shalt  }
0x69: {  	_ =	shalt  }
0x6a: {  	_ =	shalt  }
0x6b: {  	_ =	shalt  }
0x6c: {  	_ =	shalt  }
0x6d: {  	_ =	shalt  }
0x6e: {  	_ =	shalt  }
0x6f: {  	_ =	shalt  }
0x70: {  	_ =	shalt  }
0x71: {  	_ =	shalt  }
0x72: {  	_ =	shalt  }
0x73: {  	_ =	shalt  }
0x74: {  	_ =	shalt  }
0x75: {  	_ =	shalt  }
0x76: {  	_ =	shalt  }
0x77: {  	_ =	shalt  }
0x78: {  	_ =	shalt  }
0x79: {  	_ =	shalt  }
0x7a: {  	_ =	shalt  }
0x7b: {  	_ =	shalt  }
0x7c: {  	_ =	shalt  }
0x7d: {  	_ =	shalt  }
0x7e: {  	_ =	shalt  }
0x7f: {  	_ =	shalt  }
0x80: {  	_ =	shalt  }
0x81: {  	_ =	shalt  }
0x82: {  	_ =	shalt  }
0x83: {  	_ =	shalt  }
0x84: {  	_ =	shalt  }
0x85: {  	_ =	shalt  }
0x86: {  	_ =	shalt  }
0x87: {  	_ =	shalt  }
.Lfunc_end0:
.L_simem_size_0:
called_computation_lowered:
.L_overlay_start_0:
0x88: {  	s2 =	sld [smem:$0x3FD9]  }
0x89: {  	s3 =	sld [smem:$0x3FFE];
	_ =	sdelay $0x1  }
0x8a: {  	s1 =	srdreg.scid  }
0x8b: {  	s0 =	sand.u32 $0x1, s1  }
0x8c: {  	s17 =	sshll.u32 s0, $0xA;
	s2 =	sadd.s32 s3, s2  }
0x8d: {  	s2 =	sadd.s32 s2, s17  }
0x8e: {  	[smem:$0x3FBB] =	sst s2  }
0x8f: {  	_ = 	snop  }
0x90: {  	s2 =	sld [smem:$0x3FC9]  }
0x91: {  	s18 =	sld [smem:$0x3FC8]  }
0x92: {  	s4 =	sld [smem:$0x3FC7]  }
0x93: {  	s5 =	sld [smem:$0x3FC5]  }
0x94: {  	s6 =	sld [smem:$0x3FC4]  }
0x95: {  	s7 =	sld [smem:$0x3FD0];
	(tm) =	ssettm $0x1  }
0x96: {  	s8 =	sld [smem:$0x3FFB];
	_ =	sdelay $0x3  }
0x97: {  	_ =	strace s8  }
0x98: {  	s8 =	sld [smem:$0x3FFC];
	_ =	sdelay $0x3  }
0x99: {  	_ =	strace s8  }
0x9a: {  	s8 =	sld [smem:$0x3FFD];
	_ =	sdelay $0x3  }
0x9b: {  	_ =	strace s8  }
0x9c: {  	_ =	strace $0x8FFFFFFF  }
0x9d: {  	s19 =	sld [smem:$0x3FDB];
	_ =	sdelay $0x1  }
0x9e: {  	s9 =	simm.s32 $_scs_section_size  }
0x9f: {  	s10 =	simm.s32 $_size__tile_overlayer_lowered;
	s11 =	simm.s32 $_tile_overlayer_lowered  }
0xa0: {  	s22 =	simm.s32 $0x1BFF;
	s21 =	sshll.u32 s11, $0x1;
	s8 =	sadd.s32 s9, s19  }
0xa1: {  	s12 =	simm.s32 $0x0;
	s20 =	sshll.u32 s10, $0x1;
	s10 =	sadd.s32 s21, s8  }
0xa2: {  	[timem:s12], [sflag:s22] =	dma.local [hbm:s10], s20  }
0xa3: {  	_ =	swait.ge [sflag:s22], s20  }
0xa4: {  	s9 =	ssub.s32 $0x0, s20;
	[sflag:s22] =	ssyncset.done $0x0  }
0xa5: {  	[sflag:s22] =	ssyncadd.s32 s9;
	_ =	sdelay $0x1  }
0xa6: {  	s23 =	simm.s32 $0x1B8B  }
0xa7: {  	_ =	swait.ge [sflag:s23], $0x1  }
0xa8: {  	[sflag:s23] =	ssyncset.done $0x0  }
0xa9: {  	s25 =	simm.s32 $0x1B8E;
	s24 =	sld [smem:$0x3FFE];
	[sflag:s23] =	ssyncadd.s32 $0xFFFFFFFF  }
0xaa: {  	s26 =	simm.s32 $execute0_lowered;
	[smem:$0x3FD2] =	sst s25  }
0xab: {  	s10 =	sshll.u32 s26, $0x1;
	_ =	strace $0x80000046;
	[dreg:$0x1] =	wrdreg $0xFFFFFFFF  }
0xac: {  	s28 =	simm.s32 $_size_execute0_lowered;
	s8 =	sadd.s32 s8, s10;
	[dreg:$0x0] =	wrdreg $0x0  }
0xad: {  	s10 =	sshll.u32 s28, $0x1;
	[dreg:$0x2] =	wrdreg s8  }
0xae: {  	[dreg:$0x3] =	wrdreg s10  }
0xaf: {  	[dreg:$0x4] =	wrdreg $0xC0  }
0xb0: {  	_ =	task [dreg:s12], $0x5FFFF  }
0xb1: {  	[dreg:$0x1] =	wrdreg $0xFFFFFFFF  }
0xb2: {  	[dreg:$0x0] =	wrdreg $0x60  }
0xb3: {  	[dreg:$0x2] =	wrdreg s2  }
0xb4: {  	[dreg:$0x3] =	wrdreg s18  }
0xb5: {  	[dreg:$0x4] =	wrdreg s4  }
0xb6: {  	[dreg:$0x5] =	wrdreg s7  }
0xb7: {  	[dreg:$0x6] =	wrdreg s5  }
0xb8: {  	[dreg:$0x7] =	wrdreg s6  }
0xb9: {  	[dreg:$0x8] =	wrdreg s24  }
0xba: {  	[dreg:$0x9] =	wrdreg $0x9  }
0xbb: {  	_ =	task.clear_ibuf [dreg:s12], $0xAFFFF;
	_ =	strace $0x90000046  }
0xbc: {  	s29 =	simm.s32 $0x9;
	_ =	strace $0x80000048  }
0xbd: {  	_ =	swait.ge [sflag:s29], $0x1  }
0xbe: {  	[sflag:s29] =	ssyncadd.s32 $0xFFFFFFFF  }
0xbf: {  	_ =	strace $0x90000048  }
0xc0: {  	_ =	sfence  }
0xc1: {  	s30 =	sld [smem:$0x0];
	_ =	sdelay $0x2  }
0xc2: {  	s31 =	sshll.u32 s1, $0xD;
	s1 =	sshrl.u32 s1, $0x2  }
0xc3: {  	s3 =	sand.u32 $0x4000, s31;
	s1 =	sadd.s32 s1, s30  }
0xc4: {  	s0 =	sor.u32 s3, s0;
	s1 =	sshll.u32 s1, $0x11  }
0xc5: {  	s0 =	sor.u32 s1, s0  }
0xc6: {  	s0 =	sadd.s32 $0x8F2B, s0  }
0xc7: {  	[sflag:s0] =	ssyncadd.remote.s32 $0x1  }
0xc8: {  	_ =	sfence.sel $0xFFFF  }
0xc9: {  	[dreg:$0x0] =	wrdreg $0xFFFFFFFF;
	(pc) =	sbr.abs _section_cstart, $3  }
0xca: {  	[dreg:$0x1] =	wrdreg $0xFFFFFFFF  }
0xcb: {  	_ =	task.clear_ibuf [dreg:s12], $0x2FFFF;
	_ =	strace $0x9FFFFFFF  }
0xcc: {  	(tm) =	ssettm $0x7FFFFFFF  }
0xcd: {  	_ =	shalt  }
tec
execute0_lowered:
.L_overlay_start_1:
0x0: {  	(tag) =	ssettag $0x1  }
0x1: {  	s0 =	rddreg [dreg:$0x0]  }
0x2: {  	s2 =	rddreg [dreg:$0x1]  }
0x3: {  	s3 =	rddreg [dreg:$0x2]  }
0x4: {  	s4 =	rddreg [dreg:$0x3]  }
0x5: {  	s5 =	rddreg [dreg:$0x4];
	s8 =	srdreg.scid  }
0x6: {  	s6 =	rddreg [dreg:$0x5];
	s10 =	stileid.u32;
	s8 =	sand.u32 $0x1, s8  }
0x7: {  	s10 =	sshll.u32 s10, $0x7;
	s9 =	ssub.s32 $0x2, s8;
	s8 =	sshll.u32 s8, $0x6  }
0x8: {  	s7 =	rddreg [dreg:$0x6];
	s1 =	simm.s32 $0x0;
	s8 =	sor.u32 s8, s10  }
0x9: {  	[smem:$0x7FF] =	sst s1;
	s10 =	sadd.s32 s0, s8  }
0xa: {  	s23 =	sadd.s32 s2, s8;
	[dreg:$0x8] =	wrdreg s10  }
0xb: {  	s11 =	sadd.s32 $0x800, s7;
	s6 =	sadd.s32 s6, s8;
	[dreg:$0x9] =	wrdreg s23  }
0xc: {  	s22 =	sor.u32 $0x10, s8;
	s18 =	sadd.s32 s11, s8;
	[dreg:$0x12] =	wrdreg s6  }
0xd: {  	s12 =	sshrl.u32 s9, $0x1;
	s24 =	sadd.s32 s0, s22;
	[dreg:$0x18] =	wrdreg s18  }
0xe: {  	s25 =	sor.u32 $0x20, s8;
	s10 =	sadd.s32 s2, s22;
	[dreg:$0xa] =	wrdreg s24  }
0xf: {  	s9 =	ssub.s32 s9, s12;
	s26 =	sadd.s32 s0, s25;
	[dreg:$0xb] =	wrdreg s10  }
0x10: {  	s28 =	sor.u32 $0x30, s8;
	s12 =	sadd.s32 s2, s25;
	[dreg:$0xc] =	wrdreg s26  }
0x11: {  	s0 =	sadd.s32 s0, s28;
	[dreg:$0xd] =	wrdreg s12  }
0x12: {  	s29 =	sadd.s32 s2, s28;
	[dreg:$0xe] =	wrdreg s0  }
0x13: {  	s2 =	sadd.s32 s3, s8;
	[dreg:$0xf] =	wrdreg s29  }
0x14: {  	s13 =	sor.u32 $0x1000, s8;
	s3 =	sadd.s32 s5, s8;
	[dreg:$0x10] =	wrdreg s2  }
0x15: {  	s14 =	sor.u32 $0x1800, s8;
	s16 =	sadd.s32 s4, s13;
	[dreg:$0x11] =	wrdreg s3  }
0x16: {  	s17 =	sadd.s32 s4, s14;
	[dreg:$0x15] =	wrdreg s16  }
0x17: {  	s20 =	sadd.s32 s11, s13;
	[dreg:$0x16] =	wrdreg s17  }
0x18: {  	s15 =	sor.u32 $0x2000, s8;
	s21 =	sadd.s32 s11, s14;
	[dreg:$0x1a] =	wrdreg s20  }
0x19: {  	s22 =	sadd.s32 s11, s15;
	[dreg:$0x1b] =	wrdreg s21  }
0x1a: {  	s5 =	sor.u32 $0x800, s8;
	s10 =	sadd.s32 s4, s8;
	[dreg:$0x1c] =	wrdreg s22  }
0x1b: {  	s12 =	sadd.s32 s4, s5;
	[dreg:$0x13] =	wrdreg s10  }
0x1c: {  	s4 =	sadd.s32 s4, s15;
	[dreg:$0x14] =	wrdreg s12  }
0x1d: {  	s23 =	sadd.s32 $0x5200, s7;
	s19 =	sadd.s32 s11, s5;
	[dreg:$0x17] =	wrdreg s4  }
0x1e: {  	s0 =	sadd.s32 s23, s5;
	[dreg:$0x19] =	wrdreg s19  }
0x1f: {  	s25 =	sadd.s32 s23, s13;
	[dreg:$0x1d] =	wrdreg s0  }
0x20: {  	s26 =	sadd.s32 s23, s14;
	[dreg:$0x1e] =	wrdreg s25  }
0x21: {  	s28 =	sadd.s32 s23, s15;
	[dreg:$0x1f] =	wrdreg s26  }
0x22: {  	s24 =	sadd.s32 s23, s8;
	s29 =	sadd.s32 $0x5000, s7;
	[smem:$0x7E2] =	sst s28  }
0x23: {  	s2 =	smax.u32 s9, $0x1;
	_ =	strace $0x80000047;
	[smem:$0x7E3] =	sst s29  }
0x24: {  	s3 =	sadd.s32 $0x8000, s24;
	[smem:$0x7E4] =	sst s2  }
0x25: {  	s4 =	sadd.s32 $0x8800, s24;
	[smem:$0x7E5] =	sst s3  }
0x26: {  	s5 =	sadd.s32 $0x9000, s24;
	[smem:$0x7E6] =	sst s4  }
0x27: {  	s30 =	sadd.s32 $0x400, s7;
	s6 =	sadd.s32 $0x9800, s24;
	[smem:$0x7E7] =	sst s5  }
0x28: {  	s31 =	sadd.s32 $0x3000, s7;
	s7 =	sadd.s32 $0xA000, s24;
	[smem:$0x7E8] =	sst s6  }
0x29: {  	s8 =	sadd.s32 $0xA800, s24;
	[smem:$0x7E9] =	sst s7  }
0x2a: {  	s9 =	sadd.s32 $0xB000, s24;
	[smem:$0x7EA] =	sst s8  }
0x2b: {  	s10 =	sadd.s32 $0xB800, s24;
	[smem:$0x7EB] =	sst s9  }
0x2c: {  	s11 =	sadd.s32 $0xC000, s24;
	[smem:$0x7EC] =	sst s10  }
0x2d: {  	s12 =	sadd.s32 $0xC800, s24;
	[smem:$0x7ED] =	sst s11  }
0x2e: {  	s13 =	sadd.s32 $0xD000, s24;
	[smem:$0x7EE] =	sst s12  }
0x2f: {  	s14 =	sadd.s32 $0xD800, s24;
	[smem:$0x7EF] =	sst s13  }
0x30: {  	s15 =	sadd.s32 $0xE000, s24;
	[smem:$0x7F0] =	sst s14  }
0x31: {  	s16 =	sadd.s32 $0xE800, s24;
	[smem:$0x7F1] =	sst s15  }
0x32: {  	s17 =	sadd.s32 $0xF000, s24;
	[smem:$0x7F2] =	sst s16  }
0x33: {  	s18 =	sadd.s32 $0xF800, s24;
	[smem:$0x7F3] =	sst s17  }
0x34: {  	s19 =	sadd.s32 $0x10000, s24;
	[smem:$0x7F4] =	sst s18  }
0x35: {  	s20 =	sadd.s32 $0x10800, s24;
	[smem:$0x7F5] =	sst s19  }
0x36: {  	s21 =	sadd.s32 $0x11000, s24;
	[smem:$0x7F6] =	sst s20  }
0x37: {  	s22 =	sadd.s32 $0x11800, s24;
	[smem:$0x7F7] =	sst s21  }
0x38: {  	s23 =	sadd.s32 $0x12000, s24;
	[smem:$0x7F8] =	sst s22  }
0x39: {  	s25 =	sadd.s32 $0x12800, s24;
	[smem:$0x7F9] =	sst s23  }
0x3a: {  	s26 =	sadd.s32 $0x13000, s24;
	[smem:$0x7FA] =	sst s25  }
0x3b: {  	s28 =	sadd.s32 $0x13800, s24;
	s0 =	sadd.s32 $0x15000, s24;
	[smem:$0x7FB] =	sst s26  }
0x3c: {  	[smem:$0x7FC] =	sst s28;
	s29 =	sadd.s32 $0x14000, s24;
	s23 =	sadd.s32 $0x14800, s24  }
0x3d: {  	s2 =	sadd.s32 $0x15800, s24;
	s3 =	sadd.s32 $0x2800, s24;
	s4 =	sadd.s32 $0x3000, s24  }
0x3e: {  	s5 =	sadd.s32 $0x3800, s24;
	s6 =	sadd.s32 $0x4000, s24;
	s7 =	sadd.s32 $0x4800, s24  }
0x3f: {  	s8 =	sadd.s32 $0x5000, s24;
	s9 =	sadd.s32 $0x5800, s24;
	s10 =	sadd.s32 $0x6000, s24  }
0x40: {  	s11 =	sadd.s32 $0x6800, s24;
	s12 =	sadd.s32 $0x7000, s24;
	s13 =	sadd.s32 $0x7800, s24  }
0x41: {  	s14 =	simm.s32 $0x80;
	s17 =	simm.s32 $0xB800;
	s18 =	simm.s32 $0x1  }
0x42: {  	v0 =	vlaneseq.u32;
	s19 =	simm.s32 $0x2;
	s20 =	simm.s32 $0x3;
	s21 =	simm.s32 $0x6000  }
0x43: {  	v0 =	vmul.u32 $0x200, v0;
	s22 =	simm.s32 $0x4;
	s25 =	simm.s32 $0x0;
	[smem:$0x7FD] =	sst s29  }
.LBB2_1:
0x44: {  	s15 =	rddreg [dreg:$0x8]  }
0x45: {  	[tilespmem:s1], [sflag:$0x1] =	stream.linear.gather [hbm4b:s15+s1], $0x80, $0x38;
	[tilespmem:$0xBE28] =	vst v63  }
0x46: {  	s26 =	rddreg [dreg:$0x9];
	s16 =	simm.s32 $0x200  }
0x47: {  	[tilespmem:s16], [sflag:$0x1] =	stream.linear.gather [hbm4b:s26+s1], $0x80, $0x38;
	[tilespmem:$0xBE28] =	vst v63  }
0x48: {  	s26 =	rddreg [dreg:$0xa]  }
0x49: {  	[tilespmem:s14], [sflag:$0x1] =	stream.linear.gather [hbm4b:s26+s1], $0x80, $0x38;
	[tilespmem:$0xBE28] =	vst v63  }
0x4a: {  	s16 =	rddreg [dreg:$0xb];
	s26 =	simm.s32 $0x280  }
0x4b: {  	[tilespmem:s26], [sflag:$0x1] =	stream.linear.gather [hbm4b:s16+s1], $0x80, $0x38;
	[tilespmem:$0xBE28] =	vst v63  }
0x4c: {  	s26 =	rddreg [dreg:$0xc];
	s16 =	simm.s32 $0x100  }
0x4d: {  	[tilespmem:s16], [sflag:$0x1] =	stream.linear.gather [hbm4b:s26+s1], $0x80, $0x38;
	[tilespmem:$0xBE28] =	vst v63  }
0x4e: {  	s15 =	rddreg [dreg:$0xd];
	s26 =	simm.s32 $0x300  }
0x4f: {  	[tilespmem:s26], [sflag:$0x1] =	stream.linear.gather [hbm4b:s15+s1], $0x80, $0x38;
	[tilespmem:$0xBE28] =	vst v63  }
0x50: {  	s15 =	rddreg [dreg:$0xe];
	s26 =	simm.s32 $0x180  }
0x51: {  	[tilespmem:s26], [sflag:$0x1] =	stream.linear.gather [hbm4b:s15+s1], $0x80, $0x38;
	[tilespmem:$0xBE28] =	vst v63  }
0x52: {  	s28 =	simm.s32 $0x380;
	s15 =	rddreg [dreg:$0xf]  }
0x53: {  	[tilespmem:s28], [sflag:$0x1] =	stream.linear.gather [hbm4b:s15+s1], $0x80, $0x38;
	[tilespmem:$0xBE28] =	vst v63  }
0x54: {  	s15 =	rddreg [dreg:$0x10];
	s28 =	simm.s32 $0x600  }
0x55: {  	[tilespmem:s28], [sflag:$0x2] =	stream.linear.gather [hbm4b:s15+s1], $0x200, $0x38;
	[tilespmem:$0xBE28] =	vst v63  }
0x56: {  	s15 =	rddreg [dreg:$0x11];
	s28 =	simm.s32 $0x800  }
0x57: {  	[tilespmem:s28], [sflag:$0x2] =	stream.linear.gather [hbm4b:s15+s1], $0x200, $0x38;
	[tilespmem:$0xBE28] =	vst v63  }
0x58: {  	s15 =	rddreg [dreg:$0x12];
	s28 =	simm.s32 $0xA00  }
0x59: {  	[tilespmem:s28], [sflag:$0x2] =	stream.linear.gather [hbm4b:s15+s1], $0x200, $0x38;
	[tilespmem:$0xBE28] =	vst v63  }
0x5a: {  	s15 =	sld [smem:$0x7E3];
	_ =	sdelay $0x2  }
0x5b: {  	[tilespmem:s17], [sflag:$0x2] =	stream.linear.gather [hbm4b:s15+s1], $0x628, $0x38;
	[tilespmem:$0xBE28] =	vst v63  }
0x5c: {  	s28 =	simm.s32 $0xC00;
	s15 =	rddreg [dreg:$0x13]  }
0x5d: {  	[tilespmem:s28], [sflag:$0x2] =	stream.linear.gather [hbm4b:s15+s1], $0x200, $0x38;
	[tilespmem:$0xBE28] =	vst v63  }
0x5e: {  	s15 =	rddreg [dreg:$0x18];
	s28 =	simm.s32 $0x1600  }
0x5f: {  	[tilespmem:s28], [sflag:$0x2] =	stream.linear.gather [hbm4b:s15+s1], $0x200, $0x38;
	[tilespmem:$0xBE28] =	vst v63  }
0x60: {  	s15 =	rddreg [dreg:$0x14];
	s28 =	simm.s32 $0xE00  }
0x61: {  	[tilespmem:s28], [sflag:$0x2] =	stream.linear.gather [hbm4b:s15+s1], $0x200, $0x38;
	[tilespmem:$0xBE28] =	vst v63  }
0x62: {  	s15 =	rddreg [dreg:$0x19];
	s28 =	simm.s32 $0x1800  }
0x63: {  	[tilespmem:s28], [sflag:$0x2] =	stream.linear.gather [hbm4b:s15+s1], $0x200, $0x38;
	[tilespmem:$0xBE28] =	vst v63  }
0x64: {  	s15 =	rddreg [dreg:$0x15];
	s28 =	simm.s32 $0x1000  }
0x65: {  	[tilespmem:s28], [sflag:$0x2] =	stream.linear.gather [hbm4b:s15+s1], $0x200, $0x38;
	[tilespmem:$0xBE28] =	vst v63  }
0x66: {  	s15 =	rddreg [dreg:$0x1a];
	s28 =	simm.s32 $0x1A00  }
0x67: {  	[tilespmem:s28], [sflag:$0x2] =	stream.linear.gather [hbm4b:s15+s1], $0x200, $0x38;
	[tilespmem:$0xBE28] =	vst v63  }
0x68: {  	s15 =	rddreg [dreg:$0x16];
	s28 =	simm.s32 $0x1200  }
0x69: {  	[tilespmem:s28], [sflag:$0x2] =	stream.linear.gather [hbm4b:s15+s1], $0x200, $0x38;
	[tilespmem:$0xBE28] =	vst v63  }
0x6a: {  	s15 =	rddreg [dreg:$0x1b];
	s28 =	simm.s32 $0x1C00  }
0x6b: {  	[tilespmem:s28], [sflag:$0x2] =	stream.linear.gather [hbm4b:s15+s1], $0x200, $0x38;
	[tilespmem:$0xBE28] =	vst v63  }
0x6c: {  	s15 =	rddreg [dreg:$0x17];
	s28 =	simm.s32 $0x1400  }
0x6d: {  	[tilespmem:s28], [sflag:$0x2] =	stream.linear.gather [hbm4b:s15+s1], $0x200, $0x38;
	[tilespmem:$0xBE28] =	vst v63  }
0x6e: {  	s15 =	rddreg [dreg:$0x1c];
	s28 =	simm.s32 $0x1E00  }
0x6f: {  	[tilespmem:s28], [sflag:$0x2] =	stream.linear.gather [hbm4b:s15+s1], $0x200, $0x38;
	[tilespmem:$0xBE28] =	vst v63  }
0x70: {  	_ =	swait.ge [sflag:s18], $0x80  }
0x71: {  	[sflag:s18] =	ssyncset.done $0x0  }
0x72: {  	[sflag:s18] =	ssyncadd.s32 $0xFFFFFF80  }
0x73: {  	_ =	swait.ge [sflag:s18], $0x80  }
0x74: {  	[sflag:s18] =	ssyncset.done $0x0  }
0x75: {  	[sflag:s18] =	ssyncadd.s32 $0xFFFFFF80  }
0x76: {  	_ =	swait.ge [sflag:s18], $0x80  }
0x77: {  	[sflag:s18] =	ssyncset.done $0x0  }
0x78: {  	[sflag:s18] =	ssyncadd.s32 $0xFFFFFF80  }
0x79: {  	_ =	swait.ge [sflag:s18], $0x80  }
0x7a: {  	[sflag:s18] =	ssyncset.done $0x0  }
0x7b: {  	[sflag:s18] =	ssyncadd.s32 $0xFFFFFF80  }
0x7c: {  	_ =	swait.ge [sflag:s18], $0x80  }
0x7d: {  	[sflag:s18] =	ssyncset.done $0x0  }
0x7e: {  	[sflag:s18] =	ssyncadd.s32 $0xFFFFFF80  }
0x7f: {  	_ =	swait.ge [sflag:s18], $0x80  }
0x80: {  	[sflag:s18] =	ssyncset.done $0x0  }
0x81: {  	[sflag:s18] =	ssyncadd.s32 $0xFFFFFF80  }
0x82: {  	_ =	swait.ge [sflag:s18], $0x80  }
0x83: {  	[sflag:s18] =	ssyncset.done $0x0  }
0x84: {  	[sflag:s18] =	ssyncadd.s32 $0xFFFFFF80  }
0x85: {  	_ =	swait.ge [sflag:s18], $0x80  }
0x86: {  	[sflag:s18] =	ssyncset.done $0x0  }
0x87: {  	[sflag:s18] =	ssyncadd.s32 $0xFFFFFF80  }
0x88: {  	v1 =	vld [tilespmem:$0x0]  }
0x89: {  	v2 =	vld [tilespmem:$0x200]  }
0x8a: {  	v3 =	vld [tilespmem:$0x10]  }
0x8b: {  	v4 =	vld [tilespmem:$0x210]  }
0x8c: {  	v5 =	vld [tilespmem:$0x20]  }
0x8d: {  	v6 =	vld [tilespmem:$0x220]  }
0x8e: {  	v7 =	vld [tilespmem:$0x30]  }
0x8f: {  	v8 =	vld [tilespmem:$0x230]  }
0x90: {  	v9 =	vld [tilespmem:$0x40]  }
0x91: {  	v10 =	vld [tilespmem:$0x240]  }
0x92: {  	v11 =	vld [tilespmem:$0x50]  }
0x93: {  	v12 =	vld [tilespmem:$0x250]  }
0x94: {  	v13 =	vld [tilespmem:$0x60]  }
0x95: {  	v14 =	vld [tilespmem:$0x260]  }
0x96: {  	v15 =	vld [tilespmem:$0x70]  }
0x97: {  	v16 =	vld [tilespmem:$0x270]  }
0x98: {  	v17 =	vld [tilespmem:$0x80]  }
0x99: {  	v18 =	vld [tilespmem:$0x280]  }
0x9a: {  	v19 =	vld [tilespmem:$0x90]  }
0x9b: {  	v20 =	vld [tilespmem:$0x290]  }
0x9c: {  	v21 =	vld [tilespmem:$0xA0]  }
0x9d: {  	v22 =	vld [tilespmem:$0x2A0]  }
0x9e: {  	v23 =	vld [tilespmem:$0xB0]  }
0x9f: {  	v24 =	vld [tilespmem:$0x2B0]  }
0xa0: {  	v25 =	vld [tilespmem:$0xC0]  }
0xa1: {  	v26 =	vld [tilespmem:$0x2C0]  }
0xa2: {  	v27 =	vld [tilespmem:$0xD0]  }
0xa3: {  	v28 =	vld [tilespmem:$0x2D0]  }
0xa4: {  	v29 =	vld [tilespmem:$0xE0]  }
0xa5: {  	v30 =	vld [tilespmem:$0x2E0]  }
0xa6: {  	v31 =	vld [tilespmem:$0xF0]  }
0xa7: {  	v32 =	vld [tilespmem:$0x2F0]  }
0xa8: {  	v33 =	vld [tilespmem:$0x100]  }
0xa9: {  	v34 =	vld [tilespmem:$0x300]  }
0xaa: {  	v35 =	vld [tilespmem:$0x110]  }
0xab: {  	v36 =	vld [tilespmem:$0x310]  }
0xac: {  	v37 =	vld [tilespmem:$0x120];
	v1 =	vshll.u32 v1, $0x3  }
0xad: {  	v1 =	vadd.s32 v2, v1;
	v2 =	vshll.u32 v3, $0x3;
	v3 =	vld [tilespmem:$0x320]  }
0xae: {  	[tilespmem:$0x400] =	vst v1;
	v1 =	vadd.s32 v4, v2;
	v2 =	vshll.u32 v5, $0x3;
	v4 =	vld [tilespmem:$0x130]  }
0xaf: {  	v5 =	vld [tilespmem:$0x330];
	[tilespmem:$0x410] =	vst v1;
	v1 =	vadd.s32 v6, v2;
	v2 =	vshll.u32 v7, $0x3  }
0xb0: {  	v6 =	vld [tilespmem:$0x140];
	[tilespmem:$0x420] =	vst v1;
	v1 =	vadd.s32 v8, v2;
	v2 =	vshll.u32 v9, $0x3  }
0xb1: {  	v7 =	vld [tilespmem:$0x340];
	[tilespmem:$0x430] =	vst v1;
	v1 =	vadd.s32 v10, v2;
	v2 =	vshll.u32 v11, $0x3  }
0xb2: {  	v8 =	vld [tilespmem:$0x150];
	[tilespmem:$0x440] =	vst v1;
	v1 =	vadd.s32 v12, v2;
	v2 =	vshll.u32 v13, $0x3  }
0xb3: {  	v9 =	vld [tilespmem:$0x350];
	[tilespmem:$0x450] =	vst v1;
	v1 =	vadd.s32 v14, v2;
	v2 =	vshll.u32 v15, $0x3  }
0xb4: {  	v10 =	vld [tilespmem:$0x160];
	[tilespmem:$0x460] =	vst v1;
	v1 =	vadd.s32 v16, v2;
	v2 =	vshll.u32 v17, $0x3  }
0xb5: {  	v11 =	vld [tilespmem:$0x360];
	[tilespmem:$0x470] =	vst v1;
	v1 =	vadd.s32 v18, v2;
	v2 =	vshll.u32 v19, $0x3  }
0xb6: {  	v12 =	vld [tilespmem:$0x170];
	[tilespmem:$0x480] =	vst v1;
	v1 =	vadd.s32 v20, v2;
	v2 =	vshll.u32 v21, $0x3  }
0xb7: {  	v13 =	vld [tilespmem:$0x370];
	[tilespmem:$0x490] =	vst v1;
	v1 =	vadd.s32 v22, v2;
	v2 =	vshll.u32 v23, $0x3  }
0xb8: {  	v14 =	vld [tilespmem:$0x180];
	[tilespmem:$0x4A0] =	vst v1;
	v1 =	vadd.s32 v24, v2;
	v2 =	vshll.u32 v25, $0x3  }
0xb9: {  	v15 =	vld [tilespmem:$0x380];
	[tilespmem:$0x4B0] =	vst v1;
	v1 =	vadd.s32 v26, v2;
	v2 =	vshll.u32 v27, $0x3  }
0xba: {  	v16 =	vld [tilespmem:$0x190];
	[tilespmem:$0x4C0] =	vst v1;
	v1 =	vadd.s32 v28, v2;
	v2 =	vshll.u32 v29, $0x3  }
0xbb: {  	v17 =	vld [tilespmem:$0x390];
	[tilespmem:$0x4D0] =	vst v1;
	v1 =	vadd.s32 v30, v2;
	v2 =	vshll.u32 v31, $0x3  }
0xbc: {  	v18 =	vld [tilespmem:$0x1A0];
	[tilespmem:$0x4E0] =	vst v1;
	v1 =	vadd.s32 v32, v2;
	v2 =	vshll.u32 v33, $0x3  }
0xbd: {  	v19 =	vld [tilespmem:$0x3A0];
	[tilespmem:$0x4F0] =	vst v1;
	v1 =	vadd.s32 v34, v2;
	v2 =	vshll.u32 v35, $0x3  }
0xbe: {  	v20 =	vld [tilespmem:$0x1B0];
	[tilespmem:$0x500] =	vst v1;
	v1 =	vadd.s32 v36, v2;
	v2 =	vshll.u32 v37, $0x3  }
0xbf: {  	[tilespmem:$0x510] =	vst v1;
	v1 =	vadd.s32 v3, v2;
	v2 =	vshll.u32 v4, $0x3;
	v3 =	vld [tilespmem:$0x3B0]  }
0xc0: {  	v4 =	vld [tilespmem:$0x1C0];
	[tilespmem:$0x520] =	vst v1;
	v1 =	vadd.s32 v5, v2;
	v2 =	vshll.u32 v6, $0x3  }
0xc1: {  	v5 =	vld [tilespmem:$0x3C0];
	[tilespmem:$0x530] =	vst v1;
	v1 =	vadd.s32 v7, v2;
	v2 =	vshll.u32 v8, $0x3  }
0xc2: {  	v6 =	vld [tilespmem:$0x1D0];
	[tilespmem:$0x540] =	vst v1;
	v1 =	vadd.s32 v9, v2;
	v2 =	vshll.u32 v10, $0x3  }
0xc3: {  	v7 =	vld [tilespmem:$0x3D0];
	[tilespmem:$0x550] =	vst v1;
	v1 =	vadd.s32 v11, v2;
	v2 =	vshll.u32 v12, $0x3  }
0xc4: {  	v8 =	vld [tilespmem:$0x1E0];
	[tilespmem:$0x560] =	vst v1;
	v1 =	vadd.s32 v13, v2;
	v2 =	vshll.u32 v14, $0x3  }
0xc5: {  	v9 =	vld [tilespmem:$0x3E0];
	[tilespmem:$0x570] =	vst v1;
	v1 =	vadd.s32 v15, v2;
	v2 =	vshll.u32 v16, $0x3  }
0xc6: {  	v10 =	vld [tilespmem:$0x1F0];
	[tilespmem:$0x580] =	vst v1;
	v1 =	vadd.s32 v17, v2;
	v2 =	vshll.u32 v18, $0x3  }
0xc7: {  	v11 =	vld [tilespmem:$0x3F0];
	[tilespmem:$0x590] =	vst v1;
	v1 =	vadd.s32 v19, v2;
	v2 =	vshll.u32 v20, $0x3  }
0xc8: {  	[tilespmem:$0x5A0] =	vst v1;
	v1 =	vadd.s32 v3, v2;
	v2 =	vshll.u32 v4, $0x3  }
0xc9: {  	[tilespmem:$0x5B0] =	vst v1;
	v1 =	vadd.s32 v5, v2;
	v2 =	vshll.u32 v6, $0x3  }
0xca: {  	[tilespmem:$0x5C0] =	vst v1;
	v1 =	vadd.s32 v7, v2;
	v2 =	vshll.u32 v8, $0x3  }
0xcb: {  	[tilespmem:$0x5D0] =	vst v1;
	v1 =	vadd.s32 v9, v2;
	v2 =	vshll.u32 v10, $0x3  }
0xcc: {  	[tilespmem:$0x5E0] =	vst v1;
	v1 =	vadd.s32 v11, v2  }
0xcd: {  	s15 =	simm.s32 $0x2000;
	[tilespmem:$0x5F0] =	vst v1  }
0xce: {  	[tilespmem:s15], [sflag:$0x3] =	stream.indirect.gather [hbm4b:s30+s14], $0x10, s1, s14, $0xb8;
	[tilespmem:$0xBE28] =	vst v63  }
0xcf: {  	s28 =	simm.s32 $0x4000;
	s15 =	simm.s32 $0x400  }
0xd0: {  	[tilespmem:s28], [sflag:$0x3] =	stream.indirect.gather [hbm4b:s31+s14], $0x10, s15, s14, $0xb8;
	[tilespmem:$0xBE28] =	vst v63  }
0xd1: {  	s15 =	simm.s32 $0x2800  }
0xd2: {  	[tilespmem:s15], [sflag:$0x3] =	stream.indirect.gather [hbm4b:s30+s14], $0x10, s14, s14, $0xb8;
	[tilespmem:$0xBE28] =	vst v63  }
0xd3: {  	s28 =	simm.s32 $0x4800;
	s15 =	simm.s32 $0x480  }
0xd4: {  	[tilespmem:s28], [sflag:$0x3] =	stream.indirect.gather [hbm4b:s31+s14], $0x10, s15, s14, $0xb8;
	[tilespmem:$0xBE28] =	vst v63  }
0xd5: {  	s15 =	simm.s32 $0x3000  }
0xd6: {  	[tilespmem:s15], [sflag:$0x3] =	stream.indirect.gather [hbm4b:s30+s14], $0x10, s16, s14, $0xb8;
	[tilespmem:$0xBE28] =	vst v63  }
0xd7: {  	s15 =	simm.s32 $0x500;
	s16 =	simm.s32 $0x5000  }
0xd8: {  	[tilespmem:s16], [sflag:$0x3] =	stream.indirect.gather [hbm4b:s31+s14], $0x10, s15, s14, $0xb8;
	[tilespmem:$0xBE28] =	vst v63  }
0xd9: {  	s16 =	simm.s32 $0x3800  }
0xda: {  	[tilespmem:s16], [sflag:$0x3] =	stream.indirect.gather [hbm4b:s30+s14], $0x10, s26, s14, $0xb8;
	[tilespmem:$0xBE28] =	vst v63  }
0xdb: {  	s16 =	simm.s32 $0x580;
	s26 =	simm.s32 $0x5800  }
0xdc: {  	[tilespmem:s26], [sflag:$0x3] =	stream.indirect.gather [hbm4b:s31+s14], $0x10, s16, s14, $0xb8;
	[tilespmem:$0xBE28] =	vst v63  }
0xdd: {  	_ =	swait.ge [sflag:s19], $0x200  }
0xde: {  	[sflag:s19] =	ssyncset.done $0x0  }
0xdf: {  	[sflag:s19] =	ssyncadd.s32 $0xFFFFFE00  }
0xe0: {  	_ =	swait.ge [sflag:s19], $0x200  }
0xe1: {  	[sflag:s19] =	ssyncset.done $0x0  }
0xe2: {  	[sflag:s19] =	ssyncadd.s32 $0xFFFFFE00  }
0xe3: {  	_ =	swait.ge [sflag:s19], $0x200  }
0xe4: {  	[sflag:s19] =	ssyncset.done $0x0  }
0xe5: {  	[sflag:s19] =	ssyncadd.s32 $0xFFFFFE00  }
0xe6: {  	_ =	swait.ge [sflag:s19], $0x628  }
0xe7: {  	[sflag:s19] =	ssyncset.done $0x0  }
0xe8: {  	[sflag:s19] =	ssyncadd.s32 $0xFFFFF9D8  }
0xe9: {  	_ =	swait.ge [sflag:s19], $0x200  }
0xea: {  	[sflag:s19] =	ssyncset.done $0x0  }
0xeb: {  	[sflag:s19] =	ssyncadd.s32 $0xFFFFFE00  }
0xec: {  	_ =	swait.ge [sflag:s19], $0x200  }
0xed: {  	[sflag:s19] =	ssyncset.done $0x0  }
0xee: {  	[sflag:s19] =	ssyncadd.s32 $0xFFFFFE00  }
0xef: {  	_ =	swait.ge [sflag:s19], $0x200  }
0xf0: {  	[sflag:s19] =	ssyncset.done $0x0  }
0xf1: {  	[sflag:s19] =	ssyncadd.s32 $0xFFFFFE00  }
0xf2: {  	_ =	swait.ge [sflag:s19], $0x200  }
0xf3: {  	[sflag:s19] =	ssyncset.done $0x0  }
0xf4: {  	[sflag:s19] =	ssyncadd.s32 $0xFFFFFE00  }
0xf5: {  	_ =	swait.ge [sflag:s19], $0x200  }
0xf6: {  	[sflag:s19] =	ssyncset.done $0x0  }
0xf7: {  	[sflag:s19] =	ssyncadd.s32 $0xFFFFFE00  }
0xf8: {  	_ =	swait.ge [sflag:s19], $0x200  }
0xf9: {  	[sflag:s19] =	ssyncset.done $0x0  }
0xfa: {  	[sflag:s19] =	ssyncadd.s32 $0xFFFFFE00  }
0xfb: {  	_ =	swait.ge [sflag:s19], $0x200  }
0xfc: {  	[sflag:s19] =	ssyncset.done $0x0  }
0xfd: {  	[sflag:s19] =	ssyncadd.s32 $0xFFFFFE00  }
0xfe: {  	_ =	swait.ge [sflag:s19], $0x200  }
0xff: {  	[sflag:s19] =	ssyncset.done $0x0  }
0x100: {  	[sflag:s19] =	ssyncadd.s32 $0xFFFFFE00  }
0x101: {  	_ =	swait.ge [sflag:s19], $0x200  }
0x102: {  	[sflag:s19] =	ssyncset.done $0x0  }
0x103: {  	[sflag:s19] =	ssyncadd.s32 $0xFFFFFE00  }
0x104: {  	_ =	swait.ge [sflag:s19], $0x200  }
0x105: {  	[sflag:s19] =	ssyncset.done $0x0  }
0x106: {  	s26 =	simm.s32 $0x0;
	[sflag:s19] =	ssyncadd.s32 $0xFFFFFE00  }
0x107: {  	v1 =	vld [tilespmem:s26+$0x610];
	_ =	sdelay $0x6  }
0x108: {  	v2 =	vld [tilespmem:s26+$0x600]  }
0x109: {  	v3 =	vld.idx.msk [tilespmem:v1+s17+$0x0], $0xffff  }
0x10a: {  	v4 =	vadd.s32 $0x100, v1;
	_ =	sdelay $0x3  }
0x10b: {  	[tilespmem:s26+$0x8010] =	vst v3  }
0x10c: {  	v3 =	vld.idx.msk [tilespmem:v4+s17+$0x0], $0xffff  }
0x10d: {  	v1 =	vadd.s32 $0x200, v1;
	v4 =	vld.idx.msk [tilespmem:v2+s17+$0x0], $0xffff  }
0x10e: {  	v8 =	vld [tilespmem:s26+$0xC10];
	v7 =	vadd.s32 $0x100, v2;
	_ =	sdelay $0x2  }
0x10f: {  	[tilespmem:s26+$0x8210] =	vst v3  }
0x110: {  	[tilespmem:s26+$0x8000] =	vst v4;
	v1 =	vld.idx.msk [tilespmem:v1+s17+$0x0], $0xffff  }
0x111: {  	v4 =	vadd.s32 $0x300, v8;
	v3 =	vld.idx.msk [tilespmem:v7+s17+$0x0], $0xffff  }
0x112: {  	v2 =	vadd.s32 $0x200, v2  }
0x113: {  	v5 =	vld [tilespmem:s26+$0xC00];
	_ =	sdelay $0x1  }
0x114: {  	[tilespmem:s26+$0x8410] =	vst v1  }
0x115: {  	[tilespmem:s26+$0x8200] =	vst v3;
	v3 =	vld.idx.msk [tilespmem:v4+s17+$0x0], $0xffff  }
0x116: {  	v2 =	vld.idx.msk [tilespmem:v2+s17+$0x0], $0xffff;
	v4 =	vadd.s32 $0x30A, v8  }
0x117: {  	v7 =	vadd.s32 $0x300, v5;
	_ =	sdelay $0x2  }
0x118: {  	[tilespmem:s26+$0x8610] =	vst v3  }
0x119: {  	[tilespmem:s26+$0x8400] =	vst v2;
	v3 =	vld.idx.msk [tilespmem:v4+s17+$0x0], $0xffff  }
0x11a: {  	v4 =	vld.idx.msk [tilespmem:v7+s17+$0x0], $0xffff;
	v7 =	vadd.s32 $0x314, v8  }
0x11b: {  	v9 =	vld [tilespmem:s26+$0xE10];
	v8 =	vadd.s32 $0x30A, v5;
	_ =	sdelay $0x2  }
0x11c: {  	[tilespmem:s26+$0x8810] =	vst v3  }
0x11d: {  	[tilespmem:s26+$0x8600] =	vst v4;
	v7 =	vld.idx.msk [tilespmem:v7+s17+$0x0], $0xffff  }
0x11e: {  	v10 =	vadd.s32 $0x300, v9;
	v8 =	vld.idx.msk [tilespmem:v8+s17+$0x0], $0xffff  }
0x11f: {  	v5 =	vadd.s32 $0x314, v5  }
0x120: {  	v6 =	vld [tilespmem:s26+$0xE00]  }
0x121: {  	v11 =	vld [tilespmem:s26+$0x1000]  }
0x122: {  	v12 =	vld [tilespmem:s26+$0x1200];
	[tilespmem:s26+$0x8A10] =	vst v7  }
0x123: {  	[tilespmem:s26+$0x8800] =	vst v8;
	v7 =	vld.idx.msk [tilespmem:v10+s17+$0x0], $0xffff  }
0x124: {  	v8 =	vld.idx.msk [tilespmem:v5+s17+$0x0], $0xffff;
	v10 =	vadd.s32 $0x30A, v9  }
0x125: {  	v18 =	vld [tilespmem:s26+$0x1400];
	v13 =	vadd.s32 $0x300, v6  }
0x126: {  	v17 =	vld [tilespmem:s26+$0x800]  }
0x127: {  	v16 =	vld [tilespmem:s26+$0xA00]  }
0x128: {  	v15 =	vld [tilespmem:s26+$0x1010];
	[tilespmem:s26+$0x8C10] =	vst v7  }
0x129: {  	[tilespmem:s26+$0x8A00] =	vst v8;
	v7 =	vld.idx.msk [tilespmem:v10+s17+$0x0], $0xffff  }
0x12a: {  	s15 =	simm.s32 $0x20;
	v8 =	vld.idx.msk [tilespmem:v13+s17+$0x0], $0xffff;
	v13 =	vadd.s32 $0x314, v9  }
0x12b: {  	v21 =	vld [tilespmem:s15+$0x600]  }
0x12c: {  	v23 =	vld [tilespmem:s15+$0xC00];
	v14 =	vadd.s32 $0x30A, v6  }
0x12d: {  	v25 =	vld [tilespmem:s15+$0xE00]  }
0x12e: {  	v27 =	vld [tilespmem:s15+$0x1000];
	[tilespmem:s26+$0x8E10] =	vst v7  }
0x12f: {  	v13 =	vld.idx.msk [tilespmem:v13+s17+$0x0], $0xffff  }
0x130: {  	v29 =	vld [tilespmem:s15+$0x1200];
	v19 =	vadd.s32 $0x300, v15;
	[tilespmem:s26+$0x8C00] =	vst v8  }
0x131: {  	v14 =	vld.idx.msk [tilespmem:v14+s17+$0x0], $0xffff  }
0x132: {  	v63 =	vld [tilespmem:s15+$0x1400]  }
0x133: {  	v40 =	vld [tilespmem:s15+$0x800];
	v20 =	vadd.s32 $0x314, v6  }
0x134: {  	v45 =	vld [tilespmem:s15+$0xA00];
	[tilespmem:s26+$0x9010] =	vst v13  }
0x135: {  	v19 =	vld.idx.msk [tilespmem:v19+s17+$0x0], $0xffff  }
0x136: {  	v13 =	vld [tilespmem:s15+$0x610];
	[tilespmem:s26+$0x8E00] =	vst v14;
	v14 =	vadd.s32 $0x30A, v15  }
0x137: {  	v43 =	vld [tilespmem:s26+$0x810]  }
0x138: {  	v20 =	vld.idx.msk [tilespmem:v20+s17+$0x0], $0xffff  }
0x139: {  	v36 =	vld [tilespmem:s15+$0x1610]  }
0x13a: {  	v35 =	vld [tilespmem:s15+$0x1810];
	v22 =	vadd.s32 $0x300, v11;
	[tilespmem:s26+$0x9210] =	vst v19  }
0x13b: {  	v14 =	vld.idx.msk [tilespmem:v14+s17+$0x0], $0xffff  }
0x13c: {  	v42 =	vld [tilespmem:s15+$0x1010];
	v15 =	vadd.s32 $0x314, v15  }
0x13d: {  	[tilespmem:s26+$0x9000] =	vst v20;
	v20 =	vld [tilespmem:s26+$0x1210]  }
0x13e: {  	v19 =	vld.idx.msk [tilespmem:v13+s17+$0x0], $0xffff  }
0x13f: {  	v24 =	vadd.s32 $0x100, v13;
	v22 =	vld.idx.msk [tilespmem:v22+s17+$0x0], $0xffff  }
0x140: {  	v39 =	vld [tilespmem:s15+$0x1A10];
	v26 =	vadd.s32 $0x30A, v11;
	[tilespmem:s26+$0x9410] =	vst v14  }
0x141: {  	v14 =	vld.idx.msk [tilespmem:v15+s17+$0x0], $0xffff  }
0x142: {  	v28 =	vld.idx.msk [tilespmem:v21+s17+$0x0], $0xffff;
	v15 =	vadd.s32 $0x300, v20  }
0x143: {  	v38 =	vld [tilespmem:s15+$0x1C10];
	[tilespmem:s15+$0x8010] =	vst v19;
	v19 =	vadd.s32 $0x100, v21  }
0x144: {  	[tilespmem:s26+$0x9200] =	vst v22;
	v24 =	vld.idx.msk [tilespmem:v24+s17+$0x0], $0xffff  }
0x145: {  	v13 =	vadd.s32 $0x200, v13;
	v22 =	vld.idx.msk [tilespmem:v26+s17+$0x0], $0xffff  }
0x146: {  	v11 =	vadd.s32 $0x314, v11;
	v26 =	vld [tilespmem:s15+$0xC10];
	[tilespmem:s26+$0x9610] =	vst v14  }
0x147: {  	[tilespmem:s15+$0x8000] =	vst v28;
	v14 =	vld.idx.msk [tilespmem:v15+s17+$0x0], $0xffff  }
0x148: {  	v15 =	vld.idx.msk [tilespmem:v19+s17+$0x0], $0xffff;
	v19 =	vadd.s32 $0x30A, v20  }
0x149: {  	v37 =	vld [tilespmem:s15+$0x1E10];
	v21 =	vadd.s32 $0x200, v21;
	[tilespmem:s15+$0x8210] =	vst v24  }
0x14a: {  	[tilespmem:s26+$0x9400] =	vst v22;
	v13 =	vld.idx.msk [tilespmem:v13+s17+$0x0], $0xffff  }
0x14b: {  	v22 =	vadd.s32 $0x300, v26;
	v11 =	vld.idx.msk [tilespmem:v11+s17+$0x0], $0xffff  }
0x14c: {  	v6 =	vld [tilespmem:s26+$0x1C10];
	v24 =	vadd.s32 $0x300, v12;
	[tilespmem:s26+$0x9810] =	vst v14  }
0x14d: {  	[tilespmem:s15+$0x8200] =	vst v15;
	v14 =	vld.idx.msk [tilespmem:v19+s17+$0x0], $0xffff  }
0x14e: {  	v15 =	vld.idx.msk [tilespmem:v21+s17+$0x0], $0xffff  }
0x14f: {  	[tilespmem:s15+$0x8410] =	vst v13;
	v19 =	vadd.s32 $0x314, v20;
	v21 =	vld [tilespmem:s26+$0x1410]  }
0x150: {  	[tilespmem:s26+$0x9600] =	vst v11;
	v20 =	vadd.s32 $0x300, v23;
	v13 =	vld.idx.msk [tilespmem:v22+s17+$0x0], $0xffff  }
0x151: {  	v22 =	vld.idx.msk [tilespmem:v24+s17+$0x0], $0xffff;
	v24 =	vadd.s32 $0x30A, v26  }
0x152: {  	v28 =	vadd.s32 $0x30A, v12;
	v1 =	vld [tilespmem:s26+$0x1600]  }
0x153: {  	v2 =	vld [tilespmem:s26+$0x1800];
	[tilespmem:s26+$0x9A10] =	vst v14  }
0x154: {  	[tilespmem:s15+$0x8400] =	vst v15;
	v14 =	vld.idx.msk [tilespmem:v19+s17+$0x0], $0xffff  }
0x155: {  	v15 =	vld.idx.msk [tilespmem:v20+s17+$0x0], $0xffff;
	[tilespmem:s15+$0x8610] =	vst v13;
	v13 =	vadd.s32 $0x300, v21  }
0x156: {  	v19 =	vadd.s32 $0x30A, v23;
	[tilespmem:s26+$0x9800] =	vst v22;
	v20 =	vld.idx.msk [tilespmem:v24+s17+$0x0], $0xffff  }
0x157: {  	v22 =	vld.idx.msk [tilespmem:v28+s17+$0x0], $0xffff;
	v24 =	vadd.s32 $0x314, v26  }
0x158: {  	v26 =	vadd.s32 $0x314, v12;
	v28 =	vld [tilespmem:s15+$0xE10]  }
0x159: {  	v4 =	vld [tilespmem:s26+$0x1A00];
	[tilespmem:s26+$0x9C10] =	vst v14  }
0x15a: {  	[tilespmem:s15+$0x8600] =	vst v15;
	v15 =	vld.idx.msk [tilespmem:v13+s17+$0x0], $0xffff  }
0x15b: {  	v19 =	vld.idx.msk [tilespmem:v19+s17+$0x0], $0xffff;
	[tilespmem:s15+$0x8810] =	vst v20;
	v20 =	vadd.s32 $0x30A, v21  }
0x15c: {  	v23 =	vadd.s32 $0x314, v23;
	[tilespmem:s26+$0x9A00] =	vst v22;
	v24 =	vld.idx.msk [tilespmem:v24+s17+$0x0], $0xffff  }
0x15d: {  	v22 =	vld.idx.msk [tilespmem:v26+s17+$0x0], $0xffff;
	v26 =	vadd.s32 $0x300, v28  }
0x15e: {  	v3 =	vld [tilespmem:s26+$0x1C00]  }
0x15f: {  	v5 =	vld [tilespmem:s26+$0x1E00];
	[tilespmem:s26+$0x9E10] =	vst v15  }
0x160: {  	v30 =	vadd.s32 $0x300, v18;
	[tilespmem:s15+$0x8800] =	vst v19;
	v19 =	vld.idx.msk [tilespmem:v20+s17+$0x0], $0xffff  }
0x161: {  	v21 =	vadd.s32 $0x314, v21;
	v20 =	vld.idx.msk [tilespmem:v23+s17+$0x0], $0xffff;
	[tilespmem:s15+$0x8A10] =	vst v24  }
0x162: {  	[tilespmem:s26+$0x9C00] =	vst v22;
	v22 =	vadd.s32 $0x300, v25;
	v23 =	vld.idx.msk [tilespmem:v26+s17+$0x0], $0xffff  }
0x163: {  	v10 =	vld [tilespmem:s26+$0x1610];
	v26 =	vadd.s32 $0x30A, v28  }
0x164: {  	v9 =	vld [tilespmem:s26+$0x1810]  }
0x165: {  	v24 =	vld.idx.msk [tilespmem:v30+s17+$0x0], $0xffff;
	[tilespmem:s26+$0xA010] =	vst v19  }
0x166: {  	v30 =	vadd.s32 $0x30A, v18;
	[tilespmem:s15+$0x8A00] =	vst v20;
	v19 =	vld.idx.msk [tilespmem:v21+s17+$0x0], $0xffff  }
0x167: {  	v20 =	vld.idx.msk [tilespmem:v22+s17+$0x0], $0xffff;
	[tilespmem:s15+$0x8C10] =	vst v23;
	v22 =	vadd.s32 $0x31E, v43  }
0x168: {  	v23 =	vadd.s32 $0x30A, v25;
	v21 =	vld.idx.msk [tilespmem:v26+s17+$0x0], $0xffff  }
0x169: {  	v8 =	vld [tilespmem:s26+$0x1A10]  }
0x16a: {  	v7 =	vld [tilespmem:s26+$0x1E10];
	[tilespmem:s26+$0x9E00] =	vst v24  }
0x16b: {  	v28 =	vadd.s32 $0x314, v28;
	v26 =	vld.idx.msk [tilespmem:v30+s17+$0x0], $0xffff;
	[tilespmem:s26+$0xA210] =	vst v19  }
0x16c: {  	v18 =	vadd.s32 $0x314, v18;
	v24 =	vadd.s32 $0x31E, v17;
	[tilespmem:s15+$0x8C00] =	vst v20;
	v20 =	vld.idx.msk [tilespmem:v22+s17+$0x0], $0xffff  }
0x16d: {  	v44 =	vld.idx.msk [tilespmem:v23+s17+$0x0], $0xffff;
	[tilespmem:s15+$0x8E10] =	vst v21;
	v23 =	vadd.s32 $0x41E, v17;
	v21 =	vadd.s32 $0x51E, v17;
	v17 =	vadd.s32 $0x41E, v43  }
0x16e: {  	v11 =	vld [tilespmem:s15+$0x1600]  }
0x16f: {  	v12 =	vld [tilespmem:s15+$0x1800]  }
0x170: {  	[tilespmem:s26+$0xA000] =	vst v26;
	v46 =	vld.idx.msk [tilespmem:v28+s17+$0x0], $0xffff  }
0x171: {  	v47 =	vadd.s32 $0x314, v25;
	v34 =	vadd.s32 $0x300, v27;
	v33 =	vadd.s32 $0x30A, v27;
	v41 =	vld.idx.msk [tilespmem:v18+s17+$0x0], $0xffff;
	[tilespmem:s26+$0xA410] =	vst v20  }
0x172: {  	v18 =	vadd.s32 $0x61E, v45;
	[tilespmem:s15+$0x8E00] =	vst v44;
	v44 =	vld.idx.msk [tilespmem:v17+s17+$0x0], $0xffff;
	v17 =	vadd.s32 $0x623, v45;
	v45 =	vadd.s32 $0x300, v42  }
0x173: {  	v32 =	vadd.s32 $0x314, v27;
	v31 =	vadd.s32 $0x300, v29;
	v27 =	vadd.s32 $0x30A, v63;
	v14 =	vld [tilespmem:s15+$0x1C00]  }
0x174: {  	v13 =	vld [tilespmem:s15+$0x1A00];
	v25 =	vadd.s32 $0x314, v63;
	v30 =	vadd.s32 $0x30A, v29;
	v29 =	vadd.s32 $0x314, v29  }
0x175: {  	v15 =	vld [tilespmem:s15+$0x1E00];
	v19 =	vadd.s32 $0x61E, v16;
	v16 =	vadd.s32 $0x623, v16;
	v26 =	vadd.s32 $0x31E, v40  }
0x176: {  	s29 =	simm.s32 $0x100;
	s28 =	simm.s32 $0x2;
	v22 =	vadd.s32 $0x41E, v40;
	v28 =	vadd.s32 $0x300, v63;
	v20 =	vadd.s32 $0x51E, v40;
	v40 =	vld.idx.msk [tilespmem:v47+s17+$0x0], $0xffff;
	[tilespmem:s15+$0x9010] =	vst v46  }
.LBB2_2:
0x177: {  	s16 =	sshra.s32 s29, $0x2;
	s28 =	sadd.s32 $0x2, s28;
	v45 =	vld.idx.msk [tilespmem:v45+s17+$0x0], $0xffff;
	[tilespmem:s26+$0xA200] =	vst v41;
	v41 =	vadd.s32 $0x51E, v43  }
0x178: {  	v46 =	vld [tilespmem:s16+$0x610];
	p0 =	slt.u32 s28, $0x1E  }
0x179: {  	v43 =	vadd.s32 $0x30A, v42;
	v47 =	vld [tilespmem:s26+$0xA10]  }
0x17a: {  	v48 =	vld [tilespmem:s16+$0x600]  }
0x17b: {  	v49 =	vld [tilespmem:s16+$0xC00];
	[tilespmem:s26+$0xA610] =	vst v44  }
0x17c: {  	[tilespmem:s15+$0x9000] =	vst v40;
	v40 =	vld.idx.msk [tilespmem:v41+s17+$0x0], $0xffff  }
0x17d: {  	v44 =	vld [tilespmem:s16+$0xE00];
	[tilespmem:s15+$0x9210] =	vst v45  }
0x17e: {  	v50 =	vld.idx.msk [tilespmem:v43+s17+$0x0], $0xffff;
	v51 =	vadd.s32 $0x61E, v47  }
0x17f: {  	v52 =	vadd.s32 $0x100, v48;
	v53 =	vadd.s32 $0x200, v48;
	v54 =	vld [tilespmem:s16+$0x1000]  }
0x180: {  	v57 =	vadd.s32 $0x314, v42;
	v55 =	vadd.s32 $0x300, v49;
	v45 =	vadd.s32 $0x30A, v49;
	v56 =	vld.idx.msk [tilespmem:v46+s17+$0x0], $0xffff  }
0x181: {  	v43 =	vadd.s32 $0x314, v49;
	v49 =	vld.idx.msk [tilespmem:v34+s17+$0x0], $0xffff  }
0x182: {  	v58 =	vadd.s32 $0x100, v46;
	v42 =	vadd.s32 $0x300, v44;
	v41 =	vadd.s32 $0x30A, v44;
	v59 =	vld [tilespmem:s15+$0x1210];
	[tilespmem:s26+$0xA810] =	vst v40  }
0x183: {  	v40 =	vadd.s32 $0x314, v44;
	v44 =	vld.idx.msk [tilespmem:v51+s17+$0x0], $0xffff  }
0x184: {  	v48 =	vld.idx.msk [tilespmem:v48+s17+$0x0], $0xffff;
	v34 =	vadd.s32 $0x300, v54;
	v51 =	vadd.s32 $0x30A, v54;
	v54 =	vadd.s32 $0x314, v54;
	[tilespmem:s15+$0x9410] =	vst v50  }
0x185: {  	v47 =	vadd.s32 $0x623, v47;
	v50 =	vld.idx.msk [tilespmem:v57+s17+$0x0], $0xffff  }
0x186: {  	v57 =	vld [tilespmem:s16+$0x1200];
	[tilespmem:s16+$0x8010] =	vst v56  }
0x187: {  	v56 =	vld.idx.msk [tilespmem:v58+s17+$0x0], $0xffff;
	[tilespmem:s15+$0x9200] =	vst v49;
	v49 =	vadd.s32 $0x300, v59  }
0x188: {  	v58 =	vld.idx.msk [tilespmem:v33+s17+$0x0], $0xffff;
	v33 =	vmov v51  }
0x189: {  	v46 =	vadd.s32 $0x200, v46;
	v51 =	vld [tilespmem:s16+$0x1400];
	[tilespmem:s26+$0xAA10] =	vst v44  }
0x18a: {  	[tilespmem:s16+$0x8000] =	vst v48;
	v47 =	vld.idx.msk [tilespmem:v47+s17+$0x0], $0xffff  }
0x18b: {  	v48 =	vadd.s32 $0x300, v57;
	v60 =	vadd.s32 $0x30A, v57;
	v57 =	vadd.s32 $0x314, v57;
	v61 =	vld [tilespmem:s16+$0xC10];
	[tilespmem:s15+$0x9610] =	vst v50  }
0x18c: {  	v49 =	vld.idx.msk [tilespmem:v49+s17+$0x0], $0xffff;
	[tilespmem:s26+$0xAE10] =	vst v10;
	v10 =	vmov v36  }
0x18d: {  	v50 =	vld.idx.msk [tilespmem:v52+s17+$0x0], $0xffff;
	[tilespmem:s16+$0x8210] =	vst v56  }
0x18e: {  	v56 =	vadd.s32 $0x30A, v59;
	v52 =	vadd.s32 $0x300, v51;
	v36 =	vadd.s32 $0x30A, v51;
	v46 =	vld.idx.msk [tilespmem:v46+s17+$0x0], $0xffff;
	[tilespmem:s15+$0x9400] =	vst v58  }
0x18f: {  	v44 =	vadd.s32 $0x314, v51;
	v51 =	vld.idx.msk [tilespmem:v32+s17+$0x0], $0xffff;
	[tilespmem:s26+$0xB010] =	vst v9;
	v32 =	vmov v54;
	v9 =	vmov v35  }
0x190: {  	v35 =	vld [tilespmem:s16+$0x800];
	v54 =	vadd.s32 $0x300, v61;
	[tilespmem:s26+$0xAC10] =	vst v47  }
0x191: {  	v47 =	vld.idx.msk [tilespmem:v24+s17+$0x0], $0xffff;
	[tilespmem:s26+$0xB210] =	vst v8;
	v24 =	vmov v26;
	v8 =	vmov v39  }
0x192: {  	v39 =	vld [tilespmem:s16+$0xA00];
	[tilespmem:s15+$0x9810] =	vst v49  }
0x193: {  	[tilespmem:s16+$0x8200] =	vst v50;
	v49 =	vld.idx.msk [tilespmem:v56+s17+$0x0], $0xffff  }
0x194: {  	v50 =	vld.idx.msk [tilespmem:v53+s17+$0x0], $0xffff;
	[tilespmem:s16+$0x8410] =	vst v46  }
0x195: {  	v26 =	vadd.s32 $0x31E, v35;
	v46 =	vadd.s32 $0x41E, v35;
	v53 =	vld.idx.msk [tilespmem:v54+s17+$0x0], $0xffff;
	[tilespmem:s15+$0x9600] =	vst v51;
	v51 =	vadd.s32 $0x314, v59  }
0x196: {  	v35 =	vadd.s32 $0x51E, v35;
	v54 =	vld.idx.msk [tilespmem:v31+s17+$0x0], $0xffff;
	[tilespmem:s26+$0xB410] =	vst v6;
	v31 =	vmov v48;
	v6 =	vmov v38  }
0x197: {  	v48 =	vadd.s32 $0x30A, v61;
	v38 =	vadd.s32 $0x61E, v39;
	v39 =	vadd.s32 $0x623, v39;
	v56 =	vld [tilespmem:s15+$0x1410];
	[tilespmem:s26+$0xA400] =	vst v47  }
0x198: {  	v47 =	vld.idx.msk [tilespmem:v23+s17+$0x0], $0xffff;
	[tilespmem:s26+$0xB610] =	vst v7;
	v23 =	vmov v22;
	v22 =	vmov v46;
	v7 =	vmov v37  }
0x199: {  	v37 =	vld [tilespmem:s16+$0x1600];
	[tilespmem:s15+$0x9A10] =	vst v49  }
0x19a: {  	[tilespmem:s16+$0x8400] =	vst v50;
	v46 =	vld.idx.msk [tilespmem:v51+s17+$0x0], $0xffff  }
0x19b: {  	v49 =	vld.idx.msk [tilespmem:v55+s17+$0x0], $0xffff;
	[tilespmem:s16+$0x8610] =	vst v53  }
0x19c: {  	v48 =	vld.idx.msk [tilespmem:v48+s17+$0x0], $0xffff;
	[tilespmem:s15+$0x9800] =	vst v54;
	v50 =	vadd.s32 $0x300, v56  }
0x19d: {  	v51 =	vld.idx.msk [tilespmem:v30+s17+$0x0], $0xffff;
	v30 =	vmov v60  }
0x19e: {  	v54 =	vadd.s32 $0x314, v61;
	v53 =	vld [tilespmem:s16+$0x1800];
	[tilespmem:s26+$0xA600] =	vst v47  }
0x19f: {  	v47 =	vld.idx.msk [tilespmem:v21+s17+$0x0], $0xffff;
	v21 =	vmov v20;
	v20 =	vmov v35  }
0x1a0: {  	v35 =	vld [tilespmem:s16+$0xE10];
	[tilespmem:s15+$0x9C10] =	vst v46  }
0x1a1: {  	[tilespmem:s16+$0x8600] =	vst v49;
	v46 =	vld.idx.msk [tilespmem:v50+s17+$0x0], $0xffff  }
0x1a2: {  	v45 =	vld.idx.msk [tilespmem:v45+s17+$0x0], $0xffff;
	[tilespmem:s16+$0x8810] =	vst v48  }
0x1a3: {  	v49 =	vadd.s32 $0x30A, v56;
	v48 =	vld.idx.msk [tilespmem:v54+s17+$0x0], $0xffff;
	[tilespmem:s15+$0x9A00] =	vst v51  }
0x1a4: {  	v50 =	vld.idx.msk [tilespmem:v29+s17+$0x0], $0xffff;
	v29 =	vmov v57  }
0x1a5: {  	v51 =	vld [tilespmem:s16+$0x1A00];
	v54 =	vadd.s32 $0x300, v35;
	[tilespmem:s26+$0xA800] =	vst v47  }
0x1a6: {  	v47 =	vld.idx.msk [tilespmem:v19+s17+$0x0], $0xffff;
	v19 =	vmov v18;
	v18 =	vmov v38  }
0x1a7: {  	v38 =	vld [tilespmem:s16+$0x1C00];
	[tilespmem:s15+$0x9E10] =	vst v46  }
0x1a8: {  	[tilespmem:s16+$0x8800] =	vst v45;
	v45 =	vld.idx.msk [tilespmem:v49+s17+$0x0], $0xffff  }
0x1a9: {  	v46 =	vld.idx.msk [tilespmem:v43+s17+$0x0], $0xffff;
	[tilespmem:s16+$0x8A10] =	vst v48  }
0x1aa: {  	v49 =	vadd.s32 $0x314, v56;
	v48 =	vld.idx.msk [tilespmem:v54+s17+$0x0], $0xffff;
	[tilespmem:s15+$0x9C00] =	vst v50  }
0x1ab: {  	v50 =	vld.idx.msk [tilespmem:v28+s17+$0x0], $0xffff;
	v28 =	vmov v52  }
0x1ac: {  	v52 =	vadd.s32 $0x30A, v35;
	v43 =	vld [tilespmem:s15+$0x810];
	[tilespmem:s26+$0xAA00] =	vst v47  }
0x1ad: {  	v47 =	vld.idx.msk [tilespmem:v16+s17+$0x0], $0xffff;
	[tilespmem:s26+$0xAE00] =	vst v1;
	v16 =	vmovc v17;
	v17 =	vmov v39;
	v1 =	vmov v11;
	v11 =	vmov v37  }
0x1ae: {  	v37 =	vld [tilespmem:s16+$0x1E00];
	[tilespmem:s15+$0xA010] =	vst v45  }
0x1af: {  	[tilespmem:s16+$0x8A00] =	vst v46;
	v39 =	vld.idx.msk [tilespmem:v49+s17+$0x0], $0xffff  }
0x1b0: {  	v45 =	vld.idx.msk [tilespmem:v42+s17+$0x0], $0xffff;
	[tilespmem:s16+$0x8C10] =	vst v48  }
0x1b1: {  	v46 =	vld.idx.msk [tilespmem:v52+s17+$0x0], $0xffff;
	[tilespmem:s15+$0x9E00] =	vst v50;
	v48 =	vadd.s32 $0x31E, v43  }
0x1b2: {  	v49 =	vld.idx.msk [tilespmem:v27+s17+$0x0], $0xffff;
	[tilespmem:s26+$0xB000] =	vst v2;
	v27 =	vmov v36;
	v2 =	vmov v12;
	v12 =	vmov v53  }
0x1b3: {  	v50 =	vadd.s32 $0x314, v35;
	v36 =	vld [tilespmem:s16+$0x1610];
	[tilespmem:s26+$0xAC00] =	vst v47  }
0x1b4: {  	v35 =	vld [tilespmem:s16+$0x1810];
	[tilespmem:s26+$0xB200] =	vst v4;
	v4 =	vmov v13;
	v13 =	vmov v51  }
0x1b5: {  	v42 =	vld [tilespmem:s16+$0x1010];
	[tilespmem:s15+$0xA210] =	vst v39  }
0x1b6: {  	[tilespmem:s16+$0x8C00] =	vst v45;
	v47 =	vld.idx.msk [tilespmem:v48+s17+$0x0], $0xffff  }
0x1b7: {  	v48 =	vld.idx.msk [tilespmem:v41+s17+$0x0], $0xffff;
	[tilespmem:s16+$0x8E10] =	vst v46  }
0x1b8: {  	v46 =	vld.idx.msk [tilespmem:v50+s17+$0x0], $0xffff;
	[tilespmem:s15+$0xA000] =	vst v49;
	v49 =	vadd.s32 $0x41E, v43  }
0x1b9: {  	v41 =	vld.idx.msk [tilespmem:v25+s17+$0x0], $0xffff;
	[tilespmem:s26+$0xB400] =	vst v3;
	v25 =	vmov v44;
	v3 =	vmov v14;
	v14 =	vmov v38  }
.Ltmp0:
0x1ba: {  	v45 =	vadd.s32 $0x300, v42;
	v39 =	vld [tilespmem:s16+$0x1A10];
	[tilespmem:s26+$0xB600] =	vst v5;
	v5 =	vmov v15;
	v15 =	vmov v37;
	s26 =	smov.u32 s15;
	s15 =	smov.u32 s16;
	(pc) =	sbr.rel @p0 .LBB2_2-.Ltmp0, $4  }
0x1bb: {  	v38 =	vld [tilespmem:s15+$0x1C10]  }
0x1bc: {  	v37 =	vld [tilespmem:s15+$0x1E10];
	[tilespmem:s26+$0xA410] =	vst v47  }
0x1bd: {  	[tilespmem:s15+$0x8E00] =	vst v48;
	v44 =	vld.idx.msk [tilespmem:v49+s17+$0x0], $0xffff  }
0x1be: {  	s29 =	sadd.s32 $0x80, s29;
	v40 =	vld.idx.msk [tilespmem:v40+s17+$0x0], $0xffff;
	[tilespmem:s15+$0x9010] =	vst v46  }
0x1bf: {  	_ =	sdelay $0x3  }
0x1c0: {  	v45 =	vld.idx.msk [tilespmem:v45+s17+$0x0], $0xffff  }
0x1c1: {  	v46 =	vadd.s32 $0x30A, v42;
	_ =	sdelay $0x3  }
0x1c2: {  	[tilespmem:s15+$0x9210] =	vst v45  }
0x1c3: {  	[tilespmem:s15+$0x9000] =	vst v40;
	v61 =	vld.idx.msk [tilespmem:v46+s17+$0x0], $0xffff  }
0x1c4: {  	v62 =	vadd.s32 $0x314, v42;
	v34 =	vld.idx.msk [tilespmem:v34+s17+$0x0], $0xffff  }
0x1c5: {  	v63 =	vld [tilespmem:s15+$0x1210];
	_ =	sdelay $0x2  }
0x1c6: {  	[tilespmem:s15+$0x9410] =	vst v61  }
0x1c7: {  	[tilespmem:s15+$0x9200] =	vst v34;
	v40 =	vld.idx.msk [tilespmem:v62+s17+$0x0], $0xffff  }
0x1c8: {  	v46 =	vadd.s32 $0x300, v63;
	v33 =	vld.idx.msk [tilespmem:v33+s17+$0x0], $0xffff;
	_ =	sdelay $0x3  }
0x1c9: {  	[tilespmem:s15+$0x9610] =	vst v40  }
0x1ca: {  	[tilespmem:s15+$0x9400] =	vst v33;
	v34 =	vld.idx.msk [tilespmem:v46+s17+$0x0], $0xffff  }
0x1cb: {  	v47 =	vadd.s32 $0x30A, v63;
	v32 =	vld.idx.msk [tilespmem:v32+s17+$0x0], $0xffff;
	_ =	sdelay $0x3  }
0x1cc: {  	[tilespmem:s15+$0x9810] =	vst v34  }
0x1cd: {  	[tilespmem:s15+$0x9600] =	vst v32;
	v33 =	vld.idx.msk [tilespmem:v47+s17+$0x0], $0xffff  }
0x1ce: {  	v48 =	vadd.s32 $0x314, v63;
	v31 =	vld.idx.msk [tilespmem:v31+s17+$0x0], $0xffff  }
0x1cf: {  	v49 =	vld [tilespmem:s15+$0x1410];
	_ =	sdelay $0x2  }
0x1d0: {  	[tilespmem:s15+$0x9A10] =	vst v33  }
0x1d1: {  	[tilespmem:s15+$0x9800] =	vst v31;
	v32 =	vld.idx.msk [tilespmem:v48+s17+$0x0], $0xffff  }
0x1d2: {  	v50 =	vadd.s32 $0x300, v49;
	v30 =	vld.idx.msk [tilespmem:v30+s17+$0x0], $0xffff;
	_ =	sdelay $0x1  }
0x1d3: {  	[tilespmem:s26+$0xA200] =	vst v41  }
0x1d4: {  	v24 =	vld.idx.msk [tilespmem:v24+s17+$0x0], $0xffff  }
0x1d5: {  	[tilespmem:s15+$0x9C10] =	vst v32  }
0x1d6: {  	[tilespmem:s15+$0x9A00] =	vst v30;
	v31 =	vld.idx.msk [tilespmem:v50+s17+$0x0], $0xffff  }
0x1d7: {  	v51 =	vadd.s32 $0x30A, v49;
	v29 =	vld.idx.msk [tilespmem:v29+s17+$0x0], $0xffff;
	_ =	sdelay $0x1  }
0x1d8: {  	[tilespmem:s26+$0xA400] =	vst v24  }
0x1d9: {  	v23 =	vld.idx.msk [tilespmem:v23+s17+$0x0], $0xffff  }
0x1da: {  	v52 =	vld [tilespmem:s26+$0xA10];
	[tilespmem:s15+$0x9E10] =	vst v31  }
0x1db: {  	v53 =	vadd.s32 $0x51E, v43;
	[tilespmem:s15+$0x9C00] =	vst v29;
	v30 =	vld.idx.msk [tilespmem:v51+s17+$0x0], $0xffff  }
0x1dc: {  	v54 =	vadd.s32 $0x314, v49;
	v28 =	vld.idx.msk [tilespmem:v28+s17+$0x0], $0xffff  }
0x1dd: {  	v55 =	vld [tilespmem:s15+$0x810]  }
0x1de: {  	[tilespmem:s26+$0xA600] =	vst v23  }
0x1df: {  	[tilespmem:s26+$0xA610] =	vst v44;
	v21 =	vld.idx.msk [tilespmem:v21+s17+$0x0], $0xffff  }
0x1e0: {  	v31 =	vld.idx.msk [tilespmem:v53+s17+$0x0], $0xffff;
	[tilespmem:s15+$0xA010] =	vst v30  }
0x1e1: {  	v56 =	vadd.s32 $0x61E, v52;
	[tilespmem:s15+$0x9E00] =	vst v28;
	v29 =	vld.idx.msk [tilespmem:v54+s17+$0x0], $0xffff  }
0x1e2: {  	v57 =	vadd.s32 $0x31E, v55;
	v27 =	vld.idx.msk [tilespmem:v27+s17+$0x0], $0xffff;
	_ =	sdelay $0x1  }
0x1e3: {  	[tilespmem:s26+$0xA800] =	vst v21  }
0x1e4: {  	v19 =	vld.idx.msk [tilespmem:v19+s17+$0x0], $0xffff;
	[tilespmem:s26+$0xA810] =	vst v31  }
0x1e5: {  	v58 =	vld.idx.msk [tilespmem:v56+s17+$0x0], $0xffff;
	[tilespmem:s15+$0xA210] =	vst v29  }
0x1e6: {  	v59 =	vadd.s32 $0x623, v52;
	[tilespmem:s15+$0xA000] =	vst v27;
	v28 =	vld.idx.msk [tilespmem:v57+s17+$0x0], $0xffff  }
0x1e7: {  	v60 =	vadd.s32 $0x41E, v55;
	v25 =	vld.idx.msk [tilespmem:v25+s17+$0x0], $0xffff;
	_ =	sdelay $0x1  }
0x1e8: {  	[tilespmem:s26+$0xAA00] =	vst v19  }
0x1e9: {  	[tilespmem:s26+$0xAA10] =	vst v58  }
0x1ea: {  	v61 =	vld.idx.msk [tilespmem:v59+s17+$0x0], $0xffff;
	[tilespmem:s15+$0xA410] =	vst v28  }
0x1eb: {  	[tilespmem:s15+$0xA200] =	vst v25;
	v62 =	vld.idx.msk [tilespmem:v60+s17+$0x0], $0xffff  }
0x1ec: {  	[tilespmem:s26+$0xAE10] =	vst v10;
	v10 =	vadd.s32 $0x51E, v55;
	v25 =	vld.idx.msk [tilespmem:v26+s17+$0x0], $0xffff  }
0x1ed: {  	[tilespmem:s26+$0xB010] =	vst v9;
	v9 =	vld [tilespmem:s15+$0xA10]  }
0x1ee: {  	[tilespmem:s26+$0xB210] =	vst v8  }
0x1ef: {  	[tilespmem:s26+$0xB410] =	vst v6  }
0x1f0: {  	[tilespmem:s15+$0xA610] =	vst v62  }
0x1f1: {  	[tilespmem:s15+$0xA400] =	vst v25;
	v10 =	vld.idx.msk [tilespmem:v10+s17+$0x0], $0xffff  }
0x1f2: {  	[tilespmem:s26+$0xB610] =	vst v7;
	v8 =	vadd.s32 $0x61E, v9;
	v63 =	vld.idx.msk [tilespmem:v22+s17+$0x0], $0xffff  }
0x1f3: {  	v6 =	vld.idx.msk [tilespmem:v16+s17+$0x0], $0xffff;
	[tilespmem:s26+$0xAE00] =	vst v1  }
0x1f4: {  	[tilespmem:s26+$0xB000] =	vst v2  }
0x1f5: {  	[tilespmem:s26+$0xB200] =	vst v4  }
0x1f6: {  	[tilespmem:s15+$0xA810] =	vst v10  }
0x1f7: {  	[tilespmem:s15+$0xA600] =	vst v63;
	v7 =	vld.idx.msk [tilespmem:v8+s17+$0x0], $0xffff  }
0x1f8: {  	[tilespmem:s26+$0xB400] =	vst v3;
	v8 =	vld.idx.msk [tilespmem:v20+s17+$0x0], $0xffff  }
0x1f9: {  	[tilespmem:s26+$0xB600] =	vst v5;
	v1 =	vadd.s32 $0x623, v9  }
0x1fa: {  	[tilespmem:s26+$0xAC10] =	vst v61  }
0x1fb: {  	[tilespmem:s26+$0xAC00] =	vst v6  }
0x1fc: {  	[tilespmem:s15+$0xAA10] =	vst v7  }
0x1fd: {  	[tilespmem:s15+$0xA800] =	vst v8  }
0x1fe: {  	v1 =	vld.idx.msk [tilespmem:v1+s17+$0x0], $0xffff;
	[tilespmem:s15+$0xAE10] =	vst v36  }
0x1ff: {  	v2 =	vld.idx.msk [tilespmem:v18+s17+$0x0], $0xffff;
	[tilespmem:s15+$0xB010] =	vst v35  }
0x200: {  	[tilespmem:s15+$0xB210] =	vst v39  }
0x201: {  	[tilespmem:s15+$0xB410] =	vst v38  }
0x202: {  	[tilespmem:s15+$0xB610] =	vst v37  }
0x203: {  	[tilespmem:s15+$0xAC10] =	vst v1  }
0x204: {  	[tilespmem:s15+$0xAA00] =	vst v2  }
0x205: {  	v1 =	vld.idx.msk [tilespmem:v17+s17+$0x0], $0xffff;
	[tilespmem:s15+$0xAE00] =	vst v11  }
0x206: {  	[tilespmem:s15+$0xB000] =	vst v12  }
0x207: {  	[tilespmem:s15+$0xB200] =	vst v13  }
0x208: {  	[tilespmem:s15+$0xB400] =	vst v14  }
0x209: {  	[tilespmem:s15+$0xB600] =	vst v15  }
0x20a: {  	[tilespmem:s15+$0xAC00] =	vst v1  }
0x20b: {  	s16 =	sld [smem:$0x7E5];
	_ =	sdelay $0x1  }
0x20c: {  	s29 =	simm.s32 $0x8000;
	s15 =	simm.s32 $0x0;
	s26 =	sld [smem:$0x7E6]  }
0x20d: {  	[hbm4b:s16+s15] =	stream.linear.scatter [tilespmem:s29], [sflag:$0x4], $0x200, $0x38;
	[tilespmem:$0xBE28] =	vst v63  }
0x20e: {  	s29 =	simm.s32 $0x8200  }
0x20f: {  	[hbm4b:s26+s15] =	stream.linear.scatter [tilespmem:s29], [sflag:$0x4], $0x200, $0x38;
	[tilespmem:$0xBE28] =	vst v63  }
0x210: {  	s26 =	sld [smem:$0x7E7];
	_ =	sdelay $0x1  }
0x211: {  	s29 =	simm.s32 $0x8400  }
0x212: {  	[hbm4b:s26+s15] =	stream.linear.scatter [tilespmem:s29], [sflag:$0x4], $0x200, $0x38;
	[tilespmem:$0xBE28] =	vst v63  }
0x213: {  	s26 =	sld [smem:$0x7E8];
	_ =	sdelay $0x1  }
0x214: {  	s29 =	simm.s32 $0x8600  }
0x215: {  	[hbm4b:s26+s15] =	stream.linear.scatter [tilespmem:s29], [sflag:$0x4], $0x200, $0x38;
	[tilespmem:$0xBE28] =	vst v63  }
0x216: {  	s26 =	sld [smem:$0x7E9];
	_ =	sdelay $0x1  }
0x217: {  	s29 =	simm.s32 $0x8800  }
0x218: {  	[hbm4b:s26+s15] =	stream.linear.scatter [tilespmem:s29], [sflag:$0x4], $0x200, $0x38;
	[tilespmem:$0xBE28] =	vst v63  }
0x219: {  	s26 =	sld [smem:$0x7EA];
	_ =	sdelay $0x1  }
0x21a: {  	s29 =	simm.s32 $0x8A00  }
0x21b: {  	[hbm4b:s26+s15] =	stream.linear.scatter [tilespmem:s29], [sflag:$0x4], $0x200, $0x38;
	[tilespmem:$0xBE28] =	vst v63  }
0x21c: {  	s26 =	sld [smem:$0x7EB];
	_ =	sdelay $0x1  }
0x21d: {  	s29 =	simm.s32 $0x8C00  }
0x21e: {  	[hbm4b:s26+s15] =	stream.linear.scatter [tilespmem:s29], [sflag:$0x4], $0x200, $0x38;
	[tilespmem:$0xBE28] =	vst v63  }
0x21f: {  	s26 =	sld [smem:$0x7EC];
	_ =	sdelay $0x1  }
0x220: {  	s29 =	simm.s32 $0x8E00  }
0x221: {  	[hbm4b:s26+s15] =	stream.linear.scatter [tilespmem:s29], [sflag:$0x4], $0x200, $0x38;
	[tilespmem:$0xBE28] =	vst v63  }
0x222: {  	s26 =	sld [smem:$0x7ED];
	_ =	sdelay $0x1  }
0x223: {  	s29 =	simm.s32 $0x9000  }
0x224: {  	[hbm4b:s26+s15] =	stream.linear.scatter [tilespmem:s29], [sflag:$0x4], $0x200, $0x38;
	[tilespmem:$0xBE28] =	vst v63  }
0x225: {  	s26 =	sld [smem:$0x7EE];
	_ =	sdelay $0x1  }
0x226: {  	s29 =	simm.s32 $0x9200  }
0x227: {  	[hbm4b:s26+s15] =	stream.linear.scatter [tilespmem:s29], [sflag:$0x4], $0x200, $0x38;
	[tilespmem:$0xBE28] =	vst v63  }
0x228: {  	s26 =	sld [smem:$0x7EF];
	_ =	sdelay $0x1  }
0x229: {  	s29 =	simm.s32 $0x9400  }
0x22a: {  	[hbm4b:s26+s15] =	stream.linear.scatter [tilespmem:s29], [sflag:$0x4], $0x200, $0x38;
	[tilespmem:$0xBE28] =	vst v63  }
0x22b: {  	s26 =	sld [smem:$0x7F0];
	_ =	sdelay $0x1  }
0x22c: {  	s29 =	simm.s32 $0x9600  }
0x22d: {  	[hbm4b:s26+s15] =	stream.linear.scatter [tilespmem:s29], [sflag:$0x4], $0x200, $0x38;
	[tilespmem:$0xBE28] =	vst v63  }
0x22e: {  	s26 =	sld [smem:$0x7F1];
	_ =	sdelay $0x1  }
0x22f: {  	s29 =	simm.s32 $0x9800  }
0x230: {  	[hbm4b:s26+s15] =	stream.linear.scatter [tilespmem:s29], [sflag:$0x4], $0x200, $0x38;
	[tilespmem:$0xBE28] =	vst v63  }
0x231: {  	s26 =	sld [smem:$0x7F2];
	_ =	sdelay $0x1  }
0x232: {  	s29 =	simm.s32 $0x9A00  }
0x233: {  	[hbm4b:s26+s15] =	stream.linear.scatter [tilespmem:s29], [sflag:$0x4], $0x200, $0x38;
	[tilespmem:$0xBE28] =	vst v63  }
0x234: {  	s26 =	sld [smem:$0x7F3];
	_ =	sdelay $0x1  }
0x235: {  	s29 =	simm.s32 $0x9C00  }
0x236: {  	[hbm4b:s26+s15] =	stream.linear.scatter [tilespmem:s29], [sflag:$0x4], $0x200, $0x38;
	[tilespmem:$0xBE28] =	vst v63  }
0x237: {  	s26 =	sld [smem:$0x7F4];
	_ =	sdelay $0x1  }
0x238: {  	s29 =	simm.s32 $0x9E00  }
0x239: {  	[hbm4b:s26+s15] =	stream.linear.scatter [tilespmem:s29], [sflag:$0x4], $0x200, $0x38;
	[tilespmem:$0xBE28] =	vst v63  }
0x23a: {  	s26 =	sld [smem:$0x7F5];
	_ =	sdelay $0x1  }
0x23b: {  	s29 =	simm.s32 $0xA000  }
0x23c: {  	[hbm4b:s26+s15] =	stream.linear.scatter [tilespmem:s29], [sflag:$0x4], $0x200, $0x38;
	[tilespmem:$0xBE28] =	vst v63  }
0x23d: {  	s26 =	sld [smem:$0x7F6];
	_ =	sdelay $0x1  }
0x23e: {  	s29 =	simm.s32 $0xA200  }
0x23f: {  	[hbm4b:s26+s15] =	stream.linear.scatter [tilespmem:s29], [sflag:$0x4], $0x200, $0x38;
	[tilespmem:$0xBE28] =	vst v63  }
0x240: {  	s26 =	sld [smem:$0x7F7];
	_ =	sdelay $0x1  }
0x241: {  	s29 =	simm.s32 $0xA400  }
0x242: {  	[hbm4b:s26+s15] =	stream.linear.scatter [tilespmem:s29], [sflag:$0x4], $0x200, $0x38;
	[tilespmem:$0xBE28] =	vst v63  }
0x243: {  	s26 =	sld [smem:$0x7F8];
	_ =	sdelay $0x1  }
0x244: {  	s29 =	simm.s32 $0xA600  }
0x245: {  	[hbm4b:s26+s15] =	stream.linear.scatter [tilespmem:s29], [sflag:$0x4], $0x200, $0x38;
	[tilespmem:$0xBE28] =	vst v63  }
0x246: {  	s26 =	sld [smem:$0x7F9];
	_ =	sdelay $0x1  }
0x247: {  	s29 =	simm.s32 $0xA800  }
0x248: {  	[hbm4b:s26+s15] =	stream.linear.scatter [tilespmem:s29], [sflag:$0x4], $0x200, $0x38;
	[tilespmem:$0xBE28] =	vst v63  }
0x249: {  	s26 =	sld [smem:$0x7FA];
	_ =	sdelay $0x1  }
0x24a: {  	s29 =	simm.s32 $0xAA00  }
0x24b: {  	[hbm4b:s26+s15] =	stream.linear.scatter [tilespmem:s29], [sflag:$0x4], $0x200, $0x38;
	[tilespmem:$0xBE28] =	vst v63  }
0x24c: {  	s26 =	sld [smem:$0x7FB];
	_ =	sdelay $0x1  }
0x24d: {  	s29 =	simm.s32 $0xAC00  }
0x24e: {  	[hbm4b:s26+s15] =	stream.linear.scatter [tilespmem:s29], [sflag:$0x4], $0x200, $0x38;
	[tilespmem:$0xBE28] =	vst v63  }
0x24f: {  	s26 =	sld [smem:$0x7FC];
	_ =	sdelay $0x1  }
0x250: {  	s29 =	simm.s32 $0xAE00  }
0x251: {  	[hbm4b:s26+s15] =	stream.linear.scatter [tilespmem:s29], [sflag:$0x4], $0x200, $0x38;
	[tilespmem:$0xBE28] =	vst v63  }
0x252: {  	s26 =	sld [smem:$0x7FD];
	_ =	sdelay $0x1  }
0x253: {  	s29 =	simm.s32 $0xB000  }
0x254: {  	[hbm4b:s26+s15] =	stream.linear.scatter [tilespmem:s29], [sflag:$0x4], $0x200, $0x38;
	[tilespmem:$0xBE28] =	vst v63  }
0x255: {  	s26 =	simm.s32 $0xB200  }
0x256: {  	[hbm4b:s23+s15] =	stream.linear.scatter [tilespmem:s26], [sflag:$0x4], $0x200, $0x38;
	[tilespmem:$0xBE28] =	vst v63  }
0x257: {  	s29 =	simm.s32 $0xB400  }
0x258: {  	[hbm4b:s0+s15] =	stream.linear.scatter [tilespmem:s29], [sflag:$0x4], $0x200, $0x38;
	[tilespmem:$0xBE28] =	vst v63  }
0x259: {  	s26 =	simm.s32 $0xB600  }
0x25a: {  	[hbm4b:s2+s15] =	stream.linear.scatter [tilespmem:s26], [sflag:$0x4], $0x200, $0x38;
	[tilespmem:$0xBE28] =	vst v63  }
0x25b: {  	_ =	swait.ge [sflag:s20], $0x800  }
0x25c: {  	[sflag:s20] =	ssyncset.done $0x0  }
0x25d: {  	[sflag:s20] =	ssyncadd.s32 $0xFFFFF800  }
0x25e: {  	_ =	swait.ge [sflag:s20], $0x800  }
0x25f: {  	[sflag:s20] =	ssyncset.done $0x0  }
0x260: {  	[sflag:s20] =	ssyncadd.s32 $0xFFFFF800  }
0x261: {  	_ =	swait.ge [sflag:s20], $0x800  }
0x262: {  	[sflag:s20] =	ssyncset.done $0x0  }
0x263: {  	[sflag:s20] =	ssyncadd.s32 $0xFFFFF800  }
0x264: {  	_ =	swait.ge [sflag:s20], $0x800  }
0x265: {  	[sflag:s20] =	ssyncset.done $0x0  }
0x266: {  	[sflag:s20] =	ssyncadd.s32 $0xFFFFF800  }
0x267: {  	_ =	swait.ge [sflag:s20], $0x800  }
0x268: {  	[sflag:s20] =	ssyncset.done $0x0  }
0x269: {  	[sflag:s20] =	ssyncadd.s32 $0xFFFFF800  }
0x26a: {  	_ =	swait.ge [sflag:s20], $0x800  }
0x26b: {  	[sflag:s20] =	ssyncset.done $0x0  }
0x26c: {  	[sflag:s20] =	ssyncadd.s32 $0xFFFFF800  }
0x26d: {  	_ =	swait.ge [sflag:s20], $0x800  }
0x26e: {  	[sflag:s20] =	ssyncset.done $0x0  }
0x26f: {  	[sflag:s20] =	ssyncadd.s32 $0xFFFFF800  }
0x270: {  	_ =	swait.ge [sflag:s20], $0x800  }
0x271: {  	[sflag:s20] =	ssyncset.done $0x0  }
0x272: {  	s16 =	simm.s32 $0x2020;
	[sflag:s20] =	ssyncadd.s32 $0xFFFFF800  }
0x273: {  	s29 =	simm.s32 $0x4020;
	v3 =	vld [tilespmem:s16+$0x10]  }
0x274: {  	v4 =	vld [tilespmem:s29+$0x10]  }
0x275: {  	v1 =	vld [tilespmem:s29+$0xFFFFFFE0]  }
0x276: {  	s28 =	simm.s32 $0x3;
	v10 =	vld [tilespmem:s16+$0xFFFFFFF0]  }
0x277: {  	v8 =	vor.u32 s28, v0;
	v11 =	vld [tilespmem:s29+$0xFFFFFFF0]  }
0x278: {  	v5 =	vld [tilespmem:s29+$0x0];
	s29 =	simm.s32 $0x1  }
0x279: {  	v2 =	vld [tilespmem:s16+$0x0];
	v6 =	vor.u32 s29, v0  }
0x27a: {  	s29 =	simm.s32 $0x2;
	v9 =	vadd.f32 v4, v3;
	v4 =	vld [tilespmem:s16+$0xFFFFFFE0];
	s16 =	simm.s32 $0x2060  }
0x27b: {  	s28 =	simm.s32 $0x4060;
	v7 =	vor.u32 s29, v0;
	v3 =	vld [tilespmem:s16+$0x10]  }
0x27c: {  	s26 =	simm.s32 $0x4;
	v10 =	vadd.f32 v11, v10;
	[tilespmem:v8+s21+$0x0] =	vst.idx.msk $0xffff, v9;
	v8 =	vld [tilespmem:s28+$0x10];
	v9 =	vor.u32 s15, v0;
	s15 =	simm.s32 $0x8  }
.LBB2_4:
0x27d: {  	p0 =	slt.u32 s15, $0x1FC;
	v11 =	vld [tilespmem:s28+$0xFFFFFFE0];
	s29 =	sadd.s32 $0x3, s26  }
0x27e: {  	v12 =	vld [tilespmem:s16+$0xFFFFFFF0];
	v13 =	vor.u32 s29, v0;
	[tilespmem:v6+s21+$0x0] =	vst.idx.msk $0xffff, v10;
	v5 =	vadd.f32 v5, v2  }
0x27f: {  	v10 =	vld [tilespmem:s28+$0xFFFFFFF0];
	v14 =	vadd.f32 v1, v4  }
.Ltmp1:
0x280: {  	s29 =	sadd.s32 $0x1, s26;
	v2 =	vld [tilespmem:s16+$0x0];
	[tilespmem:v7+s21+$0x0] =	vst.idx.msk $0xffff, v5;
	(pc) =	sbr.rel @p0 .LBB2_4-.Ltmp1, $4  }
0x281: {  	v6 =	vor.u32 s29, v0;
	v5 =	vld [tilespmem:s28+$0x0];
	v8 =	vadd.f32 v8, v3;
	[tilespmem:v9+s21+$0x0] =	vst.idx.msk $0xffff, v14  }
0x282: {  	s29 =	sadd.s32 $0x2, s26;
	v4 =	vld [tilespmem:s16+$0xFFFFFFE0];
	s16 =	sadd.s32 $0x40, s16;
	v1 =	vmov v11  }
0x283: {  	v7 =	vor.u32 s29, v0;
	s28 =	sadd.s32 $0x40, s28;
	v3 =	vld [tilespmem:s16+$0x10];
	[tilespmem:v13+s21+$0x0] =	vst.idx.msk $0xffff, v8  }
0x284: {  	v9 =	vor.u32 s26, v0;
	s26 =	smov.u32 s15;
	s15 =	sadd.s32 $0x4, s15;
	v8 =	vld [tilespmem:s28+$0x10];
	v10 =	vadd.f32 v10, v12  }
0x285: {  	v11 =	vld [tilespmem:s28+$0xFFFFFFE0]  }
0x286: {  	v12 =	vld [tilespmem:s28+$0xFFFFFFF0]  }
0x287: {  	v13 =	vld [tilespmem:s28+$0x0]  }
0x288: {  	s15 =	sadd.s32 $0x3, s26;
	v14 =	vld [tilespmem:s16+$0xFFFFFFF0]  }
0x289: {  	s28 =	sadd.s32 $0x1, s26;
	v16 =	vld [tilespmem:s16+$0x0];
	v15 =	vor.u32 s15, v0  }
0x28a: {  	v62 =	vld [tilespmem:s16+$0xFFFFFFE0];
	s29 =	sadd.s32 $0x2, s26;
	v17 =	vor.u32 s28, v0;
	v2 =	vadd.f32 v5, v2  }
0x28b: {  	v18 =	vor.u32 s29, v0;
	[tilespmem:v6+s21+$0x0] =	vst.idx.msk $0xffff, v10;
	v1 =	vadd.f32 v1, v4  }
0x28c: {  	v63 =	vor.u32 s26, v0;
	[tilespmem:v7+s21+$0x0] =	vst.idx.msk $0xffff, v2;
	v2 =	vadd.f32 v8, v3  }
0x28d: {  	[tilespmem:v9+s21+$0x0] =	vst.idx.msk $0xffff, v1;
	v1 =	vadd.f32 v12, v14  }
0x28e: {  	[tilespmem:v15+s21+$0x0] =	vst.idx.msk $0xffff, v2;
	v2 =	vadd.f32 v13, v16  }
0x28f: {  	[tilespmem:v17+s21+$0x0] =	vst.idx.msk $0xffff, v1;
	v1 =	vadd.f32 v11, v62  }
0x290: {  	[tilespmem:v18+s21+$0x0] =	vst.idx.msk $0xffff, v2  }
0x291: {  	[tilespmem:v63+s21+$0x0] =	vst.idx.msk $0xffff, v1  }
0x292: {  	[hbm4b:s24+s1] =	stream.linear.scatter [tilespmem:s21], [sflag:$0x4], $0x200, $0x38;
	[tilespmem:$0xBE28] =	vst v63  }
0x293: {  	s16 =	rddreg [dreg:$0x1d]  }
0x294: {  	s26 =	simm.s32 $0x6200;
	s28 =	rddreg [dreg:$0x1e]  }
0x295: {  	[hbm4b:s16+s1] =	stream.linear.scatter [tilespmem:s26], [sflag:$0x4], $0x200, $0x38;
	[tilespmem:$0xBE28] =	vst v63  }
0x296: {  	s29 =	simm.s32 $0x6400;
	s16 =	rddreg [dreg:$0x1f]  }
0x297: {  	[hbm4b:s28+s1] =	stream.linear.scatter [tilespmem:s29], [sflag:$0x4], $0x200, $0x38;
	[tilespmem:$0xBE28] =	vst v63  }
0x298: {  	s26 =	simm.s32 $0x6600;
	s28 =	sld [smem:$0x7E2]  }
0x299: {  	[hbm4b:s16+s1] =	stream.linear.scatter [tilespmem:s26], [sflag:$0x4], $0x200, $0x38;
	[tilespmem:$0xBE28] =	vst v63  }
0x29a: {  	s29 =	simm.s32 $0x6800  }
0x29b: {  	[hbm4b:s28+s1] =	stream.linear.scatter [tilespmem:s29], [sflag:$0x4], $0x200, $0x38;
	[tilespmem:$0xBE28] =	vst v63  }
0x29c: {  	s16 =	simm.s32 $0x6A00  }
0x29d: {  	[hbm4b:s3+s1] =	stream.linear.scatter [tilespmem:s16], [sflag:$0x4], $0x200, $0x38;
	[tilespmem:$0xBE28] =	vst v63  }
0x29e: {  	s26 =	simm.s32 $0x6C00  }
0x29f: {  	[hbm4b:s4+s1] =	stream.linear.scatter [tilespmem:s26], [sflag:$0x4], $0x200, $0x38;
	[tilespmem:$0xBE28] =	vst v63  }
0x2a0: {  	s28 =	simm.s32 $0x6E00  }
0x2a1: {  	[hbm4b:s5+s1] =	stream.linear.scatter [tilespmem:s28], [sflag:$0x4], $0x200, $0x38;
	[tilespmem:$0xBE28] =	vst v63  }
0x2a2: {  	s29 =	simm.s32 $0x7000  }
0x2a3: {  	[hbm4b:s6+s1] =	stream.linear.scatter [tilespmem:s29], [sflag:$0x4], $0x200, $0x38;
	[tilespmem:$0xBE28] =	vst v63  }
0x2a4: {  	s16 =	simm.s32 $0x7200  }
0x2a5: {  	[hbm4b:s7+s1] =	stream.linear.scatter [tilespmem:s16], [sflag:$0x4], $0x200, $0x38;
	[tilespmem:$0xBE28] =	vst v63  }
0x2a6: {  	s26 =	simm.s32 $0x7400  }
0x2a7: {  	[hbm4b:s8+s1] =	stream.linear.scatter [tilespmem:s26], [sflag:$0x4], $0x200, $0x38;
	[tilespmem:$0xBE28] =	vst v63  }
0x2a8: {  	s28 =	simm.s32 $0x7600  }
0x2a9: {  	[hbm4b:s9+s1] =	stream.linear.scatter [tilespmem:s28], [sflag:$0x4], $0x200, $0x38;
	[tilespmem:$0xBE28] =	vst v63  }
0x2aa: {  	s29 =	simm.s32 $0x7800  }
0x2ab: {  	[hbm4b:s10+s1] =	stream.linear.scatter [tilespmem:s29], [sflag:$0x4], $0x200, $0x38;
	[tilespmem:$0xBE28] =	vst v63  }
0x2ac: {  	s16 =	simm.s32 $0x7A00  }
0x2ad: {  	[hbm4b:s11+s1] =	stream.linear.scatter [tilespmem:s16], [sflag:$0x4], $0x200, $0x38;
	[tilespmem:$0xBE28] =	vst v63  }
0x2ae: {  	s26 =	simm.s32 $0x7C00  }
0x2af: {  	[hbm4b:s12+s1] =	stream.linear.scatter [tilespmem:s26], [sflag:$0x4], $0x200, $0x38;
	[tilespmem:$0xBE28] =	vst v63  }
0x2b0: {  	s28 =	simm.s32 $0x7E00  }
0x2b1: {  	[hbm4b:s13+s1] =	stream.linear.scatter [tilespmem:s28], [sflag:$0x4], $0x200, $0x38;
	[tilespmem:$0xBE28] =	vst v63  }
0x2b2: {  	_ =	swait.ge [sflag:s22], $0x200  }
0x2b3: {  	[sflag:s22] =	ssyncset.done $0x0  }
0x2b4: {  	[sflag:s22] =	ssyncadd.s32 $0xFFFFFE00  }
0x2b5: {  	_ =	swait.ge [sflag:s22], $0x200  }
0x2b6: {  	[sflag:s22] =	ssyncset.done $0x0  }
0x2b7: {  	[sflag:s22] =	ssyncadd.s32 $0xFFFFFE00  }
0x2b8: {  	_ =	swait.ge [sflag:s22], $0x200  }
0x2b9: {  	[sflag:s22] =	ssyncset.done $0x0  }
0x2ba: {  	[sflag:s22] =	ssyncadd.s32 $0xFFFFFE00  }
0x2bb: {  	_ =	swait.ge [sflag:s22], $0x200  }
0x2bc: {  	[sflag:s22] =	ssyncset.done $0x0  }
0x2bd: {  	[sflag:s22] =	ssyncadd.s32 $0xFFFFFE00  }
0x2be: {  	_ =	swait.ge [sflag:s22], $0x200  }
0x2bf: {  	[sflag:s22] =	ssyncset.done $0x0  }
0x2c0: {  	[sflag:s22] =	ssyncadd.s32 $0xFFFFFE00  }
0x2c1: {  	_ =	swait.ge [sflag:s22], $0x200  }
0x2c2: {  	[sflag:s22] =	ssyncset.done $0x0  }
0x2c3: {  	[sflag:s22] =	ssyncadd.s32 $0xFFFFFE00  }
0x2c4: {  	_ =	swait.ge [sflag:s22], $0x200  }
0x2c5: {  	[sflag:s22] =	ssyncset.done $0x0  }
0x2c6: {  	[sflag:s22] =	ssyncadd.s32 $0xFFFFFE00  }
0x2c7: {  	_ =	swait.ge [sflag:s22], $0x200  }
0x2c8: {  	[sflag:s22] =	ssyncset.done $0x0  }
0x2c9: {  	[sflag:s22] =	ssyncadd.s32 $0xFFFFFE00  }
0x2ca: {  	_ =	swait.ge [sflag:s22], $0x200  }
0x2cb: {  	[sflag:s22] =	ssyncset.done $0x0  }
0x2cc: {  	[sflag:s22] =	ssyncadd.s32 $0xFFFFFE00  }
0x2cd: {  	_ =	swait.ge [sflag:s22], $0x200  }
0x2ce: {  	[sflag:s22] =	ssyncset.done $0x0  }
0x2cf: {  	[sflag:s22] =	ssyncadd.s32 $0xFFFFFE00  }
0x2d0: {  	_ =	swait.ge [sflag:s22], $0x200  }
0x2d1: {  	[sflag:s22] =	ssyncset.done $0x0  }
0x2d2: {  	[sflag:s22] =	ssyncadd.s32 $0xFFFFFE00  }
0x2d3: {  	_ =	swait.ge [sflag:s22], $0x200  }
0x2d4: {  	[sflag:s22] =	ssyncset.done $0x0  }
0x2d5: {  	[sflag:s22] =	ssyncadd.s32 $0xFFFFFE00  }
0x2d6: {  	_ =	swait.ge [sflag:s22], $0x200  }
0x2d7: {  	[sflag:s22] =	ssyncset.done $0x0  }
0x2d8: {  	[sflag:s22] =	ssyncadd.s32 $0xFFFFFE00  }
0x2d9: {  	_ =	swait.ge [sflag:s22], $0x200  }
0x2da: {  	[sflag:s22] =	ssyncset.done $0x0  }
0x2db: {  	[sflag:s22] =	ssyncadd.s32 $0xFFFFFE00  }
0x2dc: {  	_ =	swait.ge [sflag:s22], $0x200  }
0x2dd: {  	[sflag:s22] =	ssyncset.done $0x0  }
0x2de: {  	[sflag:s22] =	ssyncadd.s32 $0xFFFFFE00  }
0x2df: {  	_ =	swait.ge [sflag:s22], $0x200  }
0x2e0: {  	[sflag:s22] =	ssyncset.done $0x0  }
0x2e1: {  	[sflag:s22] =	ssyncadd.s32 $0xFFFFFE00  }
0x2e2: {  	_ =	swait.ge [sflag:s22], $0x200  }
0x2e3: {  	[sflag:s22] =	ssyncset.done $0x0  }
0x2e4: {  	[sflag:s22] =	ssyncadd.s32 $0xFFFFFE00  }
0x2e5: {  	_ =	swait.ge [sflag:s22], $0x200  }
0x2e6: {  	[sflag:s22] =	ssyncset.done $0x0  }
0x2e7: {  	[sflag:s22] =	ssyncadd.s32 $0xFFFFFE00  }
0x2e8: {  	_ =	swait.ge [sflag:s22], $0x200  }
0x2e9: {  	[sflag:s22] =	ssyncset.done $0x0  }
0x2ea: {  	[sflag:s22] =	ssyncadd.s32 $0xFFFFFE00  }
0x2eb: {  	_ =	swait.ge [sflag:s22], $0x200  }
0x2ec: {  	[sflag:s22] =	ssyncset.done $0x0  }
0x2ed: {  	[sflag:s22] =	ssyncadd.s32 $0xFFFFFE00  }
0x2ee: {  	_ =	swait.ge [sflag:s22], $0x200  }
0x2ef: {  	[sflag:s22] =	ssyncset.done $0x0  }
0x2f0: {  	[sflag:s22] =	ssyncadd.s32 $0xFFFFFE00  }
0x2f1: {  	_ =	swait.ge [sflag:s22], $0x200  }
0x2f2: {  	[sflag:s22] =	ssyncset.done $0x0  }
0x2f3: {  	[sflag:s22] =	ssyncadd.s32 $0xFFFFFE00  }
0x2f4: {  	_ =	swait.ge [sflag:s22], $0x200  }
0x2f5: {  	[sflag:s22] =	ssyncset.done $0x0  }
0x2f6: {  	[sflag:s22] =	ssyncadd.s32 $0xFFFFFE00  }
0x2f7: {  	_ =	swait.ge [sflag:s22], $0x200  }
0x2f8: {  	[sflag:s22] =	ssyncset.done $0x0  }
0x2f9: {  	[sflag:s22] =	ssyncadd.s32 $0xFFFFFE00  }
0x2fa: {  	_ =	swait.ge [sflag:s22], $0x200  }
0x2fb: {  	[sflag:s22] =	ssyncset.done $0x0  }
0x2fc: {  	[sflag:s22] =	ssyncadd.s32 $0xFFFFFE00  }
0x2fd: {  	_ =	swait.ge [sflag:s22], $0x200  }
0x2fe: {  	[sflag:s22] =	ssyncset.done $0x0  }
0x2ff: {  	[sflag:s22] =	ssyncadd.s32 $0xFFFFFE00  }
0x300: {  	_ =	swait.ge [sflag:s22], $0x200  }
0x301: {  	[sflag:s22] =	ssyncset.done $0x0  }
0x302: {  	[sflag:s22] =	ssyncadd.s32 $0xFFFFFE00  }
0x303: {  	_ =	swait.ge [sflag:s22], $0x200  }
0x304: {  	[sflag:s22] =	ssyncset.done $0x0  }
0x305: {  	[sflag:s22] =	ssyncadd.s32 $0xFFFFFE00  }
0x306: {  	_ =	swait.ge [sflag:s22], $0x200  }
0x307: {  	[sflag:s22] =	ssyncset.done $0x0  }
0x308: {  	[sflag:s22] =	ssyncadd.s32 $0xFFFFFE00  }
0x309: {  	_ =	swait.ge [sflag:s22], $0x200  }
0x30a: {  	[sflag:s22] =	ssyncset.done $0x0  }
0x30b: {  	[sflag:s22] =	ssyncadd.s32 $0xFFFFFE00  }
0x30c: {  	_ =	swait.ge [sflag:s22], $0x200  }
0x30d: {  	[sflag:s22] =	ssyncset.done $0x0  }
0x30e: {  	[sflag:s22] =	ssyncadd.s32 $0xFFFFFE00  }
0x30f: {  	_ =	swait.ge [sflag:s22], $0x200  }
0x310: {  	[sflag:s22] =	ssyncset.done $0x0  }
0x311: {  	[sflag:s22] =	ssyncadd.s32 $0xFFFFFE00  }
0x312: {  	_ =	swait.ge [sflag:s22], $0x200  }
0x313: {  	[sflag:s22] =	ssyncset.done $0x0  }
0x314: {  	[sflag:s22] =	ssyncadd.s32 $0xFFFFFE00  }
0x315: {  	_ =	swait.ge [sflag:s22], $0x200  }
0x316: {  	[sflag:s22] =	ssyncset.done $0x0  }
0x317: {  	[sflag:s22] =	ssyncadd.s32 $0xFFFFFE00  }
0x318: {  	_ =	swait.ge [sflag:s22], $0x200  }
0x319: {  	[sflag:s22] =	ssyncset.done $0x0  }
0x31a: {  	[sflag:s22] =	ssyncadd.s32 $0xFFFFFE00  }
0x31b: {  	_ =	swait.ge [sflag:s22], $0x200  }
0x31c: {  	[sflag:s22] =	ssyncset.done $0x0  }
0x31d: {  	[sflag:s22] =	ssyncadd.s32 $0xFFFFFE00  }
0x31e: {  	_ =	swait.ge [sflag:s22], $0x200  }
0x31f: {  	[sflag:s22] =	ssyncset.done $0x0  }
0x320: {  	[sflag:s22] =	ssyncadd.s32 $0xFFFFFE00  }
0x321: {  	_ =	swait.ge [sflag:s22], $0x200  }
0x322: {  	[sflag:s22] =	ssyncset.done $0x0  }
0x323: {  	[sflag:s22] =	ssyncadd.s32 $0xFFFFFE00  }
0x324: {  	_ =	swait.ge [sflag:s22], $0x200  }
0x325: {  	[sflag:s22] =	ssyncset.done $0x0  }
0x326: {  	[sflag:s22] =	ssyncadd.s32 $0xFFFFFE00  }
0x327: {  	_ =	swait.ge [sflag:s22], $0x200  }
0x328: {  	[sflag:s22] =	ssyncset.done $0x0  }
0x329: {  	[sflag:s22] =	ssyncadd.s32 $0xFFFFFE00  }
0x32a: {  	_ =	swait.ge [sflag:s22], $0x200  }
0x32b: {  	[sflag:s22] =	ssyncset.done $0x0  }
0x32c: {  	[sflag:s22] =	ssyncadd.s32 $0xFFFFFE00  }
0x32d: {  	_ =	swait.ge [sflag:s22], $0x200  }
0x32e: {  	[sflag:s22] =	ssyncset.done $0x0  }
0x32f: {  	[sflag:s22] =	ssyncadd.s32 $0xFFFFFE00  }
0x330: {  	_ =	swait.ge [sflag:s22], $0x200  }
0x331: {  	[sflag:s22] =	ssyncset.done $0x0  }
0x332: {  	[sflag:s22] =	ssyncadd.s32 $0xFFFFFE00  }
0x333: {  	_ =	swait.ge [sflag:s22], $0x200  }
0x334: {  	s29 =	sld [smem:$0x7E4];
	_ =	sdelay $0x1  }
0x335: {  	s25 =	sadd.s32 $0x1, s25  }
0x336: {  	p0 =	sne.s32 s25, s29  }
.Ltmp2:
0x337: {  	_ = 	snop;
	(pc) =	sbr.rel @p0 .LBB2_1-.Ltmp2, $3  }
0x338: {  	_ =	sdelay $0x1  }
0x339: {  	[sflag:s22] =	ssyncset.done $0x0  }
0x33a: {  	[sflag:s22] =	ssyncadd.s32 $0xFFFFFE00  }
0x33b: {  	_ =	sfence.sel $0x180000  }
0x33c: {  	[bflag:$0x0] =	sbarrier.arrive $0xFFFF  }
0x33d: {  	_ =	strace $0x90000047  }
0x33e: {  	s0 =	stileid.u32;
	[bflag:$0x2] =	sbarrier.arrive $0xFFFF  }
0x33f: {  	p0 =	sne.s32 s0, $0x0;
	s0 =	rddreg [dreg:$0x7]  }
0x340: {  	s0 =	sadd.s32 @!p0 $0x100000, s0  }
0x341: {  	[sflag:s0] =	ssyncadd.tile.s32 @!p0 $0x1;
	_ =	shalt  }
.Lfunc_end2:
_tile_overlayer_lowered:
.L_overlay_start_2:
0x342: {  	(tag) =	ssettag $0x2  }
0x343: {  	s0 =	rddreg [dreg:$0x0];
	s2 =	stileid.u32  }
0x344: {  	s1 =	rddreg [dreg:$0x1];
	p0 =	sne.s32 s2, $0x0  }
0x345: {  	s3 =	rddreg [dreg:$0x2];
	[bflag:$0x3] =	sbarrier.arrive $0xFFFF;
	s2 =	simm.s32 @!p0 $0x1C05  }
0x346: {  	[timem:s3], [sflag:s2] =	dma.local @!p0 [hbm:s0], s1  }
0x347: {  	s0 =	simm.s32 @!p0 $0x5  }
0x348: {  	_ =	swait.ge @!p0 [sflag:s0], s1  }
0x349: {  	s1 =	ssub.s32 @!p0 $0x0, s1;
	[sflag:s0] =	ssyncset.done @!p0 $0x0  }
0x34a: {  	[sflag:s0] =	ssyncadd.s32 @!p0 s1  }
0x34b: {  	[bflag:$0x3] =	sbarrier.arrive $0xFFFF  }
0x34c: {  	_ =	shalt  }

</sc_bundles>
